<compile_context>
chip_gen: v7x
topology: tpu7x:2x2x1
jax: 0.10.2.dev20260603
libtpu: 0.0.44.dev20260713+nightly
codegen_flags: <defaults>
</compile_context>

<pallas_src>
import functools

import jax
import jax.numpy as jnp
from jax import lax
from jax.experimental import pallas as pl
from jax.experimental.pallas import tpu as pltpu
from jax.experimental.pallas import tpu_sc as plsc

_B, _L, _D = 16384, 200, 64
_NB = 1000

_NC, _NS = 2, 16
_NW = _NC * _NS
_BPW = _B // _NW
_CHUNK = 128
_NCHUNK = _BPW // _CHUNK
_H0, _H1 = 104, 96
_LANES = 16
_DV = _D // _LANES
_RUNROLL = 8
_NSLOT = 6


def _pool_body(x_hbm, table_hbm, out_hbm, idx_v, rows_v, pool_v, *sems):
    wid = lax.axis_index("s") * _NC + lax.axis_index("c")
    base = wid * _BPW
    inv_l = 1.0 / _L

    def issue(i, slot):
        pltpu.async_copy(table_hbm.at[idx_v.at[i, pl.ds(0, _H0)]],
                         rows_v.at[slot, pl.ds(0, _H0)], sems[slot])
        pltpu.async_copy(table_hbm.at[idx_v.at[i, pl.ds(_H0, _H1)]],
                         rows_v.at[slot, pl.ds(_H0, _H1)], sems[slot])

    def drain(slot):
        pltpu.make_async_copy(table_hbm.at[pl.ds(0, _H0)],
                              rows_v.at[slot, pl.ds(0, _H0)],
                              sems[slot]).wait()
        pltpu.make_async_copy(table_hbm.at[pl.ds(0, _H1)],
                              rows_v.at[slot, pl.ds(_H0, _H1)],
                              sems[slot]).wait()

    def accum_store(i, slot):
        acc = tuple(jnp.zeros((_LANES,), jnp.float32) for _ in range(_DV))

        def row(j, acc):
            jb = j * _RUNROLL
            out = []
            for k in range(_DV):
                r = [rows_v[slot, jb + u, pl.ds(k * _LANES, _LANES)]
                     for u in range(_RUNROLL)]
                s01 = (r[0] + r[1]) + (r[2] + r[3])
                s23 = (r[4] + r[5]) + (r[6] + r[7])
                out.append(acc[k] + (s01 + s23))
            return tuple(out)

        acc = lax.fori_loop(0, _L // _RUNROLL, row, acc)
        for k in range(_DV):
            pool_v[i, pl.ds(k * _LANES, _LANES)] = acc[k] * inv_l

    def chunk_body(c, _):
        cb = base + c * _CHUNK
        pltpu.sync_copy(x_hbm.at[pl.ds(cb, _CHUNK)], idx_v)
        for s in range(_NSLOT - 1):
            issue(s, s)

        def group_body(t, _):
            b0 = _NSLOT * t
            for s in range(_NSLOT):
                nxt = b0 + s + _NSLOT - 1

                @pl.when(nxt < _CHUNK)
                def _():
                    issue(nxt, (s + _NSLOT - 1) % _NSLOT)

                drain(s)
                accum_store(b0 + s, s)
            return 0

        lax.fori_loop(0, _CHUNK // _NSLOT, group_body, 0)
        for s in range(_CHUNK % _NSLOT):
            i = (_CHUNK // _NSLOT) * _NSLOT + s
            drain(i % _NSLOT)
            accum_store(i, i % _NSLOT)
        pltpu.sync_copy(pool_v, out_hbm.at[pl.ds(cb, _CHUNK)])
        return 0

    lax.fori_loop(0, _NCHUNK, chunk_body, 0)


_pool = functools.partial(
    pl.kernel,
    mesh=plsc.VectorSubcoreMesh(core_axis_name="c", subcore_axis_name="s"),
    out_type=jax.ShapeDtypeStruct((_B, _D), jnp.float32),
    scratch_types=[
        pltpu.VMEM((_CHUNK, _L), jnp.int32),
        pltpu.VMEM((_NSLOT, _L, _D), jnp.float32),
        pltpu.VMEM((_CHUNK, _D), jnp.float32),
    ] + [pltpu.SemaphoreType.DMA] * _NSLOT,
    compiler_params=pltpu.CompilerParams(use_tc_tiling_on_sc=False),
)(_pool_body)


def _mm_body(p_ref, w_ref, b_ref, o_ref):
    o_ref[...] = lax.dot_general(
        p_ref[...], w_ref[...], (((1,), (1,)), ((), ())),
        preferred_element_type=jnp.float32) + b_ref[...]


_BM = 1024
_mm = pl.pallas_call(
    _mm_body,
    grid=(_B // _BM,),
    in_specs=[
        pl.BlockSpec((_BM, _D), lambda i: (i, 0)),
        pl.BlockSpec((_NB, _D), lambda i: (0, 0)),
        pl.BlockSpec((1, _NB), lambda i: (0, 0)),
    ],
    out_specs=pl.BlockSpec((_BM, _NB), lambda i: (i, 0)),
    out_shape=jax.ShapeDtypeStruct((_B, _NB), jnp.float32),
)


def kernel(x, table, W, b):
    pooled = _pool(x.astype(jnp.int32), table)
    return _mm(pooled, W, b.reshape(1, _NB))

# --- scband reference (transcript-rebuilt; emitter-appended) ---
"""Pipeline reference for scband-continuous-ngram-net-11029476016347 (READ-ONLY COPY).

The authoritative reference and input builder live on the scoring server;
editing this copy changes nothing except your own understanding.
"""

import jax, jax.numpy as jnp
import numpy as np

B, L = 16384, 200
VOCAB, D, NB_CLASS = 1000000, 64, 1000

def setup_inputs(seed: int = 0) -> dict:
    key = jax.random.key(seed)
    k1, k2, k3, k4 = jax.random.split(key, 4)
    x = jax.random.randint(k1, (B, L), 0, VOCAB, dtype=jnp.int64)
    table = jax.random.normal(k2, (VOCAB, D), dtype=jnp.float32) * 0.02
    lim = 1.0 / np.sqrt(D)
    W = jax.random.uniform(k3, (NB_CLASS, D), dtype=jnp.float32, minval=-lim, maxval=lim)
    b = jax.random.uniform(k4, (NB_CLASS,), dtype=jnp.float32, minval=-lim, maxval=lim)
    return {"x": x, "table": table, "W": W, "b": b}

def reference(x, table, W, b):
    # embedding lookup: [B, L] -> [B, L, D]
    emb = jnp.take(table, x, axis=0)
    # dropout in eval mode is identity
    # AdaptiveAvgPool2d((1, None)) on [B, L, D] averages over L -> [B, 1, D]; squeeze -> [B, D]
    pooled = jnp.mean(emb, axis=1)
    # linear: [B, D] @ [D, NB_CLASS] + b
    out = pooled @ W.T + b
    return out

if __name__ == "__main__":
    import jax
    _d = setup_inputs()
    print(jax.jit(kernel)(*tuple(_d.values())))

</pallas_src>

<mosaic_0001>
#map = affine_map<(d0, d1) -> (0, 0)>
module attributes {stable_mosaic.version = 14 : i64} {
  func.func @_pool_body(%arg0: i32, %arg1: i32, %arg2: memref<16384x200xi32, #tpu.memory_space<hbm>>, %arg3: memref<1000000x64xf32, #tpu.memory_space<hbm>>, %arg4: memref<16384x64xf32, #tpu.memory_space<hbm>>, %arg5: memref<128x200xi32, #tpu.memory_space<vmem>>, %arg6: memref<6x200x64xf32, #tpu.memory_space<vmem>>, %arg7: memref<128x64xf32, #tpu.memory_space<vmem>>, %arg8: memref<!tpu.dma_semaphore, #tpu.memory_space<semaphore_mem>>, %arg9: memref<!tpu.dma_semaphore, #tpu.memory_space<semaphore_mem>>, %arg10: memref<!tpu.dma_semaphore, #tpu.memory_space<semaphore_mem>>, %arg11: memref<!tpu.dma_semaphore, #tpu.memory_space<semaphore_mem>>, %arg12: memref<!tpu.dma_semaphore, #tpu.memory_space<semaphore_mem>>, %arg13: memref<!tpu.dma_semaphore, #tpu.memory_space<semaphore_mem>>) attributes {dimension_semantics = [#tpu.dimension_semantics<core_parallel>, #tpu.dimension_semantics<subcore_parallel>], iteration_bounds = array<i64: 2, 16>, scalar_prefetch = 0 : i64, scratch_operands = 9 : i64, tpu.core_type = #tpu.core_type<sc_vector_subcore>, window_params = [{transform_indices = #map}, {transform_indices = #map}, {transform_indices = #map}]} {
    %mul3A = arith.constant 2 : i32
    %mul3A_0 = arith.muli %arg1, %mul3A : i32
    %add3A = arith.addi %mul3A_0, %arg0 : i32
    %mul3A_1 = arith.constant 512 : i32
    %mul3A_2 = arith.muli %add3A, %mul3A_1 : i32
    %scan3A = arith.constant 0 : i32
    %scan3A_3 = arith.constant 0 : i32
    %scan3A_4 = arith.constant 4 : i32
    %scan3A_5 = arith.addi %scan3A_3, %scan3A_4 : i32
    %scan3A_6 = arith.constant 1 : i32
    %scan3A_7 = scf.for %scan3A_9 = %scan3A_3 to %scan3A_5 step %scan3A_6 iter_args(%scan3A_10 = %scan3A) -> (i32)  : i32 {
      %mul3A_11 = arith.constant 128 : i32
      %mul3A_12 = arith.muli %scan3A_9, %mul3A_11 : i32
      %add3A_13 = arith.addi %mul3A_2, %mul3A_12 : i32
      "tpu.region"() ({
        %run_scoped3A = tpu.sem_alloc : memref<!tpu.dma_semaphore, #tpu.memory_space<semaphore_mem>>
        %dma_start3A_298 = arith.constant 0 : i32
        %dma_start3A_299 = tpu.memref_slice %arg2[%add3A_13, %dma_start3A_298] : memref<16384x200xi32, #tpu.memory_space<hbm>> -> memref<128x200xi32, #tpu.memory_space<hbm>>
        %dma_start3A_300 = arith.constant 0 : i32
        %dma_start3A_301 = tpu.memref_slice %arg2[%add3A_13, %dma_start3A_300] : memref<16384x200xi32, #tpu.memory_space<hbm>> -> memref<128x200xi32, #tpu.memory_space<hbm>>
        tpu.enqueue_dma source(%dma_start3A_301 : memref<128x200xi32, #tpu.memory_space<hbm>>) target(%arg5 : memref<128x200xi32, #tpu.memory_space<vmem>>) target_semaphore(%run_scoped3A : memref<!tpu.dma_semaphore, #tpu.memory_space<semaphore_mem>>)
        %dma_wait3A_302 = arith.constant 0 : i32
        %dma_wait3A_303 = tpu.memref_slice %arg2[%add3A_13, %dma_wait3A_302] : memref<16384x200xi32, #tpu.memory_space<hbm>> -> memref<128x200xi32, #tpu.memory_space<hbm>>
        %dma_wait3A_304 = arith.constant 0 : i32
        %dma_wait3A_305 = tpu.memref_slice %arg2[%add3A_13, %dma_wait3A_304] : memref<16384x200xi32, #tpu.memory_space<hbm>> -> memref<128x200xi32, #tpu.memory_space<hbm>>
        tpu.wait_dma2 semaphore(%run_scoped3A : memref<!tpu.dma_semaphore, #tpu.memory_space<semaphore_mem>>) src(%dma_wait3A_305 : memref<128x200xi32, #tpu.memory_space<hbm>>) dst(%arg5 : memref<128x200xi32, #tpu.memory_space<vmem>>)
        tpu.yield
      }) : () -> ()
      %dma_start3A = arith.constant 0 : i32
      %dma_start3A_14 = arith.constant 0 : i32
      %dma_start3A_15 = arith.constant 0 : i32
      %dma_start3A_16 = arith.constant 0 : i32
      %dma_start3A_17 = tpu.memref_slice %arg6[%dma_start3A_14, %dma_start3A_15, %dma_start3A_16] : memref<6x200x64xf32, #tpu.memory_space<vmem>> -> memref<1x104x64xf32, #tpu.memory_space<vmem>>
      %dma_start3A_18 = tpu.memref_squeeze %dma_start3A_17 : memref<1x104x64xf32, #tpu.memory_space<vmem>> -> memref<104x64xf32, #tpu.memory_space<vmem>>
      %dma_start3A_19 = arith.constant 0 : i32
      %dma_start3A_20 = tpu.memref_slice %arg5[%dma_start3A, %dma_start3A_19] : memref<128x200xi32, #tpu.memory_space<vmem>> -> memref<1x104xi32, #tpu.memory_space<vmem>>
      %dma_start3A_21 = tpu.memref_squeeze %dma_start3A_20 : memref<1x104xi32, #tpu.memory_space<vmem>> -> memref<104xi32, #tpu.memory_space<vmem>>
      %dma_start3A_22 = arith.constant 0 : i32
      %dma_start3A_23 = arith.constant 0 : i32
      %dma_start3A_24 = tpu.memref_slice %arg3[%dma_start3A_22, %dma_start3A_23] : memref<1000000x64xf32, #tpu.memory_space<hbm>> -> memref<1000000x64xf32, #tpu.memory_space<hbm>>
      tpu.enqueue_indirect_dma source(%dma_start3A_24 : memref<1000000x64xf32, #tpu.memory_space<hbm>>) target(%dma_start3A_18 : memref<104x64xf32, #tpu.memory_space<vmem>>) offsets(%dma_start3A_21 : memref<104xi32, #tpu.memory_space<vmem>>) semaphore(%arg8 : memref<!tpu.dma_semaphore, #tpu.memory_space<semaphore_mem>>)
      %dma_start3A_25 = arith.constant 0 : i32
      %dma_start3A_26 = arith.constant 0 : i32
      %dma_start3A_27 = arith.constant 104 : i32
      %dma_start3A_28 = arith.constant 0 : i32
      %dma_start3A_29 = tpu.memref_slice %arg6[%dma_start3A_26, %dma_start3A_27, %dma_start3A_28] : memref<6x200x64xf32, #tpu.memory_space<vmem>> -> memref<1x96x64xf32, #tpu.memory_space<vmem>>
      %dma_start3A_30 = tpu.memref_squeeze %dma_start3A_29 : memref<1x96x64xf32, #tpu.memory_space<vmem>> -> memref<96x64xf32, #tpu.memory_space<vmem>>
      %dma_start3A_31 = arith.constant 104 : i32
      %dma_start3A_32 = tpu.memref_slice %arg5[%dma_start3A_25, %dma_start3A_31] : memref<128x200xi32, #tpu.memory_space<vmem>> -> memref<1x96xi32, #tpu.memory_space<vmem>>
      %dma_start3A_33 = tpu.memref_squeeze %dma_start3A_32 : memref<1x96xi32, #tpu.memory_space<vmem>> -> memref<96xi32, #tpu.memory_space<vmem>>
      %dma_start3A_34 = arith.constant 0 : i32
      %dma_start3A_35 = arith.constant 0 : i32
      %dma_start3A_36 = tpu.memref_slice %arg3[%dma_start3A_34, %dma_start3A_35] : memref<1000000x64xf32, #tpu.memory_space<hbm>> -> memref<1000000x64xf32, #tpu.memory_space<hbm>>
      tpu.enqueue_indirect_dma source(%dma_start3A_36 : memref<1000000x64xf32, #tpu.memory_space<hbm>>) target(%dma_start3A_30 : memref<96x64xf32, #tpu.memory_space<vmem>>) offsets(%dma_start3A_33 : memref<96xi32, #tpu.memory_space<vmem>>) semaphore(%arg8 : memref<!tpu.dma_semaphore, #tpu.memory_space<semaphore_mem>>)
      %dma_start3A_37 = arith.constant 1 : i32
      %dma_start3A_38 = arith.constant 1 : i32
      %dma_start3A_39 = arith.constant 0 : i32
      %dma_start3A_40 = arith.constant 0 : i32
      %dma_start3A_41 = tpu.memref_slice %arg6[%dma_start3A_38, %dma_start3A_39, %dma_start3A_40] : memref<6x200x64xf32, #tpu.memory_space<vmem>> -> memref<1x104x64xf32, #tpu.memory_space<vmem>>
      %dma_start3A_42 = tpu.memref_squeeze %dma_start3A_41 : memref<1x104x64xf32, #tpu.memory_space<vmem>> -> memref<104x64xf32, #tpu.memory_space<vmem>>
      %dma_start3A_43 = arith.constant 0 : i32
      %dma_start3A_44 = tpu.memref_slice %arg5[%dma_start3A_37, %dma_start3A_43] : memref<128x200xi32, #tpu.memory_space<vmem>> -> memref<1x104xi32, #tpu.memory_space<vmem>>
      %dma_start3A_45 = tpu.memref_squeeze %dma_start3A_44 : memref<1x104xi32, #tpu.memory_space<vmem>> -> memref<104xi32, #tpu.memory_space<vmem>>
      %dma_start3A_46 = arith.constant 0 : i32
      %dma_start3A_47 = arith.constant 0 : i32
      %dma_start3A_48 = tpu.memref_slice %arg3[%dma_start3A_46, %dma_start3A_47] : memref<1000000x64xf32, #tpu.memory_space<hbm>> -> memref<1000000x64xf32, #tpu.memory_space<hbm>>
      tpu.enqueue_indirect_dma source(%dma_start3A_48 : memref<1000000x64xf32, #tpu.memory_space<hbm>>) target(%dma_start3A_42 : memref<104x64xf32, #tpu.memory_space<vmem>>) offsets(%dma_start3A_45 : memref<104xi32, #tpu.memory_space<vmem>>) semaphore(%arg9 : memref<!tpu.dma_semaphore, #tpu.memory_space<semaphore_mem>>)
      %dma_start3A_49 = arith.constant 1 : i32
      %dma_start3A_50 = arith.constant 1 : i32
      %dma_start3A_51 = arith.constant 104 : i32
      %dma_start3A_52 = arith.constant 0 : i32
      %dma_start3A_53 = tpu.memref_slice %arg6[%dma_start3A_50, %dma_start3A_51, %dma_start3A_52] : memref<6x200x64xf32, #tpu.memory_space<vmem>> -> memref<1x96x64xf32, #tpu.memory_space<vmem>>
      %dma_start3A_54 = tpu.memref_squeeze %dma_start3A_53 : memref<1x96x64xf32, #tpu.memory_space<vmem>> -> memref<96x64xf32, #tpu.memory_space<vmem>>
      %dma_start3A_55 = arith.constant 104 : i32
      %dma_start3A_56 = tpu.memref_slice %arg5[%dma_start3A_49, %dma_start3A_55] : memref<128x200xi32, #tpu.memory_space<vmem>> -> memref<1x96xi32, #tpu.memory_space<vmem>>
      %dma_start3A_57 = tpu.memref_squeeze %dma_start3A_56 : memref<1x96xi32, #tpu.memory_space<vmem>> -> memref<96xi32, #tpu.memory_space<vmem>>
      %dma_start3A_58 = arith.constant 0 : i32
      %dma_start3A_59 = arith.constant 0 : i32
      %dma_start3A_60 = tpu.memref_slice %arg3[%dma_start3A_58, %dma_start3A_59] : memref<1000000x64xf32, #tpu.memory_space<hbm>> -> memref<1000000x64xf32, #tpu.memory_space<hbm>>
      tpu.enqueue_indirect_dma source(%dma_start3A_60 : memref<1000000x64xf32, #tpu.memory_space<hbm>>) target(%dma_start3A_54 : memref<96x64xf32, #tpu.memory_space<vmem>>) offsets(%dma_start3A_57 : memref<96xi32, #tpu.memory_space<vmem>>) semaphore(%arg9 : memref<!tpu.dma_semaphore, #tpu.memory_space<semaphore_mem>>)
      %dma_start3A_61 = arith.constant 2 : i32
      %dma_start3A_62 = arith.constant 2 : i32
      %dma_start3A_63 = arith.constant 0 : i32
      %dma_start3A_64 = arith.constant 0 : i32
      %dma_start3A_65 = tpu.memref_slice %arg6[%dma_start3A_62, %dma_start3A_63, %dma_start3A_64] : memref<6x200x64xf32, #tpu.memory_space<vmem>> -> memref<1x104x64xf32, #tpu.memory_space<vmem>>
      %dma_start3A_66 = tpu.memref_squeeze %dma_start3A_65 : memref<1x104x64xf32, #tpu.memory_space<vmem>> -> memref<104x64xf32, #tpu.memory_space<vmem>>
      %dma_start3A_67 = arith.constant 0 : i32
      %dma_start3A_68 = tpu.memref_slice %arg5[%dma_start3A_61, %dma_start3A_67] : memref<128x200xi32, #tpu.memory_space<vmem>> -> memref<1x104xi32, #tpu.memory_space<vmem>>
      %dma_start3A_69 = tpu.memref_squeeze %dma_start3A_68 : memref<1x104xi32, #tpu.memory_space<vmem>> -> memref<104xi32, #tpu.memory_space<vmem>>
      %dma_start3A_70 = arith.constant 0 : i32
      %dma_start3A_71 = arith.constant 0 : i32
      %dma_start3A_72 = tpu.memref_slice %arg3[%dma_start3A_70, %dma_start3A_71] : memref<1000000x64xf32, #tpu.memory_space<hbm>> -> memref<1000000x64xf32, #tpu.memory_space<hbm>>
      tpu.enqueue_indirect_dma source(%dma_start3A_72 : memref<1000000x64xf32, #tpu.memory_space<hbm>>) target(%dma_start3A_66 : memref<104x64xf32, #tpu.memory_space<vmem>>) offsets(%dma_start3A_69 : memref<104xi32, #tpu.memory_space<vmem>>) semaphore(%arg10 : memref<!tpu.dma_semaphore, #tpu.memory_space<semaphore_mem>>)
      %dma_start3A_73 = arith.constant 2 : i32
      %dma_start3A_74 = arith.constant 2 : i32
      %dma_start3A_75 = arith.constant 104 : i32
      %dma_start3A_76 = arith.constant 0 : i32
      %dma_start3A_77 = tpu.memref_slice %arg6[%dma_start3A_74, %dma_start3A_75, %dma_start3A_76] : memref<6x200x64xf32, #tpu.memory_space<vmem>> -> memref<1x96x64xf32, #tpu.memory_space<vmem>>
      %dma_start3A_78 = tpu.memref_squeeze %dma_start3A_77 : memref<1x96x64xf32, #tpu.memory_space<vmem>> -> memref<96x64xf32, #tpu.memory_space<vmem>>
      %dma_start3A_79 = arith.constant 104 : i32
      %dma_start3A_80 = tpu.memref_slice %arg5[%dma_start3A_73, %dma_start3A_79] : memref<128x200xi32, #tpu.memory_space<vmem>> -> memref<1x96xi32, #tpu.memory_space<vmem>>
      %dma_start3A_81 = tpu.memref_squeeze %dma_start3A_80 : memref<1x96xi32, #tpu.memory_space<vmem>> -> memref<96xi32, #tpu.memory_space<vmem>>
      %dma_start3A_82 = arith.constant 0 : i32
      %dma_start3A_83 = arith.constant 0 : i32
      %dma_start3A_84 = tpu.memref_slice %arg3[%dma_start3A_82, %dma_start3A_83] : memref<1000000x64xf32, #tpu.memory_space<hbm>> -> memref<1000000x64xf32, #tpu.memory_space<hbm>>
      tpu.enqueue_indirect_dma source(%dma_start3A_84 : memref<1000000x64xf32, #tpu.memory_space<hbm>>) target(%dma_start3A_78 : memref<96x64xf32, #tpu.memory_space<vmem>>) offsets(%dma_start3A_81 : memref<96xi32, #tpu.memory_space<vmem>>) semaphore(%arg10 : memref<!tpu.dma_semaphore, #tpu.memory_space<semaphore_mem>>)
      %dma_start3A_85 = arith.constant 3 : i32
      %dma_start3A_86 = arith.constant 3 : i32
      %dma_start3A_87 = arith.constant 0 : i32
      %dma_start3A_88 = arith.constant 0 : i32
      %dma_start3A_89 = tpu.memref_slice %arg6[%dma_start3A_86, %dma_start3A_87, %dma_start3A_88] : memref<6x200x64xf32, #tpu.memory_space<vmem>> -> memref<1x104x64xf32, #tpu.memory_space<vmem>>
      %dma_start3A_90 = tpu.memref_squeeze %dma_start3A_89 : memref<1x104x64xf32, #tpu.memory_space<vmem>> -> memref<104x64xf32, #tpu.memory_space<vmem>>
      %dma_start3A_91 = arith.constant 0 : i32
      %dma_start3A_92 = tpu.memref_slice %arg5[%dma_start3A_85, %dma_start3A_91] : memref<128x200xi32, #tpu.memory_space<vmem>> -> memref<1x104xi32, #tpu.memory_space<vmem>>
      %dma_start3A_93 = tpu.memref_squeeze %dma_start3A_92 : memref<1x104xi32, #tpu.memory_space<vmem>> -> memref<104xi32, #tpu.memory_space<vmem>>
      %dma_start3A_94 = arith.constant 0 : i32
      %dma_start3A_95 = arith.constant 0 : i32
      %dma_start3A_96 = tpu.memref_slice %arg3[%dma_start3A_94, %dma_start3A_95] : memref<1000000x64xf32, #tpu.memory_space<hbm>> -> memref<1000000x64xf32, #tpu.memory_space<hbm>>
      tpu.enqueue_indirect_dma source(%dma_start3A_96 : memref<1000000x64xf32, #tpu.memory_space<hbm>>) target(%dma_start3A_90 : memref<104x64xf32, #tpu.memory_space<vmem>>) offsets(%dma_start3A_93 : memref<104xi32, #tpu.memory_space<vmem>>) semaphore(%arg11 : memref<!tpu.dma_semaphore, #tpu.memory_space<semaphore_mem>>)
      %dma_start3A_97 = arith.constant 3 : i32
      %dma_start3A_98 = arith.constant 3 : i32
      %dma_start3A_99 = arith.constant 104 : i32
      %dma_start3A_100 = arith.constant 0 : i32
      %dma_start3A_101 = tpu.memref_slice %arg6[%dma_start3A_98, %dma_start3A_99, %dma_start3A_100] : memref<6x200x64xf32, #tpu.memory_space<vmem>> -> memref<1x96x64xf32, #tpu.memory_space<vmem>>
      %dma_start3A_102 = tpu.memref_squeeze %dma_start3A_101 : memref<1x96x64xf32, #tpu.memory_space<vmem>> -> memref<96x64xf32, #tpu.memory_space<vmem>>
      %dma_start3A_103 = arith.constant 104 : i32
      %dma_start3A_104 = tpu.memref_slice %arg5[%dma_start3A_97, %dma_start3A_103] : memref<128x200xi32, #tpu.memory_space<vmem>> -> memref<1x96xi32, #tpu.memory_space<vmem>>
      %dma_start3A_105 = tpu.memref_squeeze %dma_start3A_104 : memref<1x96xi32, #tpu.memory_space<vmem>> -> memref<96xi32, #tpu.memory_space<vmem>>
      %dma_start3A_106 = arith.constant 0 : i32
      %dma_start3A_107 = arith.constant 0 : i32
      %dma_start3A_108 = tpu.memref_slice %arg3[%dma_start3A_106, %dma_start3A_107] : memref<1000000x64xf32, #tpu.memory_space<hbm>> -> memref<1000000x64xf32, #tpu.memory_space<hbm>>
      tpu.enqueue_indirect_dma source(%dma_start3A_108 : memref<1000000x64xf32, #tpu.memory_space<hbm>>) target(%dma_start3A_102 : memref<96x64xf32, #tpu.memory_space<vmem>>) offsets(%dma_start3A_105 : memref<96xi32, #tpu.memory_space<vmem>>) semaphore(%arg11 : memref<!tpu.dma_semaphore, #tpu.memory_space<semaphore_mem>>)
      %dma_start3A_109 = arith.constant 4 : i32
      %dma_start3A_110 = arith.constant 4 : i32
      %dma_start3A_111 = arith.constant 0 : i32
      %dma_start3A_112 = arith.constant 0 : i32
      %dma_start3A_113 = tpu.memref_slice %arg6[%dma_start3A_110, %dma_start3A_111, %dma_start3A_112] : memref<6x200x64xf32, #tpu.memory_space<vmem>> -> memref<1x104x64xf32, #tpu.memory_space<vmem>>
      %dma_start3A_114 = tpu.memref_squeeze %dma_start3A_113 : memref<1x104x64xf32, #tpu.memory_space<vmem>> -> memref<104x64xf32, #tpu.memory_space<vmem>>
      %dma_start3A_115 = arith.constant 0 : i32
      %dma_start3A_116 = tpu.memref_slice %arg5[%dma_start3A_109, %dma_start3A_115] : memref<128x200xi32, #tpu.memory_space<vmem>> -> memref<1x104xi32, #tpu.memory_space<vmem>>
      %dma_start3A_117 = tpu.memref_squeeze %dma_start3A_116 : memref<1x104xi32, #tpu.memory_space<vmem>> -> memref<104xi32, #tpu.memory_space<vmem>>
      %dma_start3A_118 = arith.constant 0 : i32
      %dma_start3A_119 = arith.constant 0 : i32
      %dma_start3A_120 = tpu.memref_slice %arg3[%dma_start3A_118, %dma_start3A_119] : memref<1000000x64xf32, #tpu.memory_space<hbm>> -> memref<1000000x64xf32, #tpu.memory_space<hbm>>
      tpu.enqueue_indirect_dma source(%dma_start3A_120 : memref<1000000x64xf32, #tpu.memory_space<hbm>>) target(%dma_start3A_114 : memref<104x64xf32, #tpu.memory_space<vmem>>) offsets(%dma_start3A_117 : memref<104xi32, #tpu.memory_space<vmem>>) semaphore(%arg12 : memref<!tpu.dma_semaphore, #tpu.memory_space<semaphore_mem>>)
      %dma_start3A_121 = arith.constant 4 : i32
      %dma_start3A_122 = arith.constant 4 : i32
      %dma_start3A_123 = arith.constant 104 : i32
      %dma_start3A_124 = arith.constant 0 : i32
      %dma_start3A_125 = tpu.memref_slice %arg6[%dma_start3A_122, %dma_start3A_123, %dma_start3A_124] : memref<6x200x64xf32, #tpu.memory_space<vmem>> -> memref<1x96x64xf32, #tpu.memory_space<vmem>>
      %dma_start3A_126 = tpu.memref_squeeze %dma_start3A_125 : memref<1x96x64xf32, #tpu.memory_space<vmem>> -> memref<96x64xf32, #tpu.memory_space<vmem>>
      %dma_start3A_127 = arith.constant 104 : i32
      %dma_start3A_128 = tpu.memref_slice %arg5[%dma_start3A_121, %dma_start3A_127] : memref<128x200xi32, #tpu.memory_space<vmem>> -> memref<1x96xi32, #tpu.memory_space<vmem>>
      %dma_start3A_129 = tpu.memref_squeeze %dma_start3A_128 : memref<1x96xi32, #tpu.memory_space<vmem>> -> memref<96xi32, #tpu.memory_space<vmem>>
      %dma_start3A_130 = arith.constant 0 : i32
      %dma_start3A_131 = arith.constant 0 : i32
      %dma_start3A_132 = tpu.memref_slice %arg3[%dma_start3A_130, %dma_start3A_131] : memref<1000000x64xf32, #tpu.memory_space<hbm>> -> memref<1000000x64xf32, #tpu.memory_space<hbm>>
      tpu.enqueue_indirect_dma source(%dma_start3A_132 : memref<1000000x64xf32, #tpu.memory_space<hbm>>) target(%dma_start3A_126 : memref<96x64xf32, #tpu.memory_space<vmem>>) offsets(%dma_start3A_129 : memref<96xi32, #tpu.memory_space<vmem>>) semaphore(%arg12 : memref<!tpu.dma_semaphore, #tpu.memory_space<semaphore_mem>>)
      %scan3A_133 = arith.constant 0 : i32
      %scan3A_134 = arith.constant 0 : i32
      %scan3A_135 = arith.constant 21 : i32
      %scan3A_136 = arith.addi %scan3A_134, %scan3A_135 : i32
      %scan3A_137 = arith.constant 1 : i32
      %scan3A_138 = scf.for %scan3A_298 = %scan3A_134 to %scan3A_136 step %scan3A_137 iter_args(%scan3A_299 = %scan3A_133) -> (i32)  : i32 {
        %mul3A_300 = arith.constant 6 : i32
        %mul3A_301 = arith.muli %mul3A_300, %scan3A_298 : i32
        %add3A_302 = arith.constant 0 : i32
        %add3A_303 = arith.addi %mul3A_301, %add3A_302 : i32
        %add3A_304 = arith.constant 6 : i32
        %add3A_305 = arith.addi %add3A_303, %add3A_304 : i32
        %sub3A = arith.constant 1 : i32
        %sub3A_306 = arith.subi %add3A_305, %sub3A : i32
        %lt3A = arith.constant 128 : i32
        %lt3A_307 = arith.cmpi slt, %sub3A_306, %lt3A : i32
        %convert_element_type3A = arith.extui %lt3A_307 : i1 to i32
        %cond3A = arith.constant 0 : i32
        %cond3A_308 = arith.cmpi ne, %convert_element_type3A, %cond3A : i32
        scf.if %cond3A_308 {
          %dma_start3A_833 = arith.constant 5 : i32
          %dma_start3A_834 = arith.constant 0 : i32
          %dma_start3A_835 = arith.constant 0 : i32
          %dma_start3A_836 = tpu.memref_slice %arg6[%dma_start3A_833, %dma_start3A_834, %dma_start3A_835] : memref<6x200x64xf32, #tpu.memory_space<vmem>> -> memref<1x104x64xf32, #tpu.memory_space<vmem>>
          %dma_start3A_837 = tpu.memref_squeeze %dma_start3A_836 : memref<1x104x64xf32, #tpu.memory_space<vmem>> -> memref<104x64xf32, #tpu.memory_space<vmem>>
          %dma_start3A_838 = arith.constant 0 : i32
          %dma_start3A_839 = tpu.memref_slice %arg5[%sub3A_306, %dma_start3A_838] : memref<128x200xi32, #tpu.memory_space<vmem>> -> memref<1x104xi32, #tpu.memory_space<vmem>>
          %dma_start3A_840 = tpu.memref_squeeze %dma_start3A_839 : memref<1x104xi32, #tpu.memory_space<vmem>> -> memref<104xi32, #tpu.memory_space<vmem>>
          %dma_start3A_841 = arith.constant 0 : i32
          %dma_start3A_842 = arith.constant 0 : i32
          %dma_start3A_843 = tpu.memref_slice %arg3[%dma_start3A_841, %dma_start3A_842] : memref<1000000x64xf32, #tpu.memory_space<hbm>> -> memref<1000000x64xf32, #tpu.memory_space<hbm>>
          tpu.enqueue_indirect_dma source(%dma_start3A_843 : memref<1000000x64xf32, #tpu.memory_space<hbm>>) target(%dma_start3A_837 : memref<104x64xf32, #tpu.memory_space<vmem>>) offsets(%dma_start3A_840 : memref<104xi32, #tpu.memory_space<vmem>>) semaphore(%arg13 : memref<!tpu.dma_semaphore, #tpu.memory_space<semaphore_mem>>)
          %dma_start3A_844 = arith.constant 5 : i32
          %dma_start3A_845 = arith.constant 104 : i32
          %dma_start3A_846 = arith.constant 0 : i32
          %dma_start3A_847 = tpu.memref_slice %arg6[%dma_start3A_844, %dma_start3A_845, %dma_start3A_846] : memref<6x200x64xf32, #tpu.memory_space<vmem>> -> memref<1x96x64xf32, #tpu.memory_space<vmem>>
          %dma_start3A_848 = tpu.memref_squeeze %dma_start3A_847 : memref<1x96x64xf32, #tpu.memory_space<vmem>> -> memref<96x64xf32, #tpu.memory_space<vmem>>
          %dma_start3A_849 = arith.constant 104 : i32
          %dma_start3A_850 = tpu.memref_slice %arg5[%sub3A_306, %dma_start3A_849] : memref<128x200xi32, #tpu.memory_space<vmem>> -> memref<1x96xi32, #tpu.memory_space<vmem>>
          %dma_start3A_851 = tpu.memref_squeeze %dma_start3A_850 : memref<1x96xi32, #tpu.memory_space<vmem>> -> memref<96xi32, #tpu.memory_space<vmem>>
          %dma_start3A_852 = arith.constant 0 : i32
          %dma_start3A_853 = arith.constant 0 : i32
          %dma_start3A_854 = tpu.memref_slice %arg3[%dma_start3A_852, %dma_start3A_853] : memref<1000000x64xf32, #tpu.memory_space<hbm>> -> memref<1000000x64xf32, #tpu.memory_space<hbm>>
          tpu.enqueue_indirect_dma source(%dma_start3A_854 : memref<1000000x64xf32, #tpu.memory_space<hbm>>) target(%dma_start3A_848 : memref<96x64xf32, #tpu.memory_space<vmem>>) offsets(%dma_start3A_851 : memref<96xi32, #tpu.memory_space<vmem>>) semaphore(%arg13 : memref<!tpu.dma_semaphore, #tpu.memory_space<semaphore_mem>>)
        } else {
        }
        %dma_wait3A_309 = arith.constant 0 : i32
        %dma_wait3A_310 = arith.constant 0 : i32
        %dma_wait3A_311 = arith.constant 0 : i32
        %dma_wait3A_312 = tpu.memref_slice %arg6[%dma_wait3A_309, %dma_wait3A_310, %dma_wait3A_311] : memref<6x200x64xf32, #tpu.memory_space<vmem>> -> memref<1x104x64xf32, #tpu.memory_space<vmem>>
        %dma_wait3A_313 = tpu.memref_squeeze %dma_wait3A_312 : memref<1x104x64xf32, #tpu.memory_space<vmem>> -> memref<104x64xf32, #tpu.memory_space<vmem>>
        %dma_wait3A_314 = arith.constant 0 : i32
        %dma_wait3A_315 = arith.constant 0 : i32
        %dma_wait3A_316 = tpu.memref_slice %arg3[%dma_wait3A_314, %dma_wait3A_315] : memref<1000000x64xf32, #tpu.memory_space<hbm>> -> memref<104x64xf32, #tpu.memory_space<hbm>>
        %dma_wait3A_317 = arith.constant 0 : i32
        %dma_wait3A_318 = arith.constant 0 : i32
        %dma_wait3A_319 = tpu.memref_slice %arg6[%dma_wait3A_309, %dma_wait3A_317, %dma_wait3A_318] : memref<6x200x64xf32, #tpu.memory_space<vmem>> -> memref<1x104x64xf32, #tpu.memory_space<vmem>>
        %dma_wait3A_320 = tpu.memref_squeeze %dma_wait3A_319 : memref<1x104x64xf32, #tpu.memory_space<vmem>> -> memref<104x64xf32, #tpu.memory_space<vmem>>
        %dma_wait3A_321 = arith.constant 0 : i32
        %dma_wait3A_322 = arith.constant 0 : i32
        %dma_wait3A_323 = tpu.memref_slice %arg3[%dma_wait3A_321, %dma_wait3A_322] : memref<1000000x64xf32, #tpu.memory_space<hbm>> -> memref<104x64xf32, #tpu.memory_space<hbm>>
        tpu.wait_dma2 semaphore(%arg8 : memref<!tpu.dma_semaphore, #tpu.memory_space<semaphore_mem>>) src(%dma_wait3A_323 : memref<104x64xf32, #tpu.memory_space<hbm>>) dst(%dma_wait3A_320 : memref<104x64xf32, #tpu.memory_space<vmem>>)
        %dma_wait3A_324 = arith.constant 0 : i32
        %dma_wait3A_325 = arith.constant 104 : i32
        %dma_wait3A_326 = arith.constant 0 : i32
        %dma_wait3A_327 = tpu.memref_slice %arg6[%dma_wait3A_324, %dma_wait3A_325, %dma_wait3A_326] : memref<6x200x64xf32, #tpu.memory_space<vmem>> -> memref<1x96x64xf32, #tpu.memory_space<vmem>>
        %dma_wait3A_328 = tpu.memref_squeeze %dma_wait3A_327 : memref<1x96x64xf32, #tpu.memory_space<vmem>> -> memref<96x64xf32, #tpu.memory_space<vmem>>
        %dma_wait3A_329 = arith.constant 0 : i32
        %dma_wait3A_330 = arith.constant 0 : i32
        %dma_wait3A_331 = tpu.memref_slice %arg3[%dma_wait3A_329, %dma_wait3A_330] : memref<1000000x64xf32, #tpu.memory_space<hbm>> -> memref<96x64xf32, #tpu.memory_space<hbm>>
        %dma_wait3A_332 = arith.constant 104 : i32
        %dma_wait3A_333 = arith.constant 0 : i32
        %dma_wait3A_334 = tpu.memref_slice %arg6[%dma_wait3A_324, %dma_wait3A_332, %dma_wait3A_333] : memref<6x200x64xf32, #tpu.memory_space<vmem>> -> memref<1x96x64xf32, #tpu.memory_space<vmem>>
        %dma_wait3A_335 = tpu.memref_squeeze %dma_wait3A_334 : memref<1x96x64xf32, #tpu.memory_space<vmem>> -> memref<96x64xf32, #tpu.memory_space<vmem>>
        %dma_wait3A_336 = arith.constant 0 : i32
        %dma_wait3A_337 = arith.constant 0 : i32
        %dma_wait3A_338 = tpu.memref_slice %arg3[%dma_wait3A_336, %dma_wait3A_337] : memref<1000000x64xf32, #tpu.memory_space<hbm>> -> memref<96x64xf32, #tpu.memory_space<hbm>>
        tpu.wait_dma2 semaphore(%arg8 : memref<!tpu.dma_semaphore, #tpu.memory_space<semaphore_mem>>) src(%dma_wait3A_338 : memref<96x64xf32, #tpu.memory_space<hbm>>) dst(%dma_wait3A_335 : memref<96x64xf32, #tpu.memory_space<vmem>>)
        %add3A_339 = arith.constant 0 : i32
        %add3A_340 = arith.addi %mul3A_301, %add3A_339 : i32
        %broadcast_in_dim3A_341 = arith.constant 0.000000e+00 : f32
        %broadcast_in_dim3A_342 = vector.broadcast %broadcast_in_dim3A_341 : f32 to vector<16xf32>
        %broadcast_in_dim3A_343 = arith.constant 0.000000e+00 : f32
        %broadcast_in_dim3A_344 = vector.broadcast %broadcast_in_dim3A_343 : f32 to vector<16xf32>
        %broadcast_in_dim3A_345 = arith.constant 0.000000e+00 : f32
        %broadcast_in_dim3A_346 = vector.broadcast %broadcast_in_dim3A_345 : f32 to vector<16xf32>
        %broadcast_in_dim3A_347 = arith.constant 0.000000e+00 : f32
        %broadcast_in_dim3A_348 = vector.broadcast %broadcast_in_dim3A_347 : f32 to vector<16xf32>
        %scan3A_349 = arith.constant 0 : i32
        %scan3A_350 = arith.constant 25 : i32
        %scan3A_351 = arith.addi %scan3A_349, %scan3A_350 : i32
        %scan3A_352 = arith.constant 1 : i32
        %scan3A_353:4 = scf.for %scan3A_833 = %scan3A_349 to %scan3A_351 step %scan3A_352 iter_args(%scan3A_834 = %broadcast_in_dim3A_342, %scan3A_835 = %broadcast_in_dim3A_344, %scan3A_836 = %broadcast_in_dim3A_346, %scan3A_837 = %broadcast_in_dim3A_348) -> (vector<16xf32>, vector<16xf32>, vector<16xf32>, vector<16xf32>)  : i32 {
          %mul3A_838 = arith.constant 8 : i32
          %mul3A_839 = arith.muli %scan3A_833, %mul3A_838 : i32
          %add3A_840 = arith.constant 0 : i32
          %add3A_841 = arith.addi %mul3A_839, %add3A_840 : i32
          %get3A = arith.constant 0 : i32
          %get3A_842 = arith.index_cast %get3A : i32 to index
          %get3A_843 = arith.index_cast %add3A_841 : i32 to index
          %get3A_844 = arith.constant 0 : index
          %get3A_845 = tpu.vector_load %arg6[%get3A_842, %get3A_843, %get3A_844] {strides = array<i32>} : memref<6x200x64xf32, #tpu.memory_space<vmem>>, vector<1x1x16xf32>,
          %get3A_846 = vector.shape_cast %get3A_845 : vector<1x1x16xf32> to vector<16xf32>
          %add3A_847 = arith.constant 1 : i32
          %add3A_848 = arith.addi %mul3A_839, %add3A_847 : i32
          %get3A_849 = arith.constant 0 : i32
          %get3A_850 = arith.index_cast %get3A_849 : i32 to index
          %get3A_851 = arith.index_cast %add3A_848 : i32 to index
          %get3A_852 = arith.constant 0 : index
          %get3A_853 = tpu.vector_load %arg6[%get3A_850, %get3A_851, %get3A_852] {strides = array<i32>} : memref<6x200x64xf32, #tpu.memory_space<vmem>>, vector<1x1x16xf32>,
          %get3A_854 = vector.shape_cast %get3A_853 : vector<1x1x16xf32> to vector<16xf32>
          %add3A_855 = arith.constant 2 : i32
          %add3A_856 = arith.addi %mul3A_839, %add3A_855 : i32
          %get3A_857 = arith.constant 0 : i32
          %get3A_858 = arith.index_cast %get3A_857 : i32 to index
          %get3A_859 = arith.index_cast %add3A_856 : i32 to index
          %get3A_860 = arith.constant 0 : index
          %get3A_861 = tpu.vector_load %arg6[%get3A_858, %get3A_859, %get3A_860] {strides = array<i32>} : memref<6x200x64xf32, #tpu.memory_space<vmem>>, vector<1x1x16xf32>,
          %get3A_862 = vector.shape_cast %get3A_861 : vector<1x1x16xf32> to vector<16xf32>
          %add3A_863 = arith.constant 3 : i32
          %add3A_864 = arith.addi %mul3A_839, %add3A_863 : i32
          %get3A_865 = arith.constant 0 : i32
          %get3A_866 = arith.index_cast %get3A_865 : i32 to index
          %get3A_867 = arith.index_cast %add3A_864 : i32 to index
          %get3A_868 = arith.constant 0 : index
          %get3A_869 = tpu.vector_load %arg6[%get3A_866, %get3A_867, %get3A_868] {strides = array<i32>} : memref<6x200x64xf32, #tpu.memory_space<vmem>>, vector<1x1x16xf32>,
          %get3A_870 = vector.shape_cast %get3A_869 : vector<1x1x16xf32> to vector<16xf32>
          %add3A_871 = arith.constant 4 : i32
          %add3A_872 = arith.addi %mul3A_839, %add3A_871 : i32
          %get3A_873 = arith.constant 0 : i32
          %get3A_874 = arith.index_cast %get3A_873 : i32 to index
          %get3A_875 = arith.index_cast %add3A_872 : i32 to index
          %get3A_876 = arith.constant 0 : index
          %get3A_877 = tpu.vector_load %arg6[%get3A_874, %get3A_875, %get3A_876] {strides = array<i32>} : memref<6x200x64xf32, #tpu.memory_space<vmem>>, vector<1x1x16xf32>,
          %get3A_878 = vector.shape_cast %get3A_877 : vector<1x1x16xf32> to vector<16xf32>
          %add3A_879 = arith.constant 5 : i32
          %add3A_880 = arith.addi %mul3A_839, %add3A_879 : i32
          %get3A_881 = arith.constant 0 : i32
          %get3A_882 = arith.index_cast %get3A_881 : i32 to index
          %get3A_883 = arith.index_cast %add3A_880 : i32 to index
          %get3A_884 = arith.constant 0 : index
          %get3A_885 = tpu.vector_load %arg6[%get3A_882, %get3A_883, %get3A_884] {strides = array<i32>} : memref<6x200x64xf32, #tpu.memory_space<vmem>>, vector<1x1x16xf32>,
          %get3A_886 = vector.shape_cast %get3A_885 : vector<1x1x16xf32> to vector<16xf32>
          %add3A_887 = arith.constant 6 : i32
          %add3A_888 = arith.addi %mul3A_839, %add3A_887 : i32
          %get3A_889 = arith.constant 0 : i32
          %get3A_890 = arith.index_cast %get3A_889 : i32 to index
          %get3A_891 = arith.index_cast %add3A_888 : i32 to index
          %get3A_892 = arith.constant 0 : index
          %get3A_893 = tpu.vector_load %arg6[%get3A_890, %get3A_891, %get3A_892] {strides = array<i32>} : memref<6x200x64xf32, #tpu.memory_space<vmem>>, vector<1x1x16xf32>,
          %get3A_894 = vector.shape_cast %get3A_893 : vector<1x1x16xf32> to vector<16xf32>
          %add3A_895 = arith.constant 7 : i32
          %add3A_896 = arith.addi %mul3A_839, %add3A_895 : i32
          %get3A_897 = arith.constant 0 : i32
          %get3A_898 = arith.index_cast %get3A_897 : i32 to index
          %get3A_899 = arith.index_cast %add3A_896 : i32 to index
          %get3A_900 = arith.constant 0 : index
          %get3A_901 = tpu.vector_load %arg6[%get3A_898, %get3A_899, %get3A_900] {strides = array<i32>} : memref<6x200x64xf32, #tpu.memory_space<vmem>>, vector<1x1x16xf32>,
          %get3A_902 = vector.shape_cast %get3A_901 : vector<1x1x16xf32> to vector<16xf32>
          %add3A_903 = arith.addf %get3A_846, %get3A_854 : vector<16xf32>
          %add3A_904 = arith.addf %get3A_862, %get3A_870 : vector<16xf32>
          %add3A_905 = arith.addf %add3A_903, %add3A_904 : vector<16xf32>
          %add3A_906 = arith.addf %get3A_878, %get3A_886 : vector<16xf32>
          %add3A_907 = arith.addf %get3A_894, %get3A_902 : vector<16xf32>
          %add3A_908 = arith.addf %add3A_906, %add3A_907 : vector<16xf32>
          %add3A_909 = arith.addf %add3A_905, %add3A_908 : vector<16xf32>
          %add3A_910 = arith.addf %scan3A_834, %add3A_909 : vector<16xf32>
          %add3A_911 = arith.constant 0 : i32
          %add3A_912 = arith.addi %mul3A_839, %add3A_911 : i32
          %get3A_913 = arith.constant 0 : i32
          %get3A_914 = arith.index_cast %get3A_913 : i32 to index
          %get3A_915 = arith.index_cast %add3A_912 : i32 to index
          %get3A_916 = arith.constant 16 : index
          %get3A_917 = tpu.vector_load %arg6[%get3A_914, %get3A_915, %get3A_916] {strides = array<i32>} : memref<6x200x64xf32, #tpu.memory_space<vmem>>, vector<1x1x16xf32>,
          %get3A_918 = vector.shape_cast %get3A_917 : vector<1x1x16xf32> to vector<16xf32>
          %add3A_919 = arith.constant 1 : i32
          %add3A_920 = arith.addi %mul3A_839, %add3A_919 : i32
          %get3A_921 = arith.constant 0 : i32
          %get3A_922 = arith.index_cast %get3A_921 : i32 to index
          %get3A_923 = arith.index_cast %add3A_920 : i32 to index
          %get3A_924 = arith.constant 16 : index
          %get3A_925 = tpu.vector_load %arg6[%get3A_922, %get3A_923, %get3A_924] {strides = array<i32>} : memref<6x200x64xf32, #tpu.memory_space<vmem>>, vector<1x1x16xf32>,
          %get3A_926 = vector.shape_cast %get3A_925 : vector<1x1x16xf32> to vector<16xf32>
          %add3A_927 = arith.constant 2 : i32
          %add3A_928 = arith.addi %mul3A_839, %add3A_927 : i32
          %get3A_929 = arith.constant 0 : i32
          %get3A_930 = arith.index_cast %get3A_929 : i32 to index
          %get3A_931 = arith.index_cast %add3A_928 : i32 to index
          %get3A_932 = arith.constant 16 : index
          %get3A_933 = tpu.vector_load %arg6[%get3A_930, %get3A_931, %get3A_932] {strides = array<i32>} : memref<6x200x64xf32, #tpu.memory_space<vmem>>, vector<1x1x16xf32>,
          %get3A_934 = vector.shape_cast %get3A_933 : vector<1x1x16xf32> to vector<16xf32>
          %add3A_935 = arith.constant 3 : i32
          %add3A_936 = arith.addi %mul3A_839, %add3A_935 : i32
          %get3A_937 = arith.constant 0 : i32
          %get3A_938 = arith.index_cast %get3A_937 : i32 to index
          %get3A_939 = arith.index_cast %add3A_936 : i32 to index
          %get3A_940 = arith.constant 16 : index
          %get3A_941 = tpu.vector_load %arg6[%get3A_938, %get3A_939, %get3A_940] {strides = array<i32>} : memref<6x200x64xf32, #tpu.memory_space<vmem>>, vector<1x1x16xf32>,
          %get3A_942 = vector.shape_cast %get3A_941 : vector<1x1x16xf32> to vector<16xf32>
          %add3A_943 = arith.constant 4 : i32
          %add3A_944 = arith.addi %mul3A_839, %add3A_943 : i32
          %get3A_945 = arith.constant 0 : i32
          %get3A_946 = arith.index_cast %get3A_945 : i32 to index
          %get3A_947 = arith.index_cast %add3A_944 : i32 to index
          %get3A_948 = arith.constant 16 : index
          %get3A_949 = tpu.vector_load %arg6[%get3A_946, %get3A_947, %get3A_948] {strides = array<i32>} : memref<6x200x64xf32, #tpu.memory_space<vmem>>, vector<1x1x16xf32>,
          %get3A_950 = vector.shape_cast %get3A_949 : vector<1x1x16xf32> to vector<16xf32>
          %add3A_951 = arith.constant 5 : i32
          %add3A_952 = arith.addi %mul3A_839, %add3A_951 : i32
          %get3A_953 = arith.constant 0 : i32
          %get3A_954 = arith.index_cast %get3A_953 : i32 to index
          %get3A_955 = arith.index_cast %add3A_952 : i32 to index
          %get3A_956 = arith.constant 16 : index
          %get3A_957 = tpu.vector_load %arg6[%get3A_954, %get3A_955, %get3A_956] {strides = array<i32>} : memref<6x200x64xf32, #tpu.memory_space<vmem>>, vector<1x1x16xf32>,
          %get3A_958 = vector.shape_cast %get3A_957 : vector<1x1x16xf32> to vector<16xf32>
          %add3A_959 = arith.constant 6 : i32
          %add3A_960 = arith.addi %mul3A_839, %add3A_959 : i32
          %get3A_961 = arith.constant 0 : i32
          %get3A_962 = arith.index_cast %get3A_961 : i32 to index
          %get3A_963 = arith.index_cast %add3A_960 : i32 to index
          %get3A_964 = arith.constant 16 : index
          %get3A_965 = tpu.vector_load %arg6[%get3A_962, %get3A_963, %get3A_964] {strides = array<i32>} : memref<6x200x64xf32, #tpu.memory_space<vmem>>, vector<1x1x16xf32>,
          %get3A_966 = vector.shape_cast %get3A_965 : vector<1x1x16xf32> to vector<16xf32>
          %add3A_967 = arith.constant 7 : i32
          %add3A_968 = arith.addi %mul3A_839, %add3A_967 : i32
          %get3A_969 = arith.constant 0 : i32
          %get3A_970 = arith.index_cast %get3A_969 : i32 to index
          %get3A_971 = arith.index_cast %add3A_968 : i32 to index
          %get3A_972 = arith.constant 16 : index
          %get3A_973 = tpu.vector_load %arg6[%get3A_970, %get3A_971, %get3A_972] {strides = array<i32>} : memref<6x200x64xf32, #tpu.memory_space<vmem>>, vector<1x1x16xf32>,
          %get3A_974 = vector.shape_cast %get3A_973 : vector<1x1x16xf32> to vector<16xf32>
          %add3A_975 = arith.addf %get3A_918, %get3A_926 : vector<16xf32>
          %add3A_976 = arith.addf %get3A_934, %get3A_942 : vector<16xf32>
          %add3A_977 = arith.addf %add3A_975, %add3A_976 : vector<16xf32>
          %add3A_978 = arith.addf %get3A_950, %get3A_958 : vector<16xf32>
          %add3A_979 = arith.addf %get3A_966, %get3A_974 : vector<16xf32>
          %add3A_980 = arith.addf %add3A_978, %add3A_979 : vector<16xf32>
          %add3A_981 = arith.addf %add3A_977, %add3A_980 : vector<16xf32>
          %add3A_982 = arith.addf %scan3A_835, %add3A_981 : vector<16xf32>
          %add3A_983 = arith.constant 0 : i32
          %add3A_984 = arith.addi %mul3A_839, %add3A_983 : i32
          %get3A_985 = arith.constant 0 : i32
          %get3A_986 = arith.index_cast %get3A_985 : i32 to index
          %get3A_987 = arith.index_cast %add3A_984 : i32 to index
          %get3A_988 = arith.constant 32 : index
          %get3A_989 = tpu.vector_load %arg6[%get3A_986, %get3A_987, %get3A_988] {strides = array<i32>} : memref<6x200x64xf32, #tpu.memory_space<vmem>>, vector<1x1x16xf32>,
          %get3A_990 = vector.shape_cast %get3A_989 : vector<1x1x16xf32> to vector<16xf32>
          %add3A_991 = arith.constant 1 : i32
          %add3A_992 = arith.addi %mul3A_839, %add3A_991 : i32
          %get3A_993 = arith.constant 0 : i32
          %get3A_994 = arith.index_cast %get3A_993 : i32 to index
          %get3A_995 = arith.index_cast %add3A_992 : i32 to index
          %get3A_996 = arith.constant 32 : index
          %get3A_997 = tpu.vector_load %arg6[%get3A_994, %get3A_995, %get3A_996] {strides = array<i32>} : memref<6x200x64xf32, #tpu.memory_space<vmem>>, vector<1x1x16xf32>,
          %get3A_998 = vector.shape_cast %get3A_997 : vector<1x1x16xf32> to vector<16xf32>
          %add3A_999 = arith.constant 2 : i32
          %add3A_1000 = arith.addi %mul3A_839, %add3A_999 : i32
          %get3A_1001 = arith.constant 0 : i32
          %get3A_1002 = arith.index_cast %get3A_1001 : i32 to index
          %get3A_1003 = arith.index_cast %add3A_1000 : i32 to index
          %get3A_1004 = arith.constant 32 : index
          %get3A_1005 = tpu.vector_load %arg6[%get3A_1002, %get3A_1003, %get3A_1004] {strides = array<i32>} : memref<6x200x64xf32, #tpu.memory_space<vmem>>, vector<1x1x16xf32>,
          %get3A_1006 = vector.shape_cast %get3A_1005 : vector<1x1x16xf32> to vector<16xf32>
          %add3A_1007 = arith.constant 3 : i32
          %add3A_1008 = arith.addi %mul3A_839, %add3A_1007 : i32
          %get3A_1009 = arith.constant 0 : i32
          %get3A_1010 = arith.index_cast %get3A_1009 : i32 to index
          %get3A_1011 = arith.index_cast %add3A_1008 : i32 to index
          %get3A_1012 = arith.constant 32 : index
          %get3A_1013 = tpu.vector_load %arg6[%get3A_1010, %get3A_1011, %get3A_1012] {strides = array<i32>} : memref<6x200x64xf32, #tpu.memory_space<vmem>>, vector<1x1x16xf32>,
          %get3A_1014 = vector.shape_cast %get3A_1013 : vector<1x1x16xf32> to vector<16xf32>
          %add3A_1015 = arith.constant 4 : i32
          %add3A_1016 = arith.addi %mul3A_839, %add3A_1015 : i32
          %get3A_1017 = arith.constant 0 : i32
          %get3A_1018 = arith.index_cast %get3A_1017 : i32 to index
          %get3A_1019 = arith.index_cast %add3A_1016 : i32 to index
          %get3A_1020 = arith.constant 32 : index
          %get3A_1021 = tpu.vector_load %arg6[%get3A_1018, %get3A_1019, %get3A_1020] {strides = array<i32>} : memref<6x200x64xf32, #tpu.memory_space<vmem>>, vector<1x1x16xf32>,
          %get3A_1022 = vector.shape_cast %get3A_1021 : vector<1x1x16xf32> to vector<16xf32>
          %add3A_1023 = arith.constant 5 : i32
          %add3A_1024 = arith.addi %mul3A_839, %add3A_1023 : i32
          %get3A_1025 = arith.constant 0 : i32
          %get3A_1026 = arith.index_cast %get3A_1025 : i32 to index
          %get3A_1027 = arith.index_cast %add3A_1024 : i32 to index
          %get3A_1028 = arith.constant 32 : index
          %get3A_1029 = tpu.vector_load %arg6[%get3A_1026, %get3A_1027, %get3A_1028] {strides = array<i32>} : memref<6x200x64xf32, #tpu.memory_space<vmem>>, vector<1x1x16xf32>,
          %get3A_1030 = vector.shape_cast %get3A_1029 : vector<1x1x16xf32> to vector<16xf32>
          %add3A_1031 = arith.constant 6 : i32
          %add3A_1032 = arith.addi %mul3A_839, %add3A_1031 : i32
          %get3A_1033 = arith.constant 0 : i32
          %get3A_1034 = arith.index_cast %get3A_1033 : i32 to index
          %get3A_1035 = arith.index_cast %add3A_1032 : i32 to index
          %get3A_1036 = arith.constant 32 : index
          %get3A_1037 = tpu.vector_load %arg6[%get3A_1034, %get3A_1035, %get3A_1036] {strides = array<i32>} : memref<6x200x64xf32, #tpu.memory_space<vmem>>, vector<1x1x16xf32>,
          %get3A_1038 = vector.shape_cast %get3A_1037 : vector<1x1x16xf32> to vector<16xf32>
          %add3A_1039 = arith.constant 7 : i32
          %add3A_1040 = arith.addi %mul3A_839, %add3A_1039 : i32
          %get3A_1041 = arith.constant 0 : i32
          %get3A_1042 = arith.index_cast %get3A_1041 : i32 to index
          %get3A_1043 = arith.index_cast %add3A_1040 : i32 to index
          %get3A_1044 = arith.constant 32 : index
          %get3A_1045 = tpu.vector_load %arg6[%get3A_1042, %get3A_1043, %get3A_1044] {strides = array<i32>} : memref<6x200x64xf32, #tpu.memory_space<vmem>>, vector<1x1x16xf32>,
          %get3A_1046 = vector.shape_cast %get3A_1045 : vector<1x1x16xf32> to vector<16xf32>
          %add3A_1047 = arith.addf %get3A_990, %get3A_998 : vector<16xf32>
          %add3A_1048 = arith.addf %get3A_1006, %get3A_1014 : vector<16xf32>
          %add3A_1049 = arith.addf %add3A_1047, %add3A_1048 : vector<16xf32>
          %add3A_1050 = arith.addf %get3A_1022, %get3A_1030 : vector<16xf32>
          %add3A_1051 = arith.addf %get3A_1038, %get3A_1046 : vector<16xf32>
          %add3A_1052 = arith.addf %add3A_1050, %add3A_1051 : vector<16xf32>
          %add3A_1053 = arith.addf %add3A_1049, %add3A_1052 : vector<16xf32>
          %add3A_1054 = arith.addf %scan3A_836, %add3A_1053 : vector<16xf32>
          %add3A_1055 = arith.constant 0 : i32
          %add3A_1056 = arith.addi %mul3A_839, %add3A_1055 : i32
          %get3A_1057 = arith.constant 0 : i32
          %get3A_1058 = arith.index_cast %get3A_1057 : i32 to index
          %get3A_1059 = arith.index_cast %add3A_1056 : i32 to index
          %get3A_1060 = arith.constant 48 : index
          %get3A_1061 = tpu.vector_load %arg6[%get3A_1058, %get3A_1059, %get3A_1060] {strides = array<i32>} : memref<6x200x64xf32, #tpu.memory_space<vmem>>, vector<1x1x16xf32>,
          %get3A_1062 = vector.shape_cast %get3A_1061 : vector<1x1x16xf32> to vector<16xf32>
          %add3A_1063 = arith.constant 1 : i32
          %add3A_1064 = arith.addi %mul3A_839, %add3A_1063 : i32
          %get3A_1065 = arith.constant 0 : i32
          %get3A_1066 = arith.index_cast %get3A_1065 : i32 to index
          %get3A_1067 = arith.index_cast %add3A_1064 : i32 to index
          %get3A_1068 = arith.constant 48 : index
          %get3A_1069 = tpu.vector_load %arg6[%get3A_1066, %get3A_1067, %get3A_1068] {strides = array<i32>} : memref<6x200x64xf32, #tpu.memory_space<vmem>>, vector<1x1x16xf32>,
          %get3A_1070 = vector.shape_cast %get3A_1069 : vector<1x1x16xf32> to vector<16xf32>
          %add3A_1071 = arith.constant 2 : i32
          %add3A_1072 = arith.addi %mul3A_839, %add3A_1071 : i32
          %get3A_1073 = arith.constant 0 : i32
          %get3A_1074 = arith.index_cast %get3A_1073 : i32 to index
          %get3A_1075 = arith.index_cast %add3A_1072 : i32 to index
          %get3A_1076 = arith.constant 48 : index
          %get3A_1077 = tpu.vector_load %arg6[%get3A_1074, %get3A_1075, %get3A_1076] {strides = array<i32>} : memref<6x200x64xf32, #tpu.memory_space<vmem>>, vector<1x1x16xf32>,
          %get3A_1078 = vector.shape_cast %get3A_1077 : vector<1x1x16xf32> to vector<16xf32>
          %add3A_1079 = arith.constant 3 : i32
          %add3A_1080 = arith.addi %mul3A_839, %add3A_1079 : i32
          %get3A_1081 = arith.constant 0 : i32
          %get3A_1082 = arith.index_cast %get3A_1081 : i32 to index
          %get3A_1083 = arith.index_cast %add3A_1080 : i32 to index
          %get3A_1084 = arith.constant 48 : index
          %get3A_1085 = tpu.vector_load %arg6[%get3A_1082, %get3A_1083, %get3A_1084] {strides = array<i32>} : memref<6x200x64xf32, #tpu.memory_space<vmem>>, vector<1x1x16xf32>,
          %get3A_1086 = vector.shape_cast %get3A_1085 : vector<1x1x16xf32> to vector<16xf32>
          %add3A_1087 = arith.constant 4 : i32
          %add3A_1088 = arith.addi %mul3A_839, %add3A_1087 : i32
          %get3A_1089 = arith.constant 0 : i32
          %get3A_1090 = arith.index_cast %get3A_1089 : i32 to index
          %get3A_1091 = arith.index_cast %add3A_1088 : i32 to index
          %get3A_1092 = arith.constant 48 : index
          %get3A_1093 = tpu.vector_load %arg6[%get3A_1090, %get3A_1091, %get3A_1092] {strides = array<i32>} : memref<6x200x64xf32, #tpu.memory_space<vmem>>, vector<1x1x16xf32>,
          %get3A_1094 = vector.shape_cast %get3A_1093 : vector<1x1x16xf32> to vector<16xf32>
          %add3A_1095 = arith.constant 5 : i32
          %add3A_1096 = arith.addi %mul3A_839, %add3A_1095 : i32
          %get3A_1097 = arith.constant 0 : i32
          %get3A_1098 = arith.index_cast %get3A_1097 : i32 to index
          %get3A_1099 = arith.index_cast %add3A_1096 : i32 to index
          %get3A_1100 = arith.constant 48 : index
          %get3A_1101 = tpu.vector_load %arg6[%get3A_1098, %get3A_1099, %get3A_1100] {strides = array<i32>} : memref<6x200x64xf32, #tpu.memory_space<vmem>>, vector<1x1x16xf32>,
          %get3A_1102 = vector.shape_cast %get3A_1101 : vector<1x1x16xf32> to vector<16xf32>
          %add3A_1103 = arith.constant 6 : i32
          %add3A_1104 = arith.addi %mul3A_839, %add3A_1103 : i32
          %get3A_1105 = arith.constant 0 : i32
          %get3A_1106 = arith.index_cast %get3A_1105 : i32 to index
          %get3A_1107 = arith.index_cast %add3A_1104 : i32 to index
          %get3A_1108 = arith.constant 48 : index
          %get3A_1109 = tpu.vector_load %arg6[%get3A_1106, %get3A_1107, %get3A_1108] {strides = array<i32>} : memref<6x200x64xf32, #tpu.memory_space<vmem>>, vector<1x1x16xf32>,
          %get3A_1110 = vector.shape_cast %get3A_1109 : vector<1x1x16xf32> to vector<16xf32>
          %add3A_1111 = arith.constant 7 : i32
          %add3A_1112 = arith.addi %mul3A_839, %add3A_1111 : i32
          %get3A_1113 = arith.constant 0 : i32
          %get3A_1114 = arith.index_cast %get3A_1113 : i32 to index
          %get3A_1115 = arith.index_cast %add3A_1112 : i32 to index
          %get3A_1116 = arith.constant 48 : index
          %get3A_1117 = tpu.vector_load %arg6[%get3A_1114, %get3A_1115, %get3A_1116] {strides = array<i32>} : memref<6x200x64xf32, #tpu.memory_space<vmem>>, vector<1x1x16xf32>,
          %get3A_1118 = vector.shape_cast %get3A_1117 : vector<1x1x16xf32> to vector<16xf32>
          %add3A_1119 = arith.addf %get3A_1062, %get3A_1070 : vector<16xf32>
          %add3A_1120 = arith.addf %get3A_1078, %get3A_1086 : vector<16xf32>
          %add3A_1121 = arith.addf %add3A_1119, %add3A_1120 : vector<16xf32>
          %add3A_1122 = arith.addf %get3A_1094, %get3A_1102 : vector<16xf32>
          %add3A_1123 = arith.addf %get3A_1110, %get3A_1118 : vector<16xf32>
          %add3A_1124 = arith.addf %add3A_1122, %add3A_1123 : vector<16xf32>
          %add3A_1125 = arith.addf %add3A_1121, %add3A_1124 : vector<16xf32>
          %add3A_1126 = arith.addf %scan3A_837, %add3A_1125 : vector<16xf32>
          scf.yield %add3A_910, %add3A_982, %add3A_1054, %add3A_1126 : vector<16xf32>, vector<16xf32>, vector<16xf32>, vector<16xf32>
        }
        %scan3A_354 = arith.constant 25 : i32
        %mul3A_355 = arith.constant 5.000000e-03 : f32
        %mul3A_356 = vector.broadcast %mul3A_355 : f32 to vector<16xf32>
        %mul3A_357 = arith.mulf %scan3A_353#0, %mul3A_356 : vector<16xf32>
        %swap3A_358 = arith.index_cast %add3A_340 : i32 to index
        %swap3A_359 = arith.constant 0 : index
        %swap3A_360 = tpu.vector_load %arg7[%swap3A_358, %swap3A_359] {strides = array<i32>} : memref<128x64xf32, #tpu.memory_space<vmem>>, vector<1x16xf32>,
        %swap3A_361 = vector.shape_cast %swap3A_360 : vector<1x16xf32> to vector<16xf32>
        %swap3A_362 = vector.shape_cast %mul3A_357 : vector<16xf32> to vector<1x16xf32>
        tpu.vector_store %arg7[%swap3A_358, %swap3A_359], %swap3A_362 {strides = array<i32>} : memref<128x64xf32, #tpu.memory_space<vmem>>, vector<1x16xf32>,
        %mul3A_363 = arith.constant 5.000000e-03 : f32
        %mul3A_364 = vector.broadcast %mul3A_363 : f32 to vector<16xf32>
        %mul3A_365 = arith.mulf %scan3A_353#1, %mul3A_364 : vector<16xf32>
        %swap3A_366 = arith.index_cast %add3A_340 : i32 to index
        %swap3A_367 = arith.constant 16 : index
        %swap3A_368 = tpu.vector_load %arg7[%swap3A_366, %swap3A_367] {strides = array<i32>} : memref<128x64xf32, #tpu.memory_space<vmem>>, vector<1x16xf32>,
        %swap3A_369 = vector.shape_cast %swap3A_368 : vector<1x16xf32> to vector<16xf32>
        %swap3A_370 = vector.shape_cast %mul3A_365 : vector<16xf32> to vector<1x16xf32>
        tpu.vector_store %arg7[%swap3A_366, %swap3A_367], %swap3A_370 {strides = array<i32>} : memref<128x64xf32, #tpu.memory_space<vmem>>, vector<1x16xf32>,
        %mul3A_371 = arith.constant 5.000000e-03 : f32
        %mul3A_372 = vector.broadcast %mul3A_371 : f32 to vector<16xf32>
        %mul3A_373 = arith.mulf %scan3A_353#2, %mul3A_372 : vector<16xf32>
        %swap3A_374 = arith.index_cast %add3A_340 : i32 to index
        %swap3A_375 = arith.constant 32 : index
        %swap3A_376 = tpu.vector_load %arg7[%swap3A_374, %swap3A_375] {strides = array<i32>} : memref<128x64xf32, #tpu.memory_space<vmem>>, vector<1x16xf32>,
        %swap3A_377 = vector.shape_cast %swap3A_376 : vector<1x16xf32> to vector<16xf32>
        %swap3A_378 = vector.shape_cast %mul3A_373 : vector<16xf32> to vector<1x16xf32>
        tpu.vector_store %arg7[%swap3A_374, %swap3A_375], %swap3A_378 {strides = array<i32>} : memref<128x64xf32, #tpu.memory_space<vmem>>, vector<1x16xf32>,
        %mul3A_379 = arith.constant 5.000000e-03 : f32
        %mul3A_380 = vector.broadcast %mul3A_379 : f32 to vector<16xf32>
        %mul3A_381 = arith.mulf %scan3A_353#3, %mul3A_380 : vector<16xf32>
        %swap3A_382 = arith.index_cast %add3A_340 : i32 to index
        %swap3A_383 = arith.constant 48 : index
        %swap3A_384 = tpu.vector_load %arg7[%swap3A_382, %swap3A_383] {strides = array<i32>} : memref<128x64xf32, #tpu.memory_space<vmem>>, vector<1x16xf32>,
        %swap3A_385 = vector.shape_cast %swap3A_384 : vector<1x16xf32> to vector<16xf32>
        %swap3A_386 = vector.shape_cast %mul3A_381 : vector<16xf32> to vector<1x16xf32>
        tpu.vector_store %arg7[%swap3A_382, %swap3A_383], %swap3A_386 {strides = array<i32>} : memref<128x64xf32, #tpu.memory_space<vmem>>, vector<1x16xf32>,
        %add3A_387 = arith.constant 1 : i32
        %add3A_388 = arith.addi %mul3A_301, %add3A_387 : i32
        %add3A_389 = arith.constant 6 : i32
        %add3A_390 = arith.addi %add3A_388, %add3A_389 : i32
        %sub3A_391 = arith.constant 1 : i32
        %sub3A_392 = arith.subi %add3A_390, %sub3A_391 : i32
        %lt3A_393 = arith.constant 128 : i32
        %lt3A_394 = arith.cmpi slt, %sub3A_392, %lt3A_393 : i32
        %convert_element_type3A_395 = arith.extui %lt3A_394 : i1 to i32
        %cond3A_396 = arith.constant 0 : i32
        %cond3A_397 = arith.cmpi ne, %convert_element_type3A_395, %cond3A_396 : i32
        scf.if %cond3A_397 {
          %dma_start3A_833 = arith.constant 0 : i32
          %dma_start3A_834 = arith.constant 0 : i32
          %dma_start3A_835 = arith.constant 0 : i32
          %dma_start3A_836 = tpu.memref_slice %arg6[%dma_start3A_833, %dma_start3A_834, %dma_start3A_835] : memref<6x200x64xf32, #tpu.memory_space<vmem>> -> memref<1x104x64xf32, #tpu.memory_space<vmem>>
          %dma_start3A_837 = tpu.memref_squeeze %dma_start3A_836 : memref<1x104x64xf32, #tpu.memory_space<vmem>> -> memref<104x64xf32, #tpu.memory_space<vmem>>
          %dma_start3A_838 = arith.constant 0 : i32
          %dma_start3A_839 = tpu.memref_slice %arg5[%sub3A_392, %dma_start3A_838] : memref<128x200xi32, #tpu.memory_space<vmem>> -> memref<1x104xi32, #tpu.memory_space<vmem>>
          %dma_start3A_840 = tpu.memref_squeeze %dma_start3A_839 : memref<1x104xi32, #tpu.memory_space<vmem>> -> memref<104xi32, #tpu.memory_space<vmem>>
          %dma_start3A_841 = arith.constant 0 : i32
          %dma_start3A_842 = arith.constant 0 : i32
          %dma_start3A_843 = tpu.memref_slice %arg3[%dma_start3A_841, %dma_start3A_842] : memref<1000000x64xf32, #tpu.memory_space<hbm>> -> memref<1000000x64xf32, #tpu.memory_space<hbm>>
          tpu.enqueue_indirect_dma source(%dma_start3A_843 : memref<1000000x64xf32, #tpu.memory_space<hbm>>) target(%dma_start3A_837 : memref<104x64xf32, #tpu.memory_space<vmem>>) offsets(%dma_start3A_840 : memref<104xi32, #tpu.memory_space<vmem>>) semaphore(%arg8 : memref<!tpu.dma_semaphore, #tpu.memory_space<semaphore_mem>>)
          %dma_start3A_844 = arith.constant 0 : i32
          %dma_start3A_845 = arith.constant 104 : i32
          %dma_start3A_846 = arith.constant 0 : i32
          %dma_start3A_847 = tpu.memref_slice %arg6[%dma_start3A_844, %dma_start3A_845, %dma_start3A_846] : memref<6x200x64xf32, #tpu.memory_space<vmem>> -> memref<1x96x64xf32, #tpu.memory_space<vmem>>
          %dma_start3A_848 = tpu.memref_squeeze %dma_start3A_847 : memref<1x96x64xf32, #tpu.memory_space<vmem>> -> memref<96x64xf32, #tpu.memory_space<vmem>>
          %dma_start3A_849 = arith.constant 104 : i32
          %dma_start3A_850 = tpu.memref_slice %arg5[%sub3A_392, %dma_start3A_849] : memref<128x200xi32, #tpu.memory_space<vmem>> -> memref<1x96xi32, #tpu.memory_space<vmem>>
          %dma_start3A_851 = tpu.memref_squeeze %dma_start3A_850 : memref<1x96xi32, #tpu.memory_space<vmem>> -> memref<96xi32, #tpu.memory_space<vmem>>
          %dma_start3A_852 = arith.constant 0 : i32
          %dma_start3A_853 = arith.constant 0 : i32
          %dma_start3A_854 = tpu.memref_slice %arg3[%dma_start3A_852, %dma_start3A_853] : memref<1000000x64xf32, #tpu.memory_space<hbm>> -> memref<1000000x64xf32, #tpu.memory_space<hbm>>
          tpu.enqueue_indirect_dma source(%dma_start3A_854 : memref<1000000x64xf32, #tpu.memory_space<hbm>>) target(%dma_start3A_848 : memref<96x64xf32, #tpu.memory_space<vmem>>) offsets(%dma_start3A_851 : memref<96xi32, #tpu.memory_space<vmem>>) semaphore(%arg8 : memref<!tpu.dma_semaphore, #tpu.memory_space<semaphore_mem>>)
        } else {
        }
        %dma_wait3A_398 = arith.constant 1 : i32
        %dma_wait3A_399 = arith.constant 0 : i32
        %dma_wait3A_400 = arith.constant 0 : i32
        %dma_wait3A_401 = tpu.memref_slice %arg6[%dma_wait3A_398, %dma_wait3A_399, %dma_wait3A_400] : memref<6x200x64xf32, #tpu.memory_space<vmem>> -> memref<1x104x64xf32, #tpu.memory_space<vmem>>
        %dma_wait3A_402 = tpu.memref_squeeze %dma_wait3A_401 : memref<1x104x64xf32, #tpu.memory_space<vmem>> -> memref<104x64xf32, #tpu.memory_space<vmem>>
        %dma_wait3A_403 = arith.constant 0 : i32
        %dma_wait3A_404 = arith.constant 0 : i32
        %dma_wait3A_405 = tpu.memref_slice %arg3[%dma_wait3A_403, %dma_wait3A_404] : memref<1000000x64xf32, #tpu.memory_space<hbm>> -> memref<104x64xf32, #tpu.memory_space<hbm>>
        %dma_wait3A_406 = arith.constant 0 : i32
        %dma_wait3A_407 = arith.constant 0 : i32
        %dma_wait3A_408 = tpu.memref_slice %arg6[%dma_wait3A_398, %dma_wait3A_406, %dma_wait3A_407] : memref<6x200x64xf32, #tpu.memory_space<vmem>> -> memref<1x104x64xf32, #tpu.memory_space<vmem>>
        %dma_wait3A_409 = tpu.memref_squeeze %dma_wait3A_408 : memref<1x104x64xf32, #tpu.memory_space<vmem>> -> memref<104x64xf32, #tpu.memory_space<vmem>>
        %dma_wait3A_410 = arith.constant 0 : i32
        %dma_wait3A_411 = arith.constant 0 : i32
        %dma_wait3A_412 = tpu.memref_slice %arg3[%dma_wait3A_410, %dma_wait3A_411] : memref<1000000x64xf32, #tpu.memory_space<hbm>> -> memref<104x64xf32, #tpu.memory_space<hbm>>
        tpu.wait_dma2 semaphore(%arg9 : memref<!tpu.dma_semaphore, #tpu.memory_space<semaphore_mem>>) src(%dma_wait3A_412 : memref<104x64xf32, #tpu.memory_space<hbm>>) dst(%dma_wait3A_409 : memref<104x64xf32, #tpu.memory_space<vmem>>)
        %dma_wait3A_413 = arith.constant 1 : i32
        %dma_wait3A_414 = arith.constant 104 : i32
        %dma_wait3A_415 = arith.constant 0 : i32
        %dma_wait3A_416 = tpu.memref_slice %arg6[%dma_wait3A_413, %dma_wait3A_414, %dma_wait3A_415] : memref<6x200x64xf32, #tpu.memory_space<vmem>> -> memref<1x96x64xf32, #tpu.memory_space<vmem>>
        %dma_wait3A_417 = tpu.memref_squeeze %dma_wait3A_416 : memref<1x96x64xf32, #tpu.memory_space<vmem>> -> memref<96x64xf32, #tpu.memory_space<vmem>>
        %dma_wait3A_418 = arith.constant 0 : i32
        %dma_wait3A_419 = arith.constant 0 : i32
        %dma_wait3A_420 = tpu.memref_slice %arg3[%dma_wait3A_418, %dma_wait3A_419] : memref<1000000x64xf32, #tpu.memory_space<hbm>> -> memref<96x64xf32, #tpu.memory_space<hbm>>
        %dma_wait3A_421 = arith.constant 104 : i32
        %dma_wait3A_422 = arith.constant 0 : i32
        %dma_wait3A_423 = tpu.memref_slice %arg6[%dma_wait3A_413, %dma_wait3A_421, %dma_wait3A_422] : memref<6x200x64xf32, #tpu.memory_space<vmem>> -> memref<1x96x64xf32, #tpu.memory_space<vmem>>
        %dma_wait3A_424 = tpu.memref_squeeze %dma_wait3A_423 : memref<1x96x64xf32, #tpu.memory_space<vmem>> -> memref<96x64xf32, #tpu.memory_space<vmem>>
        %dma_wait3A_425 = arith.constant 0 : i32
        %dma_wait3A_426 = arith.constant 0 : i32
        %dma_wait3A_427 = tpu.memref_slice %arg3[%dma_wait3A_425, %dma_wait3A_426] : memref<1000000x64xf32, #tpu.memory_space<hbm>> -> memref<96x64xf32, #tpu.memory_space<hbm>>
        tpu.wait_dma2 semaphore(%arg9 : memref<!tpu.dma_semaphore, #tpu.memory_space<semaphore_mem>>) src(%dma_wait3A_427 : memref<96x64xf32, #tpu.memory_space<hbm>>) dst(%dma_wait3A_424 : memref<96x64xf32, #tpu.memory_space<vmem>>)
        %add3A_428 = arith.constant 1 : i32
        %add3A_429 = arith.addi %mul3A_301, %add3A_428 : i32
        %broadcast_in_dim3A_430 = arith.constant 0.000000e+00 : f32
        %broadcast_in_dim3A_431 = vector.broadcast %broadcast_in_dim3A_430 : f32 to vector<16xf32>
        %broadcast_in_dim3A_432 = arith.constant 0.000000e+00 : f32
        %broadcast_in_dim3A_433 = vector.broadcast %broadcast_in_dim3A_432 : f32 to vector<16xf32>
        %broadcast_in_dim3A_434 = arith.constant 0.000000e+00 : f32
        %broadcast_in_dim3A_435 = vector.broadcast %broadcast_in_dim3A_434 : f32 to vector<16xf32>
        %broadcast_in_dim3A_436 = arith.constant 0.000000e+00 : f32
        %broadcast_in_dim3A_437 = vector.broadcast %broadcast_in_dim3A_436 : f32 to vector<16xf32>
        %scan3A_438 = arith.constant 0 : i32
        %scan3A_439 = arith.constant 25 : i32
        %scan3A_440 = arith.addi %scan3A_438, %scan3A_439 : i32
        %scan3A_441 = arith.constant 1 : i32
        %scan3A_442:4 = scf.for %scan3A_833 = %scan3A_438 to %scan3A_440 step %scan3A_441 iter_args(%scan3A_834 = %broadcast_in_dim3A_431, %scan3A_835 = %broadcast_in_dim3A_433, %scan3A_836 = %broadcast_in_dim3A_435, %scan3A_837 = %broadcast_in_dim3A_437) -> (vector<16xf32>, vector<16xf32>, vector<16xf32>, vector<16xf32>)  : i32 {
          %mul3A_838 = arith.constant 8 : i32
          %mul3A_839 = arith.muli %scan3A_833, %mul3A_838 : i32
          %add3A_840 = arith.constant 0 : i32
          %add3A_841 = arith.addi %mul3A_839, %add3A_840 : i32
          %get3A = arith.constant 1 : i32
          %get3A_842 = arith.index_cast %get3A : i32 to index
          %get3A_843 = arith.index_cast %add3A_841 : i32 to index
          %get3A_844 = arith.constant 0 : index
          %get3A_845 = tpu.vector_load %arg6[%get3A_842, %get3A_843, %get3A_844] {strides = array<i32>} : memref<6x200x64xf32, #tpu.memory_space<vmem>>, vector<1x1x16xf32>,
          %get3A_846 = vector.shape_cast %get3A_845 : vector<1x1x16xf32> to vector<16xf32>
          %add3A_847 = arith.constant 1 : i32
          %add3A_848 = arith.addi %mul3A_839, %add3A_847 : i32
          %get3A_849 = arith.constant 1 : i32
          %get3A_850 = arith.index_cast %get3A_849 : i32 to index
          %get3A_851 = arith.index_cast %add3A_848 : i32 to index
          %get3A_852 = arith.constant 0 : index
          %get3A_853 = tpu.vector_load %arg6[%get3A_850, %get3A_851, %get3A_852] {strides = array<i32>} : memref<6x200x64xf32, #tpu.memory_space<vmem>>, vector<1x1x16xf32>,
          %get3A_854 = vector.shape_cast %get3A_853 : vector<1x1x16xf32> to vector<16xf32>
          %add3A_855 = arith.constant 2 : i32
          %add3A_856 = arith.addi %mul3A_839, %add3A_855 : i32
          %get3A_857 = arith.constant 1 : i32
          %get3A_858 = arith.index_cast %get3A_857 : i32 to index
          %get3A_859 = arith.index_cast %add3A_856 : i32 to index
          %get3A_860 = arith.constant 0 : index
          %get3A_861 = tpu.vector_load %arg6[%get3A_858, %get3A_859, %get3A_860] {strides = array<i32>} : memref<6x200x64xf32, #tpu.memory_space<vmem>>, vector<1x1x16xf32>,
          %get3A_862 = vector.shape_cast %get3A_861 : vector<1x1x16xf32> to vector<16xf32>
          %add3A_863 = arith.constant 3 : i32
          %add3A_864 = arith.addi %mul3A_839, %add3A_863 : i32
          %get3A_865 = arith.constant 1 : i32
          %get3A_866 = arith.index_cast %get3A_865 : i32 to index
          %get3A_867 = arith.index_cast %add3A_864 : i32 to index
          %get3A_868 = arith.constant 0 : index
          %get3A_869 = tpu.vector_load %arg6[%get3A_866, %get3A_867, %get3A_868] {strides = array<i32>} : memref<6x200x64xf32, #tpu.memory_space<vmem>>, vector<1x1x16xf32>,
          %get3A_870 = vector.shape_cast %get3A_869 : vector<1x1x16xf32> to vector<16xf32>
          %add3A_871 = arith.constant 4 : i32
          %add3A_872 = arith.addi %mul3A_839, %add3A_871 : i32
          %get3A_873 = arith.constant 1 : i32
          %get3A_874 = arith.index_cast %get3A_873 : i32 to index
          %get3A_875 = arith.index_cast %add3A_872 : i32 to index
          %get3A_876 = arith.constant 0 : index
          %get3A_877 = tpu.vector_load %arg6[%get3A_874, %get3A_875, %get3A_876] {strides = array<i32>} : memref<6x200x64xf32, #tpu.memory_space<vmem>>, vector<1x1x16xf32>,
          %get3A_878 = vector.shape_cast %get3A_877 : vector<1x1x16xf32> to vector<16xf32>
          %add3A_879 = arith.constant 5 : i32
          %add3A_880 = arith.addi %mul3A_839, %add3A_879 : i32
          %get3A_881 = arith.constant 1 : i32
          %get3A_882 = arith.index_cast %get3A_881 : i32 to index
          %get3A_883 = arith.index_cast %add3A_880 : i32 to index
          %get3A_884 = arith.constant 0 : index
          %get3A_885 = tpu.vector_load %arg6[%get3A_882, %get3A_883, %get3A_884] {strides = array<i32>} : memref<6x200x64xf32, #tpu.memory_space<vmem>>, vector<1x1x16xf32>,
          %get3A_886 = vector.shape_cast %get3A_885 : vector<1x1x16xf32> to vector<16xf32>
          %add3A_887 = arith.constant 6 : i32
          %add3A_888 = arith.addi %mul3A_839, %add3A_887 : i32
          %get3A_889 = arith.constant 1 : i32
          %get3A_890 = arith.index_cast %get3A_889 : i32 to index
          %get3A_891 = arith.index_cast %add3A_888 : i32 to index
          %get3A_892 = arith.constant 0 : index
          %get3A_893 = tpu.vector_load %arg6[%get3A_890, %get3A_891, %get3A_892] {strides = array<i32>} : memref<6x200x64xf32, #tpu.memory_space<vmem>>, vector<1x1x16xf32>,
          %get3A_894 = vector.shape_cast %get3A_893 : vector<1x1x16xf32> to vector<16xf32>
          %add3A_895 = arith.constant 7 : i32
          %add3A_896 = arith.addi %mul3A_839, %add3A_895 : i32
          %get3A_897 = arith.constant 1 : i32
          %get3A_898 = arith.index_cast %get3A_897 : i32 to index
          %get3A_899 = arith.index_cast %add3A_896 : i32 to index
          %get3A_900 = arith.constant 0 : index
          %get3A_901 = tpu.vector_load %arg6[%get3A_898, %get3A_899, %get3A_900] {strides = array<i32>} : memref<6x200x64xf32, #tpu.memory_space<vmem>>, vector<1x1x16xf32>,
          %get3A_902 = vector.shape_cast %get3A_901 : vector<1x1x16xf32> to vector<16xf32>
          %add3A_903 = arith.addf %get3A_846, %get3A_854 : vector<16xf32>
          %add3A_904 = arith.addf %get3A_862, %get3A_870 : vector<16xf32>
          %add3A_905 = arith.addf %add3A_903, %add3A_904 : vector<16xf32>
          %add3A_906 = arith.addf %get3A_878, %get3A_886 : vector<16xf32>
          %add3A_907 = arith.addf %get3A_894, %get3A_902 : vector<16xf32>
          %add3A_908 = arith.addf %add3A_906, %add3A_907 : vector<16xf32>
          %add3A_909 = arith.addf %add3A_905, %add3A_908 : vector<16xf32>
          %add3A_910 = arith.addf %scan3A_834, %add3A_909 : vector<16xf32>
          %add3A_911 = arith.constant 0 : i32
          %add3A_912 = arith.addi %mul3A_839, %add3A_911 : i32
          %get3A_913 = arith.constant 1 : i32
          %get3A_914 = arith.index_cast %get3A_913 : i32 to index
          %get3A_915 = arith.index_cast %add3A_912 : i32 to index
          %get3A_916 = arith.constant 16 : index
          %get3A_917 = tpu.vector_load %arg6[%get3A_914, %get3A_915, %get3A_916] {strides = array<i32>} : memref<6x200x64xf32, #tpu.memory_space<vmem>>, vector<1x1x16xf32>,
          %get3A_918 = vector.shape_cast %get3A_917 : vector<1x1x16xf32> to vector<16xf32>
          %add3A_919 = arith.constant 1 : i32
          %add3A_920 = arith.addi %mul3A_839, %add3A_919 : i32
          %get3A_921 = arith.constant 1 : i32
          %get3A_922 = arith.index_cast %get3A_921 : i32 to index
          %get3A_923 = arith.index_cast %add3A_920 : i32 to index
          %get3A_924 = arith.constant 16 : index
          %get3A_925 = tpu.vector_load %arg6[%get3A_922, %get3A_923, %get3A_924] {strides = array<i32>} : memref<6x200x64xf32, #tpu.memory_space<vmem>>, vector<1x1x16xf32>,
          %get3A_926 = vector.shape_cast %get3A_925 : vector<1x1x16xf32> to vector<16xf32>
          %add3A_927 = arith.constant 2 : i32
          %add3A_928 = arith.addi %mul3A_839, %add3A_927 : i32
          %get3A_929 = arith.constant 1 : i32
          %get3A_930 = arith.index_cast %get3A_929 : i32 to index
          %get3A_931 = arith.index_cast %add3A_928 : i32 to index
          %get3A_932 = arith.constant 16 : index
          %get3A_933 = tpu.vector_load %arg6[%get3A_930, %get3A_931, %get3A_932] {strides = array<i32>} : memref<6x200x64xf32, #tpu.memory_space<vmem>>, vector<1x1x16xf32>,
          %get3A_934 = vector.shape_cast %get3A_933 : vector<1x1x16xf32> to vector<16xf32>
          %add3A_935 = arith.constant 3 : i32
          %add3A_936 = arith.addi %mul3A_839, %add3A_935 : i32
          %get3A_937 = arith.constant 1 : i32
          %get3A_938 = arith.index_cast %get3A_937 : i32 to index
          %get3A_939 = arith.index_cast %add3A_936 : i32 to index
          %get3A_940 = arith.constant 16 : index
          %get3A_941 = tpu.vector_load %arg6[%get3A_938, %get3A_939, %get3A_940] {strides = array<i32>} : memref<6x200x64xf32, #tpu.memory_space<vmem>>, vector<1x1x16xf32>,
          %get3A_942 = vector.shape_cast %get3A_941 : vector<1x1x16xf32> to vector<16xf32>
          %add3A_943 = arith.constant 4 : i32
          %add3A_944 = arith.addi %mul3A_839, %add3A_943 : i32
          %get3A_945 = arith.constant 1 : i32
          %get3A_946 = arith.index_cast %get3A_945 : i32 to index
          %get3A_947 = arith.index_cast %add3A_944 : i32 to index
          %get3A_948 = arith.constant 16 : index
          %get3A_949 = tpu.vector_load %arg6[%get3A_946, %get3A_947, %get3A_948] {strides = array<i32>} : memref<6x200x64xf32, #tpu.memory_space<vmem>>, vector<1x1x16xf32>,
          %get3A_950 = vector.shape_cast %get3A_949 : vector<1x1x16xf32> to vector<16xf32>
          %add3A_951 = arith.constant 5 : i32
          %add3A_952 = arith.addi %mul3A_839, %add3A_951 : i32
          %get3A_953 = arith.constant 1 : i32
          %get3A_954 = arith.index_cast %get3A_953 : i32 to index
          %get3A_955 = arith.index_cast %add3A_952 : i32 to index
          %get3A_956 = arith.constant 16 : index
          %get3A_957 = tpu.vector_load %arg6[%get3A_954, %get3A_955, %get3A_956] {strides = array<i32>} : memref<6x200x64xf32, #tpu.memory_space<vmem>>, vector<1x1x16xf32>,
          %get3A_958 = vector.shape_cast %get3A_957 : vector<1x1x16xf32> to vector<16xf32>
          %add3A_959 = arith.constant 6 : i32
          %add3A_960 = arith.addi %mul3A_839, %add3A_959 : i32
          %get3A_961 = arith.constant 1 : i32
          %get3A_962 = arith.index_cast %get3A_961 : i32 to index
          %get3A_963 = arith.index_cast %add3A_960 : i32 to index
          %get3A_964 = arith.constant 16 : index
          %get3A_965 = tpu.vector_load %arg6[%get3A_962, %get3A_963, %get3A_964] {strides = array<i32>} : memref<6x200x64xf32, #tpu.memory_space<vmem>>, vector<1x1x16xf32>,
          %get3A_966 = vector.shape_cast %get3A_965 : vector<1x1x16xf32> to vector<16xf32>
          %add3A_967 = arith.constant 7 : i32
          %add3A_968 = arith.addi %mul3A_839, %add3A_967 : i32
          %get3A_969 = arith.constant 1 : i32
          %get3A_970 = arith.index_cast %get3A_969 : i32 to index
          %get3A_971 = arith.index_cast %add3A_968 : i32 to index
          %get3A_972 = arith.constant 16 : index
          %get3A_973 = tpu.vector_load %arg6[%get3A_970, %get3A_971, %get3A_972] {strides = array<i32>} : memref<6x200x64xf32, #tpu.memory_space<vmem>>, vector<1x1x16xf32>,
          %get3A_974 = vector.shape_cast %get3A_973 : vector<1x1x16xf32> to vector<16xf32>
          %add3A_975 = arith.addf %get3A_918, %get3A_926 : vector<16xf32>
          %add3A_976 = arith.addf %get3A_934, %get3A_942 : vector<16xf32>
          %add3A_977 = arith.addf %add3A_975, %add3A_976 : vector<16xf32>
          %add3A_978 = arith.addf %get3A_950, %get3A_958 : vector<16xf32>
          %add3A_979 = arith.addf %get3A_966, %get3A_974 : vector<16xf32>
          %add3A_980 = arith.addf %add3A_978, %add3A_979 : vector<16xf32>
          %add3A_981 = arith.addf %add3A_977, %add3A_980 : vector<16xf32>
          %add3A_982 = arith.addf %scan3A_835, %add3A_981 : vector<16xf32>
          %add3A_983 = arith.constant 0 : i32
          %add3A_984 = arith.addi %mul3A_839, %add3A_983 : i32
          %get3A_985 = arith.constant 1 : i32
          %get3A_986 = arith.index_cast %get3A_985 : i32 to index
          %get3A_987 = arith.index_cast %add3A_984 : i32 to index
          %get3A_988 = arith.constant 32 : index
          %get3A_989 = tpu.vector_load %arg6[%get3A_986, %get3A_987, %get3A_988] {strides = array<i32>} : memref<6x200x64xf32, #tpu.memory_space<vmem>>, vector<1x1x16xf32>,
          %get3A_990 = vector.shape_cast %get3A_989 : vector<1x1x16xf32> to vector<16xf32>
          %add3A_991 = arith.constant 1 : i32
          %add3A_992 = arith.addi %mul3A_839, %add3A_991 : i32
          %get3A_993 = arith.constant 1 : i32
          %get3A_994 = arith.index_cast %get3A_993 : i32 to index
          %get3A_995 = arith.index_cast %add3A_992 : i32 to index
          %get3A_996 = arith.constant 32 : index
          %get3A_997 = tpu.vector_load %arg6[%get3A_994, %get3A_995, %get3A_996] {strides = array<i32>} : memref<6x200x64xf32, #tpu.memory_space<vmem>>, vector<1x1x16xf32>,
          %get3A_998 = vector.shape_cast %get3A_997 : vector<1x1x16xf32> to vector<16xf32>
          %add3A_999 = arith.constant 2 : i32
          %add3A_1000 = arith.addi %mul3A_839, %add3A_999 : i32
          %get3A_1001 = arith.constant 1 : i32
          %get3A_1002 = arith.index_cast %get3A_1001 : i32 to index
          %get3A_1003 = arith.index_cast %add3A_1000 : i32 to index
          %get3A_1004 = arith.constant 32 : index
          %get3A_1005 = tpu.vector_load %arg6[%get3A_1002, %get3A_1003, %get3A_1004] {strides = array<i32>} : memref<6x200x64xf32, #tpu.memory_space<vmem>>, vector<1x1x16xf32>,
          %get3A_1006 = vector.shape_cast %get3A_1005 : vector<1x1x16xf32> to vector<16xf32>
          %add3A_1007 = arith.constant 3 : i32
          %add3A_1008 = arith.addi %mul3A_839, %add3A_1007 : i32
          %get3A_1009 = arith.constant 1 : i32
          %get3A_1010 = arith.index_cast %get3A_1009 : i32 to index
          %get3A_1011 = arith.index_cast %add3A_1008 : i32 to index
          %get3A_1012 = arith.constant 32 : index
          %get3A_1013 = tpu.vector_load %arg6[%get3A_1010, %get3A_1011, %get3A_1012] {strides = array<i32>} : memref<6x200x64xf32, #tpu.memory_space<vmem>>, vector<1x1x16xf32>,
          %get3A_1014 = vector.shape_cast %get3A_1013 : vector<1x1x16xf32> to vector<16xf32>
          %add3A_1015 = arith.constant 4 : i32
          %add3A_1016 = arith.addi %mul3A_839, %add3A_1015 : i32
          %get3A_1017 = arith.constant 1 : i32
          %get3A_1018 = arith.index_cast %get3A_1017 : i32 to index
          %get3A_1019 = arith.index_cast %add3A_1016 : i32 to index
          %get3A_1020 = arith.constant 32 : index
          %get3A_1021 = tpu.vector_load %arg6[%get3A_1018, %get3A_1019, %get3A_1020] {strides = array<i32>} : memref<6x200x64xf32, #tpu.memory_space<vmem>>, vector<1x1x16xf32>,
          %get3A_1022 = vector.shape_cast %get3A_1021 : vector<1x1x16xf32> to vector<16xf32>
          %add3A_1023 = arith.constant 5 : i32
          %add3A_1024 = arith.addi %mul3A_839, %add3A_1023 : i32
          %get3A_1025 = arith.constant 1 : i32
          %get3A_1026 = arith.index_cast %get3A_1025 : i32 to index
          %get3A_1027 = arith.index_cast %add3A_1024 : i32 to index
          %get3A_1028 = arith.constant 32 : index
          %get3A_1029 = tpu.vector_load %arg6[%get3A_1026, %get3A_1027, %get3A_1028] {strides = array<i32>} : memref<6x200x64xf32, #tpu.memory_space<vmem>>, vector<1x1x16xf32>,
          %get3A_1030 = vector.shape_cast %get3A_1029 : vector<1x1x16xf32> to vector<16xf32>
          %add3A_1031 = arith.constant 6 : i32
          %add3A_1032 = arith.addi %mul3A_839, %add3A_1031 : i32
          %get3A_1033 = arith.constant 1 : i32
          %get3A_1034 = arith.index_cast %get3A_1033 : i32 to index
          %get3A_1035 = arith.index_cast %add3A_1032 : i32 to index
          %get3A_1036 = arith.constant 32 : index
          %get3A_1037 = tpu.vector_load %arg6[%get3A_1034, %get3A_1035, %get3A_1036] {strides = array<i32>} : memref<6x200x64xf32, #tpu.memory_space<vmem>>, vector<1x1x16xf32>,
          %get3A_1038 = vector.shape_cast %get3A_1037 : vector<1x1x16xf32> to vector<16xf32>
          %add3A_1039 = arith.constant 7 : i32
          %add3A_1040 = arith.addi %mul3A_839, %add3A_1039 : i32
          %get3A_1041 = arith.constant 1 : i32
          %get3A_1042 = arith.index_cast %get3A_1041 : i32 to index
          %get3A_1043 = arith.index_cast %add3A_1040 : i32 to index
          %get3A_1044 = arith.constant 32 : index
          %get3A_1045 = tpu.vector_load %arg6[%get3A_1042, %get3A_1043, %get3A_1044] {strides = array<i32>} : memref<6x200x64xf32, #tpu.memory_space<vmem>>, vector<1x1x16xf32>,
          %get3A_1046 = vector.shape_cast %get3A_1045 : vector<1x1x16xf32> to vector<16xf32>
          %add3A_1047 = arith.addf %get3A_990, %get3A_998 : vector<16xf32>
          %add3A_1048 = arith.addf %get3A_1006, %get3A_1014 : vector<16xf32>
          %add3A_1049 = arith.addf %add3A_1047, %add3A_1048 : vector<16xf32>
          %add3A_1050 = arith.addf %get3A_1022, %get3A_1030 : vector<16xf32>
          %add3A_1051 = arith.addf %get3A_1038, %get3A_1046 : vector<16xf32>
          %add3A_1052 = arith.addf %add3A_1050, %add3A_1051 : vector<16xf32>
          %add3A_1053 = arith.addf %add3A_1049, %add3A_1052 : vector<16xf32>
          %add3A_1054 = arith.addf %scan3A_836, %add3A_1053 : vector<16xf32>
          %add3A_1055 = arith.constant 0 : i32
          %add3A_1056 = arith.addi %mul3A_839, %add3A_1055 : i32
          %get3A_1057 = arith.constant 1 : i32
          %get3A_1058 = arith.index_cast %get3A_1057 : i32 to index
          %get3A_1059 = arith.index_cast %add3A_1056 : i32 to index
          %get3A_1060 = arith.constant 48 : index
          %get3A_1061 = tpu.vector_load %arg6[%get3A_1058, %get3A_1059, %get3A_1060] {strides = array<i32>} : memref<6x200x64xf32, #tpu.memory_space<vmem>>, vector<1x1x16xf32>,
          %get3A_1062 = vector.shape_cast %get3A_1061 : vector<1x1x16xf32> to vector<16xf32>
          %add3A_1063 = arith.constant 1 : i32
          %add3A_1064 = arith.addi %mul3A_839, %add3A_1063 : i32
          %get3A_1065 = arith.constant 1 : i32
          %get3A_1066 = arith.index_cast %get3A_1065 : i32 to index
          %get3A_1067 = arith.index_cast %add3A_1064 : i32 to index
          %get3A_1068 = arith.constant 48 : index
          %get3A_1069 = tpu.vector_load %arg6[%get3A_1066, %get3A_1067, %get3A_1068] {strides = array<i32>} : memref<6x200x64xf32, #tpu.memory_space<vmem>>, vector<1x1x16xf32>,
          %get3A_1070 = vector.shape_cast %get3A_1069 : vector<1x1x16xf32> to vector<16xf32>
          %add3A_1071 = arith.constant 2 : i32
          %add3A_1072 = arith.addi %mul3A_839, %add3A_1071 : i32
          %get3A_1073 = arith.constant 1 : i32
          %get3A_1074 = arith.index_cast %get3A_1073 : i32 to index
          %get3A_1075 = arith.index_cast %add3A_1072 : i32 to index
          %get3A_1076 = arith.constant 48 : index
          %get3A_1077 = tpu.vector_load %arg6[%get3A_1074, %get3A_1075, %get3A_1076] {strides = array<i32>} : memref<6x200x64xf32, #tpu.memory_space<vmem>>, vector<1x1x16xf32>,
          %get3A_1078 = vector.shape_cast %get3A_1077 : vector<1x1x16xf32> to vector<16xf32>
          %add3A_1079 = arith.constant 3 : i32
          %add3A_1080 = arith.addi %mul3A_839, %add3A_1079 : i32
          %get3A_1081 = arith.constant 1 : i32
          %get3A_1082 = arith.index_cast %get3A_1081 : i32 to index
          %get3A_1083 = arith.index_cast %add3A_1080 : i32 to index
          %get3A_1084 = arith.constant 48 : index
          %get3A_1085 = tpu.vector_load %arg6[%get3A_1082, %get3A_1083, %get3A_1084] {strides = array<i32>} : memref<6x200x64xf32, #tpu.memory_space<vmem>>, vector<1x1x16xf32>,
          %get3A_1086 = vector.shape_cast %get3A_1085 : vector<1x1x16xf32> to vector<16xf32>
          %add3A_1087 = arith.constant 4 : i32
          %add3A_1088 = arith.addi %mul3A_839, %add3A_1087 : i32
          %get3A_1089 = arith.constant 1 : i32
          %get3A_1090 = arith.index_cast %get3A_1089 : i32 to index
          %get3A_1091 = arith.index_cast %add3A_1088 : i32 to index
          %get3A_1092 = arith.constant 48 : index
          %get3A_1093 = tpu.vector_load %arg6[%get3A_1090, %get3A_1091, %get3A_1092] {strides = array<i32>} : memref<6x200x64xf32, #tpu.memory_space<vmem>>, vector<1x1x16xf32>,
          %get3A_1094 = vector.shape_cast %get3A_1093 : vector<1x1x16xf32> to vector<16xf32>
          %add3A_1095 = arith.constant 5 : i32
          %add3A_1096 = arith.addi %mul3A_839, %add3A_1095 : i32
          %get3A_1097 = arith.constant 1 : i32
          %get3A_1098 = arith.index_cast %get3A_1097 : i32 to index
          %get3A_1099 = arith.index_cast %add3A_1096 : i32 to index
          %get3A_1100 = arith.constant 48 : index
          %get3A_1101 = tpu.vector_load %arg6[%get3A_1098, %get3A_1099, %get3A_1100] {strides = array<i32>} : memref<6x200x64xf32, #tpu.memory_space<vmem>>, vector<1x1x16xf32>,
          %get3A_1102 = vector.shape_cast %get3A_1101 : vector<1x1x16xf32> to vector<16xf32>
          %add3A_1103 = arith.constant 6 : i32
          %add3A_1104 = arith.addi %mul3A_839, %add3A_1103 : i32
          %get3A_1105 = arith.constant 1 : i32
          %get3A_1106 = arith.index_cast %get3A_1105 : i32 to index
          %get3A_1107 = arith.index_cast %add3A_1104 : i32 to index
          %get3A_1108 = arith.constant 48 : index
          %get3A_1109 = tpu.vector_load %arg6[%get3A_1106, %get3A_1107, %get3A_1108] {strides = array<i32>} : memref<6x200x64xf32, #tpu.memory_space<vmem>>, vector<1x1x16xf32>,
          %get3A_1110 = vector.shape_cast %get3A_1109 : vector<1x1x16xf32> to vector<16xf32>
          %add3A_1111 = arith.constant 7 : i32
          %add3A_1112 = arith.addi %mul3A_839, %add3A_1111 : i32
          %get3A_1113 = arith.constant 1 : i32
          %get3A_1114 = arith.index_cast %get3A_1113 : i32 to index
          %get3A_1115 = arith.index_cast %add3A_1112 : i32 to index
          %get3A_1116 = arith.constant 48 : index
          %get3A_1117 = tpu.vector_load %arg6[%get3A_1114, %get3A_1115, %get3A_1116] {strides = array<i32>} : memref<6x200x64xf32, #tpu.memory_space<vmem>>, vector<1x1x16xf32>,
          %get3A_1118 = vector.shape_cast %get3A_1117 : vector<1x1x16xf32> to vector<16xf32>
          %add3A_1119 = arith.addf %get3A_1062, %get3A_1070 : vector<16xf32>
          %add3A_1120 = arith.addf %get3A_1078, %get3A_1086 : vector<16xf32>
          %add3A_1121 = arith.addf %add3A_1119, %add3A_1120 : vector<16xf32>
          %add3A_1122 = arith.addf %get3A_1094, %get3A_1102 : vector<16xf32>
          %add3A_1123 = arith.addf %get3A_1110, %get3A_1118 : vector<16xf32>
          %add3A_1124 = arith.addf %add3A_1122, %add3A_1123 : vector<16xf32>
          %add3A_1125 = arith.addf %add3A_1121, %add3A_1124 : vector<16xf32>
          %add3A_1126 = arith.addf %scan3A_837, %add3A_1125 : vector<16xf32>
          scf.yield %add3A_910, %add3A_982, %add3A_1054, %add3A_1126 : vector<16xf32>, vector<16xf32>, vector<16xf32>, vector<16xf32>
        }
        %scan3A_443 = arith.constant 25 : i32
        %mul3A_444 = arith.constant 5.000000e-03 : f32
        %mul3A_445 = vector.broadcast %mul3A_444 : f32 to vector<16xf32>
        %mul3A_446 = arith.mulf %scan3A_442#0, %mul3A_445 : vector<16xf32>
        %swap3A_447 = arith.index_cast %add3A_429 : i32 to index
        %swap3A_448 = arith.constant 0 : index
        %swap3A_449 = tpu.vector_load %arg7[%swap3A_447, %swap3A_448] {strides = array<i32>} : memref<128x64xf32, #tpu.memory_space<vmem>>, vector<1x16xf32>,
        %swap3A_450 = vector.shape_cast %swap3A_449 : vector<1x16xf32> to vector<16xf32>
        %swap3A_451 = vector.shape_cast %mul3A_446 : vector<16xf32> to vector<1x16xf32>
        tpu.vector_store %arg7[%swap3A_447, %swap3A_448], %swap3A_451 {strides = array<i32>} : memref<128x64xf32, #tpu.memory_space<vmem>>, vector<1x16xf32>,
        %mul3A_452 = arith.constant 5.000000e-03 : f32
        %mul3A_453 = vector.broadcast %mul3A_452 : f32 to vector<16xf32>
        %mul3A_454 = arith.mulf %scan3A_442#1, %mul3A_453 : vector<16xf32>
        %swap3A_455 = arith.index_cast %add3A_429 : i32 to index
        %swap3A_456 = arith.constant 16 : index
        %swap3A_457 = tpu.vector_load %arg7[%swap3A_455, %swap3A_456] {strides = array<i32>} : memref<128x64xf32, #tpu.memory_space<vmem>>, vector<1x16xf32>,
        %swap3A_458 = vector.shape_cast %swap3A_457 : vector<1x16xf32> to vector<16xf32>
        %swap3A_459 = vector.shape_cast %mul3A_454 : vector<16xf32> to vector<1x16xf32>
        tpu.vector_store %arg7[%swap3A_455, %swap3A_456], %swap3A_459 {strides = array<i32>} : memref<128x64xf32, #tpu.memory_space<vmem>>, vector<1x16xf32>,
        %mul3A_460 = arith.constant 5.000000e-03 : f32
        %mul3A_461 = vector.broadcast %mul3A_460 : f32 to vector<16xf32>
        %mul3A_462 = arith.mulf %scan3A_442#2, %mul3A_461 : vector<16xf32>
        %swap3A_463 = arith.index_cast %add3A_429 : i32 to index
        %swap3A_464 = arith.constant 32 : index
        %swap3A_465 = tpu.vector_load %arg7[%swap3A_463, %swap3A_464] {strides = array<i32>} : memref<128x64xf32, #tpu.memory_space<vmem>>, vector<1x16xf32>,
        %swap3A_466 = vector.shape_cast %swap3A_465 : vector<1x16xf32> to vector<16xf32>
        %swap3A_467 = vector.shape_cast %mul3A_462 : vector<16xf32> to vector<1x16xf32>
        tpu.vector_store %arg7[%swap3A_463, %swap3A_464], %swap3A_467 {strides = array<i32>} : memref<128x64xf32, #tpu.memory_space<vmem>>, vector<1x16xf32>,
        %mul3A_468 = arith.constant 5.000000e-03 : f32
        %mul3A_469 = vector.broadcast %mul3A_468 : f32 to vector<16xf32>
        %mul3A_470 = arith.mulf %scan3A_442#3, %mul3A_469 : vector<16xf32>
        %swap3A_471 = arith.index_cast %add3A_429 : i32 to index
        %swap3A_472 = arith.constant 48 : index
        %swap3A_473 = tpu.vector_load %arg7[%swap3A_471, %swap3A_472] {strides = array<i32>} : memref<128x64xf32, #tpu.memory_space<vmem>>, vector<1x16xf32>,
        %swap3A_474 = vector.shape_cast %swap3A_473 : vector<1x16xf32> to vector<16xf32>
        %swap3A_475 = vector.shape_cast %mul3A_470 : vector<16xf32> to vector<1x16xf32>
        tpu.vector_store %arg7[%swap3A_471, %swap3A_472], %swap3A_475 {strides = array<i32>} : memref<128x64xf32, #tpu.memory_space<vmem>>, vector<1x16xf32>,
        %add3A_476 = arith.constant 2 : i32
        %add3A_477 = arith.addi %mul3A_301, %add3A_476 : i32
        %add3A_478 = arith.constant 6 : i32
        %add3A_479 = arith.addi %add3A_477, %add3A_478 : i32
        %sub3A_480 = arith.constant 1 : i32
        %sub3A_481 = arith.subi %add3A_479, %sub3A_480 : i32
        %lt3A_482 = arith.constant 128 : i32
        %lt3A_483 = arith.cmpi slt, %sub3A_481, %lt3A_482 : i32
        %convert_element_type3A_484 = arith.extui %lt3A_483 : i1 to i32
        %cond3A_485 = arith.constant 0 : i32
        %cond3A_486 = arith.cmpi ne, %convert_element_type3A_484, %cond3A_485 : i32
        scf.if %cond3A_486 {
          %dma_start3A_833 = arith.constant 1 : i32
          %dma_start3A_834 = arith.constant 0 : i32
          %dma_start3A_835 = arith.constant 0 : i32
          %dma_start3A_836 = tpu.memref_slice %arg6[%dma_start3A_833, %dma_start3A_834, %dma_start3A_835] : memref<6x200x64xf32, #tpu.memory_space<vmem>> -> memref<1x104x64xf32, #tpu.memory_space<vmem>>
          %dma_start3A_837 = tpu.memref_squeeze %dma_start3A_836 : memref<1x104x64xf32, #tpu.memory_space<vmem>> -> memref<104x64xf32, #tpu.memory_space<vmem>>
          %dma_start3A_838 = arith.constant 0 : i32
          %dma_start3A_839 = tpu.memref_slice %arg5[%sub3A_481, %dma_start3A_838] : memref<128x200xi32, #tpu.memory_space<vmem>> -> memref<1x104xi32, #tpu.memory_space<vmem>>
          %dma_start3A_840 = tpu.memref_squeeze %dma_start3A_839 : memref<1x104xi32, #tpu.memory_space<vmem>> -> memref<104xi32, #tpu.memory_space<vmem>>
          %dma_start3A_841 = arith.constant 0 : i32
          %dma_start3A_842 = arith.constant 0 : i32
          %dma_start3A_843 = tpu.memref_slice %arg3[%dma_start3A_841, %dma_start3A_842] : memref<1000000x64xf32, #tpu.memory_space<hbm>> -> memref<1000000x64xf32, #tpu.memory_space<hbm>>
          tpu.enqueue_indirect_dma source(%dma_start3A_843 : memref<1000000x64xf32, #tpu.memory_space<hbm>>) target(%dma_start3A_837 : memref<104x64xf32, #tpu.memory_space<vmem>>) offsets(%dma_start3A_840 : memref<104xi32, #tpu.memory_space<vmem>>) semaphore(%arg9 : memref<!tpu.dma_semaphore, #tpu.memory_space<semaphore_mem>>)
          %dma_start3A_844 = arith.constant 1 : i32
          %dma_start3A_845 = arith.constant 104 : i32
          %dma_start3A_846 = arith.constant 0 : i32
          %dma_start3A_847 = tpu.memref_slice %arg6[%dma_start3A_844, %dma_start3A_845, %dma_start3A_846] : memref<6x200x64xf32, #tpu.memory_space<vmem>> -> memref<1x96x64xf32, #tpu.memory_space<vmem>>
          %dma_start3A_848 = tpu.memref_squeeze %dma_start3A_847 : memref<1x96x64xf32, #tpu.memory_space<vmem>> -> memref<96x64xf32, #tpu.memory_space<vmem>>
          %dma_start3A_849 = arith.constant 104 : i32
          %dma_start3A_850 = tpu.memref_slice %arg5[%sub3A_481, %dma_start3A_849] : memref<128x200xi32, #tpu.memory_space<vmem>> -> memref<1x96xi32, #tpu.memory_space<vmem>>
          %dma_start3A_851 = tpu.memref_squeeze %dma_start3A_850 : memref<1x96xi32, #tpu.memory_space<vmem>> -> memref<96xi32, #tpu.memory_space<vmem>>
          %dma_start3A_852 = arith.constant 0 : i32
          %dma_start3A_853 = arith.constant 0 : i32
          %dma_start3A_854 = tpu.memref_slice %arg3[%dma_start3A_852, %dma_start3A_853] : memref<1000000x64xf32, #tpu.memory_space<hbm>> -> memref<1000000x64xf32, #tpu.memory_space<hbm>>
          tpu.enqueue_indirect_dma source(%dma_start3A_854 : memref<1000000x64xf32, #tpu.memory_space<hbm>>) target(%dma_start3A_848 : memref<96x64xf32, #tpu.memory_space<vmem>>) offsets(%dma_start3A_851 : memref<96xi32, #tpu.memory_space<vmem>>) semaphore(%arg9 : memref<!tpu.dma_semaphore, #tpu.memory_space<semaphore_mem>>)
        } else {
        }
        %dma_wait3A_487 = arith.constant 2 : i32
        %dma_wait3A_488 = arith.constant 0 : i32
        %dma_wait3A_489 = arith.constant 0 : i32
        %dma_wait3A_490 = tpu.memref_slice %arg6[%dma_wait3A_487, %dma_wait3A_488, %dma_wait3A_489] : memref<6x200x64xf32, #tpu.memory_space<vmem>> -> memref<1x104x64xf32, #tpu.memory_space<vmem>>
        %dma_wait3A_491 = tpu.memref_squeeze %dma_wait3A_490 : memref<1x104x64xf32, #tpu.memory_space<vmem>> -> memref<104x64xf32, #tpu.memory_space<vmem>>
        %dma_wait3A_492 = arith.constant 0 : i32
        %dma_wait3A_493 = arith.constant 0 : i32
        %dma_wait3A_494 = tpu.memref_slice %arg3[%dma_wait3A_492, %dma_wait3A_493] : memref<1000000x64xf32, #tpu.memory_space<hbm>> -> memref<104x64xf32, #tpu.memory_space<hbm>>
        %dma_wait3A_495 = arith.constant 0 : i32
        %dma_wait3A_496 = arith.constant 0 : i32
        %dma_wait3A_497 = tpu.memref_slice %arg6[%dma_wait3A_487, %dma_wait3A_495, %dma_wait3A_496] : memref<6x200x64xf32, #tpu.memory_space<vmem>> -> memref<1x104x64xf32, #tpu.memory_space<vmem>>
        %dma_wait3A_498 = tpu.memref_squeeze %dma_wait3A_497 : memref<1x104x64xf32, #tpu.memory_space<vmem>> -> memref<104x64xf32, #tpu.memory_space<vmem>>
        %dma_wait3A_499 = arith.constant 0 : i32
        %dma_wait3A_500 = arith.constant 0 : i32
        %dma_wait3A_501 = tpu.memref_slice %arg3[%dma_wait3A_499, %dma_wait3A_500] : memref<1000000x64xf32, #tpu.memory_space<hbm>> -> memref<104x64xf32, #tpu.memory_space<hbm>>
        tpu.wait_dma2 semaphore(%arg10 : memref<!tpu.dma_semaphore, #tpu.memory_space<semaphore_mem>>) src(%dma_wait3A_501 : memref<104x64xf32, #tpu.memory_space<hbm>>) dst(%dma_wait3A_498 : memref<104x64xf32, #tpu.memory_space<vmem>>)
        %dma_wait3A_502 = arith.constant 2 : i32
        %dma_wait3A_503 = arith.constant 104 : i32
        %dma_wait3A_504 = arith.constant 0 : i32
        %dma_wait3A_505 = tpu.memref_slice %arg6[%dma_wait3A_502, %dma_wait3A_503, %dma_wait3A_504] : memref<6x200x64xf32, #tpu.memory_space<vmem>> -> memref<1x96x64xf32, #tpu.memory_space<vmem>>
        %dma_wait3A_506 = tpu.memref_squeeze %dma_wait3A_505 : memref<1x96x64xf32, #tpu.memory_space<vmem>> -> memref<96x64xf32, #tpu.memory_space<vmem>>
        %dma_wait3A_507 = arith.constant 0 : i32
        %dma_wait3A_508 = arith.constant 0 : i32
        %dma_wait3A_509 = tpu.memref_slice %arg3[%dma_wait3A_507, %dma_wait3A_508] : memref<1000000x64xf32, #tpu.memory_space<hbm>> -> memref<96x64xf32, #tpu.memory_space<hbm>>
        %dma_wait3A_510 = arith.constant 104 : i32
        %dma_wait3A_511 = arith.constant 0 : i32
        %dma_wait3A_512 = tpu.memref_slice %arg6[%dma_wait3A_502, %dma_wait3A_510, %dma_wait3A_511] : memref<6x200x64xf32, #tpu.memory_space<vmem>> -> memref<1x96x64xf32, #tpu.memory_space<vmem>>
        %dma_wait3A_513 = tpu.memref_squeeze %dma_wait3A_512 : memref<1x96x64xf32, #tpu.memory_space<vmem>> -> memref<96x64xf32, #tpu.memory_space<vmem>>
        %dma_wait3A_514 = arith.constant 0 : i32
        %dma_wait3A_515 = arith.constant 0 : i32
        %dma_wait3A_516 = tpu.memref_slice %arg3[%dma_wait3A_514, %dma_wait3A_515] : memref<1000000x64xf32, #tpu.memory_space<hbm>> -> memref<96x64xf32, #tpu.memory_space<hbm>>
        tpu.wait_dma2 semaphore(%arg10 : memref<!tpu.dma_semaphore, #tpu.memory_space<semaphore_mem>>) src(%dma_wait3A_516 : memref<96x64xf32, #tpu.memory_space<hbm>>) dst(%dma_wait3A_513 : memref<96x64xf32, #tpu.memory_space<vmem>>)
        %add3A_517 = arith.constant 2 : i32
        %add3A_518 = arith.addi %mul3A_301, %add3A_517 : i32
        %broadcast_in_dim3A_519 = arith.constant 0.000000e+00 : f32
        %broadcast_in_dim3A_520 = vector.broadcast %broadcast_in_dim3A_519 : f32 to vector<16xf32>
        %broadcast_in_dim3A_521 = arith.constant 0.000000e+00 : f32
        %broadcast_in_dim3A_522 = vector.broadcast %broadcast_in_dim3A_521 : f32 to vector<16xf32>
        %broadcast_in_dim3A_523 = arith.constant 0.000000e+00 : f32
        %broadcast_in_dim3A_524 = vector.broadcast %broadcast_in_dim3A_523 : f32 to vector<16xf32>
        %broadcast_in_dim3A_525 = arith.constant 0.000000e+00 : f32
        %broadcast_in_dim3A_526 = vector.broadcast %broadcast_in_dim3A_525 : f32 to vector<16xf32>
        %scan3A_527 = arith.constant 0 : i32
        %scan3A_528 = arith.constant 25 : i32
        %scan3A_529 = arith.addi %scan3A_527, %scan3A_528 : i32
        %scan3A_530 = arith.constant 1 : i32
        %scan3A_531:4 = scf.for %scan3A_833 = %scan3A_527 to %scan3A_529 step %scan3A_530 iter_args(%scan3A_834 = %broadcast_in_dim3A_520, %scan3A_835 = %broadcast_in_dim3A_522, %scan3A_836 = %broadcast_in_dim3A_524, %scan3A_837 = %broadcast_in_dim3A_526) -> (vector<16xf32>, vector<16xf32>, vector<16xf32>, vector<16xf32>)  : i32 {
          %mul3A_838 = arith.constant 8 : i32
          %mul3A_839 = arith.muli %scan3A_833, %mul3A_838 : i32
          %add3A_840 = arith.constant 0 : i32
          %add3A_841 = arith.addi %mul3A_839, %add3A_840 : i32
          %get3A = arith.constant 2 : i32
          %get3A_842 = arith.index_cast %get3A : i32 to index
          %get3A_843 = arith.index_cast %add3A_841 : i32 to index
          %get3A_844 = arith.constant 0 : index
          %get3A_845 = tpu.vector_load %arg6[%get3A_842, %get3A_843, %get3A_844] {strides = array<i32>} : memref<6x200x64xf32, #tpu.memory_space<vmem>>, vector<1x1x16xf32>,
          %get3A_846 = vector.shape_cast %get3A_845 : vector<1x1x16xf32> to vector<16xf32>
          %add3A_847 = arith.constant 1 : i32
          %add3A_848 = arith.addi %mul3A_839, %add3A_847 : i32
          %get3A_849 = arith.constant 2 : i32
          %get3A_850 = arith.index_cast %get3A_849 : i32 to index
          %get3A_851 = arith.index_cast %add3A_848 : i32 to index
          %get3A_852 = arith.constant 0 : index
          %get3A_853 = tpu.vector_load %arg6[%get3A_850, %get3A_851, %get3A_852] {strides = array<i32>} : memref<6x200x64xf32, #tpu.memory_space<vmem>>, vector<1x1x16xf32>,
          %get3A_854 = vector.shape_cast %get3A_853 : vector<1x1x16xf32> to vector<16xf32>
          %add3A_855 = arith.constant 2 : i32
          %add3A_856 = arith.addi %mul3A_839, %add3A_855 : i32
          %get3A_857 = arith.constant 2 : i32
          %get3A_858 = arith.index_cast %get3A_857 : i32 to index
          %get3A_859 = arith.index_cast %add3A_856 : i32 to index
          %get3A_860 = arith.constant 0 : index
          %get3A_861 = tpu.vector_load %arg6[%get3A_858, %get3A_859, %get3A_860] {strides = array<i32>} : memref<6x200x64xf32, #tpu.memory_space<vmem>>, vector<1x1x16xf32>,
          %get3A_862 = vector.shape_cast %get3A_861 : vector<1x1x16xf32> to vector<16xf32>
          %add3A_863 = arith.constant 3 : i32
          %add3A_864 = arith.addi %mul3A_839, %add3A_863 : i32
          %get3A_865 = arith.constant 2 : i32
          %get3A_866 = arith.index_cast %get3A_865 : i32 to index
          %get3A_867 = arith.index_cast %add3A_864 : i32 to index
          %get3A_868 = arith.constant 0 : index
          %get3A_869 = tpu.vector_load %arg6[%get3A_866, %get3A_867, %get3A_868] {strides = array<i32>} : memref<6x200x64xf32, #tpu.memory_space<vmem>>, vector<1x1x16xf32>,
          %get3A_870 = vector.shape_cast %get3A_869 : vector<1x1x16xf32> to vector<16xf32>
          %add3A_871 = arith.constant 4 : i32
          %add3A_872 = arith.addi %mul3A_839, %add3A_871 : i32
          %get3A_873 = arith.constant 2 : i32
          %get3A_874 = arith.index_cast %get3A_873 : i32 to index
          %get3A_875 = arith.index_cast %add3A_872 : i32 to index
          %get3A_876 = arith.constant 0 : index
          %get3A_877 = tpu.vector_load %arg6[%get3A_874, %get3A_875, %get3A_876] {strides = array<i32>} : memref<6x200x64xf32, #tpu.memory_space<vmem>>, vector<1x1x16xf32>,
          %get3A_878 = vector.shape_cast %get3A_877 : vector<1x1x16xf32> to vector<16xf32>
          %add3A_879 = arith.constant 5 : i32
          %add3A_880 = arith.addi %mul3A_839, %add3A_879 : i32
          %get3A_881 = arith.constant 2 : i32
          %get3A_882 = arith.index_cast %get3A_881 : i32 to index
          %get3A_883 = arith.index_cast %add3A_880 : i32 to index
          %get3A_884 = arith.constant 0 : index
          %get3A_885 = tpu.vector_load %arg6[%get3A_882, %get3A_883, %get3A_884] {strides = array<i32>} : memref<6x200x64xf32, #tpu.memory_space<vmem>>, vector<1x1x16xf32>,
          %get3A_886 = vector.shape_cast %get3A_885 : vector<1x1x16xf32> to vector<16xf32>
          %add3A_887 = arith.constant 6 : i32
          %add3A_888 = arith.addi %mul3A_839, %add3A_887 : i32
          %get3A_889 = arith.constant 2 : i32
          %get3A_890 = arith.index_cast %get3A_889 : i32 to index
          %get3A_891 = arith.index_cast %add3A_888 : i32 to index
          %get3A_892 = arith.constant 0 : index
          %get3A_893 = tpu.vector_load %arg6[%get3A_890, %get3A_891, %get3A_892] {strides = array<i32>} : memref<6x200x64xf32, #tpu.memory_space<vmem>>, vector<1x1x16xf32>,
          %get3A_894 = vector.shape_cast %get3A_893 : vector<1x1x16xf32> to vector<16xf32>
          %add3A_895 = arith.constant 7 : i32
          %add3A_896 = arith.addi %mul3A_839, %add3A_895 : i32
          %get3A_897 = arith.constant 2 : i32
          %get3A_898 = arith.index_cast %get3A_897 : i32 to index
          %get3A_899 = arith.index_cast %add3A_896 : i32 to index
          %get3A_900 = arith.constant 0 : index
          %get3A_901 = tpu.vector_load %arg6[%get3A_898, %get3A_899, %get3A_900] {strides = array<i32>} : memref<6x200x64xf32, #tpu.memory_space<vmem>>, vector<1x1x16xf32>,
          %get3A_902 = vector.shape_cast %get3A_901 : vector<1x1x16xf32> to vector<16xf32>
          %add3A_903 = arith.addf %get3A_846, %get3A_854 : vector<16xf32>
          %add3A_904 = arith.addf %get3A_862, %get3A_870 : vector<16xf32>
          %add3A_905 = arith.addf %add3A_903, %add3A_904 : vector<16xf32>
          %add3A_906 = arith.addf %get3A_878, %get3A_886 : vector<16xf32>
          %add3A_907 = arith.addf %get3A_894, %get3A_902 : vector<16xf32>
          %add3A_908 = arith.addf %add3A_906, %add3A_907 : vector<16xf32>
          %add3A_909 = arith.addf %add3A_905, %add3A_908 : vector<16xf32>
          %add3A_910 = arith.addf %scan3A_834, %add3A_909 : vector<16xf32>
          %add3A_911 = arith.constant 0 : i32
          %add3A_912 = arith.addi %mul3A_839, %add3A_911 : i32
          %get3A_913 = arith.constant 2 : i32
          %get3A_914 = arith.index_cast %get3A_913 : i32 to index
          %get3A_915 = arith.index_cast %add3A_912 : i32 to index
          %get3A_916 = arith.constant 16 : index
          %get3A_917 = tpu.vector_load %arg6[%get3A_914, %get3A_915, %get3A_916] {strides = array<i32>} : memref<6x200x64xf32, #tpu.memory_space<vmem>>, vector<1x1x16xf32>,
          %get3A_918 = vector.shape_cast %get3A_917 : vector<1x1x16xf32> to vector<16xf32>
          %add3A_919 = arith.constant 1 : i32
          %add3A_920 = arith.addi %mul3A_839, %add3A_919 : i32
          %get3A_921 = arith.constant 2 : i32
          %get3A_922 = arith.index_cast %get3A_921 : i32 to index
          %get3A_923 = arith.index_cast %add3A_920 : i32 to index
          %get3A_924 = arith.constant 16 : index
          %get3A_925 = tpu.vector_load %arg6[%get3A_922, %get3A_923, %get3A_924] {strides = array<i32>} : memref<6x200x64xf32, #tpu.memory_space<vmem>>, vector<1x1x16xf32>,
          %get3A_926 = vector.shape_cast %get3A_925 : vector<1x1x16xf32> to vector<16xf32>
          %add3A_927 = arith.constant 2 : i32
          %add3A_928 = arith.addi %mul3A_839, %add3A_927 : i32
          %get3A_929 = arith.constant 2 : i32
          %get3A_930 = arith.index_cast %get3A_929 : i32 to index
          %get3A_931 = arith.index_cast %add3A_928 : i32 to index
          %get3A_932 = arith.constant 16 : index
          %get3A_933 = tpu.vector_load %arg6[%get3A_930, %get3A_931, %get3A_932] {strides = array<i32>} : memref<6x200x64xf32, #tpu.memory_space<vmem>>, vector<1x1x16xf32>,
          %get3A_934 = vector.shape_cast %get3A_933 : vector<1x1x16xf32> to vector<16xf32>
          %add3A_935 = arith.constant 3 : i32
          %add3A_936 = arith.addi %mul3A_839, %add3A_935 : i32
          %get3A_937 = arith.constant 2 : i32
          %get3A_938 = arith.index_cast %get3A_937 : i32 to index
          %get3A_939 = arith.index_cast %add3A_936 : i32 to index
          %get3A_940 = arith.constant 16 : index
          %get3A_941 = tpu.vector_load %arg6[%get3A_938, %get3A_939, %get3A_940] {strides = array<i32>} : memref<6x200x64xf32, #tpu.memory_space<vmem>>, vector<1x1x16xf32>,
          %get3A_942 = vector.shape_cast %get3A_941 : vector<1x1x16xf32> to vector<16xf32>
          %add3A_943 = arith.constant 4 : i32
          %add3A_944 = arith.addi %mul3A_839, %add3A_943 : i32
          %get3A_945 = arith.constant 2 : i32
          %get3A_946 = arith.index_cast %get3A_945 : i32 to index
          %get3A_947 = arith.index_cast %add3A_944 : i32 to index
          %get3A_948 = arith.constant 16 : index
          %get3A_949 = tpu.vector_load %arg6[%get3A_946, %get3A_947, %get3A_948] {strides = array<i32>} : memref<6x200x64xf32, #tpu.memory_space<vmem>>, vector<1x1x16xf32>,
          %get3A_950 = vector.shape_cast %get3A_949 : vector<1x1x16xf32> to vector<16xf32>
          %add3A_951 = arith.constant 5 : i32
          %add3A_952 = arith.addi %mul3A_839, %add3A_951 : i32
          %get3A_953 = arith.constant 2 : i32
          %get3A_954 = arith.index_cast %get3A_953 : i32 to index
          %get3A_955 = arith.index_cast %add3A_952 : i32 to index
          %get3A_956 = arith.constant 16 : index
          %get3A_957 = tpu.vector_load %arg6[%get3A_954, %get3A_955, %get3A_956] {strides = array<i32>} : memref<6x200x64xf32, #tpu.memory_space<vmem>>, vector<1x1x16xf32>,
          %get3A_958 = vector.shape_cast %get3A_957 : vector<1x1x16xf32> to vector<16xf32>
          %add3A_959 = arith.constant 6 : i32
          %add3A_960 = arith.addi %mul3A_839, %add3A_959 : i32
          %get3A_961 = arith.constant 2 : i32
          %get3A_962 = arith.index_cast %get3A_961 : i32 to index
          %get3A_963 = arith.index_cast %add3A_960 : i32 to index
          %get3A_964 = arith.constant 16 : index
          %get3A_965 = tpu.vector_load %arg6[%get3A_962, %get3A_963, %get3A_964] {strides = array<i32>} : memref<6x200x64xf32, #tpu.memory_space<vmem>>, vector<1x1x16xf32>,
          %get3A_966 = vector.shape_cast %get3A_965 : vector<1x1x16xf32> to vector<16xf32>
          %add3A_967 = arith.constant 7 : i32
          %add3A_968 = arith.addi %mul3A_839, %add3A_967 : i32
          %get3A_969 = arith.constant 2 : i32
          %get3A_970 = arith.index_cast %get3A_969 : i32 to index
          %get3A_971 = arith.index_cast %add3A_968 : i32 to index
          %get3A_972 = arith.constant 16 : index
          %get3A_973 = tpu.vector_load %arg6[%get3A_970, %get3A_971, %get3A_972] {strides = array<i32>} : memref<6x200x64xf32, #tpu.memory_space<vmem>>, vector<1x1x16xf32>,
          %get3A_974 = vector.shape_cast %get3A_973 : vector<1x1x16xf32> to vector<16xf32>
          %add3A_975 = arith.addf %get3A_918, %get3A_926 : vector<16xf32>
          %add3A_976 = arith.addf %get3A_934, %get3A_942 : vector<16xf32>
          %add3A_977 = arith.addf %add3A_975, %add3A_976 : vector<16xf32>
          %add3A_978 = arith.addf %get3A_950, %get3A_958 : vector<16xf32>
          %add3A_979 = arith.addf %get3A_966, %get3A_974 : vector<16xf32>
          %add3A_980 = arith.addf %add3A_978, %add3A_979 : vector<16xf32>
          %add3A_981 = arith.addf %add3A_977, %add3A_980 : vector<16xf32>
          %add3A_982 = arith.addf %scan3A_835, %add3A_981 : vector<16xf32>
          %add3A_983 = arith.constant 0 : i32
          %add3A_984 = arith.addi %mul3A_839, %add3A_983 : i32
          %get3A_985 = arith.constant 2 : i32
          %get3A_986 = arith.index_cast %get3A_985 : i32 to index
          %get3A_987 = arith.index_cast %add3A_984 : i32 to index
          %get3A_988 = arith.constant 32 : index
          %get3A_989 = tpu.vector_load %arg6[%get3A_986, %get3A_987, %get3A_988] {strides = array<i32>} : memref<6x200x64xf32, #tpu.memory_space<vmem>>, vector<1x1x16xf32>,
          %get3A_990 = vector.shape_cast %get3A_989 : vector<1x1x16xf32> to vector<16xf32>
          %add3A_991 = arith.constant 1 : i32
          %add3A_992 = arith.addi %mul3A_839, %add3A_991 : i32
          %get3A_993 = arith.constant 2 : i32
          %get3A_994 = arith.index_cast %get3A_993 : i32 to index
          %get3A_995 = arith.index_cast %add3A_992 : i32 to index
          %get3A_996 = arith.constant 32 : index
          %get3A_997 = tpu.vector_load %arg6[%get3A_994, %get3A_995, %get3A_996] {strides = array<i32>} : memref<6x200x64xf32, #tpu.memory_space<vmem>>, vector<1x1x16xf32>,
          %get3A_998 = vector.shape_cast %get3A_997 : vector<1x1x16xf32> to vector<16xf32>
          %add3A_999 = arith.constant 2 : i32
          %add3A_1000 = arith.addi %mul3A_839, %add3A_999 : i32
          %get3A_1001 = arith.constant 2 : i32
          %get3A_1002 = arith.index_cast %get3A_1001 : i32 to index
          %get3A_1003 = arith.index_cast %add3A_1000 : i32 to index
          %get3A_1004 = arith.constant 32 : index
          %get3A_1005 = tpu.vector_load %arg6[%get3A_1002, %get3A_1003, %get3A_1004] {strides = array<i32>} : memref<6x200x64xf32, #tpu.memory_space<vmem>>, vector<1x1x16xf32>,
          %get3A_1006 = vector.shape_cast %get3A_1005 : vector<1x1x16xf32> to vector<16xf32>
          %add3A_1007 = arith.constant 3 : i32
          %add3A_1008 = arith.addi %mul3A_839, %add3A_1007 : i32
          %get3A_1009 = arith.constant 2 : i32
          %get3A_1010 = arith.index_cast %get3A_1009 : i32 to index
          %get3A_1011 = arith.index_cast %add3A_1008 : i32 to index
          %get3A_1012 = arith.constant 32 : index
          %get3A_1013 = tpu.vector_load %arg6[%get3A_1010, %get3A_1011, %get3A_1012] {strides = array<i32>} : memref<6x200x64xf32, #tpu.memory_space<vmem>>, vector<1x1x16xf32>,
          %get3A_1014 = vector.shape_cast %get3A_1013 : vector<1x1x16xf32> to vector<16xf32>
          %add3A_1015 = arith.constant 4 : i32
          %add3A_1016 = arith.addi %mul3A_839, %add3A_1015 : i32
          %get3A_1017 = arith.constant 2 : i32
          %get3A_1018 = arith.index_cast %get3A_1017 : i32 to index
          %get3A_1019 = arith.index_cast %add3A_1016 : i32 to index
          %get3A_1020 = arith.constant 32 : index
          %get3A_1021 = tpu.vector_load %arg6[%get3A_1018, %get3A_1019, %get3A_1020] {strides = array<i32>} : memref<6x200x64xf32, #tpu.memory_space<vmem>>, vector<1x1x16xf32>,
          %get3A_1022 = vector.shape_cast %get3A_1021 : vector<1x1x16xf32> to vector<16xf32>
          %add3A_1023 = arith.constant 5 : i32
          %add3A_1024 = arith.addi %mul3A_839, %add3A_1023 : i32
          %get3A_1025 = arith.constant 2 : i32
          %get3A_1026 = arith.index_cast %get3A_1025 : i32 to index
          %get3A_1027 = arith.index_cast %add3A_1024 : i32 to index
          %get3A_1028 = arith.constant 32 : index
          %get3A_1029 = tpu.vector_load %arg6[%get3A_1026, %get3A_1027, %get3A_1028] {strides = array<i32>} : memref<6x200x64xf32, #tpu.memory_space<vmem>>, vector<1x1x16xf32>,
          %get3A_1030 = vector.shape_cast %get3A_1029 : vector<1x1x16xf32> to vector<16xf32>
          %add3A_1031 = arith.constant 6 : i32
          %add3A_1032 = arith.addi %mul3A_839, %add3A_1031 : i32
          %get3A_1033 = arith.constant 2 : i32
          %get3A_1034 = arith.index_cast %get3A_1033 : i32 to index
          %get3A_1035 = arith.index_cast %add3A_1032 : i32 to index
          %get3A_1036 = arith.constant 32 : index
          %get3A_1037 = tpu.vector_load %arg6[%get3A_1034, %get3A_1035, %get3A_1036] {strides = array<i32>} : memref<6x200x64xf32, #tpu.memory_space<vmem>>, vector<1x1x16xf32>,
          %get3A_1038 = vector.shape_cast %get3A_1037 : vector<1x1x16xf32> to vector<16xf32>
          %add3A_1039 = arith.constant 7 : i32
          %add3A_1040 = arith.addi %mul3A_839, %add3A_1039 : i32
          %get3A_1041 = arith.constant 2 : i32
          %get3A_1042 = arith.index_cast %get3A_1041 : i32 to index
          %get3A_1043 = arith.index_cast %add3A_1040 : i32 to index
          %get3A_1044 = arith.constant 32 : index
          %get3A_1045 = tpu.vector_load %arg6[%get3A_1042, %get3A_1043, %get3A_1044] {strides = array<i32>} : memref<6x200x64xf32, #tpu.memory_space<vmem>>, vector<1x1x16xf32>,
          %get3A_1046 = vector.shape_cast %get3A_1045 : vector<1x1x16xf32> to vector<16xf32>
          %add3A_1047 = arith.addf %get3A_990, %get3A_998 : vector<16xf32>
          %add3A_1048 = arith.addf %get3A_1006, %get3A_1014 : vector<16xf32>
          %add3A_1049 = arith.addf %add3A_1047, %add3A_1048 : vector<16xf32>
          %add3A_1050 = arith.addf %get3A_1022, %get3A_1030 : vector<16xf32>
          %add3A_1051 = arith.addf %get3A_1038, %get3A_1046 : vector<16xf32>
          %add3A_1052 = arith.addf %add3A_1050, %add3A_1051 : vector<16xf32>
          %add3A_1053 = arith.addf %add3A_1049, %add3A_1052 : vector<16xf32>
          %add3A_1054 = arith.addf %scan3A_836, %add3A_1053 : vector<16xf32>
          %add3A_1055 = arith.constant 0 : i32
          %add3A_1056 = arith.addi %mul3A_839, %add3A_1055 : i32
          %get3A_1057 = arith.constant 2 : i32
          %get3A_1058 = arith.index_cast %get3A_1057 : i32 to index
          %get3A_1059 = arith.index_cast %add3A_1056 : i32 to index
          %get3A_1060 = arith.constant 48 : index
          %get3A_1061 = tpu.vector_load %arg6[%get3A_1058, %get3A_1059, %get3A_1060] {strides = array<i32>} : memref<6x200x64xf32, #tpu.memory_space<vmem>>, vector<1x1x16xf32>,
          %get3A_1062 = vector.shape_cast %get3A_1061 : vector<1x1x16xf32> to vector<16xf32>
          %add3A_1063 = arith.constant 1 : i32
          %add3A_1064 = arith.addi %mul3A_839, %add3A_1063 : i32
          %get3A_1065 = arith.constant 2 : i32
          %get3A_1066 = arith.index_cast %get3A_1065 : i32 to index
          %get3A_1067 = arith.index_cast %add3A_1064 : i32 to index
          %get3A_1068 = arith.constant 48 : index
          %get3A_1069 = tpu.vector_load %arg6[%get3A_1066, %get3A_1067, %get3A_1068] {strides = array<i32>} : memref<6x200x64xf32, #tpu.memory_space<vmem>>, vector<1x1x16xf32>,
          %get3A_1070 = vector.shape_cast %get3A_1069 : vector<1x1x16xf32> to vector<16xf32>
          %add3A_1071 = arith.constant 2 : i32
          %add3A_1072 = arith.addi %mul3A_839, %add3A_1071 : i32
          %get3A_1073 = arith.constant 2 : i32
          %get3A_1074 = arith.index_cast %get3A_1073 : i32 to index
          %get3A_1075 = arith.index_cast %add3A_1072 : i32 to index
          %get3A_1076 = arith.constant 48 : index
          %get3A_1077 = tpu.vector_load %arg6[%get3A_1074, %get3A_1075, %get3A_1076] {strides = array<i32>} : memref<6x200x64xf32, #tpu.memory_space<vmem>>, vector<1x1x16xf32>,
          %get3A_1078 = vector.shape_cast %get3A_1077 : vector<1x1x16xf32> to vector<16xf32>
          %add3A_1079 = arith.constant 3 : i32
          %add3A_1080 = arith.addi %mul3A_839, %add3A_1079 : i32
          %get3A_1081 = arith.constant 2 : i32
          %get3A_1082 = arith.index_cast %get3A_1081 : i32 to index
          %get3A_1083 = arith.index_cast %add3A_1080 : i32 to index
          %get3A_1084 = arith.constant 48 : index
          %get3A_1085 = tpu.vector_load %arg6[%get3A_1082, %get3A_1083, %get3A_1084] {strides = array<i32>} : memref<6x200x64xf32, #tpu.memory_space<vmem>>, vector<1x1x16xf32>,
          %get3A_1086 = vector.shape_cast %get3A_1085 : vector<1x1x16xf32> to vector<16xf32>
          %add3A_1087 = arith.constant 4 : i32
          %add3A_1088 = arith.addi %mul3A_839, %add3A_1087 : i32
          %get3A_1089 = arith.constant 2 : i32
          %get3A_1090 = arith.index_cast %get3A_1089 : i32 to index
          %get3A_1091 = arith.index_cast %add3A_1088 : i32 to index
          %get3A_1092 = arith.constant 48 : index
          %get3A_1093 = tpu.vector_load %arg6[%get3A_1090, %get3A_1091, %get3A_1092] {strides = array<i32>} : memref<6x200x64xf32, #tpu.memory_space<vmem>>, vector<1x1x16xf32>,
          %get3A_1094 = vector.shape_cast %get3A_1093 : vector<1x1x16xf32> to vector<16xf32>
          %add3A_1095 = arith.constant 5 : i32
          %add3A_1096 = arith.addi %mul3A_839, %add3A_1095 : i32
          %get3A_1097 = arith.constant 2 : i32
          %get3A_1098 = arith.index_cast %get3A_1097 : i32 to index
          %get3A_1099 = arith.index_cast %add3A_1096 : i32 to index
          %get3A_1100 = arith.constant 48 : index
          %get3A_1101 = tpu.vector_load %arg6[%get3A_1098, %get3A_1099, %get3A_1100] {strides = array<i32>} : memref<6x200x64xf32, #tpu.memory_space<vmem>>, vector<1x1x16xf32>,
          %get3A_1102 = vector.shape_cast %get3A_1101 : vector<1x1x16xf32> to vector<16xf32>
          %add3A_1103 = arith.constant 6 : i32
          %add3A_1104 = arith.addi %mul3A_839, %add3A_1103 : i32
          %get3A_1105 = arith.constant 2 : i32
          %get3A_1106 = arith.index_cast %get3A_1105 : i32 to index
          %get3A_1107 = arith.index_cast %add3A_1104 : i32 to index
          %get3A_1108 = arith.constant 48 : index
          %get3A_1109 = tpu.vector_load %arg6[%get3A_1106, %get3A_1107, %get3A_1108] {strides = array<i32>} : memref<6x200x64xf32, #tpu.memory_space<vmem>>, vector<1x1x16xf32>,
          %get3A_1110 = vector.shape_cast %get3A_1109 : vector<1x1x16xf32> to vector<16xf32>
          %add3A_1111 = arith.constant 7 : i32
          %add3A_1112 = arith.addi %mul3A_839, %add3A_1111 : i32
          %get3A_1113 = arith.constant 2 : i32
          %get3A_1114 = arith.index_cast %get3A_1113 : i32 to index
          %get3A_1115 = arith.index_cast %add3A_1112 : i32 to index
          %get3A_1116 = arith.constant 48 : index
          %get3A_1117 = tpu.vector_load %arg6[%get3A_1114, %get3A_1115, %get3A_1116] {strides = array<i32>} : memref<6x200x64xf32, #tpu.memory_space<vmem>>, vector<1x1x16xf32>,
          %get3A_1118 = vector.shape_cast %get3A_1117 : vector<1x1x16xf32> to vector<16xf32>
          %add3A_1119 = arith.addf %get3A_1062, %get3A_1070 : vector<16xf32>
          %add3A_1120 = arith.addf %get3A_1078, %get3A_1086 : vector<16xf32>
          %add3A_1121 = arith.addf %add3A_1119, %add3A_1120 : vector<16xf32>
          %add3A_1122 = arith.addf %get3A_1094, %get3A_1102 : vector<16xf32>
          %add3A_1123 = arith.addf %get3A_1110, %get3A_1118 : vector<16xf32>
          %add3A_1124 = arith.addf %add3A_1122, %add3A_1123 : vector<16xf32>
          %add3A_1125 = arith.addf %add3A_1121, %add3A_1124 : vector<16xf32>
          %add3A_1126 = arith.addf %scan3A_837, %add3A_1125 : vector<16xf32>
          scf.yield %add3A_910, %add3A_982, %add3A_1054, %add3A_1126 : vector<16xf32>, vector<16xf32>, vector<16xf32>, vector<16xf32>
        }
        %scan3A_532 = arith.constant 25 : i32
        %mul3A_533 = arith.constant 5.000000e-03 : f32
        %mul3A_534 = vector.broadcast %mul3A_533 : f32 to vector<16xf32>
        %mul3A_535 = arith.mulf %scan3A_531#0, %mul3A_534 : vector<16xf32>
        %swap3A_536 = arith.index_cast %add3A_518 : i32 to index
        %swap3A_537 = arith.constant 0 : index
        %swap3A_538 = tpu.vector_load %arg7[%swap3A_536, %swap3A_537] {strides = array<i32>} : memref<128x64xf32, #tpu.memory_space<vmem>>, vector<1x16xf32>,
        %swap3A_539 = vector.shape_cast %swap3A_538 : vector<1x16xf32> to vector<16xf32>
        %swap3A_540 = vector.shape_cast %mul3A_535 : vector<16xf32> to vector<1x16xf32>
        tpu.vector_store %arg7[%swap3A_536, %swap3A_537], %swap3A_540 {strides = array<i32>} : memref<128x64xf32, #tpu.memory_space<vmem>>, vector<1x16xf32>,
        %mul3A_541 = arith.constant 5.000000e-03 : f32
        %mul3A_542 = vector.broadcast %mul3A_541 : f32 to vector<16xf32>
        %mul3A_543 = arith.mulf %scan3A_531#1, %mul3A_542 : vector<16xf32>
        %swap3A_544 = arith.index_cast %add3A_518 : i32 to index
        %swap3A_545 = arith.constant 16 : index
        %swap3A_546 = tpu.vector_load %arg7[%swap3A_544, %swap3A_545] {strides = array<i32>} : memref<128x64xf32, #tpu.memory_space<vmem>>, vector<1x16xf32>,
        %swap3A_547 = vector.shape_cast %swap3A_546 : vector<1x16xf32> to vector<16xf32>
        %swap3A_548 = vector.shape_cast %mul3A_543 : vector<16xf32> to vector<1x16xf32>
        tpu.vector_store %arg7[%swap3A_544, %swap3A_545], %swap3A_548 {strides = array<i32>} : memref<128x64xf32, #tpu.memory_space<vmem>>, vector<1x16xf32>,
        %mul3A_549 = arith.constant 5.000000e-03 : f32
        %mul3A_550 = vector.broadcast %mul3A_549 : f32 to vector<16xf32>
        %mul3A_551 = arith.mulf %scan3A_531#2, %mul3A_550 : vector<16xf32>
        %swap3A_552 = arith.index_cast %add3A_518 : i32 to index
        %swap3A_553 = arith.constant 32 : index
        %swap3A_554 = tpu.vector_load %arg7[%swap3A_552, %swap3A_553] {strides = array<i32>} : memref<128x64xf32, #tpu.memory_space<vmem>>, vector<1x16xf32>,
        %swap3A_555 = vector.shape_cast %swap3A_554 : vector<1x16xf32> to vector<16xf32>
        %swap3A_556 = vector.shape_cast %mul3A_551 : vector<16xf32> to vector<1x16xf32>
        tpu.vector_store %arg7[%swap3A_552, %swap3A_553], %swap3A_556 {strides = array<i32>} : memref<128x64xf32, #tpu.memory_space<vmem>>, vector<1x16xf32>,
        %mul3A_557 = arith.constant 5.000000e-03 : f32
        %mul3A_558 = vector.broadcast %mul3A_557 : f32 to vector<16xf32>
        %mul3A_559 = arith.mulf %scan3A_531#3, %mul3A_558 : vector<16xf32>
        %swap3A_560 = arith.index_cast %add3A_518 : i32 to index
        %swap3A_561 = arith.constant 48 : index
        %swap3A_562 = tpu.vector_load %arg7[%swap3A_560, %swap3A_561] {strides = array<i32>} : memref<128x64xf32, #tpu.memory_space<vmem>>, vector<1x16xf32>,
        %swap3A_563 = vector.shape_cast %swap3A_562 : vector<1x16xf32> to vector<16xf32>
        %swap3A_564 = vector.shape_cast %mul3A_559 : vector<16xf32> to vector<1x16xf32>
        tpu.vector_store %arg7[%swap3A_560, %swap3A_561], %swap3A_564 {strides = array<i32>} : memref<128x64xf32, #tpu.memory_space<vmem>>, vector<1x16xf32>,
        %add3A_565 = arith.constant 3 : i32
        %add3A_566 = arith.addi %mul3A_301, %add3A_565 : i32
        %add3A_567 = arith.constant 6 : i32
        %add3A_568 = arith.addi %add3A_566, %add3A_567 : i32
        %sub3A_569 = arith.constant 1 : i32
        %sub3A_570 = arith.subi %add3A_568, %sub3A_569 : i32
        %lt3A_571 = arith.constant 128 : i32
        %lt3A_572 = arith.cmpi slt, %sub3A_570, %lt3A_571 : i32
        %convert_element_type3A_573 = arith.extui %lt3A_572 : i1 to i32
        %cond3A_574 = arith.constant 0 : i32
        %cond3A_575 = arith.cmpi ne, %convert_element_type3A_573, %cond3A_574 : i32
        scf.if %cond3A_575 {
          %dma_start3A_833 = arith.constant 2 : i32
          %dma_start3A_834 = arith.constant 0 : i32
          %dma_start3A_835 = arith.constant 0 : i32
          %dma_start3A_836 = tpu.memref_slice %arg6[%dma_start3A_833, %dma_start3A_834, %dma_start3A_835] : memref<6x200x64xf32, #tpu.memory_space<vmem>> -> memref<1x104x64xf32, #tpu.memory_space<vmem>>
          %dma_start3A_837 = tpu.memref_squeeze %dma_start3A_836 : memref<1x104x64xf32, #tpu.memory_space<vmem>> -> memref<104x64xf32, #tpu.memory_space<vmem>>
          %dma_start3A_838 = arith.constant 0 : i32
          %dma_start3A_839 = tpu.memref_slice %arg5[%sub3A_570, %dma_start3A_838] : memref<128x200xi32, #tpu.memory_space<vmem>> -> memref<1x104xi32, #tpu.memory_space<vmem>>
          %dma_start3A_840 = tpu.memref_squeeze %dma_start3A_839 : memref<1x104xi32, #tpu.memory_space<vmem>> -> memref<104xi32, #tpu.memory_space<vmem>>
          %dma_start3A_841 = arith.constant 0 : i32
          %dma_start3A_842 = arith.constant 0 : i32
          %dma_start3A_843 = tpu.memref_slice %arg3[%dma_start3A_841, %dma_start3A_842] : memref<1000000x64xf32, #tpu.memory_space<hbm>> -> memref<1000000x64xf32, #tpu.memory_space<hbm>>
          tpu.enqueue_indirect_dma source(%dma_start3A_843 : memref<1000000x64xf32, #tpu.memory_space<hbm>>) target(%dma_start3A_837 : memref<104x64xf32, #tpu.memory_space<vmem>>) offsets(%dma_start3A_840 : memref<104xi32, #tpu.memory_space<vmem>>) semaphore(%arg10 : memref<!tpu.dma_semaphore, #tpu.memory_space<semaphore_mem>>)
          %dma_start3A_844 = arith.constant 2 : i32
          %dma_start3A_845 = arith.constant 104 : i32
          %dma_start3A_846 = arith.constant 0 : i32
          %dma_start3A_847 = tpu.memref_slice %arg6[%dma_start3A_844, %dma_start3A_845, %dma_start3A_846] : memref<6x200x64xf32, #tpu.memory_space<vmem>> -> memref<1x96x64xf32, #tpu.memory_space<vmem>>
          %dma_start3A_848 = tpu.memref_squeeze %dma_start3A_847 : memref<1x96x64xf32, #tpu.memory_space<vmem>> -> memref<96x64xf32, #tpu.memory_space<vmem>>
          %dma_start3A_849 = arith.constant 104 : i32
          %dma_start3A_850 = tpu.memref_slice %arg5[%sub3A_570, %dma_start3A_849] : memref<128x200xi32, #tpu.memory_space<vmem>> -> memref<1x96xi32, #tpu.memory_space<vmem>>
          %dma_start3A_851 = tpu.memref_squeeze %dma_start3A_850 : memref<1x96xi32, #tpu.memory_space<vmem>> -> memref<96xi32, #tpu.memory_space<vmem>>
          %dma_start3A_852 = arith.constant 0 : i32
          %dma_start3A_853 = arith.constant 0 : i32
          %dma_start3A_854 = tpu.memref_slice %arg3[%dma_start3A_852, %dma_start3A_853] : memref<1000000x64xf32, #tpu.memory_space<hbm>> -> memref<1000000x64xf32, #tpu.memory_space<hbm>>
          tpu.enqueue_indirect_dma source(%dma_start3A_854 : memref<1000000x64xf32, #tpu.memory_space<hbm>>) target(%dma_start3A_848 : memref<96x64xf32, #tpu.memory_space<vmem>>) offsets(%dma_start3A_851 : memref<96xi32, #tpu.memory_space<vmem>>) semaphore(%arg10 : memref<!tpu.dma_semaphore, #tpu.memory_space<semaphore_mem>>)
        } else {
        }
        %dma_wait3A_576 = arith.constant 3 : i32
        %dma_wait3A_577 = arith.constant 0 : i32
        %dma_wait3A_578 = arith.constant 0 : i32
        %dma_wait3A_579 = tpu.memref_slice %arg6[%dma_wait3A_576, %dma_wait3A_577, %dma_wait3A_578] : memref<6x200x64xf32, #tpu.memory_space<vmem>> -> memref<1x104x64xf32, #tpu.memory_space<vmem>>
        %dma_wait3A_580 = tpu.memref_squeeze %dma_wait3A_579 : memref<1x104x64xf32, #tpu.memory_space<vmem>> -> memref<104x64xf32, #tpu.memory_space<vmem>>
        %dma_wait3A_581 = arith.constant 0 : i32
        %dma_wait3A_582 = arith.constant 0 : i32
        %dma_wait3A_583 = tpu.memref_slice %arg3[%dma_wait3A_581, %dma_wait3A_582] : memref<1000000x64xf32, #tpu.memory_space<hbm>> -> memref<104x64xf32, #tpu.memory_space<hbm>>
        %dma_wait3A_584 = arith.constant 0 : i32
        %dma_wait3A_585 = arith.constant 0 : i32
        %dma_wait3A_586 = tpu.memref_slice %arg6[%dma_wait3A_576, %dma_wait3A_584, %dma_wait3A_585] : memref<6x200x64xf32, #tpu.memory_space<vmem>> -> memref<1x104x64xf32, #tpu.memory_space<vmem>>
        %dma_wait3A_587 = tpu.memref_squeeze %dma_wait3A_586 : memref<1x104x64xf32, #tpu.memory_space<vmem>> -> memref<104x64xf32, #tpu.memory_space<vmem>>
        %dma_wait3A_588 = arith.constant 0 : i32
        %dma_wait3A_589 = arith.constant 0 : i32
        %dma_wait3A_590 = tpu.memref_slice %arg3[%dma_wait3A_588, %dma_wait3A_589] : memref<1000000x64xf32, #tpu.memory_space<hbm>> -> memref<104x64xf32, #tpu.memory_space<hbm>>
        tpu.wait_dma2 semaphore(%arg11 : memref<!tpu.dma_semaphore, #tpu.memory_space<semaphore_mem>>) src(%dma_wait3A_590 : memref<104x64xf32, #tpu.memory_space<hbm>>) dst(%dma_wait3A_587 : memref<104x64xf32, #tpu.memory_space<vmem>>)
        %dma_wait3A_591 = arith.constant 3 : i32
        %dma_wait3A_592 = arith.constant 104 : i32
        %dma_wait3A_593 = arith.constant 0 : i32
        %dma_wait3A_594 = tpu.memref_slice %arg6[%dma_wait3A_591, %dma_wait3A_592, %dma_wait3A_593] : memref<6x200x64xf32, #tpu.memory_space<vmem>> -> memref<1x96x64xf32, #tpu.memory_space<vmem>>
        %dma_wait3A_595 = tpu.memref_squeeze %dma_wait3A_594 : memref<1x96x64xf32, #tpu.memory_space<vmem>> -> memref<96x64xf32, #tpu.memory_space<vmem>>
        %dma_wait3A_596 = arith.constant 0 : i32
        %dma_wait3A_597 = arith.constant 0 : i32
        %dma_wait3A_598 = tpu.memref_slice %arg3[%dma_wait3A_596, %dma_wait3A_597] : memref<1000000x64xf32, #tpu.memory_space<hbm>> -> memref<96x64xf32, #tpu.memory_space<hbm>>
        %dma_wait3A_599 = arith.constant 104 : i32
        %dma_wait3A_600 = arith.constant 0 : i32
        %dma_wait3A_601 = tpu.memref_slice %arg6[%dma_wait3A_591, %dma_wait3A_599, %dma_wait3A_600] : memref<6x200x64xf32, #tpu.memory_space<vmem>> -> memref<1x96x64xf32, #tpu.memory_space<vmem>>
        %dma_wait3A_602 = tpu.memref_squeeze %dma_wait3A_601 : memref<1x96x64xf32, #tpu.memory_space<vmem>> -> memref<96x64xf32, #tpu.memory_space<vmem>>
        %dma_wait3A_603 = arith.constant 0 : i32
        %dma_wait3A_604 = arith.constant 0 : i32
        %dma_wait3A_605 = tpu.memref_slice %arg3[%dma_wait3A_603, %dma_wait3A_604] : memref<1000000x64xf32, #tpu.memory_space<hbm>> -> memref<96x64xf32, #tpu.memory_space<hbm>>
        tpu.wait_dma2 semaphore(%arg11 : memref<!tpu.dma_semaphore, #tpu.memory_space<semaphore_mem>>) src(%dma_wait3A_605 : memref<96x64xf32, #tpu.memory_space<hbm>>) dst(%dma_wait3A_602 : memref<96x64xf32, #tpu.memory_space<vmem>>)
        %add3A_606 = arith.constant 3 : i32
        %add3A_607 = arith.addi %mul3A_301, %add3A_606 : i32
        %broadcast_in_dim3A_608 = arith.constant 0.000000e+00 : f32
        %broadcast_in_dim3A_609 = vector.broadcast %broadcast_in_dim3A_608 : f32 to vector<16xf32>
        %broadcast_in_dim3A_610 = arith.constant 0.000000e+00 : f32
        %broadcast_in_dim3A_611 = vector.broadcast %broadcast_in_dim3A_610 : f32 to vector<16xf32>
        %broadcast_in_dim3A_612 = arith.constant 0.000000e+00 : f32
        %broadcast_in_dim3A_613 = vector.broadcast %broadcast_in_dim3A_612 : f32 to vector<16xf32>
        %broadcast_in_dim3A_614 = arith.constant 0.000000e+00 : f32
        %broadcast_in_dim3A_615 = vector.broadcast %broadcast_in_dim3A_614 : f32 to vector<16xf32>
        %scan3A_616 = arith.constant 0 : i32
        %scan3A_617 = arith.constant 25 : i32
        %scan3A_618 = arith.addi %scan3A_616, %scan3A_617 : i32
        %scan3A_619 = arith.constant 1 : i32
        %scan3A_620:4 = scf.for %scan3A_833 = %scan3A_616 to %scan3A_618 step %scan3A_619 iter_args(%scan3A_834 = %broadcast_in_dim3A_609, %scan3A_835 = %broadcast_in_dim3A_611, %scan3A_836 = %broadcast_in_dim3A_613, %scan3A_837 = %broadcast_in_dim3A_615) -> (vector<16xf32>, vector<16xf32>, vector<16xf32>, vector<16xf32>)  : i32 {
          %mul3A_838 = arith.constant 8 : i32
          %mul3A_839 = arith.muli %scan3A_833, %mul3A_838 : i32
          %add3A_840 = arith.constant 0 : i32
          %add3A_841 = arith.addi %mul3A_839, %add3A_840 : i32
          %get3A = arith.constant 3 : i32
          %get3A_842 = arith.index_cast %get3A : i32 to index
          %get3A_843 = arith.index_cast %add3A_841 : i32 to index
          %get3A_844 = arith.constant 0 : index
          %get3A_845 = tpu.vector_load %arg6[%get3A_842, %get3A_843, %get3A_844] {strides = array<i32>} : memref<6x200x64xf32, #tpu.memory_space<vmem>>, vector<1x1x16xf32>,
          %get3A_846 = vector.shape_cast %get3A_845 : vector<1x1x16xf32> to vector<16xf32>
          %add3A_847 = arith.constant 1 : i32
          %add3A_848 = arith.addi %mul3A_839, %add3A_847 : i32
          %get3A_849 = arith.constant 3 : i32
          %get3A_850 = arith.index_cast %get3A_849 : i32 to index
          %get3A_851 = arith.index_cast %add3A_848 : i32 to index
          %get3A_852 = arith.constant 0 : index
          %get3A_853 = tpu.vector_load %arg6[%get3A_850, %get3A_851, %get3A_852] {strides = array<i32>} : memref<6x200x64xf32, #tpu.memory_space<vmem>>, vector<1x1x16xf32>,
          %get3A_854 = vector.shape_cast %get3A_853 : vector<1x1x16xf32> to vector<16xf32>
          %add3A_855 = arith.constant 2 : i32
          %add3A_856 = arith.addi %mul3A_839, %add3A_855 : i32
          %get3A_857 = arith.constant 3 : i32
          %get3A_858 = arith.index_cast %get3A_857 : i32 to index
          %get3A_859 = arith.index_cast %add3A_856 : i32 to index
          %get3A_860 = arith.constant 0 : index
          %get3A_861 = tpu.vector_load %arg6[%get3A_858, %get3A_859, %get3A_860] {strides = array<i32>} : memref<6x200x64xf32, #tpu.memory_space<vmem>>, vector<1x1x16xf32>,
          %get3A_862 = vector.shape_cast %get3A_861 : vector<1x1x16xf32> to vector<16xf32>
          %add3A_863 = arith.constant 3 : i32
          %add3A_864 = arith.addi %mul3A_839, %add3A_863 : i32
          %get3A_865 = arith.constant 3 : i32
          %get3A_866 = arith.index_cast %get3A_865 : i32 to index
          %get3A_867 = arith.index_cast %add3A_864 : i32 to index
          %get3A_868 = arith.constant 0 : index
          %get3A_869 = tpu.vector_load %arg6[%get3A_866, %get3A_867, %get3A_868] {strides = array<i32>} : memref<6x200x64xf32, #tpu.memory_space<vmem>>, vector<1x1x16xf32>,
          %get3A_870 = vector.shape_cast %get3A_869 : vector<1x1x16xf32> to vector<16xf32>
          %add3A_871 = arith.constant 4 : i32
          %add3A_872 = arith.addi %mul3A_839, %add3A_871 : i32
          %get3A_873 = arith.constant 3 : i32
          %get3A_874 = arith.index_cast %get3A_873 : i32 to index
          %get3A_875 = arith.index_cast %add3A_872 : i32 to index
          %get3A_876 = arith.constant 0 : index
          %get3A_877 = tpu.vector_load %arg6[%get3A_874, %get3A_875, %get3A_876] {strides = array<i32>} : memref<6x200x64xf32, #tpu.memory_space<vmem>>, vector<1x1x16xf32>,
          %get3A_878 = vector.shape_cast %get3A_877 : vector<1x1x16xf32> to vector<16xf32>
          %add3A_879 = arith.constant 5 : i32
          %add3A_880 = arith.addi %mul3A_839, %add3A_879 : i32
          %get3A_881 = arith.constant 3 : i32
          %get3A_882 = arith.index_cast %get3A_881 : i32 to index
          %get3A_883 = arith.index_cast %add3A_880 : i32 to index
          %get3A_884 = arith.constant 0 : index
          %get3A_885 = tpu.vector_load %arg6[%get3A_882, %get3A_883, %get3A_884] {strides = array<i32>} : memref<6x200x64xf32, #tpu.memory_space<vmem>>, vector<1x1x16xf32>,
          %get3A_886 = vector.shape_cast %get3A_885 : vector<1x1x16xf32> to vector<16xf32>
          %add3A_887 = arith.constant 6 : i32
          %add3A_888 = arith.addi %mul3A_839, %add3A_887 : i32
          %get3A_889 = arith.constant 3 : i32
          %get3A_890 = arith.index_cast %get3A_889 : i32 to index
          %get3A_891 = arith.index_cast %add3A_888 : i32 to index
          %get3A_892 = arith.constant 0 : index
          %get3A_893 = tpu.vector_load %arg6[%get3A_890, %get3A_891, %get3A_892] {strides = array<i32>} : memref<6x200x64xf32, #tpu.memory_space<vmem>>, vector<1x1x16xf32>,
          %get3A_894 = vector.shape_cast %get3A_893 : vector<1x1x16xf32> to vector<16xf32>
          %add3A_895 = arith.constant 7 : i32
          %add3A_896 = arith.addi %mul3A_839, %add3A_895 : i32
          %get3A_897 = arith.constant 3 : i32
          %get3A_898 = arith.index_cast %get3A_897 : i32 to index
          %get3A_899 = arith.index_cast %add3A_896 : i32 to index
          %get3A_900 = arith.constant 0 : index
          %get3A_901 = tpu.vector_load %arg6[%get3A_898, %get3A_899, %get3A_900] {strides = array<i32>} : memref<6x200x64xf32, #tpu.memory_space<vmem>>, vector<1x1x16xf32>,
          %get3A_902 = vector.shape_cast %get3A_901 : vector<1x1x16xf32> to vector<16xf32>
          %add3A_903 = arith.addf %get3A_846, %get3A_854 : vector<16xf32>
          %add3A_904 = arith.addf %get3A_862, %get3A_870 : vector<16xf32>
          %add3A_905 = arith.addf %add3A_903, %add3A_904 : vector<16xf32>
          %add3A_906 = arith.addf %get3A_878, %get3A_886 : vector<16xf32>
          %add3A_907 = arith.addf %get3A_894, %get3A_902 : vector<16xf32>
          %add3A_908 = arith.addf %add3A_906, %add3A_907 : vector<16xf32>
          %add3A_909 = arith.addf %add3A_905, %add3A_908 : vector<16xf32>
          %add3A_910 = arith.addf %scan3A_834, %add3A_909 : vector<16xf32>
          %add3A_911 = arith.constant 0 : i32
          %add3A_912 = arith.addi %mul3A_839, %add3A_911 : i32
          %get3A_913 = arith.constant 3 : i32
          %get3A_914 = arith.index_cast %get3A_913 : i32 to index
          %get3A_915 = arith.index_cast %add3A_912 : i32 to index
          %get3A_916 = arith.constant 16 : index
          %get3A_917 = tpu.vector_load %arg6[%get3A_914, %get3A_915, %get3A_916] {strides = array<i32>} : memref<6x200x64xf32, #tpu.memory_space<vmem>>, vector<1x1x16xf32>,
          %get3A_918 = vector.shape_cast %get3A_917 : vector<1x1x16xf32> to vector<16xf32>
          %add3A_919 = arith.constant 1 : i32
          %add3A_920 = arith.addi %mul3A_839, %add3A_919 : i32
          %get3A_921 = arith.constant 3 : i32
          %get3A_922 = arith.index_cast %get3A_921 : i32 to index
          %get3A_923 = arith.index_cast %add3A_920 : i32 to index
          %get3A_924 = arith.constant 16 : index
          %get3A_925 = tpu.vector_load %arg6[%get3A_922, %get3A_923, %get3A_924] {strides = array<i32>} : memref<6x200x64xf32, #tpu.memory_space<vmem>>, vector<1x1x16xf32>,
          %get3A_926 = vector.shape_cast %get3A_925 : vector<1x1x16xf32> to vector<16xf32>
          %add3A_927 = arith.constant 2 : i32
          %add3A_928 = arith.addi %mul3A_839, %add3A_927 : i32
          %get3A_929 = arith.constant 3 : i32
          %get3A_930 = arith.index_cast %get3A_929 : i32 to index
          %get3A_931 = arith.index_cast %add3A_928 : i32 to index
          %get3A_932 = arith.constant 16 : index
          %get3A_933 = tpu.vector_load %arg6[%get3A_930, %get3A_931, %get3A_932] {strides = array<i32>} : memref<6x200x64xf32, #tpu.memory_space<vmem>>, vector<1x1x16xf32>,
          %get3A_934 = vector.shape_cast %get3A_933 : vector<1x1x16xf32> to vector<16xf32>
          %add3A_935 = arith.constant 3 : i32
          %add3A_936 = arith.addi %mul3A_839, %add3A_935 : i32
          %get3A_937 = arith.constant 3 : i32
          %get3A_938 = arith.index_cast %get3A_937 : i32 to index
          %get3A_939 = arith.index_cast %add3A_936 : i32 to index
          %get3A_940 = arith.constant 16 : index
          %get3A_941 = tpu.vector_load %arg6[%get3A_938, %get3A_939, %get3A_940] {strides = array<i32>} : memref<6x200x64xf32, #tpu.memory_space<vmem>>, vector<1x1x16xf32>,
          %get3A_942 = vector.shape_cast %get3A_941 : vector<1x1x16xf32> to vector<16xf32>
          %add3A_943 = arith.constant 4 : i32
          %add3A_944 = arith.addi %mul3A_839, %add3A_943 : i32
          %get3A_945 = arith.constant 3 : i32
          %get3A_946 = arith.index_cast %get3A_945 : i32 to index
          %get3A_947 = arith.index_cast %add3A_944 : i32 to index
          %get3A_948 = arith.constant 16 : index
          %get3A_949 = tpu.vector_load %arg6[%get3A_946, %get3A_947, %get3A_948] {strides = array<i32>} : memref<6x200x64xf32, #tpu.memory_space<vmem>>, vector<1x1x16xf32>,
          %get3A_950 = vector.shape_cast %get3A_949 : vector<1x1x16xf32> to vector<16xf32>
          %add3A_951 = arith.constant 5 : i32
          %add3A_952 = arith.addi %mul3A_839, %add3A_951 : i32
          %get3A_953 = arith.constant 3 : i32
          %get3A_954 = arith.index_cast %get3A_953 : i32 to index
          %get3A_955 = arith.index_cast %add3A_952 : i32 to index
          %get3A_956 = arith.constant 16 : index
          %get3A_957 = tpu.vector_load %arg6[%get3A_954, %get3A_955, %get3A_956] {strides = array<i32>} : memref<6x200x64xf32, #tpu.memory_space<vmem>>, vector<1x1x16xf32>,
          %get3A_958 = vector.shape_cast %get3A_957 : vector<1x1x16xf32> to vector<16xf32>
          %add3A_959 = arith.constant 6 : i32
          %add3A_960 = arith.addi %mul3A_839, %add3A_959 : i32
          %get3A_961 = arith.constant 3 : i32
          %get3A_962 = arith.index_cast %get3A_961 : i32 to index
          %get3A_963 = arith.index_cast %add3A_960 : i32 to index
          %get3A_964 = arith.constant 16 : index
          %get3A_965 = tpu.vector_load %arg6[%get3A_962, %get3A_963, %get3A_964] {strides = array<i32>} : memref<6x200x64xf32, #tpu.memory_space<vmem>>, vector<1x1x16xf32>,
          %get3A_966 = vector.shape_cast %get3A_965 : vector<1x1x16xf32> to vector<16xf32>
          %add3A_967 = arith.constant 7 : i32
          %add3A_968 = arith.addi %mul3A_839, %add3A_967 : i32
          %get3A_969 = arith.constant 3 : i32
          %get3A_970 = arith.index_cast %get3A_969 : i32 to index
          %get3A_971 = arith.index_cast %add3A_968 : i32 to index
          %get3A_972 = arith.constant 16 : index
          %get3A_973 = tpu.vector_load %arg6[%get3A_970, %get3A_971, %get3A_972] {strides = array<i32>} : memref<6x200x64xf32, #tpu.memory_space<vmem>>, vector<1x1x16xf32>,
          %get3A_974 = vector.shape_cast %get3A_973 : vector<1x1x16xf32> to vector<16xf32>
          %add3A_975 = arith.addf %get3A_918, %get3A_926 : vector<16xf32>
          %add3A_976 = arith.addf %get3A_934, %get3A_942 : vector<16xf32>
          %add3A_977 = arith.addf %add3A_975, %add3A_976 : vector<16xf32>
          %add3A_978 = arith.addf %get3A_950, %get3A_958 : vector<16xf32>
          %add3A_979 = arith.addf %get3A_966, %get3A_974 : vector<16xf32>
          %add3A_980 = arith.addf %add3A_978, %add3A_979 : vector<16xf32>
          %add3A_981 = arith.addf %add3A_977, %add3A_980 : vector<16xf32>
          %add3A_982 = arith.addf %scan3A_835, %add3A_981 : vector<16xf32>
          %add3A_983 = arith.constant 0 : i32
          %add3A_984 = arith.addi %mul3A_839, %add3A_983 : i32
          %get3A_985 = arith.constant 3 : i32
          %get3A_986 = arith.index_cast %get3A_985 : i32 to index
          %get3A_987 = arith.index_cast %add3A_984 : i32 to index
          %get3A_988 = arith.constant 32 : index
          %get3A_989 = tpu.vector_load %arg6[%get3A_986, %get3A_987, %get3A_988] {strides = array<i32>} : memref<6x200x64xf32, #tpu.memory_space<vmem>>, vector<1x1x16xf32>,
          %get3A_990 = vector.shape_cast %get3A_989 : vector<1x1x16xf32> to vector<16xf32>
          %add3A_991 = arith.constant 1 : i32
          %add3A_992 = arith.addi %mul3A_839, %add3A_991 : i32
          %get3A_993 = arith.constant 3 : i32
          %get3A_994 = arith.index_cast %get3A_993 : i32 to index
          %get3A_995 = arith.index_cast %add3A_992 : i32 to index
          %get3A_996 = arith.constant 32 : index
          %get3A_997 = tpu.vector_load %arg6[%get3A_994, %get3A_995, %get3A_996] {strides = array<i32>} : memref<6x200x64xf32, #tpu.memory_space<vmem>>, vector<1x1x16xf32>,
          %get3A_998 = vector.shape_cast %get3A_997 : vector<1x1x16xf32> to vector<16xf32>
          %add3A_999 = arith.constant 2 : i32
          %add3A_1000 = arith.addi %mul3A_839, %add3A_999 : i32
          %get3A_1001 = arith.constant 3 : i32
          %get3A_1002 = arith.index_cast %get3A_1001 : i32 to index
          %get3A_1003 = arith.index_cast %add3A_1000 : i32 to index
          %get3A_1004 = arith.constant 32 : index
          %get3A_1005 = tpu.vector_load %arg6[%get3A_1002, %get3A_1003, %get3A_1004] {strides = array<i32>} : memref<6x200x64xf32, #tpu.memory_space<vmem>>, vector<1x1x16xf32>,
          %get3A_1006 = vector.shape_cast %get3A_1005 : vector<1x1x16xf32> to vector<16xf32>
          %add3A_1007 = arith.constant 3 : i32
          %add3A_1008 = arith.addi %mul3A_839, %add3A_1007 : i32
          %get3A_1009 = arith.constant 3 : i32
          %get3A_1010 = arith.index_cast %get3A_1009 : i32 to index
          %get3A_1011 = arith.index_cast %add3A_1008 : i32 to index
          %get3A_1012 = arith.constant 32 : index
          %get3A_1013 = tpu.vector_load %arg6[%get3A_1010, %get3A_1011, %get3A_1012] {strides = array<i32>} : memref<6x200x64xf32, #tpu.memory_space<vmem>>, vector<1x1x16xf32>,
          %get3A_1014 = vector.shape_cast %get3A_1013 : vector<1x1x16xf32> to vector<16xf32>
          %add3A_1015 = arith.constant 4 : i32
          %add3A_1016 = arith.addi %mul3A_839, %add3A_1015 : i32
          %get3A_1017 = arith.constant 3 : i32
          %get3A_1018 = arith.index_cast %get3A_1017 : i32 to index
          %get3A_1019 = arith.index_cast %add3A_1016 : i32 to index
          %get3A_1020 = arith.constant 32 : index
          %get3A_1021 = tpu.vector_load %arg6[%get3A_1018, %get3A_1019, %get3A_1020] {strides = array<i32>} : memref<6x200x64xf32, #tpu.memory_space<vmem>>, vector<1x1x16xf32>,
          %get3A_1022 = vector.shape_cast %get3A_1021 : vector<1x1x16xf32> to vector<16xf32>
          %add3A_1023 = arith.constant 5 : i32
          %add3A_1024 = arith.addi %mul3A_839, %add3A_1023 : i32
          %get3A_1025 = arith.constant 3 : i32
          %get3A_1026 = arith.index_cast %get3A_1025 : i32 to index
          %get3A_1027 = arith.index_cast %add3A_1024 : i32 to index
          %get3A_1028 = arith.constant 32 : index
          %get3A_1029 = tpu.vector_load %arg6[%get3A_1026, %get3A_1027, %get3A_1028] {strides = array<i32>} : memref<6x200x64xf32, #tpu.memory_space<vmem>>, vector<1x1x16xf32>,
          %get3A_1030 = vector.shape_cast %get3A_1029 : vector<1x1x16xf32> to vector<16xf32>
          %add3A_1031 = arith.constant 6 : i32
          %add3A_1032 = arith.addi %mul3A_839, %add3A_1031 : i32
          %get3A_1033 = arith.constant 3 : i32
          %get3A_1034 = arith.index_cast %get3A_1033 : i32 to index
          %get3A_1035 = arith.index_cast %add3A_1032 : i32 to index
          %get3A_1036 = arith.constant 32 : index
          %get3A_1037 = tpu.vector_load %arg6[%get3A_1034, %get3A_1035, %get3A_1036] {strides = array<i32>} : memref<6x200x64xf32, #tpu.memory_space<vmem>>, vector<1x1x16xf32>,
          %get3A_1038 = vector.shape_cast %get3A_1037 : vector<1x1x16xf32> to vector<16xf32>
          %add3A_1039 = arith.constant 7 : i32
          %add3A_1040 = arith.addi %mul3A_839, %add3A_1039 : i32
          %get3A_1041 = arith.constant 3 : i32
          %get3A_1042 = arith.index_cast %get3A_1041 : i32 to index
          %get3A_1043 = arith.index_cast %add3A_1040 : i32 to index
          %get3A_1044 = arith.constant 32 : index
          %get3A_1045 = tpu.vector_load %arg6[%get3A_1042, %get3A_1043, %get3A_1044] {strides = array<i32>} : memref<6x200x64xf32, #tpu.memory_space<vmem>>, vector<1x1x16xf32>,
          %get3A_1046 = vector.shape_cast %get3A_1045 : vector<1x1x16xf32> to vector<16xf32>
          %add3A_1047 = arith.addf %get3A_990, %get3A_998 : vector<16xf32>
          %add3A_1048 = arith.addf %get3A_1006, %get3A_1014 : vector<16xf32>
          %add3A_1049 = arith.addf %add3A_1047, %add3A_1048 : vector<16xf32>
          %add3A_1050 = arith.addf %get3A_1022, %get3A_1030 : vector<16xf32>
          %add3A_1051 = arith.addf %get3A_1038, %get3A_1046 : vector<16xf32>
          %add3A_1052 = arith.addf %add3A_1050, %add3A_1051 : vector<16xf32>
          %add3A_1053 = arith.addf %add3A_1049, %add3A_1052 : vector<16xf32>
          %add3A_1054 = arith.addf %scan3A_836, %add3A_1053 : vector<16xf32>
          %add3A_1055 = arith.constant 0 : i32
          %add3A_1056 = arith.addi %mul3A_839, %add3A_1055 : i32
          %get3A_1057 = arith.constant 3 : i32
          %get3A_1058 = arith.index_cast %get3A_1057 : i32 to index
          %get3A_1059 = arith.index_cast %add3A_1056 : i32 to index
          %get3A_1060 = arith.constant 48 : index
          %get3A_1061 = tpu.vector_load %arg6[%get3A_1058, %get3A_1059, %get3A_1060] {strides = array<i32>} : memref<6x200x64xf32, #tpu.memory_space<vmem>>, vector<1x1x16xf32>,
          %get3A_1062 = vector.shape_cast %get3A_1061 : vector<1x1x16xf32> to vector<16xf32>
          %add3A_1063 = arith.constant 1 : i32
          %add3A_1064 = arith.addi %mul3A_839, %add3A_1063 : i32
          %get3A_1065 = arith.constant 3 : i32
          %get3A_1066 = arith.index_cast %get3A_1065 : i32 to index
          %get3A_1067 = arith.index_cast %add3A_1064 : i32 to index
          %get3A_1068 = arith.constant 48 : index
          %get3A_1069 = tpu.vector_load %arg6[%get3A_1066, %get3A_1067, %get3A_1068] {strides = array<i32>} : memref<6x200x64xf32, #tpu.memory_space<vmem>>, vector<1x1x16xf32>,
          %get3A_1070 = vector.shape_cast %get3A_1069 : vector<1x1x16xf32> to vector<16xf32>
          %add3A_1071 = arith.constant 2 : i32
          %add3A_1072 = arith.addi %mul3A_839, %add3A_1071 : i32
          %get3A_1073 = arith.constant 3 : i32
          %get3A_1074 = arith.index_cast %get3A_1073 : i32 to index
          %get3A_1075 = arith.index_cast %add3A_1072 : i32 to index
          %get3A_1076 = arith.constant 48 : index
          %get3A_1077 = tpu.vector_load %arg6[%get3A_1074, %get3A_1075, %get3A_1076] {strides = array<i32>} : memref<6x200x64xf32, #tpu.memory_space<vmem>>, vector<1x1x16xf32>,
          %get3A_1078 = vector.shape_cast %get3A_1077 : vector<1x1x16xf32> to vector<16xf32>
          %add3A_1079 = arith.constant 3 : i32
          %add3A_1080 = arith.addi %mul3A_839, %add3A_1079 : i32
          %get3A_1081 = arith.constant 3 : i32
          %get3A_1082 = arith.index_cast %get3A_1081 : i32 to index
          %get3A_1083 = arith.index_cast %add3A_1080 : i32 to index
          %get3A_1084 = arith.constant 48 : index
          %get3A_1085 = tpu.vector_load %arg6[%get3A_1082, %get3A_1083, %get3A_1084] {strides = array<i32>} : memref<6x200x64xf32, #tpu.memory_space<vmem>>, vector<1x1x16xf32>,
          %get3A_1086 = vector.shape_cast %get3A_1085 : vector<1x1x16xf32> to vector<16xf32>
          %add3A_1087 = arith.constant 4 : i32
          %add3A_1088 = arith.addi %mul3A_839, %add3A_1087 : i32
          %get3A_1089 = arith.constant 3 : i32
          %get3A_1090 = arith.index_cast %get3A_1089 : i32 to index
          %get3A_1091 = arith.index_cast %add3A_1088 : i32 to index
          %get3A_1092 = arith.constant 48 : index
          %get3A_1093 = tpu.vector_load %arg6[%get3A_1090, %get3A_1091, %get3A_1092] {strides = array<i32>} : memref<6x200x64xf32, #tpu.memory_space<vmem>>, vector<1x1x16xf32>,
          %get3A_1094 = vector.shape_cast %get3A_1093 : vector<1x1x16xf32> to vector<16xf32>
          %add3A_1095 = arith.constant 5 : i32
          %add3A_1096 = arith.addi %mul3A_839, %add3A_1095 : i32
          %get3A_1097 = arith.constant 3 : i32
          %get3A_1098 = arith.index_cast %get3A_1097 : i32 to index
          %get3A_1099 = arith.index_cast %add3A_1096 : i32 to index
          %get3A_1100 = arith.constant 48 : index
          %get3A_1101 = tpu.vector_load %arg6[%get3A_1098, %get3A_1099, %get3A_1100] {strides = array<i32>} : memref<6x200x64xf32, #tpu.memory_space<vmem>>, vector<1x1x16xf32>,
          %get3A_1102 = vector.shape_cast %get3A_1101 : vector<1x1x16xf32> to vector<16xf32>
          %add3A_1103 = arith.constant 6 : i32
          %add3A_1104 = arith.addi %mul3A_839, %add3A_1103 : i32
          %get3A_1105 = arith.constant 3 : i32
          %get3A_1106 = arith.index_cast %get3A_1105 : i32 to index
          %get3A_1107 = arith.index_cast %add3A_1104 : i32 to index
          %get3A_1108 = arith.constant 48 : index
          %get3A_1109 = tpu.vector_load %arg6[%get3A_1106, %get3A_1107, %get3A_1108] {strides = array<i32>} : memref<6x200x64xf32, #tpu.memory_space<vmem>>, vector<1x1x16xf32>,
          %get3A_1110 = vector.shape_cast %get3A_1109 : vector<1x1x16xf32> to vector<16xf32>
          %add3A_1111 = arith.constant 7 : i32
          %add3A_1112 = arith.addi %mul3A_839, %add3A_1111 : i32
          %get3A_1113 = arith.constant 3 : i32
          %get3A_1114 = arith.index_cast %get3A_1113 : i32 to index
          %get3A_1115 = arith.index_cast %add3A_1112 : i32 to index
          %get3A_1116 = arith.constant 48 : index
          %get3A_1117 = tpu.vector_load %arg6[%get3A_1114, %get3A_1115, %get3A_1116] {strides = array<i32>} : memref<6x200x64xf32, #tpu.memory_space<vmem>>, vector<1x1x16xf32>,
          %get3A_1118 = vector.shape_cast %get3A_1117 : vector<1x1x16xf32> to vector<16xf32>
          %add3A_1119 = arith.addf %get3A_1062, %get3A_1070 : vector<16xf32>
          %add3A_1120 = arith.addf %get3A_1078, %get3A_1086 : vector<16xf32>
          %add3A_1121 = arith.addf %add3A_1119, %add3A_1120 : vector<16xf32>
          %add3A_1122 = arith.addf %get3A_1094, %get3A_1102 : vector<16xf32>
          %add3A_1123 = arith.addf %get3A_1110, %get3A_1118 : vector<16xf32>
          %add3A_1124 = arith.addf %add3A_1122, %add3A_1123 : vector<16xf32>
          %add3A_1125 = arith.addf %add3A_1121, %add3A_1124 : vector<16xf32>
          %add3A_1126 = arith.addf %scan3A_837, %add3A_1125 : vector<16xf32>
          scf.yield %add3A_910, %add3A_982, %add3A_1054, %add3A_1126 : vector<16xf32>, vector<16xf32>, vector<16xf32>, vector<16xf32>
        }
        %scan3A_621 = arith.constant 25 : i32
        %mul3A_622 = arith.constant 5.000000e-03 : f32
        %mul3A_623 = vector.broadcast %mul3A_622 : f32 to vector<16xf32>
        %mul3A_624 = arith.mulf %scan3A_620#0, %mul3A_623 : vector<16xf32>
        %swap3A_625 = arith.index_cast %add3A_607 : i32 to index
        %swap3A_626 = arith.constant 0 : index
        %swap3A_627 = tpu.vector_load %arg7[%swap3A_625, %swap3A_626] {strides = array<i32>} : memref<128x64xf32, #tpu.memory_space<vmem>>, vector<1x16xf32>,
        %swap3A_628 = vector.shape_cast %swap3A_627 : vector<1x16xf32> to vector<16xf32>
        %swap3A_629 = vector.shape_cast %mul3A_624 : vector<16xf32> to vector<1x16xf32>
        tpu.vector_store %arg7[%swap3A_625, %swap3A_626], %swap3A_629 {strides = array<i32>} : memref<128x64xf32, #tpu.memory_space<vmem>>, vector<1x16xf32>,
        %mul3A_630 = arith.constant 5.000000e-03 : f32
        %mul3A_631 = vector.broadcast %mul3A_630 : f32 to vector<16xf32>
        %mul3A_632 = arith.mulf %scan3A_620#1, %mul3A_631 : vector<16xf32>
        %swap3A_633 = arith.index_cast %add3A_607 : i32 to index
        %swap3A_634 = arith.constant 16 : index
        %swap3A_635 = tpu.vector_load %arg7[%swap3A_633, %swap3A_634] {strides = array<i32>} : memref<128x64xf32, #tpu.memory_space<vmem>>, vector<1x16xf32>,
        %swap3A_636 = vector.shape_cast %swap3A_635 : vector<1x16xf32> to vector<16xf32>
        %swap3A_637 = vector.shape_cast %mul3A_632 : vector<16xf32> to vector<1x16xf32>
        tpu.vector_store %arg7[%swap3A_633, %swap3A_634], %swap3A_637 {strides = array<i32>} : memref<128x64xf32, #tpu.memory_space<vmem>>, vector<1x16xf32>,
        %mul3A_638 = arith.constant 5.000000e-03 : f32
        %mul3A_639 = vector.broadcast %mul3A_638 : f32 to vector<16xf32>
        %mul3A_640 = arith.mulf %scan3A_620#2, %mul3A_639 : vector<16xf32>
        %swap3A_641 = arith.index_cast %add3A_607 : i32 to index
        %swap3A_642 = arith.constant 32 : index
        %swap3A_643 = tpu.vector_load %arg7[%swap3A_641, %swap3A_642] {strides = array<i32>} : memref<128x64xf32, #tpu.memory_space<vmem>>, vector<1x16xf32>,
        %swap3A_644 = vector.shape_cast %swap3A_643 : vector<1x16xf32> to vector<16xf32>
        %swap3A_645 = vector.shape_cast %mul3A_640 : vector<16xf32> to vector<1x16xf32>
        tpu.vector_store %arg7[%swap3A_641, %swap3A_642], %swap3A_645 {strides = array<i32>} : memref<128x64xf32, #tpu.memory_space<vmem>>, vector<1x16xf32>,
        %mul3A_646 = arith.constant 5.000000e-03 : f32
        %mul3A_647 = vector.broadcast %mul3A_646 : f32 to vector<16xf32>
        %mul3A_648 = arith.mulf %scan3A_620#3, %mul3A_647 : vector<16xf32>
        %swap3A_649 = arith.index_cast %add3A_607 : i32 to index
        %swap3A_650 = arith.constant 48 : index
        %swap3A_651 = tpu.vector_load %arg7[%swap3A_649, %swap3A_650] {strides = array<i32>} : memref<128x64xf32, #tpu.memory_space<vmem>>, vector<1x16xf32>,
        %swap3A_652 = vector.shape_cast %swap3A_651 : vector<1x16xf32> to vector<16xf32>
        %swap3A_653 = vector.shape_cast %mul3A_648 : vector<16xf32> to vector<1x16xf32>
        tpu.vector_store %arg7[%swap3A_649, %swap3A_650], %swap3A_653 {strides = array<i32>} : memref<128x64xf32, #tpu.memory_space<vmem>>, vector<1x16xf32>,
        %add3A_654 = arith.constant 4 : i32
        %add3A_655 = arith.addi %mul3A_301, %add3A_654 : i32
        %add3A_656 = arith.constant 6 : i32
        %add3A_657 = arith.addi %add3A_655, %add3A_656 : i32
        %sub3A_658 = arith.constant 1 : i32
        %sub3A_659 = arith.subi %add3A_657, %sub3A_658 : i32
        %lt3A_660 = arith.constant 128 : i32
        %lt3A_661 = arith.cmpi slt, %sub3A_659, %lt3A_660 : i32
        %convert_element_type3A_662 = arith.extui %lt3A_661 : i1 to i32
        %cond3A_663 = arith.constant 0 : i32
        %cond3A_664 = arith.cmpi ne, %convert_element_type3A_662, %cond3A_663 : i32
        scf.if %cond3A_664 {
          %dma_start3A_833 = arith.constant 3 : i32
          %dma_start3A_834 = arith.constant 0 : i32
          %dma_start3A_835 = arith.constant 0 : i32
          %dma_start3A_836 = tpu.memref_slice %arg6[%dma_start3A_833, %dma_start3A_834, %dma_start3A_835] : memref<6x200x64xf32, #tpu.memory_space<vmem>> -> memref<1x104x64xf32, #tpu.memory_space<vmem>>
          %dma_start3A_837 = tpu.memref_squeeze %dma_start3A_836 : memref<1x104x64xf32, #tpu.memory_space<vmem>> -> memref<104x64xf32, #tpu.memory_space<vmem>>
          %dma_start3A_838 = arith.constant 0 : i32
          %dma_start3A_839 = tpu.memref_slice %arg5[%sub3A_659, %dma_start3A_838] : memref<128x200xi32, #tpu.memory_space<vmem>> -> memref<1x104xi32, #tpu.memory_space<vmem>>
          %dma_start3A_840 = tpu.memref_squeeze %dma_start3A_839 : memref<1x104xi32, #tpu.memory_space<vmem>> -> memref<104xi32, #tpu.memory_space<vmem>>
          %dma_start3A_841 = arith.constant 0 : i32
          %dma_start3A_842 = arith.constant 0 : i32
          %dma_start3A_843 = tpu.memref_slice %arg3[%dma_start3A_841, %dma_start3A_842] : memref<1000000x64xf32, #tpu.memory_space<hbm>> -> memref<1000000x64xf32, #tpu.memory_space<hbm>>
          tpu.enqueue_indirect_dma source(%dma_start3A_843 : memref<1000000x64xf32, #tpu.memory_space<hbm>>) target(%dma_start3A_837 : memref<104x64xf32, #tpu.memory_space<vmem>>) offsets(%dma_start3A_840 : memref<104xi32, #tpu.memory_space<vmem>>) semaphore(%arg11 : memref<!tpu.dma_semaphore, #tpu.memory_space<semaphore_mem>>)
          %dma_start3A_844 = arith.constant 3 : i32
          %dma_start3A_845 = arith.constant 104 : i32
          %dma_start3A_846 = arith.constant 0 : i32
          %dma_start3A_847 = tpu.memref_slice %arg6[%dma_start3A_844, %dma_start3A_845, %dma_start3A_846] : memref<6x200x64xf32, #tpu.memory_space<vmem>> -> memref<1x96x64xf32, #tpu.memory_space<vmem>>
          %dma_start3A_848 = tpu.memref_squeeze %dma_start3A_847 : memref<1x96x64xf32, #tpu.memory_space<vmem>> -> memref<96x64xf32, #tpu.memory_space<vmem>>
          %dma_start3A_849 = arith.constant 104 : i32
          %dma_start3A_850 = tpu.memref_slice %arg5[%sub3A_659, %dma_start3A_849] : memref<128x200xi32, #tpu.memory_space<vmem>> -> memref<1x96xi32, #tpu.memory_space<vmem>>
          %dma_start3A_851 = tpu.memref_squeeze %dma_start3A_850 : memref<1x96xi32, #tpu.memory_space<vmem>> -> memref<96xi32, #tpu.memory_space<vmem>>
          %dma_start3A_852 = arith.constant 0 : i32
          %dma_start3A_853 = arith.constant 0 : i32
          %dma_start3A_854 = tpu.memref_slice %arg3[%dma_start3A_852, %dma_start3A_853] : memref<1000000x64xf32, #tpu.memory_space<hbm>> -> memref<1000000x64xf32, #tpu.memory_space<hbm>>
          tpu.enqueue_indirect_dma source(%dma_start3A_854 : memref<1000000x64xf32, #tpu.memory_space<hbm>>) target(%dma_start3A_848 : memref<96x64xf32, #tpu.memory_space<vmem>>) offsets(%dma_start3A_851 : memref<96xi32, #tpu.memory_space<vmem>>) semaphore(%arg11 : memref<!tpu.dma_semaphore, #tpu.memory_space<semaphore_mem>>)
        } else {
        }
        %dma_wait3A_665 = arith.constant 4 : i32
        %dma_wait3A_666 = arith.constant 0 : i32
        %dma_wait3A_667 = arith.constant 0 : i32
        %dma_wait3A_668 = tpu.memref_slice %arg6[%dma_wait3A_665, %dma_wait3A_666, %dma_wait3A_667] : memref<6x200x64xf32, #tpu.memory_space<vmem>> -> memref<1x104x64xf32, #tpu.memory_space<vmem>>
        %dma_wait3A_669 = tpu.memref_squeeze %dma_wait3A_668 : memref<1x104x64xf32, #tpu.memory_space<vmem>> -> memref<104x64xf32, #tpu.memory_space<vmem>>
        %dma_wait3A_670 = arith.constant 0 : i32
        %dma_wait3A_671 = arith.constant 0 : i32
        %dma_wait3A_672 = tpu.memref_slice %arg3[%dma_wait3A_670, %dma_wait3A_671] : memref<1000000x64xf32, #tpu.memory_space<hbm>> -> memref<104x64xf32, #tpu.memory_space<hbm>>
        %dma_wait3A_673 = arith.constant 0 : i32
        %dma_wait3A_674 = arith.constant 0 : i32
        %dma_wait3A_675 = tpu.memref_slice %arg6[%dma_wait3A_665, %dma_wait3A_673, %dma_wait3A_674] : memref<6x200x64xf32, #tpu.memory_space<vmem>> -> memref<1x104x64xf32, #tpu.memory_space<vmem>>
        %dma_wait3A_676 = tpu.memref_squeeze %dma_wait3A_675 : memref<1x104x64xf32, #tpu.memory_space<vmem>> -> memref<104x64xf32, #tpu.memory_space<vmem>>
        %dma_wait3A_677 = arith.constant 0 : i32
        %dma_wait3A_678 = arith.constant 0 : i32
        %dma_wait3A_679 = tpu.memref_slice %arg3[%dma_wait3A_677, %dma_wait3A_678] : memref<1000000x64xf32, #tpu.memory_space<hbm>> -> memref<104x64xf32, #tpu.memory_space<hbm>>
        tpu.wait_dma2 semaphore(%arg12 : memref<!tpu.dma_semaphore, #tpu.memory_space<semaphore_mem>>) src(%dma_wait3A_679 : memref<104x64xf32, #tpu.memory_space<hbm>>) dst(%dma_wait3A_676 : memref<104x64xf32, #tpu.memory_space<vmem>>)
        %dma_wait3A_680 = arith.constant 4 : i32
        %dma_wait3A_681 = arith.constant 104 : i32
        %dma_wait3A_682 = arith.constant 0 : i32
        %dma_wait3A_683 = tpu.memref_slice %arg6[%dma_wait3A_680, %dma_wait3A_681, %dma_wait3A_682] : memref<6x200x64xf32, #tpu.memory_space<vmem>> -> memref<1x96x64xf32, #tpu.memory_space<vmem>>
        %dma_wait3A_684 = tpu.memref_squeeze %dma_wait3A_683 : memref<1x96x64xf32, #tpu.memory_space<vmem>> -> memref<96x64xf32, #tpu.memory_space<vmem>>
        %dma_wait3A_685 = arith.constant 0 : i32
        %dma_wait3A_686 = arith.constant 0 : i32
        %dma_wait3A_687 = tpu.memref_slice %arg3[%dma_wait3A_685, %dma_wait3A_686] : memref<1000000x64xf32, #tpu.memory_space<hbm>> -> memref<96x64xf32, #tpu.memory_space<hbm>>
        %dma_wait3A_688 = arith.constant 104 : i32
        %dma_wait3A_689 = arith.constant 0 : i32
        %dma_wait3A_690 = tpu.memref_slice %arg6[%dma_wait3A_680, %dma_wait3A_688, %dma_wait3A_689] : memref<6x200x64xf32, #tpu.memory_space<vmem>> -> memref<1x96x64xf32, #tpu.memory_space<vmem>>
        %dma_wait3A_691 = tpu.memref_squeeze %dma_wait3A_690 : memref<1x96x64xf32, #tpu.memory_space<vmem>> -> memref<96x64xf32, #tpu.memory_space<vmem>>
        %dma_wait3A_692 = arith.constant 0 : i32
        %dma_wait3A_693 = arith.constant 0 : i32
        %dma_wait3A_694 = tpu.memref_slice %arg3[%dma_wait3A_692, %dma_wait3A_693] : memref<1000000x64xf32, #tpu.memory_space<hbm>> -> memref<96x64xf32, #tpu.memory_space<hbm>>
        tpu.wait_dma2 semaphore(%arg12 : memref<!tpu.dma_semaphore, #tpu.memory_space<semaphore_mem>>) src(%dma_wait3A_694 : memref<96x64xf32, #tpu.memory_space<hbm>>) dst(%dma_wait3A_691 : memref<96x64xf32, #tpu.memory_space<vmem>>)
        %add3A_695 = arith.constant 4 : i32
        %add3A_696 = arith.addi %mul3A_301, %add3A_695 : i32
        %broadcast_in_dim3A_697 = arith.constant 0.000000e+00 : f32
        %broadcast_in_dim3A_698 = vector.broadcast %broadcast_in_dim3A_697 : f32 to vector<16xf32>
        %broadcast_in_dim3A_699 = arith.constant 0.000000e+00 : f32
        %broadcast_in_dim3A_700 = vector.broadcast %broadcast_in_dim3A_699 : f32 to vector<16xf32>
        %broadcast_in_dim3A_701 = arith.constant 0.000000e+00 : f32
        %broadcast_in_dim3A_702 = vector.broadcast %broadcast_in_dim3A_701 : f32 to vector<16xf32>
        %broadcast_in_dim3A_703 = arith.constant 0.000000e+00 : f32
        %broadcast_in_dim3A_704 = vector.broadcast %broadcast_in_dim3A_703 : f32 to vector<16xf32>
        %scan3A_705 = arith.constant 0 : i32
        %scan3A_706 = arith.constant 25 : i32
        %scan3A_707 = arith.addi %scan3A_705, %scan3A_706 : i32
        %scan3A_708 = arith.constant 1 : i32
        %scan3A_709:4 = scf.for %scan3A_833 = %scan3A_705 to %scan3A_707 step %scan3A_708 iter_args(%scan3A_834 = %broadcast_in_dim3A_698, %scan3A_835 = %broadcast_in_dim3A_700, %scan3A_836 = %broadcast_in_dim3A_702, %scan3A_837 = %broadcast_in_dim3A_704) -> (vector<16xf32>, vector<16xf32>, vector<16xf32>, vector<16xf32>)  : i32 {
          %mul3A_838 = arith.constant 8 : i32
          %mul3A_839 = arith.muli %scan3A_833, %mul3A_838 : i32
          %add3A_840 = arith.constant 0 : i32
          %add3A_841 = arith.addi %mul3A_839, %add3A_840 : i32
          %get3A = arith.constant 4 : i32
          %get3A_842 = arith.index_cast %get3A : i32 to index
          %get3A_843 = arith.index_cast %add3A_841 : i32 to index
          %get3A_844 = arith.constant 0 : index
          %get3A_845 = tpu.vector_load %arg6[%get3A_842, %get3A_843, %get3A_844] {strides = array<i32>} : memref<6x200x64xf32, #tpu.memory_space<vmem>>, vector<1x1x16xf32>,
          %get3A_846 = vector.shape_cast %get3A_845 : vector<1x1x16xf32> to vector<16xf32>
          %add3A_847 = arith.constant 1 : i32
          %add3A_848 = arith.addi %mul3A_839, %add3A_847 : i32
          %get3A_849 = arith.constant 4 : i32
          %get3A_850 = arith.index_cast %get3A_849 : i32 to index
          %get3A_851 = arith.index_cast %add3A_848 : i32 to index
          %get3A_852 = arith.constant 0 : index
          %get3A_853 = tpu.vector_load %arg6[%get3A_850, %get3A_851, %get3A_852] {strides = array<i32>} : memref<6x200x64xf32, #tpu.memory_space<vmem>>, vector<1x1x16xf32>,
          %get3A_854 = vector.shape_cast %get3A_853 : vector<1x1x16xf32> to vector<16xf32>
          %add3A_855 = arith.constant 2 : i32
          %add3A_856 = arith.addi %mul3A_839, %add3A_855 : i32
          %get3A_857 = arith.constant 4 : i32
          %get3A_858 = arith.index_cast %get3A_857 : i32 to index
          %get3A_859 = arith.index_cast %add3A_856 : i32 to index
          %get3A_860 = arith.constant 0 : index
          %get3A_861 = tpu.vector_load %arg6[%get3A_858, %get3A_859, %get3A_860] {strides = array<i32>} : memref<6x200x64xf32, #tpu.memory_space<vmem>>, vector<1x1x16xf32>,
          %get3A_862 = vector.shape_cast %get3A_861 : vector<1x1x16xf32> to vector<16xf32>
          %add3A_863 = arith.constant 3 : i32
          %add3A_864 = arith.addi %mul3A_839, %add3A_863 : i32
          %get3A_865 = arith.constant 4 : i32
          %get3A_866 = arith.index_cast %get3A_865 : i32 to index
          %get3A_867 = arith.index_cast %add3A_864 : i32 to index
          %get3A_868 = arith.constant 0 : index
          %get3A_869 = tpu.vector_load %arg6[%get3A_866, %get3A_867, %get3A_868] {strides = array<i32>} : memref<6x200x64xf32, #tpu.memory_space<vmem>>, vector<1x1x16xf32>,
          %get3A_870 = vector.shape_cast %get3A_869 : vector<1x1x16xf32> to vector<16xf32>
          %add3A_871 = arith.constant 4 : i32
          %add3A_872 = arith.addi %mul3A_839, %add3A_871 : i32
          %get3A_873 = arith.constant 4 : i32
          %get3A_874 = arith.index_cast %get3A_873 : i32 to index
          %get3A_875 = arith.index_cast %add3A_872 : i32 to index
          %get3A_876 = arith.constant 0 : index
          %get3A_877 = tpu.vector_load %arg6[%get3A_874, %get3A_875, %get3A_876] {strides = array<i32>} : memref<6x200x64xf32, #tpu.memory_space<vmem>>, vector<1x1x16xf32>,
          %get3A_878 = vector.shape_cast %get3A_877 : vector<1x1x16xf32> to vector<16xf32>
          %add3A_879 = arith.constant 5 : i32
          %add3A_880 = arith.addi %mul3A_839, %add3A_879 : i32
          %get3A_881 = arith.constant 4 : i32
          %get3A_882 = arith.index_cast %get3A_881 : i32 to index
          %get3A_883 = arith.index_cast %add3A_880 : i32 to index
          %get3A_884 = arith.constant 0 : index
          %get3A_885 = tpu.vector_load %arg6[%get3A_882, %get3A_883, %get3A_884] {strides = array<i32>} : memref<6x200x64xf32, #tpu.memory_space<vmem>>, vector<1x1x16xf32>,
          %get3A_886 = vector.shape_cast %get3A_885 : vector<1x1x16xf32> to vector<16xf32>
          %add3A_887 = arith.constant 6 : i32
          %add3A_888 = arith.addi %mul3A_839, %add3A_887 : i32
          %get3A_889 = arith.constant 4 : i32
          %get3A_890 = arith.index_cast %get3A_889 : i32 to index
          %get3A_891 = arith.index_cast %add3A_888 : i32 to index
          %get3A_892 = arith.constant 0 : index
          %get3A_893 = tpu.vector_load %arg6[%get3A_890, %get3A_891, %get3A_892] {strides = array<i32>} : memref<6x200x64xf32, #tpu.memory_space<vmem>>, vector<1x1x16xf32>,
          %get3A_894 = vector.shape_cast %get3A_893 : vector<1x1x16xf32> to vector<16xf32>
          %add3A_895 = arith.constant 7 : i32
          %add3A_896 = arith.addi %mul3A_839, %add3A_895 : i32
          %get3A_897 = arith.constant 4 : i32
          %get3A_898 = arith.index_cast %get3A_897 : i32 to index
          %get3A_899 = arith.index_cast %add3A_896 : i32 to index
          %get3A_900 = arith.constant 0 : index
          %get3A_901 = tpu.vector_load %arg6[%get3A_898, %get3A_899, %get3A_900] {strides = array<i32>} : memref<6x200x64xf32, #tpu.memory_space<vmem>>, vector<1x1x16xf32>,
          %get3A_902 = vector.shape_cast %get3A_901 : vector<1x1x16xf32> to vector<16xf32>
          %add3A_903 = arith.addf %get3A_846, %get3A_854 : vector<16xf32>
          %add3A_904 = arith.addf %get3A_862, %get3A_870 : vector<16xf32>
          %add3A_905 = arith.addf %add3A_903, %add3A_904 : vector<16xf32>
          %add3A_906 = arith.addf %get3A_878, %get3A_886 : vector<16xf32>
          %add3A_907 = arith.addf %get3A_894, %get3A_902 : vector<16xf32>
          %add3A_908 = arith.addf %add3A_906, %add3A_907 : vector<16xf32>
          %add3A_909 = arith.addf %add3A_905, %add3A_908 : vector<16xf32>
          %add3A_910 = arith.addf %scan3A_834, %add3A_909 : vector<16xf32>
          %add3A_911 = arith.constant 0 : i32
          %add3A_912 = arith.addi %mul3A_839, %add3A_911 : i32
          %get3A_913 = arith.constant 4 : i32
          %get3A_914 = arith.index_cast %get3A_913 : i32 to index
          %get3A_915 = arith.index_cast %add3A_912 : i32 to index
          %get3A_916 = arith.constant 16 : index
          %get3A_917 = tpu.vector_load %arg6[%get3A_914, %get3A_915, %get3A_916] {strides = array<i32>} : memref<6x200x64xf32, #tpu.memory_space<vmem>>, vector<1x1x16xf32>,
          %get3A_918 = vector.shape_cast %get3A_917 : vector<1x1x16xf32> to vector<16xf32>
          %add3A_919 = arith.constant 1 : i32
          %add3A_920 = arith.addi %mul3A_839, %add3A_919 : i32
          %get3A_921 = arith.constant 4 : i32
          %get3A_922 = arith.index_cast %get3A_921 : i32 to index
          %get3A_923 = arith.index_cast %add3A_920 : i32 to index
          %get3A_924 = arith.constant 16 : index
          %get3A_925 = tpu.vector_load %arg6[%get3A_922, %get3A_923, %get3A_924] {strides = array<i32>} : memref<6x200x64xf32, #tpu.memory_space<vmem>>, vector<1x1x16xf32>,
          %get3A_926 = vector.shape_cast %get3A_925 : vector<1x1x16xf32> to vector<16xf32>
          %add3A_927 = arith.constant 2 : i32
          %add3A_928 = arith.addi %mul3A_839, %add3A_927 : i32
          %get3A_929 = arith.constant 4 : i32
          %get3A_930 = arith.index_cast %get3A_929 : i32 to index
          %get3A_931 = arith.index_cast %add3A_928 : i32 to index
          %get3A_932 = arith.constant 16 : index
          %get3A_933 = tpu.vector_load %arg6[%get3A_930, %get3A_931, %get3A_932] {strides = array<i32>} : memref<6x200x64xf32, #tpu.memory_space<vmem>>, vector<1x1x16xf32>,
          %get3A_934 = vector.shape_cast %get3A_933 : vector<1x1x16xf32> to vector<16xf32>
          %add3A_935 = arith.constant 3 : i32
          %add3A_936 = arith.addi %mul3A_839, %add3A_935 : i32
          %get3A_937 = arith.constant 4 : i32
          %get3A_938 = arith.index_cast %get3A_937 : i32 to index
          %get3A_939 = arith.index_cast %add3A_936 : i32 to index
          %get3A_940 = arith.constant 16 : index
          %get3A_941 = tpu.vector_load %arg6[%get3A_938, %get3A_939, %get3A_940] {strides = array<i32>} : memref<6x200x64xf32, #tpu.memory_space<vmem>>, vector<1x1x16xf32>,
          %get3A_942 = vector.shape_cast %get3A_941 : vector<1x1x16xf32> to vector<16xf32>
          %add3A_943 = arith.constant 4 : i32
          %add3A_944 = arith.addi %mul3A_839, %add3A_943 : i32
          %get3A_945 = arith.constant 4 : i32
          %get3A_946 = arith.index_cast %get3A_945 : i32 to index
          %get3A_947 = arith.index_cast %add3A_944 : i32 to index
          %get3A_948 = arith.constant 16 : index
          %get3A_949 = tpu.vector_load %arg6[%get3A_946, %get3A_947, %get3A_948] {strides = array<i32>} : memref<6x200x64xf32, #tpu.memory_space<vmem>>, vector<1x1x16xf32>,
          %get3A_950 = vector.shape_cast %get3A_949 : vector<1x1x16xf32> to vector<16xf32>
          %add3A_951 = arith.constant 5 : i32
          %add3A_952 = arith.addi %mul3A_839, %add3A_951 : i32
          %get3A_953 = arith.constant 4 : i32
          %get3A_954 = arith.index_cast %get3A_953 : i32 to index
          %get3A_955 = arith.index_cast %add3A_952 : i32 to index
          %get3A_956 = arith.constant 16 : index
          %get3A_957 = tpu.vector_load %arg6[%get3A_954, %get3A_955, %get3A_956] {strides = array<i32>} : memref<6x200x64xf32, #tpu.memory_space<vmem>>, vector<1x1x16xf32>,
          %get3A_958 = vector.shape_cast %get3A_957 : vector<1x1x16xf32> to vector<16xf32>
          %add3A_959 = arith.constant 6 : i32
          %add3A_960 = arith.addi %mul3A_839, %add3A_959 : i32
          %get3A_961 = arith.constant 4 : i32
          %get3A_962 = arith.index_cast %get3A_961 : i32 to index
          %get3A_963 = arith.index_cast %add3A_960 : i32 to index
          %get3A_964 = arith.constant 16 : index
          %get3A_965 = tpu.vector_load %arg6[%get3A_962, %get3A_963, %get3A_964] {strides = array<i32>} : memref<6x200x64xf32, #tpu.memory_space<vmem>>, vector<1x1x16xf32>,
          %get3A_966 = vector.shape_cast %get3A_965 : vector<1x1x16xf32> to vector<16xf32>
          %add3A_967 = arith.constant 7 : i32
          %add3A_968 = arith.addi %mul3A_839, %add3A_967 : i32
          %get3A_969 = arith.constant 4 : i32
          %get3A_970 = arith.index_cast %get3A_969 : i32 to index
          %get3A_971 = arith.index_cast %add3A_968 : i32 to index
          %get3A_972 = arith.constant 16 : index
          %get3A_973 = tpu.vector_load %arg6[%get3A_970, %get3A_971, %get3A_972] {strides = array<i32>} : memref<6x200x64xf32, #tpu.memory_space<vmem>>, vector<1x1x16xf32>,
          %get3A_974 = vector.shape_cast %get3A_973 : vector<1x1x16xf32> to vector<16xf32>
          %add3A_975 = arith.addf %get3A_918, %get3A_926 : vector<16xf32>
          %add3A_976 = arith.addf %get3A_934, %get3A_942 : vector<16xf32>
          %add3A_977 = arith.addf %add3A_975, %add3A_976 : vector<16xf32>
          %add3A_978 = arith.addf %get3A_950, %get3A_958 : vector<16xf32>
          %add3A_979 = arith.addf %get3A_966, %get3A_974 : vector<16xf32>
          %add3A_980 = arith.addf %add3A_978, %add3A_979 : vector<16xf32>
          %add3A_981 = arith.addf %add3A_977, %add3A_980 : vector<16xf32>
          %add3A_982 = arith.addf %scan3A_835, %add3A_981 : vector<16xf32>
          %add3A_983 = arith.constant 0 : i32
          %add3A_984 = arith.addi %mul3A_839, %add3A_983 : i32
          %get3A_985 = arith.constant 4 : i32
          %get3A_986 = arith.index_cast %get3A_985 : i32 to index
          %get3A_987 = arith.index_cast %add3A_984 : i32 to index
          %get3A_988 = arith.constant 32 : index
          %get3A_989 = tpu.vector_load %arg6[%get3A_986, %get3A_987, %get3A_988] {strides = array<i32>} : memref<6x200x64xf32, #tpu.memory_space<vmem>>, vector<1x1x16xf32>,
          %get3A_990 = vector.shape_cast %get3A_989 : vector<1x1x16xf32> to vector<16xf32>
          %add3A_991 = arith.constant 1 : i32
          %add3A_992 = arith.addi %mul3A_839, %add3A_991 : i32
          %get3A_993 = arith.constant 4 : i32
          %get3A_994 = arith.index_cast %get3A_993 : i32 to index
          %get3A_995 = arith.index_cast %add3A_992 : i32 to index
          %get3A_996 = arith.constant 32 : index
          %get3A_997 = tpu.vector_load %arg6[%get3A_994, %get3A_995, %get3A_996] {strides = array<i32>} : memref<6x200x64xf32, #tpu.memory_space<vmem>>, vector<1x1x16xf32>,
          %get3A_998 = vector.shape_cast %get3A_997 : vector<1x1x16xf32> to vector<16xf32>
          %add3A_999 = arith.constant 2 : i32
          %add3A_1000 = arith.addi %mul3A_839, %add3A_999 : i32
          %get3A_1001 = arith.constant 4 : i32
          %get3A_1002 = arith.index_cast %get3A_1001 : i32 to index
          %get3A_1003 = arith.index_cast %add3A_1000 : i32 to index
          %get3A_1004 = arith.constant 32 : index
          %get3A_1005 = tpu.vector_load %arg6[%get3A_1002, %get3A_1003, %get3A_1004] {strides = array<i32>} : memref<6x200x64xf32, #tpu.memory_space<vmem>>, vector<1x1x16xf32>,
          %get3A_1006 = vector.shape_cast %get3A_1005 : vector<1x1x16xf32> to vector<16xf32>
          %add3A_1007 = arith.constant 3 : i32
          %add3A_1008 = arith.addi %mul3A_839, %add3A_1007 : i32
          %get3A_1009 = arith.constant 4 : i32
          %get3A_1010 = arith.index_cast %get3A_1009 : i32 to index
          %get3A_1011 = arith.index_cast %add3A_1008 : i32 to index
          %get3A_1012 = arith.constant 32 : index
          %get3A_1013 = tpu.vector_load %arg6[%get3A_1010, %get3A_1011, %get3A_1012] {strides = array<i32>} : memref<6x200x64xf32, #tpu.memory_space<vmem>>, vector<1x1x16xf32>,
          %get3A_1014 = vector.shape_cast %get3A_1013 : vector<1x1x16xf32> to vector<16xf32>
          %add3A_1015 = arith.constant 4 : i32
          %add3A_1016 = arith.addi %mul3A_839, %add3A_1015 : i32
          %get3A_1017 = arith.constant 4 : i32
          %get3A_1018 = arith.index_cast %get3A_1017 : i32 to index
          %get3A_1019 = arith.index_cast %add3A_1016 : i32 to index
          %get3A_1020 = arith.constant 32 : index
          %get3A_1021 = tpu.vector_load %arg6[%get3A_1018, %get3A_1019, %get3A_1020] {strides = array<i32>} : memref<6x200x64xf32, #tpu.memory_space<vmem>>, vector<1x1x16xf32>,
          %get3A_1022 = vector.shape_cast %get3A_1021 : vector<1x1x16xf32> to vector<16xf32>
          %add3A_1023 = arith.constant 5 : i32
          %add3A_1024 = arith.addi %mul3A_839, %add3A_1023 : i32
          %get3A_1025 = arith.constant 4 : i32
          %get3A_1026 = arith.index_cast %get3A_1025 : i32 to index
          %get3A_1027 = arith.index_cast %add3A_1024 : i32 to index
          %get3A_1028 = arith.constant 32 : index
          %get3A_1029 = tpu.vector_load %arg6[%get3A_1026, %get3A_1027, %get3A_1028] {strides = array<i32>} : memref<6x200x64xf32, #tpu.memory_space<vmem>>, vector<1x1x16xf32>,
          %get3A_1030 = vector.shape_cast %get3A_1029 : vector<1x1x16xf32> to vector<16xf32>
          %add3A_1031 = arith.constant 6 : i32
          %add3A_1032 = arith.addi %mul3A_839, %add3A_1031 : i32
          %get3A_1033 = arith.constant 4 : i32
          %get3A_1034 = arith.index_cast %get3A_1033 : i32 to index
          %get3A_1035 = arith.index_cast %add3A_1032 : i32 to index
          %get3A_1036 = arith.constant 32 : index
          %get3A_1037 = tpu.vector_load %arg6[%get3A_1034, %get3A_1035, %get3A_1036] {strides = array<i32>} : memref<6x200x64xf32, #tpu.memory_space<vmem>>, vector<1x1x16xf32>,
          %get3A_1038 = vector.shape_cast %get3A_1037 : vector<1x1x16xf32> to vector<16xf32>
          %add3A_1039 = arith.constant 7 : i32
          %add3A_1040 = arith.addi %mul3A_839, %add3A_1039 : i32
          %get3A_1041 = arith.constant 4 : i32
          %get3A_1042 = arith.index_cast %get3A_1041 : i32 to index
          %get3A_1043 = arith.index_cast %add3A_1040 : i32 to index
          %get3A_1044 = arith.constant 32 : index
          %get3A_1045 = tpu.vector_load %arg6[%get3A_1042, %get3A_1043, %get3A_1044] {strides = array<i32>} : memref<6x200x64xf32, #tpu.memory_space<vmem>>, vector<1x1x16xf32>,
          %get3A_1046 = vector.shape_cast %get3A_1045 : vector<1x1x16xf32> to vector<16xf32>
          %add3A_1047 = arith.addf %get3A_990, %get3A_998 : vector<16xf32>
          %add3A_1048 = arith.addf %get3A_1006, %get3A_1014 : vector<16xf32>
          %add3A_1049 = arith.addf %add3A_1047, %add3A_1048 : vector<16xf32>
          %add3A_1050 = arith.addf %get3A_1022, %get3A_1030 : vector<16xf32>
          %add3A_1051 = arith.addf %get3A_1038, %get3A_1046 : vector<16xf32>
          %add3A_1052 = arith.addf %add3A_1050, %add3A_1051 : vector<16xf32>
          %add3A_1053 = arith.addf %add3A_1049, %add3A_1052 : vector<16xf32>
          %add3A_1054 = arith.addf %scan3A_836, %add3A_1053 : vector<16xf32>
          %add3A_1055 = arith.constant 0 : i32
          %add3A_1056 = arith.addi %mul3A_839, %add3A_1055 : i32
          %get3A_1057 = arith.constant 4 : i32
          %get3A_1058 = arith.index_cast %get3A_1057 : i32 to index
          %get3A_1059 = arith.index_cast %add3A_1056 : i32 to index
          %get3A_1060 = arith.constant 48 : index
          %get3A_1061 = tpu.vector_load %arg6[%get3A_1058, %get3A_1059, %get3A_1060] {strides = array<i32>} : memref<6x200x64xf32, #tpu.memory_space<vmem>>, vector<1x1x16xf32>,
          %get3A_1062 = vector.shape_cast %get3A_1061 : vector<1x1x16xf32> to vector<16xf32>
          %add3A_1063 = arith.constant 1 : i32
          %add3A_1064 = arith.addi %mul3A_839, %add3A_1063 : i32
          %get3A_1065 = arith.constant 4 : i32
          %get3A_1066 = arith.index_cast %get3A_1065 : i32 to index
          %get3A_1067 = arith.index_cast %add3A_1064 : i32 to index
          %get3A_1068 = arith.constant 48 : index
          %get3A_1069 = tpu.vector_load %arg6[%get3A_1066, %get3A_1067, %get3A_1068] {strides = array<i32>} : memref<6x200x64xf32, #tpu.memory_space<vmem>>, vector<1x1x16xf32>,
          %get3A_1070 = vector.shape_cast %get3A_1069 : vector<1x1x16xf32> to vector<16xf32>
          %add3A_1071 = arith.constant 2 : i32
          %add3A_1072 = arith.addi %mul3A_839, %add3A_1071 : i32
          %get3A_1073 = arith.constant 4 : i32
          %get3A_1074 = arith.index_cast %get3A_1073 : i32 to index
          %get3A_1075 = arith.index_cast %add3A_1072 : i32 to index
          %get3A_1076 = arith.constant 48 : index
          %get3A_1077 = tpu.vector_load %arg6[%get3A_1074, %get3A_1075, %get3A_1076] {strides = array<i32>} : memref<6x200x64xf32, #tpu.memory_space<vmem>>, vector<1x1x16xf32>,
          %get3A_1078 = vector.shape_cast %get3A_1077 : vector<1x1x16xf32> to vector<16xf32>
          %add3A_1079 = arith.constant 3 : i32
          %add3A_1080 = arith.addi %mul3A_839, %add3A_1079 : i32
          %get3A_1081 = arith.constant 4 : i32
          %get3A_1082 = arith.index_cast %get3A_1081 : i32 to index
          %get3A_1083 = arith.index_cast %add3A_1080 : i32 to index
          %get3A_1084 = arith.constant 48 : index
          %get3A_1085 = tpu.vector_load %arg6[%get3A_1082, %get3A_1083, %get3A_1084] {strides = array<i32>} : memref<6x200x64xf32, #tpu.memory_space<vmem>>, vector<1x1x16xf32>,
          %get3A_1086 = vector.shape_cast %get3A_1085 : vector<1x1x16xf32> to vector<16xf32>
          %add3A_1087 = arith.constant 4 : i32
          %add3A_1088 = arith.addi %mul3A_839, %add3A_1087 : i32
          %get3A_1089 = arith.constant 4 : i32
          %get3A_1090 = arith.index_cast %get3A_1089 : i32 to index
          %get3A_1091 = arith.index_cast %add3A_1088 : i32 to index
          %get3A_1092 = arith.constant 48 : index
          %get3A_1093 = tpu.vector_load %arg6[%get3A_1090, %get3A_1091, %get3A_1092] {strides = array<i32>} : memref<6x200x64xf32, #tpu.memory_space<vmem>>, vector<1x1x16xf32>,
          %get3A_1094 = vector.shape_cast %get3A_1093 : vector<1x1x16xf32> to vector<16xf32>
          %add3A_1095 = arith.constant 5 : i32
          %add3A_1096 = arith.addi %mul3A_839, %add3A_1095 : i32
          %get3A_1097 = arith.constant 4 : i32
          %get3A_1098 = arith.index_cast %get3A_1097 : i32 to index
          %get3A_1099 = arith.index_cast %add3A_1096 : i32 to index
          %get3A_1100 = arith.constant 48 : index
          %get3A_1101 = tpu.vector_load %arg6[%get3A_1098, %get3A_1099, %get3A_1100] {strides = array<i32>} : memref<6x200x64xf32, #tpu.memory_space<vmem>>, vector<1x1x16xf32>,
          %get3A_1102 = vector.shape_cast %get3A_1101 : vector<1x1x16xf32> to vector<16xf32>
          %add3A_1103 = arith.constant 6 : i32
          %add3A_1104 = arith.addi %mul3A_839, %add3A_1103 : i32
          %get3A_1105 = arith.constant 4 : i32
          %get3A_1106 = arith.index_cast %get3A_1105 : i32 to index
          %get3A_1107 = arith.index_cast %add3A_1104 : i32 to index
          %get3A_1108 = arith.constant 48 : index
          %get3A_1109 = tpu.vector_load %arg6[%get3A_1106, %get3A_1107, %get3A_1108] {strides = array<i32>} : memref<6x200x64xf32, #tpu.memory_space<vmem>>, vector<1x1x16xf32>,
          %get3A_1110 = vector.shape_cast %get3A_1109 : vector<1x1x16xf32> to vector<16xf32>
          %add3A_1111 = arith.constant 7 : i32
          %add3A_1112 = arith.addi %mul3A_839, %add3A_1111 : i32
          %get3A_1113 = arith.constant 4 : i32
          %get3A_1114 = arith.index_cast %get3A_1113 : i32 to index
          %get3A_1115 = arith.index_cast %add3A_1112 : i32 to index
          %get3A_1116 = arith.constant 48 : index
          %get3A_1117 = tpu.vector_load %arg6[%get3A_1114, %get3A_1115, %get3A_1116] {strides = array<i32>} : memref<6x200x64xf32, #tpu.memory_space<vmem>>, vector<1x1x16xf32>,
          %get3A_1118 = vector.shape_cast %get3A_1117 : vector<1x1x16xf32> to vector<16xf32>
          %add3A_1119 = arith.addf %get3A_1062, %get3A_1070 : vector<16xf32>
          %add3A_1120 = arith.addf %get3A_1078, %get3A_1086 : vector<16xf32>
          %add3A_1121 = arith.addf %add3A_1119, %add3A_1120 : vector<16xf32>
          %add3A_1122 = arith.addf %get3A_1094, %get3A_1102 : vector<16xf32>
          %add3A_1123 = arith.addf %get3A_1110, %get3A_1118 : vector<16xf32>
          %add3A_1124 = arith.addf %add3A_1122, %add3A_1123 : vector<16xf32>
          %add3A_1125 = arith.addf %add3A_1121, %add3A_1124 : vector<16xf32>
          %add3A_1126 = arith.addf %scan3A_837, %add3A_1125 : vector<16xf32>
          scf.yield %add3A_910, %add3A_982, %add3A_1054, %add3A_1126 : vector<16xf32>, vector<16xf32>, vector<16xf32>, vector<16xf32>
        }
        %scan3A_710 = arith.constant 25 : i32
        %mul3A_711 = arith.constant 5.000000e-03 : f32
        %mul3A_712 = vector.broadcast %mul3A_711 : f32 to vector<16xf32>
        %mul3A_713 = arith.mulf %scan3A_709#0, %mul3A_712 : vector<16xf32>
        %swap3A_714 = arith.index_cast %add3A_696 : i32 to index
        %swap3A_715 = arith.constant 0 : index
        %swap3A_716 = tpu.vector_load %arg7[%swap3A_714, %swap3A_715] {strides = array<i32>} : memref<128x64xf32, #tpu.memory_space<vmem>>, vector<1x16xf32>,
        %swap3A_717 = vector.shape_cast %swap3A_716 : vector<1x16xf32> to vector<16xf32>
        %swap3A_718 = vector.shape_cast %mul3A_713 : vector<16xf32> to vector<1x16xf32>
        tpu.vector_store %arg7[%swap3A_714, %swap3A_715], %swap3A_718 {strides = array<i32>} : memref<128x64xf32, #tpu.memory_space<vmem>>, vector<1x16xf32>,
        %mul3A_719 = arith.constant 5.000000e-03 : f32
        %mul3A_720 = vector.broadcast %mul3A_719 : f32 to vector<16xf32>
        %mul3A_721 = arith.mulf %scan3A_709#1, %mul3A_720 : vector<16xf32>
        %swap3A_722 = arith.index_cast %add3A_696 : i32 to index
        %swap3A_723 = arith.constant 16 : index
        %swap3A_724 = tpu.vector_load %arg7[%swap3A_722, %swap3A_723] {strides = array<i32>} : memref<128x64xf32, #tpu.memory_space<vmem>>, vector<1x16xf32>,
        %swap3A_725 = vector.shape_cast %swap3A_724 : vector<1x16xf32> to vector<16xf32>
        %swap3A_726 = vector.shape_cast %mul3A_721 : vector<16xf32> to vector<1x16xf32>
        tpu.vector_store %arg7[%swap3A_722, %swap3A_723], %swap3A_726 {strides = array<i32>} : memref<128x64xf32, #tpu.memory_space<vmem>>, vector<1x16xf32>,
        %mul3A_727 = arith.constant 5.000000e-03 : f32
        %mul3A_728 = vector.broadcast %mul3A_727 : f32 to vector<16xf32>
        %mul3A_729 = arith.mulf %scan3A_709#2, %mul3A_728 : vector<16xf32>
        %swap3A_730 = arith.index_cast %add3A_696 : i32 to index
        %swap3A_731 = arith.constant 32 : index
        %swap3A_732 = tpu.vector_load %arg7[%swap3A_730, %swap3A_731] {strides = array<i32>} : memref<128x64xf32, #tpu.memory_space<vmem>>, vector<1x16xf32>,
        %swap3A_733 = vector.shape_cast %swap3A_732 : vector<1x16xf32> to vector<16xf32>
        %swap3A_734 = vector.shape_cast %mul3A_729 : vector<16xf32> to vector<1x16xf32>
        tpu.vector_store %arg7[%swap3A_730, %swap3A_731], %swap3A_734 {strides = array<i32>} : memref<128x64xf32, #tpu.memory_space<vmem>>, vector<1x16xf32>,
        %mul3A_735 = arith.constant 5.000000e-03 : f32
        %mul3A_736 = vector.broadcast %mul3A_735 : f32 to vector<16xf32>
        %mul3A_737 = arith.mulf %scan3A_709#3, %mul3A_736 : vector<16xf32>
        %swap3A_738 = arith.index_cast %add3A_696 : i32 to index
        %swap3A_739 = arith.constant 48 : index
        %swap3A_740 = tpu.vector_load %arg7[%swap3A_738, %swap3A_739] {strides = array<i32>} : memref<128x64xf32, #tpu.memory_space<vmem>>, vector<1x16xf32>,
        %swap3A_741 = vector.shape_cast %swap3A_740 : vector<1x16xf32> to vector<16xf32>
        %swap3A_742 = vector.shape_cast %mul3A_737 : vector<16xf32> to vector<1x16xf32>
        tpu.vector_store %arg7[%swap3A_738, %swap3A_739], %swap3A_742 {strides = array<i32>} : memref<128x64xf32, #tpu.memory_space<vmem>>, vector<1x16xf32>,
        %add3A_743 = arith.constant 5 : i32
        %add3A_744 = arith.addi %mul3A_301, %add3A_743 : i32
        %add3A_745 = arith.constant 6 : i32
        %add3A_746 = arith.addi %add3A_744, %add3A_745 : i32
        %sub3A_747 = arith.constant 1 : i32
        %sub3A_748 = arith.subi %add3A_746, %sub3A_747 : i32
        %lt3A_749 = arith.constant 128 : i32
        %lt3A_750 = arith.cmpi slt, %sub3A_748, %lt3A_749 : i32
        %convert_element_type3A_751 = arith.extui %lt3A_750 : i1 to i32
        %cond3A_752 = arith.constant 0 : i32
        %cond3A_753 = arith.cmpi ne, %convert_element_type3A_751, %cond3A_752 : i32
        scf.if %cond3A_753 {
          %dma_start3A_833 = arith.constant 4 : i32
          %dma_start3A_834 = arith.constant 0 : i32
          %dma_start3A_835 = arith.constant 0 : i32
          %dma_start3A_836 = tpu.memref_slice %arg6[%dma_start3A_833, %dma_start3A_834, %dma_start3A_835] : memref<6x200x64xf32, #tpu.memory_space<vmem>> -> memref<1x104x64xf32, #tpu.memory_space<vmem>>
          %dma_start3A_837 = tpu.memref_squeeze %dma_start3A_836 : memref<1x104x64xf32, #tpu.memory_space<vmem>> -> memref<104x64xf32, #tpu.memory_space<vmem>>
          %dma_start3A_838 = arith.constant 0 : i32
          %dma_start3A_839 = tpu.memref_slice %arg5[%sub3A_748, %dma_start3A_838] : memref<128x200xi32, #tpu.memory_space<vmem>> -> memref<1x104xi32, #tpu.memory_space<vmem>>
          %dma_start3A_840 = tpu.memref_squeeze %dma_start3A_839 : memref<1x104xi32, #tpu.memory_space<vmem>> -> memref<104xi32, #tpu.memory_space<vmem>>
          %dma_start3A_841 = arith.constant 0 : i32
          %dma_start3A_842 = arith.constant 0 : i32
          %dma_start3A_843 = tpu.memref_slice %arg3[%dma_start3A_841, %dma_start3A_842] : memref<1000000x64xf32, #tpu.memory_space<hbm>> -> memref<1000000x64xf32, #tpu.memory_space<hbm>>
          tpu.enqueue_indirect_dma source(%dma_start3A_843 : memref<1000000x64xf32, #tpu.memory_space<hbm>>) target(%dma_start3A_837 : memref<104x64xf32, #tpu.memory_space<vmem>>) offsets(%dma_start3A_840 : memref<104xi32, #tpu.memory_space<vmem>>) semaphore(%arg12 : memref<!tpu.dma_semaphore, #tpu.memory_space<semaphore_mem>>)
          %dma_start3A_844 = arith.constant 4 : i32
          %dma_start3A_845 = arith.constant 104 : i32
          %dma_start3A_846 = arith.constant 0 : i32
          %dma_start3A_847 = tpu.memref_slice %arg6[%dma_start3A_844, %dma_start3A_845, %dma_start3A_846] : memref<6x200x64xf32, #tpu.memory_space<vmem>> -> memref<1x96x64xf32, #tpu.memory_space<vmem>>
          %dma_start3A_848 = tpu.memref_squeeze %dma_start3A_847 : memref<1x96x64xf32, #tpu.memory_space<vmem>> -> memref<96x64xf32, #tpu.memory_space<vmem>>
          %dma_start3A_849 = arith.constant 104 : i32
          %dma_start3A_850 = tpu.memref_slice %arg5[%sub3A_748, %dma_start3A_849] : memref<128x200xi32, #tpu.memory_space<vmem>> -> memref<1x96xi32, #tpu.memory_space<vmem>>
          %dma_start3A_851 = tpu.memref_squeeze %dma_start3A_850 : memref<1x96xi32, #tpu.memory_space<vmem>> -> memref<96xi32, #tpu.memory_space<vmem>>
          %dma_start3A_852 = arith.constant 0 : i32
          %dma_start3A_853 = arith.constant 0 : i32
          %dma_start3A_854 = tpu.memref_slice %arg3[%dma_start3A_852, %dma_start3A_853] : memref<1000000x64xf32, #tpu.memory_space<hbm>> -> memref<1000000x64xf32, #tpu.memory_space<hbm>>
          tpu.enqueue_indirect_dma source(%dma_start3A_854 : memref<1000000x64xf32, #tpu.memory_space<hbm>>) target(%dma_start3A_848 : memref<96x64xf32, #tpu.memory_space<vmem>>) offsets(%dma_start3A_851 : memref<96xi32, #tpu.memory_space<vmem>>) semaphore(%arg12 : memref<!tpu.dma_semaphore, #tpu.memory_space<semaphore_mem>>)
        } else {
        }
        %dma_wait3A_754 = arith.constant 5 : i32
        %dma_wait3A_755 = arith.constant 0 : i32
        %dma_wait3A_756 = arith.constant 0 : i32
        %dma_wait3A_757 = tpu.memref_slice %arg6[%dma_wait3A_754, %dma_wait3A_755, %dma_wait3A_756] : memref<6x200x64xf32, #tpu.memory_space<vmem>> -> memref<1x104x64xf32, #tpu.memory_space<vmem>>
        %dma_wait3A_758 = tpu.memref_squeeze %dma_wait3A_757 : memref<1x104x64xf32, #tpu.memory_space<vmem>> -> memref<104x64xf32, #tpu.memory_space<vmem>>
        %dma_wait3A_759 = arith.constant 0 : i32
        %dma_wait3A_760 = arith.constant 0 : i32
        %dma_wait3A_761 = tpu.memref_slice %arg3[%dma_wait3A_759, %dma_wait3A_760] : memref<1000000x64xf32, #tpu.memory_space<hbm>> -> memref<104x64xf32, #tpu.memory_space<hbm>>
        %dma_wait3A_762 = arith.constant 0 : i32
        %dma_wait3A_763 = arith.constant 0 : i32
        %dma_wait3A_764 = tpu.memref_slice %arg6[%dma_wait3A_754, %dma_wait3A_762, %dma_wait3A_763] : memref<6x200x64xf32, #tpu.memory_space<vmem>> -> memref<1x104x64xf32, #tpu.memory_space<vmem>>
        %dma_wait3A_765 = tpu.memref_squeeze %dma_wait3A_764 : memref<1x104x64xf32, #tpu.memory_space<vmem>> -> memref<104x64xf32, #tpu.memory_space<vmem>>
        %dma_wait3A_766 = arith.constant 0 : i32
        %dma_wait3A_767 = arith.constant 0 : i32
        %dma_wait3A_768 = tpu.memref_slice %arg3[%dma_wait3A_766, %dma_wait3A_767] : memref<1000000x64xf32, #tpu.memory_space<hbm>> -> memref<104x64xf32, #tpu.memory_space<hbm>>
        tpu.wait_dma2 semaphore(%arg13 : memref<!tpu.dma_semaphore, #tpu.memory_space<semaphore_mem>>) src(%dma_wait3A_768 : memref<104x64xf32, #tpu.memory_space<hbm>>) dst(%dma_wait3A_765 : memref<104x64xf32, #tpu.memory_space<vmem>>)
        %dma_wait3A_769 = arith.constant 5 : i32
        %dma_wait3A_770 = arith.constant 104 : i32
        %dma_wait3A_771 = arith.constant 0 : i32
        %dma_wait3A_772 = tpu.memref_slice %arg6[%dma_wait3A_769, %dma_wait3A_770, %dma_wait3A_771] : memref<6x200x64xf32, #tpu.memory_space<vmem>> -> memref<1x96x64xf32, #tpu.memory_space<vmem>>
        %dma_wait3A_773 = tpu.memref_squeeze %dma_wait3A_772 : memref<1x96x64xf32, #tpu.memory_space<vmem>> -> memref<96x64xf32, #tpu.memory_space<vmem>>
        %dma_wait3A_774 = arith.constant 0 : i32
        %dma_wait3A_775 = arith.constant 0 : i32
        %dma_wait3A_776 = tpu.memref_slice %arg3[%dma_wait3A_774, %dma_wait3A_775] : memref<1000000x64xf32, #tpu.memory_space<hbm>> -> memref<96x64xf32, #tpu.memory_space<hbm>>
        %dma_wait3A_777 = arith.constant 104 : i32
        %dma_wait3A_778 = arith.constant 0 : i32
        %dma_wait3A_779 = tpu.memref_slice %arg6[%dma_wait3A_769, %dma_wait3A_777, %dma_wait3A_778] : memref<6x200x64xf32, #tpu.memory_space<vmem>> -> memref<1x96x64xf32, #tpu.memory_space<vmem>>
        %dma_wait3A_780 = tpu.memref_squeeze %dma_wait3A_779 : memref<1x96x64xf32, #tpu.memory_space<vmem>> -> memref<96x64xf32, #tpu.memory_space<vmem>>
        %dma_wait3A_781 = arith.constant 0 : i32
        %dma_wait3A_782 = arith.constant 0 : i32
        %dma_wait3A_783 = tpu.memref_slice %arg3[%dma_wait3A_781, %dma_wait3A_782] : memref<1000000x64xf32, #tpu.memory_space<hbm>> -> memref<96x64xf32, #tpu.memory_space<hbm>>
        tpu.wait_dma2 semaphore(%arg13 : memref<!tpu.dma_semaphore, #tpu.memory_space<semaphore_mem>>) src(%dma_wait3A_783 : memref<96x64xf32, #tpu.memory_space<hbm>>) dst(%dma_wait3A_780 : memref<96x64xf32, #tpu.memory_space<vmem>>)
        %add3A_784 = arith.constant 5 : i32
        %add3A_785 = arith.addi %mul3A_301, %add3A_784 : i32
        %broadcast_in_dim3A_786 = arith.constant 0.000000e+00 : f32
        %broadcast_in_dim3A_787 = vector.broadcast %broadcast_in_dim3A_786 : f32 to vector<16xf32>
        %broadcast_in_dim3A_788 = arith.constant 0.000000e+00 : f32
        %broadcast_in_dim3A_789 = vector.broadcast %broadcast_in_dim3A_788 : f32 to vector<16xf32>
        %broadcast_in_dim3A_790 = arith.constant 0.000000e+00 : f32
        %broadcast_in_dim3A_791 = vector.broadcast %broadcast_in_dim3A_790 : f32 to vector<16xf32>
        %broadcast_in_dim3A_792 = arith.constant 0.000000e+00 : f32
        %broadcast_in_dim3A_793 = vector.broadcast %broadcast_in_dim3A_792 : f32 to vector<16xf32>
        %scan3A_794 = arith.constant 0 : i32
        %scan3A_795 = arith.constant 25 : i32
        %scan3A_796 = arith.addi %scan3A_794, %scan3A_795 : i32
        %scan3A_797 = arith.constant 1 : i32
        %scan3A_798:4 = scf.for %scan3A_833 = %scan3A_794 to %scan3A_796 step %scan3A_797 iter_args(%scan3A_834 = %broadcast_in_dim3A_787, %scan3A_835 = %broadcast_in_dim3A_789, %scan3A_836 = %broadcast_in_dim3A_791, %scan3A_837 = %broadcast_in_dim3A_793) -> (vector<16xf32>, vector<16xf32>, vector<16xf32>, vector<16xf32>)  : i32 {
          %mul3A_838 = arith.constant 8 : i32
          %mul3A_839 = arith.muli %scan3A_833, %mul3A_838 : i32
          %add3A_840 = arith.constant 0 : i32
          %add3A_841 = arith.addi %mul3A_839, %add3A_840 : i32
          %get3A = arith.constant 5 : i32
          %get3A_842 = arith.index_cast %get3A : i32 to index
          %get3A_843 = arith.index_cast %add3A_841 : i32 to index
          %get3A_844 = arith.constant 0 : index
          %get3A_845 = tpu.vector_load %arg6[%get3A_842, %get3A_843, %get3A_844] {strides = array<i32>} : memref<6x200x64xf32, #tpu.memory_space<vmem>>, vector<1x1x16xf32>,
          %get3A_846 = vector.shape_cast %get3A_845 : vector<1x1x16xf32> to vector<16xf32>
          %add3A_847 = arith.constant 1 : i32
          %add3A_848 = arith.addi %mul3A_839, %add3A_847 : i32
          %get3A_849 = arith.constant 5 : i32
          %get3A_850 = arith.index_cast %get3A_849 : i32 to index
          %get3A_851 = arith.index_cast %add3A_848 : i32 to index
          %get3A_852 = arith.constant 0 : index
          %get3A_853 = tpu.vector_load %arg6[%get3A_850, %get3A_851, %get3A_852] {strides = array<i32>} : memref<6x200x64xf32, #tpu.memory_space<vmem>>, vector<1x1x16xf32>,
          %get3A_854 = vector.shape_cast %get3A_853 : vector<1x1x16xf32> to vector<16xf32>
          %add3A_855 = arith.constant 2 : i32
          %add3A_856 = arith.addi %mul3A_839, %add3A_855 : i32
          %get3A_857 = arith.constant 5 : i32
          %get3A_858 = arith.index_cast %get3A_857 : i32 to index
          %get3A_859 = arith.index_cast %add3A_856 : i32 to index
          %get3A_860 = arith.constant 0 : index
          %get3A_861 = tpu.vector_load %arg6[%get3A_858, %get3A_859, %get3A_860] {strides = array<i32>} : memref<6x200x64xf32, #tpu.memory_space<vmem>>, vector<1x1x16xf32>,
          %get3A_862 = vector.shape_cast %get3A_861 : vector<1x1x16xf32> to vector<16xf32>
          %add3A_863 = arith.constant 3 : i32
          %add3A_864 = arith.addi %mul3A_839, %add3A_863 : i32
          %get3A_865 = arith.constant 5 : i32
          %get3A_866 = arith.index_cast %get3A_865 : i32 to index
          %get3A_867 = arith.index_cast %add3A_864 : i32 to index
          %get3A_868 = arith.constant 0 : index
          %get3A_869 = tpu.vector_load %arg6[%get3A_866, %get3A_867, %get3A_868] {strides = array<i32>} : memref<6x200x64xf32, #tpu.memory_space<vmem>>, vector<1x1x16xf32>,
          %get3A_870 = vector.shape_cast %get3A_869 : vector<1x1x16xf32> to vector<16xf32>
          %add3A_871 = arith.constant 4 : i32
          %add3A_872 = arith.addi %mul3A_839, %add3A_871 : i32
          %get3A_873 = arith.constant 5 : i32
          %get3A_874 = arith.index_cast %get3A_873 : i32 to index
          %get3A_875 = arith.index_cast %add3A_872 : i32 to index
          %get3A_876 = arith.constant 0 : index
          %get3A_877 = tpu.vector_load %arg6[%get3A_874, %get3A_875, %get3A_876] {strides = array<i32>} : memref<6x200x64xf32, #tpu.memory_space<vmem>>, vector<1x1x16xf32>,
          %get3A_878 = vector.shape_cast %get3A_877 : vector<1x1x16xf32> to vector<16xf32>
          %add3A_879 = arith.constant 5 : i32
          %add3A_880 = arith.addi %mul3A_839, %add3A_879 : i32
          %get3A_881 = arith.constant 5 : i32
          %get3A_882 = arith.index_cast %get3A_881 : i32 to index
          %get3A_883 = arith.index_cast %add3A_880 : i32 to index
          %get3A_884 = arith.constant 0 : index
          %get3A_885 = tpu.vector_load %arg6[%get3A_882, %get3A_883, %get3A_884] {strides = array<i32>} : memref<6x200x64xf32, #tpu.memory_space<vmem>>, vector<1x1x16xf32>,
          %get3A_886 = vector.shape_cast %get3A_885 : vector<1x1x16xf32> to vector<16xf32>
          %add3A_887 = arith.constant 6 : i32
          %add3A_888 = arith.addi %mul3A_839, %add3A_887 : i32
          %get3A_889 = arith.constant 5 : i32
          %get3A_890 = arith.index_cast %get3A_889 : i32 to index
          %get3A_891 = arith.index_cast %add3A_888 : i32 to index
          %get3A_892 = arith.constant 0 : index
          %get3A_893 = tpu.vector_load %arg6[%get3A_890, %get3A_891, %get3A_892] {strides = array<i32>} : memref<6x200x64xf32, #tpu.memory_space<vmem>>, vector<1x1x16xf32>,
          %get3A_894 = vector.shape_cast %get3A_893 : vector<1x1x16xf32> to vector<16xf32>
          %add3A_895 = arith.constant 7 : i32
          %add3A_896 = arith.addi %mul3A_839, %add3A_895 : i32
          %get3A_897 = arith.constant 5 : i32
          %get3A_898 = arith.index_cast %get3A_897 : i32 to index
          %get3A_899 = arith.index_cast %add3A_896 : i32 to index
          %get3A_900 = arith.constant 0 : index
          %get3A_901 = tpu.vector_load %arg6[%get3A_898, %get3A_899, %get3A_900] {strides = array<i32>} : memref<6x200x64xf32, #tpu.memory_space<vmem>>, vector<1x1x16xf32>,
          %get3A_902 = vector.shape_cast %get3A_901 : vector<1x1x16xf32> to vector<16xf32>
          %add3A_903 = arith.addf %get3A_846, %get3A_854 : vector<16xf32>
          %add3A_904 = arith.addf %get3A_862, %get3A_870 : vector<16xf32>
          %add3A_905 = arith.addf %add3A_903, %add3A_904 : vector<16xf32>
          %add3A_906 = arith.addf %get3A_878, %get3A_886 : vector<16xf32>
          %add3A_907 = arith.addf %get3A_894, %get3A_902 : vector<16xf32>
          %add3A_908 = arith.addf %add3A_906, %add3A_907 : vector<16xf32>
          %add3A_909 = arith.addf %add3A_905, %add3A_908 : vector<16xf32>
          %add3A_910 = arith.addf %scan3A_834, %add3A_909 : vector<16xf32>
          %add3A_911 = arith.constant 0 : i32
          %add3A_912 = arith.addi %mul3A_839, %add3A_911 : i32
          %get3A_913 = arith.constant 5 : i32
          %get3A_914 = arith.index_cast %get3A_913 : i32 to index
          %get3A_915 = arith.index_cast %add3A_912 : i32 to index
          %get3A_916 = arith.constant 16 : index
          %get3A_917 = tpu.vector_load %arg6[%get3A_914, %get3A_915, %get3A_916] {strides = array<i32>} : memref<6x200x64xf32, #tpu.memory_space<vmem>>, vector<1x1x16xf32>,
          %get3A_918 = vector.shape_cast %get3A_917 : vector<1x1x16xf32> to vector<16xf32>
          %add3A_919 = arith.constant 1 : i32
          %add3A_920 = arith.addi %mul3A_839, %add3A_919 : i32
          %get3A_921 = arith.constant 5 : i32
          %get3A_922 = arith.index_cast %get3A_921 : i32 to index
          %get3A_923 = arith.index_cast %add3A_920 : i32 to index
          %get3A_924 = arith.constant 16 : index
          %get3A_925 = tpu.vector_load %arg6[%get3A_922, %get3A_923, %get3A_924] {strides = array<i32>} : memref<6x200x64xf32, #tpu.memory_space<vmem>>, vector<1x1x16xf32>,
          %get3A_926 = vector.shape_cast %get3A_925 : vector<1x1x16xf32> to vector<16xf32>
          %add3A_927 = arith.constant 2 : i32
          %add3A_928 = arith.addi %mul3A_839, %add3A_927 : i32
          %get3A_929 = arith.constant 5 : i32
          %get3A_930 = arith.index_cast %get3A_929 : i32 to index
          %get3A_931 = arith.index_cast %add3A_928 : i32 to index
          %get3A_932 = arith.constant 16 : index
          %get3A_933 = tpu.vector_load %arg6[%get3A_930, %get3A_931, %get3A_932] {strides = array<i32>} : memref<6x200x64xf32, #tpu.memory_space<vmem>>, vector<1x1x16xf32>,
          %get3A_934 = vector.shape_cast %get3A_933 : vector<1x1x16xf32> to vector<16xf32>
          %add3A_935 = arith.constant 3 : i32
          %add3A_936 = arith.addi %mul3A_839, %add3A_935 : i32
          %get3A_937 = arith.constant 5 : i32
          %get3A_938 = arith.index_cast %get3A_937 : i32 to index
          %get3A_939 = arith.index_cast %add3A_936 : i32 to index
          %get3A_940 = arith.constant 16 : index
          %get3A_941 = tpu.vector_load %arg6[%get3A_938, %get3A_939, %get3A_940] {strides = array<i32>} : memref<6x200x64xf32, #tpu.memory_space<vmem>>, vector<1x1x16xf32>,
          %get3A_942 = vector.shape_cast %get3A_941 : vector<1x1x16xf32> to vector<16xf32>
          %add3A_943 = arith.constant 4 : i32
          %add3A_944 = arith.addi %mul3A_839, %add3A_943 : i32
          %get3A_945 = arith.constant 5 : i32
          %get3A_946 = arith.index_cast %get3A_945 : i32 to index
          %get3A_947 = arith.index_cast %add3A_944 : i32 to index
          %get3A_948 = arith.constant 16 : index
          %get3A_949 = tpu.vector_load %arg6[%get3A_946, %get3A_947, %get3A_948] {strides = array<i32>} : memref<6x200x64xf32, #tpu.memory_space<vmem>>, vector<1x1x16xf32>,
          %get3A_950 = vector.shape_cast %get3A_949 : vector<1x1x16xf32> to vector<16xf32>
          %add3A_951 = arith.constant 5 : i32
          %add3A_952 = arith.addi %mul3A_839, %add3A_951 : i32
          %get3A_953 = arith.constant 5 : i32
          %get3A_954 = arith.index_cast %get3A_953 : i32 to index
          %get3A_955 = arith.index_cast %add3A_952 : i32 to index
          %get3A_956 = arith.constant 16 : index
          %get3A_957 = tpu.vector_load %arg6[%get3A_954, %get3A_955, %get3A_956] {strides = array<i32>} : memref<6x200x64xf32, #tpu.memory_space<vmem>>, vector<1x1x16xf32>,
          %get3A_958 = vector.shape_cast %get3A_957 : vector<1x1x16xf32> to vector<16xf32>
          %add3A_959 = arith.constant 6 : i32
          %add3A_960 = arith.addi %mul3A_839, %add3A_959 : i32
          %get3A_961 = arith.constant 5 : i32
          %get3A_962 = arith.index_cast %get3A_961 : i32 to index
          %get3A_963 = arith.index_cast %add3A_960 : i32 to index
          %get3A_964 = arith.constant 16 : index
          %get3A_965 = tpu.vector_load %arg6[%get3A_962, %get3A_963, %get3A_964] {strides = array<i32>} : memref<6x200x64xf32, #tpu.memory_space<vmem>>, vector<1x1x16xf32>,
          %get3A_966 = vector.shape_cast %get3A_965 : vector<1x1x16xf32> to vector<16xf32>
          %add3A_967 = arith.constant 7 : i32
          %add3A_968 = arith.addi %mul3A_839, %add3A_967 : i32
          %get3A_969 = arith.constant 5 : i32
          %get3A_970 = arith.index_cast %get3A_969 : i32 to index
          %get3A_971 = arith.index_cast %add3A_968 : i32 to index
          %get3A_972 = arith.constant 16 : index
          %get3A_973 = tpu.vector_load %arg6[%get3A_970, %get3A_971, %get3A_972] {strides = array<i32>} : memref<6x200x64xf32, #tpu.memory_space<vmem>>, vector<1x1x16xf32>,
          %get3A_974 = vector.shape_cast %get3A_973 : vector<1x1x16xf32> to vector<16xf32>
          %add3A_975 = arith.addf %get3A_918, %get3A_926 : vector<16xf32>
          %add3A_976 = arith.addf %get3A_934, %get3A_942 : vector<16xf32>
          %add3A_977 = arith.addf %add3A_975, %add3A_976 : vector<16xf32>
          %add3A_978 = arith.addf %get3A_950, %get3A_958 : vector<16xf32>
          %add3A_979 = arith.addf %get3A_966, %get3A_974 : vector<16xf32>
          %add3A_980 = arith.addf %add3A_978, %add3A_979 : vector<16xf32>
          %add3A_981 = arith.addf %add3A_977, %add3A_980 : vector<16xf32>
          %add3A_982 = arith.addf %scan3A_835, %add3A_981 : vector<16xf32>
          %add3A_983 = arith.constant 0 : i32
          %add3A_984 = arith.addi %mul3A_839, %add3A_983 : i32
          %get3A_985 = arith.constant 5 : i32
          %get3A_986 = arith.index_cast %get3A_985 : i32 to index
          %get3A_987 = arith.index_cast %add3A_984 : i32 to index
          %get3A_988 = arith.constant 32 : index
          %get3A_989 = tpu.vector_load %arg6[%get3A_986, %get3A_987, %get3A_988] {strides = array<i32>} : memref<6x200x64xf32, #tpu.memory_space<vmem>>, vector<1x1x16xf32>,
          %get3A_990 = vector.shape_cast %get3A_989 : vector<1x1x16xf32> to vector<16xf32>
          %add3A_991 = arith.constant 1 : i32
          %add3A_992 = arith.addi %mul3A_839, %add3A_991 : i32
          %get3A_993 = arith.constant 5 : i32
          %get3A_994 = arith.index_cast %get3A_993 : i32 to index
          %get3A_995 = arith.index_cast %add3A_992 : i32 to index
          %get3A_996 = arith.constant 32 : index
          %get3A_997 = tpu.vector_load %arg6[%get3A_994, %get3A_995, %get3A_996] {strides = array<i32>} : memref<6x200x64xf32, #tpu.memory_space<vmem>>, vector<1x1x16xf32>,
          %get3A_998 = vector.shape_cast %get3A_997 : vector<1x1x16xf32> to vector<16xf32>
          %add3A_999 = arith.constant 2 : i32
          %add3A_1000 = arith.addi %mul3A_839, %add3A_999 : i32
          %get3A_1001 = arith.constant 5 : i32
          %get3A_1002 = arith.index_cast %get3A_1001 : i32 to index
          %get3A_1003 = arith.index_cast %add3A_1000 : i32 to index
          %get3A_1004 = arith.constant 32 : index
          %get3A_1005 = tpu.vector_load %arg6[%get3A_1002, %get3A_1003, %get3A_1004] {strides = array<i32>} : memref<6x200x64xf32, #tpu.memory_space<vmem>>, vector<1x1x16xf32>,
          %get3A_1006 = vector.shape_cast %get3A_1005 : vector<1x1x16xf32> to vector<16xf32>
          %add3A_1007 = arith.constant 3 : i32
          %add3A_1008 = arith.addi %mul3A_839, %add3A_1007 : i32
          %get3A_1009 = arith.constant 5 : i32
          %get3A_1010 = arith.index_cast %get3A_1009 : i32 to index
          %get3A_1011 = arith.index_cast %add3A_1008 : i32 to index
          %get3A_1012 = arith.constant 32 : index
          %get3A_1013 = tpu.vector_load %arg6[%get3A_1010, %get3A_1011, %get3A_1012] {strides = array<i32>} : memref<6x200x64xf32, #tpu.memory_space<vmem>>, vector<1x1x16xf32>,
          %get3A_1014 = vector.shape_cast %get3A_1013 : vector<1x1x16xf32> to vector<16xf32>
          %add3A_1015 = arith.constant 4 : i32
          %add3A_1016 = arith.addi %mul3A_839, %add3A_1015 : i32
          %get3A_1017 = arith.constant 5 : i32
          %get3A_1018 = arith.index_cast %get3A_1017 : i32 to index
          %get3A_1019 = arith.index_cast %add3A_1016 : i32 to index
          %get3A_1020 = arith.constant 32 : index
          %get3A_1021 = tpu.vector_load %arg6[%get3A_1018, %get3A_1019, %get3A_1020] {strides = array<i32>} : memref<6x200x64xf32, #tpu.memory_space<vmem>>, vector<1x1x16xf32>,
          %get3A_1022 = vector.shape_cast %get3A_1021 : vector<1x1x16xf32> to vector<16xf32>
          %add3A_1023 = arith.constant 5 : i32
          %add3A_1024 = arith.addi %mul3A_839, %add3A_1023 : i32
          %get3A_1025 = arith.constant 5 : i32
          %get3A_1026 = arith.index_cast %get3A_1025 : i32 to index
          %get3A_1027 = arith.index_cast %add3A_1024 : i32 to index
          %get3A_1028 = arith.constant 32 : index
          %get3A_1029 = tpu.vector_load %arg6[%get3A_1026, %get3A_1027, %get3A_1028] {strides = array<i32>} : memref<6x200x64xf32, #tpu.memory_space<vmem>>, vector<1x1x16xf32>,
          %get3A_1030 = vector.shape_cast %get3A_1029 : vector<1x1x16xf32> to vector<16xf32>
          %add3A_1031 = arith.constant 6 : i32
          %add3A_1032 = arith.addi %mul3A_839, %add3A_1031 : i32
          %get3A_1033 = arith.constant 5 : i32
          %get3A_1034 = arith.index_cast %get3A_1033 : i32 to index
          %get3A_1035 = arith.index_cast %add3A_1032 : i32 to index
          %get3A_1036 = arith.constant 32 : index
          %get3A_1037 = tpu.vector_load %arg6[%get3A_1034, %get3A_1035, %get3A_1036] {strides = array<i32>} : memref<6x200x64xf32, #tpu.memory_space<vmem>>, vector<1x1x16xf32>,
          %get3A_1038 = vector.shape_cast %get3A_1037 : vector<1x1x16xf32> to vector<16xf32>
          %add3A_1039 = arith.constant 7 : i32
          %add3A_1040 = arith.addi %mul3A_839, %add3A_1039 : i32
          %get3A_1041 = arith.constant 5 : i32
          %get3A_1042 = arith.index_cast %get3A_1041 : i32 to index
          %get3A_1043 = arith.index_cast %add3A_1040 : i32 to index
          %get3A_1044 = arith.constant 32 : index
          %get3A_1045 = tpu.vector_load %arg6[%get3A_1042, %get3A_1043, %get3A_1044] {strides = array<i32>} : memref<6x200x64xf32, #tpu.memory_space<vmem>>, vector<1x1x16xf32>,
          %get3A_1046 = vector.shape_cast %get3A_1045 : vector<1x1x16xf32> to vector<16xf32>
          %add3A_1047 = arith.addf %get3A_990, %get3A_998 : vector<16xf32>
          %add3A_1048 = arith.addf %get3A_1006, %get3A_1014 : vector<16xf32>
          %add3A_1049 = arith.addf %add3A_1047, %add3A_1048 : vector<16xf32>
          %add3A_1050 = arith.addf %get3A_1022, %get3A_1030 : vector<16xf32>
          %add3A_1051 = arith.addf %get3A_1038, %get3A_1046 : vector<16xf32>
          %add3A_1052 = arith.addf %add3A_1050, %add3A_1051 : vector<16xf32>
          %add3A_1053 = arith.addf %add3A_1049, %add3A_1052 : vector<16xf32>
          %add3A_1054 = arith.addf %scan3A_836, %add3A_1053 : vector<16xf32>
          %add3A_1055 = arith.constant 0 : i32
          %add3A_1056 = arith.addi %mul3A_839, %add3A_1055 : i32
          %get3A_1057 = arith.constant 5 : i32
          %get3A_1058 = arith.index_cast %get3A_1057 : i32 to index
          %get3A_1059 = arith.index_cast %add3A_1056 : i32 to index
          %get3A_1060 = arith.constant 48 : index
          %get3A_1061 = tpu.vector_load %arg6[%get3A_1058, %get3A_1059, %get3A_1060] {strides = array<i32>} : memref<6x200x64xf32, #tpu.memory_space<vmem>>, vector<1x1x16xf32>,
          %get3A_1062 = vector.shape_cast %get3A_1061 : vector<1x1x16xf32> to vector<16xf32>
          %add3A_1063 = arith.constant 1 : i32
          %add3A_1064 = arith.addi %mul3A_839, %add3A_1063 : i32
          %get3A_1065 = arith.constant 5 : i32
          %get3A_1066 = arith.index_cast %get3A_1065 : i32 to index
          %get3A_1067 = arith.index_cast %add3A_1064 : i32 to index
          %get3A_1068 = arith.constant 48 : index
          %get3A_1069 = tpu.vector_load %arg6[%get3A_1066, %get3A_1067, %get3A_1068] {strides = array<i32>} : memref<6x200x64xf32, #tpu.memory_space<vmem>>, vector<1x1x16xf32>,
          %get3A_1070 = vector.shape_cast %get3A_1069 : vector<1x1x16xf32> to vector<16xf32>
          %add3A_1071 = arith.constant 2 : i32
          %add3A_1072 = arith.addi %mul3A_839, %add3A_1071 : i32
          %get3A_1073 = arith.constant 5 : i32
          %get3A_1074 = arith.index_cast %get3A_1073 : i32 to index
          %get3A_1075 = arith.index_cast %add3A_1072 : i32 to index
          %get3A_1076 = arith.constant 48 : index
          %get3A_1077 = tpu.vector_load %arg6[%get3A_1074, %get3A_1075, %get3A_1076] {strides = array<i32>} : memref<6x200x64xf32, #tpu.memory_space<vmem>>, vector<1x1x16xf32>,
          %get3A_1078 = vector.shape_cast %get3A_1077 : vector<1x1x16xf32> to vector<16xf32>
          %add3A_1079 = arith.constant 3 : i32
          %add3A_1080 = arith.addi %mul3A_839, %add3A_1079 : i32
          %get3A_1081 = arith.constant 5 : i32
          %get3A_1082 = arith.index_cast %get3A_1081 : i32 to index
          %get3A_1083 = arith.index_cast %add3A_1080 : i32 to index
          %get3A_1084 = arith.constant 48 : index
          %get3A_1085 = tpu.vector_load %arg6[%get3A_1082, %get3A_1083, %get3A_1084] {strides = array<i32>} : memref<6x200x64xf32, #tpu.memory_space<vmem>>, vector<1x1x16xf32>,
          %get3A_1086 = vector.shape_cast %get3A_1085 : vector<1x1x16xf32> to vector<16xf32>
          %add3A_1087 = arith.constant 4 : i32
          %add3A_1088 = arith.addi %mul3A_839, %add3A_1087 : i32
          %get3A_1089 = arith.constant 5 : i32
          %get3A_1090 = arith.index_cast %get3A_1089 : i32 to index
          %get3A_1091 = arith.index_cast %add3A_1088 : i32 to index
          %get3A_1092 = arith.constant 48 : index
          %get3A_1093 = tpu.vector_load %arg6[%get3A_1090, %get3A_1091, %get3A_1092] {strides = array<i32>} : memref<6x200x64xf32, #tpu.memory_space<vmem>>, vector<1x1x16xf32>,
          %get3A_1094 = vector.shape_cast %get3A_1093 : vector<1x1x16xf32> to vector<16xf32>
          %add3A_1095 = arith.constant 5 : i32
          %add3A_1096 = arith.addi %mul3A_839, %add3A_1095 : i32
          %get3A_1097 = arith.constant 5 : i32
          %get3A_1098 = arith.index_cast %get3A_1097 : i32 to index
          %get3A_1099 = arith.index_cast %add3A_1096 : i32 to index
          %get3A_1100 = arith.constant 48 : index
          %get3A_1101 = tpu.vector_load %arg6[%get3A_1098, %get3A_1099, %get3A_1100] {strides = array<i32>} : memref<6x200x64xf32, #tpu.memory_space<vmem>>, vector<1x1x16xf32>,
          %get3A_1102 = vector.shape_cast %get3A_1101 : vector<1x1x16xf32> to vector<16xf32>
          %add3A_1103 = arith.constant 6 : i32
          %add3A_1104 = arith.addi %mul3A_839, %add3A_1103 : i32
          %get3A_1105 = arith.constant 5 : i32
          %get3A_1106 = arith.index_cast %get3A_1105 : i32 to index
          %get3A_1107 = arith.index_cast %add3A_1104 : i32 to index
          %get3A_1108 = arith.constant 48 : index
          %get3A_1109 = tpu.vector_load %arg6[%get3A_1106, %get3A_1107, %get3A_1108] {strides = array<i32>} : memref<6x200x64xf32, #tpu.memory_space<vmem>>, vector<1x1x16xf32>,
          %get3A_1110 = vector.shape_cast %get3A_1109 : vector<1x1x16xf32> to vector<16xf32>
          %add3A_1111 = arith.constant 7 : i32
          %add3A_1112 = arith.addi %mul3A_839, %add3A_1111 : i32
          %get3A_1113 = arith.constant 5 : i32
          %get3A_1114 = arith.index_cast %get3A_1113 : i32 to index
          %get3A_1115 = arith.index_cast %add3A_1112 : i32 to index
          %get3A_1116 = arith.constant 48 : index
          %get3A_1117 = tpu.vector_load %arg6[%get3A_1114, %get3A_1115, %get3A_1116] {strides = array<i32>} : memref<6x200x64xf32, #tpu.memory_space<vmem>>, vector<1x1x16xf32>,
          %get3A_1118 = vector.shape_cast %get3A_1117 : vector<1x1x16xf32> to vector<16xf32>
          %add3A_1119 = arith.addf %get3A_1062, %get3A_1070 : vector<16xf32>
          %add3A_1120 = arith.addf %get3A_1078, %get3A_1086 : vector<16xf32>
          %add3A_1121 = arith.addf %add3A_1119, %add3A_1120 : vector<16xf32>
          %add3A_1122 = arith.addf %get3A_1094, %get3A_1102 : vector<16xf32>
          %add3A_1123 = arith.addf %get3A_1110, %get3A_1118 : vector<16xf32>
          %add3A_1124 = arith.addf %add3A_1122, %add3A_1123 : vector<16xf32>
          %add3A_1125 = arith.addf %add3A_1121, %add3A_1124 : vector<16xf32>
          %add3A_1126 = arith.addf %scan3A_837, %add3A_1125 : vector<16xf32>
          scf.yield %add3A_910, %add3A_982, %add3A_1054, %add3A_1126 : vector<16xf32>, vector<16xf32>, vector<16xf32>, vector<16xf32>
        }
        %scan3A_799 = arith.constant 25 : i32
        %mul3A_800 = arith.constant 5.000000e-03 : f32
        %mul3A_801 = vector.broadcast %mul3A_800 : f32 to vector<16xf32>
        %mul3A_802 = arith.mulf %scan3A_798#0, %mul3A_801 : vector<16xf32>
        %swap3A_803 = arith.index_cast %add3A_785 : i32 to index
        %swap3A_804 = arith.constant 0 : index
        %swap3A_805 = tpu.vector_load %arg7[%swap3A_803, %swap3A_804] {strides = array<i32>} : memref<128x64xf32, #tpu.memory_space<vmem>>, vector<1x16xf32>,
        %swap3A_806 = vector.shape_cast %swap3A_805 : vector<1x16xf32> to vector<16xf32>
        %swap3A_807 = vector.shape_cast %mul3A_802 : vector<16xf32> to vector<1x16xf32>
        tpu.vector_store %arg7[%swap3A_803, %swap3A_804], %swap3A_807 {strides = array<i32>} : memref<128x64xf32, #tpu.memory_space<vmem>>, vector<1x16xf32>,
        %mul3A_808 = arith.constant 5.000000e-03 : f32
        %mul3A_809 = vector.broadcast %mul3A_808 : f32 to vector<16xf32>
        %mul3A_810 = arith.mulf %scan3A_798#1, %mul3A_809 : vector<16xf32>
        %swap3A_811 = arith.index_cast %add3A_785 : i32 to index
        %swap3A_812 = arith.constant 16 : index
        %swap3A_813 = tpu.vector_load %arg7[%swap3A_811, %swap3A_812] {strides = array<i32>} : memref<128x64xf32, #tpu.memory_space<vmem>>, vector<1x16xf32>,
        %swap3A_814 = vector.shape_cast %swap3A_813 : vector<1x16xf32> to vector<16xf32>
        %swap3A_815 = vector.shape_cast %mul3A_810 : vector<16xf32> to vector<1x16xf32>
        tpu.vector_store %arg7[%swap3A_811, %swap3A_812], %swap3A_815 {strides = array<i32>} : memref<128x64xf32, #tpu.memory_space<vmem>>, vector<1x16xf32>,
        %mul3A_816 = arith.constant 5.000000e-03 : f32
        %mul3A_817 = vector.broadcast %mul3A_816 : f32 to vector<16xf32>
        %mul3A_818 = arith.mulf %scan3A_798#2, %mul3A_817 : vector<16xf32>
        %swap3A_819 = arith.index_cast %add3A_785 : i32 to index
        %swap3A_820 = arith.constant 32 : index
        %swap3A_821 = tpu.vector_load %arg7[%swap3A_819, %swap3A_820] {strides = array<i32>} : memref<128x64xf32, #tpu.memory_space<vmem>>, vector<1x16xf32>,
        %swap3A_822 = vector.shape_cast %swap3A_821 : vector<1x16xf32> to vector<16xf32>
        %swap3A_823 = vector.shape_cast %mul3A_818 : vector<16xf32> to vector<1x16xf32>
        tpu.vector_store %arg7[%swap3A_819, %swap3A_820], %swap3A_823 {strides = array<i32>} : memref<128x64xf32, #tpu.memory_space<vmem>>, vector<1x16xf32>,
        %mul3A_824 = arith.constant 5.000000e-03 : f32
        %mul3A_825 = vector.broadcast %mul3A_824 : f32 to vector<16xf32>
        %mul3A_826 = arith.mulf %scan3A_798#3, %mul3A_825 : vector<16xf32>
        %swap3A_827 = arith.index_cast %add3A_785 : i32 to index
        %swap3A_828 = arith.constant 48 : index
        %swap3A_829 = tpu.vector_load %arg7[%swap3A_827, %swap3A_828] {strides = array<i32>} : memref<128x64xf32, #tpu.memory_space<vmem>>, vector<1x16xf32>,
        %swap3A_830 = vector.shape_cast %swap3A_829 : vector<1x16xf32> to vector<16xf32>
        %swap3A_831 = vector.shape_cast %mul3A_826 : vector<16xf32> to vector<1x16xf32>
        tpu.vector_store %arg7[%swap3A_827, %swap3A_828], %swap3A_831 {strides = array<i32>} : memref<128x64xf32, #tpu.memory_space<vmem>>, vector<1x16xf32>,
        %scan3A_832 = arith.constant 0 : i32
        scf.yield %scan3A_832 : i32
      }
      %scan3A_139 = arith.constant 21 : i32
      %dma_wait3A = arith.constant 0 : i32
      %dma_wait3A_140 = arith.constant 0 : i32
      %dma_wait3A_141 = arith.constant 0 : i32
      %dma_wait3A_142 = tpu.memref_slice %arg6[%dma_wait3A, %dma_wait3A_140, %dma_wait3A_141] : memref<6x200x64xf32, #tpu.memory_space<vmem>> -> memref<1x104x64xf32, #tpu.memory_space<vmem>>
      %dma_wait3A_143 = tpu.memref_squeeze %dma_wait3A_142 : memref<1x104x64xf32, #tpu.memory_space<vmem>> -> memref<104x64xf32, #tpu.memory_space<vmem>>
      %dma_wait3A_144 = arith.constant 0 : i32
      %dma_wait3A_145 = arith.constant 0 : i32
      %dma_wait3A_146 = tpu.memref_slice %arg3[%dma_wait3A_144, %dma_wait3A_145] : memref<1000000x64xf32, #tpu.memory_space<hbm>> -> memref<104x64xf32, #tpu.memory_space<hbm>>
      %dma_wait3A_147 = arith.constant 0 : i32
      %dma_wait3A_148 = arith.constant 0 : i32
      %dma_wait3A_149 = tpu.memref_slice %arg6[%dma_wait3A, %dma_wait3A_147, %dma_wait3A_148] : memref<6x200x64xf32, #tpu.memory_space<vmem>> -> memref<1x104x64xf32, #tpu.memory_space<vmem>>
      %dma_wait3A_150 = tpu.memref_squeeze %dma_wait3A_149 : memref<1x104x64xf32, #tpu.memory_space<vmem>> -> memref<104x64xf32, #tpu.memory_space<vmem>>
      %dma_wait3A_151 = arith.constant 0 : i32
      %dma_wait3A_152 = arith.constant 0 : i32
      %dma_wait3A_153 = tpu.memref_slice %arg3[%dma_wait3A_151, %dma_wait3A_152] : memref<1000000x64xf32, #tpu.memory_space<hbm>> -> memref<104x64xf32, #tpu.memory_space<hbm>>
      tpu.wait_dma2 semaphore(%arg8 : memref<!tpu.dma_semaphore, #tpu.memory_space<semaphore_mem>>) src(%dma_wait3A_153 : memref<104x64xf32, #tpu.memory_space<hbm>>) dst(%dma_wait3A_150 : memref<104x64xf32, #tpu.memory_space<vmem>>)
      %dma_wait3A_154 = arith.constant 0 : i32
      %dma_wait3A_155 = arith.constant 104 : i32
      %dma_wait3A_156 = arith.constant 0 : i32
      %dma_wait3A_157 = tpu.memref_slice %arg6[%dma_wait3A_154, %dma_wait3A_155, %dma_wait3A_156] : memref<6x200x64xf32, #tpu.memory_space<vmem>> -> memref<1x96x64xf32, #tpu.memory_space<vmem>>
      %dma_wait3A_158 = tpu.memref_squeeze %dma_wait3A_157 : memref<1x96x64xf32, #tpu.memory_space<vmem>> -> memref<96x64xf32, #tpu.memory_space<vmem>>
      %dma_wait3A_159 = arith.constant 0 : i32
      %dma_wait3A_160 = arith.constant 0 : i32
      %dma_wait3A_161 = tpu.memref_slice %arg3[%dma_wait3A_159, %dma_wait3A_160] : memref<1000000x64xf32, #tpu.memory_space<hbm>> -> memref<96x64xf32, #tpu.memory_space<hbm>>
      %dma_wait3A_162 = arith.constant 104 : i32
      %dma_wait3A_163 = arith.constant 0 : i32
      %dma_wait3A_164 = tpu.memref_slice %arg6[%dma_wait3A_154, %dma_wait3A_162, %dma_wait3A_163] : memref<6x200x64xf32, #tpu.memory_space<vmem>> -> memref<1x96x64xf32, #tpu.memory_space<vmem>>
      %dma_wait3A_165 = tpu.memref_squeeze %dma_wait3A_164 : memref<1x96x64xf32, #tpu.memory_space<vmem>> -> memref<96x64xf32, #tpu.memory_space<vmem>>
      %dma_wait3A_166 = arith.constant 0 : i32
      %dma_wait3A_167 = arith.constant 0 : i32
      %dma_wait3A_168 = tpu.memref_slice %arg3[%dma_wait3A_166, %dma_wait3A_167] : memref<1000000x64xf32, #tpu.memory_space<hbm>> -> memref<96x64xf32, #tpu.memory_space<hbm>>
      tpu.wait_dma2 semaphore(%arg8 : memref<!tpu.dma_semaphore, #tpu.memory_space<semaphore_mem>>) src(%dma_wait3A_168 : memref<96x64xf32, #tpu.memory_space<hbm>>) dst(%dma_wait3A_165 : memref<96x64xf32, #tpu.memory_space<vmem>>)
      %broadcast_in_dim3A = arith.constant 0.000000e+00 : f32
      %broadcast_in_dim3A_169 = vector.broadcast %broadcast_in_dim3A : f32 to vector<16xf32>
      %broadcast_in_dim3A_170 = arith.constant 0.000000e+00 : f32
      %broadcast_in_dim3A_171 = vector.broadcast %broadcast_in_dim3A_170 : f32 to vector<16xf32>
      %broadcast_in_dim3A_172 = arith.constant 0.000000e+00 : f32
      %broadcast_in_dim3A_173 = vector.broadcast %broadcast_in_dim3A_172 : f32 to vector<16xf32>
      %broadcast_in_dim3A_174 = arith.constant 0.000000e+00 : f32
      %broadcast_in_dim3A_175 = vector.broadcast %broadcast_in_dim3A_174 : f32 to vector<16xf32>
      %scan3A_176 = arith.constant 0 : i32
      %scan3A_177 = arith.constant 25 : i32
      %scan3A_178 = arith.addi %scan3A_176, %scan3A_177 : i32
      %scan3A_179 = arith.constant 1 : i32
      %scan3A_180:4 = scf.for %scan3A_298 = %scan3A_176 to %scan3A_178 step %scan3A_179 iter_args(%scan3A_299 = %broadcast_in_dim3A_169, %scan3A_300 = %broadcast_in_dim3A_171, %scan3A_301 = %broadcast_in_dim3A_173, %scan3A_302 = %broadcast_in_dim3A_175) -> (vector<16xf32>, vector<16xf32>, vector<16xf32>, vector<16xf32>)  : i32 {
        %mul3A_303 = arith.constant 8 : i32
        %mul3A_304 = arith.muli %scan3A_298, %mul3A_303 : i32
        %add3A_305 = arith.constant 0 : i32
        %add3A_306 = arith.addi %mul3A_304, %add3A_305 : i32
        %get3A = arith.constant 0 : i32
        %get3A_307 = arith.index_cast %get3A : i32 to index
        %get3A_308 = arith.index_cast %add3A_306 : i32 to index
        %get3A_309 = arith.constant 0 : index
        %get3A_310 = tpu.vector_load %arg6[%get3A_307, %get3A_308, %get3A_309] {strides = array<i32>} : memref<6x200x64xf32, #tpu.memory_space<vmem>>, vector<1x1x16xf32>,
        %get3A_311 = vector.shape_cast %get3A_310 : vector<1x1x16xf32> to vector<16xf32>
        %add3A_312 = arith.constant 1 : i32
        %add3A_313 = arith.addi %mul3A_304, %add3A_312 : i32
        %get3A_314 = arith.constant 0 : i32
        %get3A_315 = arith.index_cast %get3A_314 : i32 to index
        %get3A_316 = arith.index_cast %add3A_313 : i32 to index
        %get3A_317 = arith.constant 0 : index
        %get3A_318 = tpu.vector_load %arg6[%get3A_315, %get3A_316, %get3A_317] {strides = array<i32>} : memref<6x200x64xf32, #tpu.memory_space<vmem>>, vector<1x1x16xf32>,
        %get3A_319 = vector.shape_cast %get3A_318 : vector<1x1x16xf32> to vector<16xf32>
        %add3A_320 = arith.constant 2 : i32
        %add3A_321 = arith.addi %mul3A_304, %add3A_320 : i32
        %get3A_322 = arith.constant 0 : i32
        %get3A_323 = arith.index_cast %get3A_322 : i32 to index
        %get3A_324 = arith.index_cast %add3A_321 : i32 to index
        %get3A_325 = arith.constant 0 : index
        %get3A_326 = tpu.vector_load %arg6[%get3A_323, %get3A_324, %get3A_325] {strides = array<i32>} : memref<6x200x64xf32, #tpu.memory_space<vmem>>, vector<1x1x16xf32>,
        %get3A_327 = vector.shape_cast %get3A_326 : vector<1x1x16xf32> to vector<16xf32>
        %add3A_328 = arith.constant 3 : i32
        %add3A_329 = arith.addi %mul3A_304, %add3A_328 : i32
        %get3A_330 = arith.constant 0 : i32
        %get3A_331 = arith.index_cast %get3A_330 : i32 to index
        %get3A_332 = arith.index_cast %add3A_329 : i32 to index
        %get3A_333 = arith.constant 0 : index
        %get3A_334 = tpu.vector_load %arg6[%get3A_331, %get3A_332, %get3A_333] {strides = array<i32>} : memref<6x200x64xf32, #tpu.memory_space<vmem>>, vector<1x1x16xf32>,
        %get3A_335 = vector.shape_cast %get3A_334 : vector<1x1x16xf32> to vector<16xf32>
        %add3A_336 = arith.constant 4 : i32
        %add3A_337 = arith.addi %mul3A_304, %add3A_336 : i32
        %get3A_338 = arith.constant 0 : i32
        %get3A_339 = arith.index_cast %get3A_338 : i32 to index
        %get3A_340 = arith.index_cast %add3A_337 : i32 to index
        %get3A_341 = arith.constant 0 : index
        %get3A_342 = tpu.vector_load %arg6[%get3A_339, %get3A_340, %get3A_341] {strides = array<i32>} : memref<6x200x64xf32, #tpu.memory_space<vmem>>, vector<1x1x16xf32>,
        %get3A_343 = vector.shape_cast %get3A_342 : vector<1x1x16xf32> to vector<16xf32>
        %add3A_344 = arith.constant 5 : i32
        %add3A_345 = arith.addi %mul3A_304, %add3A_344 : i32
        %get3A_346 = arith.constant 0 : i32
        %get3A_347 = arith.index_cast %get3A_346 : i32 to index
        %get3A_348 = arith.index_cast %add3A_345 : i32 to index
        %get3A_349 = arith.constant 0 : index
        %get3A_350 = tpu.vector_load %arg6[%get3A_347, %get3A_348, %get3A_349] {strides = array<i32>} : memref<6x200x64xf32, #tpu.memory_space<vmem>>, vector<1x1x16xf32>,
        %get3A_351 = vector.shape_cast %get3A_350 : vector<1x1x16xf32> to vector<16xf32>
        %add3A_352 = arith.constant 6 : i32
        %add3A_353 = arith.addi %mul3A_304, %add3A_352 : i32
        %get3A_354 = arith.constant 0 : i32
        %get3A_355 = arith.index_cast %get3A_354 : i32 to index
        %get3A_356 = arith.index_cast %add3A_353 : i32 to index
        %get3A_357 = arith.constant 0 : index
        %get3A_358 = tpu.vector_load %arg6[%get3A_355, %get3A_356, %get3A_357] {strides = array<i32>} : memref<6x200x64xf32, #tpu.memory_space<vmem>>, vector<1x1x16xf32>,
        %get3A_359 = vector.shape_cast %get3A_358 : vector<1x1x16xf32> to vector<16xf32>
        %add3A_360 = arith.constant 7 : i32
        %add3A_361 = arith.addi %mul3A_304, %add3A_360 : i32
        %get3A_362 = arith.constant 0 : i32
        %get3A_363 = arith.index_cast %get3A_362 : i32 to index
        %get3A_364 = arith.index_cast %add3A_361 : i32 to index
        %get3A_365 = arith.constant 0 : index
        %get3A_366 = tpu.vector_load %arg6[%get3A_363, %get3A_364, %get3A_365] {strides = array<i32>} : memref<6x200x64xf32, #tpu.memory_space<vmem>>, vector<1x1x16xf32>,
        %get3A_367 = vector.shape_cast %get3A_366 : vector<1x1x16xf32> to vector<16xf32>
        %add3A_368 = arith.addf %get3A_311, %get3A_319 : vector<16xf32>
        %add3A_369 = arith.addf %get3A_327, %get3A_335 : vector<16xf32>
        %add3A_370 = arith.addf %add3A_368, %add3A_369 : vector<16xf32>
        %add3A_371 = arith.addf %get3A_343, %get3A_351 : vector<16xf32>
        %add3A_372 = arith.addf %get3A_359, %get3A_367 : vector<16xf32>
        %add3A_373 = arith.addf %add3A_371, %add3A_372 : vector<16xf32>
        %add3A_374 = arith.addf %add3A_370, %add3A_373 : vector<16xf32>
        %add3A_375 = arith.addf %scan3A_299, %add3A_374 : vector<16xf32>
        %add3A_376 = arith.constant 0 : i32
        %add3A_377 = arith.addi %mul3A_304, %add3A_376 : i32
        %get3A_378 = arith.constant 0 : i32
        %get3A_379 = arith.index_cast %get3A_378 : i32 to index
        %get3A_380 = arith.index_cast %add3A_377 : i32 to index
        %get3A_381 = arith.constant 16 : index
        %get3A_382 = tpu.vector_load %arg6[%get3A_379, %get3A_380, %get3A_381] {strides = array<i32>} : memref<6x200x64xf32, #tpu.memory_space<vmem>>, vector<1x1x16xf32>,
        %get3A_383 = vector.shape_cast %get3A_382 : vector<1x1x16xf32> to vector<16xf32>
        %add3A_384 = arith.constant 1 : i32
        %add3A_385 = arith.addi %mul3A_304, %add3A_384 : i32
        %get3A_386 = arith.constant 0 : i32
        %get3A_387 = arith.index_cast %get3A_386 : i32 to index
        %get3A_388 = arith.index_cast %add3A_385 : i32 to index
        %get3A_389 = arith.constant 16 : index
        %get3A_390 = tpu.vector_load %arg6[%get3A_387, %get3A_388, %get3A_389] {strides = array<i32>} : memref<6x200x64xf32, #tpu.memory_space<vmem>>, vector<1x1x16xf32>,
        %get3A_391 = vector.shape_cast %get3A_390 : vector<1x1x16xf32> to vector<16xf32>
        %add3A_392 = arith.constant 2 : i32
        %add3A_393 = arith.addi %mul3A_304, %add3A_392 : i32
        %get3A_394 = arith.constant 0 : i32
        %get3A_395 = arith.index_cast %get3A_394 : i32 to index
        %get3A_396 = arith.index_cast %add3A_393 : i32 to index
        %get3A_397 = arith.constant 16 : index
        %get3A_398 = tpu.vector_load %arg6[%get3A_395, %get3A_396, %get3A_397] {strides = array<i32>} : memref<6x200x64xf32, #tpu.memory_space<vmem>>, vector<1x1x16xf32>,
        %get3A_399 = vector.shape_cast %get3A_398 : vector<1x1x16xf32> to vector<16xf32>
        %add3A_400 = arith.constant 3 : i32
        %add3A_401 = arith.addi %mul3A_304, %add3A_400 : i32
        %get3A_402 = arith.constant 0 : i32
        %get3A_403 = arith.index_cast %get3A_402 : i32 to index
        %get3A_404 = arith.index_cast %add3A_401 : i32 to index
        %get3A_405 = arith.constant 16 : index
        %get3A_406 = tpu.vector_load %arg6[%get3A_403, %get3A_404, %get3A_405] {strides = array<i32>} : memref<6x200x64xf32, #tpu.memory_space<vmem>>, vector<1x1x16xf32>,
        %get3A_407 = vector.shape_cast %get3A_406 : vector<1x1x16xf32> to vector<16xf32>
        %add3A_408 = arith.constant 4 : i32
        %add3A_409 = arith.addi %mul3A_304, %add3A_408 : i32
        %get3A_410 = arith.constant 0 : i32
        %get3A_411 = arith.index_cast %get3A_410 : i32 to index
        %get3A_412 = arith.index_cast %add3A_409 : i32 to index
        %get3A_413 = arith.constant 16 : index
        %get3A_414 = tpu.vector_load %arg6[%get3A_411, %get3A_412, %get3A_413] {strides = array<i32>} : memref<6x200x64xf32, #tpu.memory_space<vmem>>, vector<1x1x16xf32>,
        %get3A_415 = vector.shape_cast %get3A_414 : vector<1x1x16xf32> to vector<16xf32>
        %add3A_416 = arith.constant 5 : i32
        %add3A_417 = arith.addi %mul3A_304, %add3A_416 : i32
        %get3A_418 = arith.constant 0 : i32
        %get3A_419 = arith.index_cast %get3A_418 : i32 to index
        %get3A_420 = arith.index_cast %add3A_417 : i32 to index
        %get3A_421 = arith.constant 16 : index
        %get3A_422 = tpu.vector_load %arg6[%get3A_419, %get3A_420, %get3A_421] {strides = array<i32>} : memref<6x200x64xf32, #tpu.memory_space<vmem>>, vector<1x1x16xf32>,
        %get3A_423 = vector.shape_cast %get3A_422 : vector<1x1x16xf32> to vector<16xf32>
        %add3A_424 = arith.constant 6 : i32
        %add3A_425 = arith.addi %mul3A_304, %add3A_424 : i32
        %get3A_426 = arith.constant 0 : i32
        %get3A_427 = arith.index_cast %get3A_426 : i32 to index
        %get3A_428 = arith.index_cast %add3A_425 : i32 to index
        %get3A_429 = arith.constant 16 : index
        %get3A_430 = tpu.vector_load %arg6[%get3A_427, %get3A_428, %get3A_429] {strides = array<i32>} : memref<6x200x64xf32, #tpu.memory_space<vmem>>, vector<1x1x16xf32>,
        %get3A_431 = vector.shape_cast %get3A_430 : vector<1x1x16xf32> to vector<16xf32>
        %add3A_432 = arith.constant 7 : i32
        %add3A_433 = arith.addi %mul3A_304, %add3A_432 : i32
        %get3A_434 = arith.constant 0 : i32
        %get3A_435 = arith.index_cast %get3A_434 : i32 to index
        %get3A_436 = arith.index_cast %add3A_433 : i32 to index
        %get3A_437 = arith.constant 16 : index
        %get3A_438 = tpu.vector_load %arg6[%get3A_435, %get3A_436, %get3A_437] {strides = array<i32>} : memref<6x200x64xf32, #tpu.memory_space<vmem>>, vector<1x1x16xf32>,
        %get3A_439 = vector.shape_cast %get3A_438 : vector<1x1x16xf32> to vector<16xf32>
        %add3A_440 = arith.addf %get3A_383, %get3A_391 : vector<16xf32>
        %add3A_441 = arith.addf %get3A_399, %get3A_407 : vector<16xf32>
        %add3A_442 = arith.addf %add3A_440, %add3A_441 : vector<16xf32>
        %add3A_443 = arith.addf %get3A_415, %get3A_423 : vector<16xf32>
        %add3A_444 = arith.addf %get3A_431, %get3A_439 : vector<16xf32>
        %add3A_445 = arith.addf %add3A_443, %add3A_444 : vector<16xf32>
        %add3A_446 = arith.addf %add3A_442, %add3A_445 : vector<16xf32>
        %add3A_447 = arith.addf %scan3A_300, %add3A_446 : vector<16xf32>
        %add3A_448 = arith.constant 0 : i32
        %add3A_449 = arith.addi %mul3A_304, %add3A_448 : i32
        %get3A_450 = arith.constant 0 : i32
        %get3A_451 = arith.index_cast %get3A_450 : i32 to index
        %get3A_452 = arith.index_cast %add3A_449 : i32 to index
        %get3A_453 = arith.constant 32 : index
        %get3A_454 = tpu.vector_load %arg6[%get3A_451, %get3A_452, %get3A_453] {strides = array<i32>} : memref<6x200x64xf32, #tpu.memory_space<vmem>>, vector<1x1x16xf32>,
        %get3A_455 = vector.shape_cast %get3A_454 : vector<1x1x16xf32> to vector<16xf32>
        %add3A_456 = arith.constant 1 : i32
        %add3A_457 = arith.addi %mul3A_304, %add3A_456 : i32
        %get3A_458 = arith.constant 0 : i32
        %get3A_459 = arith.index_cast %get3A_458 : i32 to index
        %get3A_460 = arith.index_cast %add3A_457 : i32 to index
        %get3A_461 = arith.constant 32 : index
        %get3A_462 = tpu.vector_load %arg6[%get3A_459, %get3A_460, %get3A_461] {strides = array<i32>} : memref<6x200x64xf32, #tpu.memory_space<vmem>>, vector<1x1x16xf32>,
        %get3A_463 = vector.shape_cast %get3A_462 : vector<1x1x16xf32> to vector<16xf32>
        %add3A_464 = arith.constant 2 : i32
        %add3A_465 = arith.addi %mul3A_304, %add3A_464 : i32
        %get3A_466 = arith.constant 0 : i32
        %get3A_467 = arith.index_cast %get3A_466 : i32 to index
        %get3A_468 = arith.index_cast %add3A_465 : i32 to index
        %get3A_469 = arith.constant 32 : index
        %get3A_470 = tpu.vector_load %arg6[%get3A_467, %get3A_468, %get3A_469] {strides = array<i32>} : memref<6x200x64xf32, #tpu.memory_space<vmem>>, vector<1x1x16xf32>,
        %get3A_471 = vector.shape_cast %get3A_470 : vector<1x1x16xf32> to vector<16xf32>
        %add3A_472 = arith.constant 3 : i32
        %add3A_473 = arith.addi %mul3A_304, %add3A_472 : i32
        %get3A_474 = arith.constant 0 : i32
        %get3A_475 = arith.index_cast %get3A_474 : i32 to index
        %get3A_476 = arith.index_cast %add3A_473 : i32 to index
        %get3A_477 = arith.constant 32 : index
        %get3A_478 = tpu.vector_load %arg6[%get3A_475, %get3A_476, %get3A_477] {strides = array<i32>} : memref<6x200x64xf32, #tpu.memory_space<vmem>>, vector<1x1x16xf32>,
        %get3A_479 = vector.shape_cast %get3A_478 : vector<1x1x16xf32> to vector<16xf32>
        %add3A_480 = arith.constant 4 : i32
        %add3A_481 = arith.addi %mul3A_304, %add3A_480 : i32
        %get3A_482 = arith.constant 0 : i32
        %get3A_483 = arith.index_cast %get3A_482 : i32 to index
        %get3A_484 = arith.index_cast %add3A_481 : i32 to index
        %get3A_485 = arith.constant 32 : index
        %get3A_486 = tpu.vector_load %arg6[%get3A_483, %get3A_484, %get3A_485] {strides = array<i32>} : memref<6x200x64xf32, #tpu.memory_space<vmem>>, vector<1x1x16xf32>,
        %get3A_487 = vector.shape_cast %get3A_486 : vector<1x1x16xf32> to vector<16xf32>
        %add3A_488 = arith.constant 5 : i32
        %add3A_489 = arith.addi %mul3A_304, %add3A_488 : i32
        %get3A_490 = arith.constant 0 : i32
        %get3A_491 = arith.index_cast %get3A_490 : i32 to index
        %get3A_492 = arith.index_cast %add3A_489 : i32 to index
        %get3A_493 = arith.constant 32 : index
        %get3A_494 = tpu.vector_load %arg6[%get3A_491, %get3A_492, %get3A_493] {strides = array<i32>} : memref<6x200x64xf32, #tpu.memory_space<vmem>>, vector<1x1x16xf32>,
        %get3A_495 = vector.shape_cast %get3A_494 : vector<1x1x16xf32> to vector<16xf32>
        %add3A_496 = arith.constant 6 : i32
        %add3A_497 = arith.addi %mul3A_304, %add3A_496 : i32
        %get3A_498 = arith.constant 0 : i32
        %get3A_499 = arith.index_cast %get3A_498 : i32 to index
        %get3A_500 = arith.index_cast %add3A_497 : i32 to index
        %get3A_501 = arith.constant 32 : index
        %get3A_502 = tpu.vector_load %arg6[%get3A_499, %get3A_500, %get3A_501] {strides = array<i32>} : memref<6x200x64xf32, #tpu.memory_space<vmem>>, vector<1x1x16xf32>,
        %get3A_503 = vector.shape_cast %get3A_502 : vector<1x1x16xf32> to vector<16xf32>
        %add3A_504 = arith.constant 7 : i32
        %add3A_505 = arith.addi %mul3A_304, %add3A_504 : i32
        %get3A_506 = arith.constant 0 : i32
        %get3A_507 = arith.index_cast %get3A_506 : i32 to index
        %get3A_508 = arith.index_cast %add3A_505 : i32 to index
        %get3A_509 = arith.constant 32 : index
        %get3A_510 = tpu.vector_load %arg6[%get3A_507, %get3A_508, %get3A_509] {strides = array<i32>} : memref<6x200x64xf32, #tpu.memory_space<vmem>>, vector<1x1x16xf32>,
        %get3A_511 = vector.shape_cast %get3A_510 : vector<1x1x16xf32> to vector<16xf32>
        %add3A_512 = arith.addf %get3A_455, %get3A_463 : vector<16xf32>
        %add3A_513 = arith.addf %get3A_471, %get3A_479 : vector<16xf32>
        %add3A_514 = arith.addf %add3A_512, %add3A_513 : vector<16xf32>
        %add3A_515 = arith.addf %get3A_487, %get3A_495 : vector<16xf32>
        %add3A_516 = arith.addf %get3A_503, %get3A_511 : vector<16xf32>
        %add3A_517 = arith.addf %add3A_515, %add3A_516 : vector<16xf32>
        %add3A_518 = arith.addf %add3A_514, %add3A_517 : vector<16xf32>
        %add3A_519 = arith.addf %scan3A_301, %add3A_518 : vector<16xf32>
        %add3A_520 = arith.constant 0 : i32
        %add3A_521 = arith.addi %mul3A_304, %add3A_520 : i32
        %get3A_522 = arith.constant 0 : i32
        %get3A_523 = arith.index_cast %get3A_522 : i32 to index
        %get3A_524 = arith.index_cast %add3A_521 : i32 to index
        %get3A_525 = arith.constant 48 : index
        %get3A_526 = tpu.vector_load %arg6[%get3A_523, %get3A_524, %get3A_525] {strides = array<i32>} : memref<6x200x64xf32, #tpu.memory_space<vmem>>, vector<1x1x16xf32>,
        %get3A_527 = vector.shape_cast %get3A_526 : vector<1x1x16xf32> to vector<16xf32>
        %add3A_528 = arith.constant 1 : i32
        %add3A_529 = arith.addi %mul3A_304, %add3A_528 : i32
        %get3A_530 = arith.constant 0 : i32
        %get3A_531 = arith.index_cast %get3A_530 : i32 to index
        %get3A_532 = arith.index_cast %add3A_529 : i32 to index
        %get3A_533 = arith.constant 48 : index
        %get3A_534 = tpu.vector_load %arg6[%get3A_531, %get3A_532, %get3A_533] {strides = array<i32>} : memref<6x200x64xf32, #tpu.memory_space<vmem>>, vector<1x1x16xf32>,
        %get3A_535 = vector.shape_cast %get3A_534 : vector<1x1x16xf32> to vector<16xf32>
        %add3A_536 = arith.constant 2 : i32
        %add3A_537 = arith.addi %mul3A_304, %add3A_536 : i32
        %get3A_538 = arith.constant 0 : i32
        %get3A_539 = arith.index_cast %get3A_538 : i32 to index
        %get3A_540 = arith.index_cast %add3A_537 : i32 to index
        %get3A_541 = arith.constant 48 : index
        %get3A_542 = tpu.vector_load %arg6[%get3A_539, %get3A_540, %get3A_541] {strides = array<i32>} : memref<6x200x64xf32, #tpu.memory_space<vmem>>, vector<1x1x16xf32>,
        %get3A_543 = vector.shape_cast %get3A_542 : vector<1x1x16xf32> to vector<16xf32>
        %add3A_544 = arith.constant 3 : i32
        %add3A_545 = arith.addi %mul3A_304, %add3A_544 : i32
        %get3A_546 = arith.constant 0 : i32
        %get3A_547 = arith.index_cast %get3A_546 : i32 to index
        %get3A_548 = arith.index_cast %add3A_545 : i32 to index
        %get3A_549 = arith.constant 48 : index
        %get3A_550 = tpu.vector_load %arg6[%get3A_547, %get3A_548, %get3A_549] {strides = array<i32>} : memref<6x200x64xf32, #tpu.memory_space<vmem>>, vector<1x1x16xf32>,
        %get3A_551 = vector.shape_cast %get3A_550 : vector<1x1x16xf32> to vector<16xf32>
        %add3A_552 = arith.constant 4 : i32
        %add3A_553 = arith.addi %mul3A_304, %add3A_552 : i32
        %get3A_554 = arith.constant 0 : i32
        %get3A_555 = arith.index_cast %get3A_554 : i32 to index
        %get3A_556 = arith.index_cast %add3A_553 : i32 to index
        %get3A_557 = arith.constant 48 : index
        %get3A_558 = tpu.vector_load %arg6[%get3A_555, %get3A_556, %get3A_557] {strides = array<i32>} : memref<6x200x64xf32, #tpu.memory_space<vmem>>, vector<1x1x16xf32>,
        %get3A_559 = vector.shape_cast %get3A_558 : vector<1x1x16xf32> to vector<16xf32>
        %add3A_560 = arith.constant 5 : i32
        %add3A_561 = arith.addi %mul3A_304, %add3A_560 : i32
        %get3A_562 = arith.constant 0 : i32
        %get3A_563 = arith.index_cast %get3A_562 : i32 to index
        %get3A_564 = arith.index_cast %add3A_561 : i32 to index
        %get3A_565 = arith.constant 48 : index
        %get3A_566 = tpu.vector_load %arg6[%get3A_563, %get3A_564, %get3A_565] {strides = array<i32>} : memref<6x200x64xf32, #tpu.memory_space<vmem>>, vector<1x1x16xf32>,
        %get3A_567 = vector.shape_cast %get3A_566 : vector<1x1x16xf32> to vector<16xf32>
        %add3A_568 = arith.constant 6 : i32
        %add3A_569 = arith.addi %mul3A_304, %add3A_568 : i32
        %get3A_570 = arith.constant 0 : i32
        %get3A_571 = arith.index_cast %get3A_570 : i32 to index
        %get3A_572 = arith.index_cast %add3A_569 : i32 to index
        %get3A_573 = arith.constant 48 : index
        %get3A_574 = tpu.vector_load %arg6[%get3A_571, %get3A_572, %get3A_573] {strides = array<i32>} : memref<6x200x64xf32, #tpu.memory_space<vmem>>, vector<1x1x16xf32>,
        %get3A_575 = vector.shape_cast %get3A_574 : vector<1x1x16xf32> to vector<16xf32>
        %add3A_576 = arith.constant 7 : i32
        %add3A_577 = arith.addi %mul3A_304, %add3A_576 : i32
        %get3A_578 = arith.constant 0 : i32
        %get3A_579 = arith.index_cast %get3A_578 : i32 to index
        %get3A_580 = arith.index_cast %add3A_577 : i32 to index
        %get3A_581 = arith.constant 48 : index
        %get3A_582 = tpu.vector_load %arg6[%get3A_579, %get3A_580, %get3A_581] {strides = array<i32>} : memref<6x200x64xf32, #tpu.memory_space<vmem>>, vector<1x1x16xf32>,
        %get3A_583 = vector.shape_cast %get3A_582 : vector<1x1x16xf32> to vector<16xf32>
        %add3A_584 = arith.addf %get3A_527, %get3A_535 : vector<16xf32>
        %add3A_585 = arith.addf %get3A_543, %get3A_551 : vector<16xf32>
        %add3A_586 = arith.addf %add3A_584, %add3A_585 : vector<16xf32>
        %add3A_587 = arith.addf %get3A_559, %get3A_567 : vector<16xf32>
        %add3A_588 = arith.addf %get3A_575, %get3A_583 : vector<16xf32>
        %add3A_589 = arith.addf %add3A_587, %add3A_588 : vector<16xf32>
        %add3A_590 = arith.addf %add3A_586, %add3A_589 : vector<16xf32>
        %add3A_591 = arith.addf %scan3A_302, %add3A_590 : vector<16xf32>
        scf.yield %add3A_375, %add3A_447, %add3A_519, %add3A_591 : vector<16xf32>, vector<16xf32>, vector<16xf32>, vector<16xf32>
      }
      %scan3A_181 = arith.constant 25 : i32
      %mul3A_182 = arith.constant 5.000000e-03 : f32
      %mul3A_183 = vector.broadcast %mul3A_182 : f32 to vector<16xf32>
      %mul3A_184 = arith.mulf %scan3A_180#0, %mul3A_183 : vector<16xf32>
      %swap3A = arith.constant 126 : i32
      %swap3A_185 = arith.index_cast %swap3A : i32 to index
      %swap3A_186 = arith.constant 0 : index
      %swap3A_187 = tpu.vector_load %arg7[%swap3A_185, %swap3A_186] {strides = array<i32>} : memref<128x64xf32, #tpu.memory_space<vmem>>, vector<1x16xf32>,
      %swap3A_188 = vector.shape_cast %swap3A_187 : vector<1x16xf32> to vector<16xf32>
      %swap3A_189 = vector.shape_cast %mul3A_184 : vector<16xf32> to vector<1x16xf32>
      tpu.vector_store %arg7[%swap3A_185, %swap3A_186], %swap3A_189 {strides = array<i32>} : memref<128x64xf32, #tpu.memory_space<vmem>>, vector<1x16xf32>,
      %mul3A_190 = arith.constant 5.000000e-03 : f32
      %mul3A_191 = vector.broadcast %mul3A_190 : f32 to vector<16xf32>
      %mul3A_192 = arith.mulf %scan3A_180#1, %mul3A_191 : vector<16xf32>
      %swap3A_193 = arith.constant 126 : i32
      %swap3A_194 = arith.index_cast %swap3A_193 : i32 to index
      %swap3A_195 = arith.constant 16 : index
      %swap3A_196 = tpu.vector_load %arg7[%swap3A_194, %swap3A_195] {strides = array<i32>} : memref<128x64xf32, #tpu.memory_space<vmem>>, vector<1x16xf32>,
      %swap3A_197 = vector.shape_cast %swap3A_196 : vector<1x16xf32> to vector<16xf32>
      %swap3A_198 = vector.shape_cast %mul3A_192 : vector<16xf32> to vector<1x16xf32>
      tpu.vector_store %arg7[%swap3A_194, %swap3A_195], %swap3A_198 {strides = array<i32>} : memref<128x64xf32, #tpu.memory_space<vmem>>, vector<1x16xf32>,
      %mul3A_199 = arith.constant 5.000000e-03 : f32
      %mul3A_200 = vector.broadcast %mul3A_199 : f32 to vector<16xf32>
      %mul3A_201 = arith.mulf %scan3A_180#2, %mul3A_200 : vector<16xf32>
      %swap3A_202 = arith.constant 126 : i32
      %swap3A_203 = arith.index_cast %swap3A_202 : i32 to index
      %swap3A_204 = arith.constant 32 : index
      %swap3A_205 = tpu.vector_load %arg7[%swap3A_203, %swap3A_204] {strides = array<i32>} : memref<128x64xf32, #tpu.memory_space<vmem>>, vector<1x16xf32>,
      %swap3A_206 = vector.shape_cast %swap3A_205 : vector<1x16xf32> to vector<16xf32>
      %swap3A_207 = vector.shape_cast %mul3A_201 : vector<16xf32> to vector<1x16xf32>
      tpu.vector_store %arg7[%swap3A_203, %swap3A_204], %swap3A_207 {strides = array<i32>} : memref<128x64xf32, #tpu.memory_space<vmem>>, vector<1x16xf32>,
      %mul3A_208 = arith.constant 5.000000e-03 : f32
      %mul3A_209 = vector.broadcast %mul3A_208 : f32 to vector<16xf32>
      %mul3A_210 = arith.mulf %scan3A_180#3, %mul3A_209 : vector<16xf32>
      %swap3A_211 = arith.constant 126 : i32
      %swap3A_212 = arith.index_cast %swap3A_211 : i32 to index
      %swap3A_213 = arith.constant 48 : index
      %swap3A_214 = tpu.vector_load %arg7[%swap3A_212, %swap3A_213] {strides = array<i32>} : memref<128x64xf32, #tpu.memory_space<vmem>>, vector<1x16xf32>,
      %swap3A_215 = vector.shape_cast %swap3A_214 : vector<1x16xf32> to vector<16xf32>
      %swap3A_216 = vector.shape_cast %mul3A_210 : vector<16xf32> to vector<1x16xf32>
      tpu.vector_store %arg7[%swap3A_212, %swap3A_213], %swap3A_216 {strides = array<i32>} : memref<128x64xf32, #tpu.memory_space<vmem>>, vector<1x16xf32>,
      %dma_wait3A_217 = arith.constant 1 : i32
      %dma_wait3A_218 = arith.constant 0 : i32
      %dma_wait3A_219 = arith.constant 0 : i32
      %dma_wait3A_220 = tpu.memref_slice %arg6[%dma_wait3A_217, %dma_wait3A_218, %dma_wait3A_219] : memref<6x200x64xf32, #tpu.memory_space<vmem>> -> memref<1x104x64xf32, #tpu.memory_space<vmem>>
      %dma_wait3A_221 = tpu.memref_squeeze %dma_wait3A_220 : memref<1x104x64xf32, #tpu.memory_space<vmem>> -> memref<104x64xf32, #tpu.memory_space<vmem>>
      %dma_wait3A_222 = arith.constant 0 : i32
      %dma_wait3A_223 = arith.constant 0 : i32
      %dma_wait3A_224 = tpu.memref_slice %arg3[%dma_wait3A_222, %dma_wait3A_223] : memref<1000000x64xf32, #tpu.memory_space<hbm>> -> memref<104x64xf32, #tpu.memory_space<hbm>>
      %dma_wait3A_225 = arith.constant 0 : i32
      %dma_wait3A_226 = arith.constant 0 : i32
      %dma_wait3A_227 = tpu.memref_slice %arg6[%dma_wait3A_217, %dma_wait3A_225, %dma_wait3A_226] : memref<6x200x64xf32, #tpu.memory_space<vmem>> -> memref<1x104x64xf32, #tpu.memory_space<vmem>>
      %dma_wait3A_228 = tpu.memref_squeeze %dma_wait3A_227 : memref<1x104x64xf32, #tpu.memory_space<vmem>> -> memref<104x64xf32, #tpu.memory_space<vmem>>
      %dma_wait3A_229 = arith.constant 0 : i32
      %dma_wait3A_230 = arith.constant 0 : i32
      %dma_wait3A_231 = tpu.memref_slice %arg3[%dma_wait3A_229, %dma_wait3A_230] : memref<1000000x64xf32, #tpu.memory_space<hbm>> -> memref<104x64xf32, #tpu.memory_space<hbm>>
      tpu.wait_dma2 semaphore(%arg9 : memref<!tpu.dma_semaphore, #tpu.memory_space<semaphore_mem>>) src(%dma_wait3A_231 : memref<104x64xf32, #tpu.memory_space<hbm>>) dst(%dma_wait3A_228 : memref<104x64xf32, #tpu.memory_space<vmem>>)
      %dma_wait3A_232 = arith.constant 1 : i32
      %dma_wait3A_233 = arith.constant 104 : i32
      %dma_wait3A_234 = arith.constant 0 : i32
      %dma_wait3A_235 = tpu.memref_slice %arg6[%dma_wait3A_232, %dma_wait3A_233, %dma_wait3A_234] : memref<6x200x64xf32, #tpu.memory_space<vmem>> -> memref<1x96x64xf32, #tpu.memory_space<vmem>>
      %dma_wait3A_236 = tpu.memref_squeeze %dma_wait3A_235 : memref<1x96x64xf32, #tpu.memory_space<vmem>> -> memref<96x64xf32, #tpu.memory_space<vmem>>
      %dma_wait3A_237 = arith.constant 0 : i32
      %dma_wait3A_238 = arith.constant 0 : i32
      %dma_wait3A_239 = tpu.memref_slice %arg3[%dma_wait3A_237, %dma_wait3A_238] : memref<1000000x64xf32, #tpu.memory_space<hbm>> -> memref<96x64xf32, #tpu.memory_space<hbm>>
      %dma_wait3A_240 = arith.constant 104 : i32
      %dma_wait3A_241 = arith.constant 0 : i32
      %dma_wait3A_242 = tpu.memref_slice %arg6[%dma_wait3A_232, %dma_wait3A_240, %dma_wait3A_241] : memref<6x200x64xf32, #tpu.memory_space<vmem>> -> memref<1x96x64xf32, #tpu.memory_space<vmem>>
      %dma_wait3A_243 = tpu.memref_squeeze %dma_wait3A_242 : memref<1x96x64xf32, #tpu.memory_space<vmem>> -> memref<96x64xf32, #tpu.memory_space<vmem>>
      %dma_wait3A_244 = arith.constant 0 : i32
      %dma_wait3A_245 = arith.constant 0 : i32
      %dma_wait3A_246 = tpu.memref_slice %arg3[%dma_wait3A_244, %dma_wait3A_245] : memref<1000000x64xf32, #tpu.memory_space<hbm>> -> memref<96x64xf32, #tpu.memory_space<hbm>>
      tpu.wait_dma2 semaphore(%arg9 : memref<!tpu.dma_semaphore, #tpu.memory_space<semaphore_mem>>) src(%dma_wait3A_246 : memref<96x64xf32, #tpu.memory_space<hbm>>) dst(%dma_wait3A_243 : memref<96x64xf32, #tpu.memory_space<vmem>>)
      %broadcast_in_dim3A_247 = arith.constant 0.000000e+00 : f32
      %broadcast_in_dim3A_248 = vector.broadcast %broadcast_in_dim3A_247 : f32 to vector<16xf32>
      %broadcast_in_dim3A_249 = arith.constant 0.000000e+00 : f32
      %broadcast_in_dim3A_250 = vector.broadcast %broadcast_in_dim3A_249 : f32 to vector<16xf32>
      %broadcast_in_dim3A_251 = arith.constant 0.000000e+00 : f32
      %broadcast_in_dim3A_252 = vector.broadcast %broadcast_in_dim3A_251 : f32 to vector<16xf32>
      %broadcast_in_dim3A_253 = arith.constant 0.000000e+00 : f32
      %broadcast_in_dim3A_254 = vector.broadcast %broadcast_in_dim3A_253 : f32 to vector<16xf32>
      %scan3A_255 = arith.constant 0 : i32
      %scan3A_256 = arith.constant 25 : i32
      %scan3A_257 = arith.addi %scan3A_255, %scan3A_256 : i32
      %scan3A_258 = arith.constant 1 : i32
      %scan3A_259:4 = scf.for %scan3A_298 = %scan3A_255 to %scan3A_257 step %scan3A_258 iter_args(%scan3A_299 = %broadcast_in_dim3A_248, %scan3A_300 = %broadcast_in_dim3A_250, %scan3A_301 = %broadcast_in_dim3A_252, %scan3A_302 = %broadcast_in_dim3A_254) -> (vector<16xf32>, vector<16xf32>, vector<16xf32>, vector<16xf32>)  : i32 {
        %mul3A_303 = arith.constant 8 : i32
        %mul3A_304 = arith.muli %scan3A_298, %mul3A_303 : i32
        %add3A_305 = arith.constant 0 : i32
        %add3A_306 = arith.addi %mul3A_304, %add3A_305 : i32
        %get3A = arith.constant 1 : i32
        %get3A_307 = arith.index_cast %get3A : i32 to index
        %get3A_308 = arith.index_cast %add3A_306 : i32 to index
        %get3A_309 = arith.constant 0 : index
        %get3A_310 = tpu.vector_load %arg6[%get3A_307, %get3A_308, %get3A_309] {strides = array<i32>} : memref<6x200x64xf32, #tpu.memory_space<vmem>>, vector<1x1x16xf32>,
        %get3A_311 = vector.shape_cast %get3A_310 : vector<1x1x16xf32> to vector<16xf32>
        %add3A_312 = arith.constant 1 : i32
        %add3A_313 = arith.addi %mul3A_304, %add3A_312 : i32
        %get3A_314 = arith.constant 1 : i32
        %get3A_315 = arith.index_cast %get3A_314 : i32 to index
        %get3A_316 = arith.index_cast %add3A_313 : i32 to index
        %get3A_317 = arith.constant 0 : index
        %get3A_318 = tpu.vector_load %arg6[%get3A_315, %get3A_316, %get3A_317] {strides = array<i32>} : memref<6x200x64xf32, #tpu.memory_space<vmem>>, vector<1x1x16xf32>,
        %get3A_319 = vector.shape_cast %get3A_318 : vector<1x1x16xf32> to vector<16xf32>
        %add3A_320 = arith.constant 2 : i32
        %add3A_321 = arith.addi %mul3A_304, %add3A_320 : i32
        %get3A_322 = arith.constant 1 : i32
        %get3A_323 = arith.index_cast %get3A_322 : i32 to index
        %get3A_324 = arith.index_cast %add3A_321 : i32 to index
        %get3A_325 = arith.constant 0 : index
        %get3A_326 = tpu.vector_load %arg6[%get3A_323, %get3A_324, %get3A_325] {strides = array<i32>} : memref<6x200x64xf32, #tpu.memory_space<vmem>>, vector<1x1x16xf32>,
        %get3A_327 = vector.shape_cast %get3A_326 : vector<1x1x16xf32> to vector<16xf32>
        %add3A_328 = arith.constant 3 : i32
        %add3A_329 = arith.addi %mul3A_304, %add3A_328 : i32
        %get3A_330 = arith.constant 1 : i32
        %get3A_331 = arith.index_cast %get3A_330 : i32 to index
        %get3A_332 = arith.index_cast %add3A_329 : i32 to index
        %get3A_333 = arith.constant 0 : index
        %get3A_334 = tpu.vector_load %arg6[%get3A_331, %get3A_332, %get3A_333] {strides = array<i32>} : memref<6x200x64xf32, #tpu.memory_space<vmem>>, vector<1x1x16xf32>,
        %get3A_335 = vector.shape_cast %get3A_334 : vector<1x1x16xf32> to vector<16xf32>
        %add3A_336 = arith.constant 4 : i32
        %add3A_337 = arith.addi %mul3A_304, %add3A_336 : i32
        %get3A_338 = arith.constant 1 : i32
        %get3A_339 = arith.index_cast %get3A_338 : i32 to index
        %get3A_340 = arith.index_cast %add3A_337 : i32 to index
        %get3A_341 = arith.constant 0 : index
        %get3A_342 = tpu.vector_load %arg6[%get3A_339, %get3A_340, %get3A_341] {strides = array<i32>} : memref<6x200x64xf32, #tpu.memory_space<vmem>>, vector<1x1x16xf32>,
        %get3A_343 = vector.shape_cast %get3A_342 : vector<1x1x16xf32> to vector<16xf32>
        %add3A_344 = arith.constant 5 : i32
        %add3A_345 = arith.addi %mul3A_304, %add3A_344 : i32
        %get3A_346 = arith.constant 1 : i32
        %get3A_347 = arith.index_cast %get3A_346 : i32 to index
        %get3A_348 = arith.index_cast %add3A_345 : i32 to index
        %get3A_349 = arith.constant 0 : index
        %get3A_350 = tpu.vector_load %arg6[%get3A_347, %get3A_348, %get3A_349] {strides = array<i32>} : memref<6x200x64xf32, #tpu.memory_space<vmem>>, vector<1x1x16xf32>,
        %get3A_351 = vector.shape_cast %get3A_350 : vector<1x1x16xf32> to vector<16xf32>
        %add3A_352 = arith.constant 6 : i32
        %add3A_353 = arith.addi %mul3A_304, %add3A_352 : i32
        %get3A_354 = arith.constant 1 : i32
        %get3A_355 = arith.index_cast %get3A_354 : i32 to index
        %get3A_356 = arith.index_cast %add3A_353 : i32 to index
        %get3A_357 = arith.constant 0 : index
        %get3A_358 = tpu.vector_load %arg6[%get3A_355, %get3A_356, %get3A_357] {strides = array<i32>} : memref<6x200x64xf32, #tpu.memory_space<vmem>>, vector<1x1x16xf32>,
        %get3A_359 = vector.shape_cast %get3A_358 : vector<1x1x16xf32> to vector<16xf32>
        %add3A_360 = arith.constant 7 : i32
        %add3A_361 = arith.addi %mul3A_304, %add3A_360 : i32
        %get3A_362 = arith.constant 1 : i32
        %get3A_363 = arith.index_cast %get3A_362 : i32 to index
        %get3A_364 = arith.index_cast %add3A_361 : i32 to index
        %get3A_365 = arith.constant 0 : index
        %get3A_366 = tpu.vector_load %arg6[%get3A_363, %get3A_364, %get3A_365] {strides = array<i32>} : memref<6x200x64xf32, #tpu.memory_space<vmem>>, vector<1x1x16xf32>,
        %get3A_367 = vector.shape_cast %get3A_366 : vector<1x1x16xf32> to vector<16xf32>
        %add3A_368 = arith.addf %get3A_311, %get3A_319 : vector<16xf32>
        %add3A_369 = arith.addf %get3A_327, %get3A_335 : vector<16xf32>
        %add3A_370 = arith.addf %add3A_368, %add3A_369 : vector<16xf32>
        %add3A_371 = arith.addf %get3A_343, %get3A_351 : vector<16xf32>
        %add3A_372 = arith.addf %get3A_359, %get3A_367 : vector<16xf32>
        %add3A_373 = arith.addf %add3A_371, %add3A_372 : vector<16xf32>
        %add3A_374 = arith.addf %add3A_370, %add3A_373 : vector<16xf32>
        %add3A_375 = arith.addf %scan3A_299, %add3A_374 : vector<16xf32>
        %add3A_376 = arith.constant 0 : i32
        %add3A_377 = arith.addi %mul3A_304, %add3A_376 : i32
        %get3A_378 = arith.constant 1 : i32
        %get3A_379 = arith.index_cast %get3A_378 : i32 to index
        %get3A_380 = arith.index_cast %add3A_377 : i32 to index
        %get3A_381 = arith.constant 16 : index
        %get3A_382 = tpu.vector_load %arg6[%get3A_379, %get3A_380, %get3A_381] {strides = array<i32>} : memref<6x200x64xf32, #tpu.memory_space<vmem>>, vector<1x1x16xf32>,
        %get3A_383 = vector.shape_cast %get3A_382 : vector<1x1x16xf32> to vector<16xf32>
        %add3A_384 = arith.constant 1 : i32
        %add3A_385 = arith.addi %mul3A_304, %add3A_384 : i32
        %get3A_386 = arith.constant 1 : i32
        %get3A_387 = arith.index_cast %get3A_386 : i32 to index
        %get3A_388 = arith.index_cast %add3A_385 : i32 to index
        %get3A_389 = arith.constant 16 : index
        %get3A_390 = tpu.vector_load %arg6[%get3A_387, %get3A_388, %get3A_389] {strides = array<i32>} : memref<6x200x64xf32, #tpu.memory_space<vmem>>, vector<1x1x16xf32>,
        %get3A_391 = vector.shape_cast %get3A_390 : vector<1x1x16xf32> to vector<16xf32>
        %add3A_392 = arith.constant 2 : i32
        %add3A_393 = arith.addi %mul3A_304, %add3A_392 : i32
        %get3A_394 = arith.constant 1 : i32
        %get3A_395 = arith.index_cast %get3A_394 : i32 to index
        %get3A_396 = arith.index_cast %add3A_393 : i32 to index
        %get3A_397 = arith.constant 16 : index
        %get3A_398 = tpu.vector_load %arg6[%get3A_395, %get3A_396, %get3A_397] {strides = array<i32>} : memref<6x200x64xf32, #tpu.memory_space<vmem>>, vector<1x1x16xf32>,
        %get3A_399 = vector.shape_cast %get3A_398 : vector<1x1x16xf32> to vector<16xf32>
        %add3A_400 = arith.constant 3 : i32
        %add3A_401 = arith.addi %mul3A_304, %add3A_400 : i32
        %get3A_402 = arith.constant 1 : i32
        %get3A_403 = arith.index_cast %get3A_402 : i32 to index
        %get3A_404 = arith.index_cast %add3A_401 : i32 to index
        %get3A_405 = arith.constant 16 : index
        %get3A_406 = tpu.vector_load %arg6[%get3A_403, %get3A_404, %get3A_405] {strides = array<i32>} : memref<6x200x64xf32, #tpu.memory_space<vmem>>, vector<1x1x16xf32>,
        %get3A_407 = vector.shape_cast %get3A_406 : vector<1x1x16xf32> to vector<16xf32>
        %add3A_408 = arith.constant 4 : i32
        %add3A_409 = arith.addi %mul3A_304, %add3A_408 : i32
        %get3A_410 = arith.constant 1 : i32
        %get3A_411 = arith.index_cast %get3A_410 : i32 to index
        %get3A_412 = arith.index_cast %add3A_409 : i32 to index
        %get3A_413 = arith.constant 16 : index
        %get3A_414 = tpu.vector_load %arg6[%get3A_411, %get3A_412, %get3A_413] {strides = array<i32>} : memref<6x200x64xf32, #tpu.memory_space<vmem>>, vector<1x1x16xf32>,
        %get3A_415 = vector.shape_cast %get3A_414 : vector<1x1x16xf32> to vector<16xf32>
        %add3A_416 = arith.constant 5 : i32
        %add3A_417 = arith.addi %mul3A_304, %add3A_416 : i32
        %get3A_418 = arith.constant 1 : i32
        %get3A_419 = arith.index_cast %get3A_418 : i32 to index
        %get3A_420 = arith.index_cast %add3A_417 : i32 to index
        %get3A_421 = arith.constant 16 : index
        %get3A_422 = tpu.vector_load %arg6[%get3A_419, %get3A_420, %get3A_421] {strides = array<i32>} : memref<6x200x64xf32, #tpu.memory_space<vmem>>, vector<1x1x16xf32>,
        %get3A_423 = vector.shape_cast %get3A_422 : vector<1x1x16xf32> to vector<16xf32>
        %add3A_424 = arith.constant 6 : i32
        %add3A_425 = arith.addi %mul3A_304, %add3A_424 : i32
        %get3A_426 = arith.constant 1 : i32
        %get3A_427 = arith.index_cast %get3A_426 : i32 to index
        %get3A_428 = arith.index_cast %add3A_425 : i32 to index
        %get3A_429 = arith.constant 16 : index
        %get3A_430 = tpu.vector_load %arg6[%get3A_427, %get3A_428, %get3A_429] {strides = array<i32>} : memref<6x200x64xf32, #tpu.memory_space<vmem>>, vector<1x1x16xf32>,
        %get3A_431 = vector.shape_cast %get3A_430 : vector<1x1x16xf32> to vector<16xf32>
        %add3A_432 = arith.constant 7 : i32
        %add3A_433 = arith.addi %mul3A_304, %add3A_432 : i32
        %get3A_434 = arith.constant 1 : i32
        %get3A_435 = arith.index_cast %get3A_434 : i32 to index
        %get3A_436 = arith.index_cast %add3A_433 : i32 to index
        %get3A_437 = arith.constant 16 : index
        %get3A_438 = tpu.vector_load %arg6[%get3A_435, %get3A_436, %get3A_437] {strides = array<i32>} : memref<6x200x64xf32, #tpu.memory_space<vmem>>, vector<1x1x16xf32>,
        %get3A_439 = vector.shape_cast %get3A_438 : vector<1x1x16xf32> to vector<16xf32>
        %add3A_440 = arith.addf %get3A_383, %get3A_391 : vector<16xf32>
        %add3A_441 = arith.addf %get3A_399, %get3A_407 : vector<16xf32>
        %add3A_442 = arith.addf %add3A_440, %add3A_441 : vector<16xf32>
        %add3A_443 = arith.addf %get3A_415, %get3A_423 : vector<16xf32>
        %add3A_444 = arith.addf %get3A_431, %get3A_439 : vector<16xf32>
        %add3A_445 = arith.addf %add3A_443, %add3A_444 : vector<16xf32>
        %add3A_446 = arith.addf %add3A_442, %add3A_445 : vector<16xf32>
        %add3A_447 = arith.addf %scan3A_300, %add3A_446 : vector<16xf32>
        %add3A_448 = arith.constant 0 : i32
        %add3A_449 = arith.addi %mul3A_304, %add3A_448 : i32
        %get3A_450 = arith.constant 1 : i32
        %get3A_451 = arith.index_cast %get3A_450 : i32 to index
        %get3A_452 = arith.index_cast %add3A_449 : i32 to index
        %get3A_453 = arith.constant 32 : index
        %get3A_454 = tpu.vector_load %arg6[%get3A_451, %get3A_452, %get3A_453] {strides = array<i32>} : memref<6x200x64xf32, #tpu.memory_space<vmem>>, vector<1x1x16xf32>,
        %get3A_455 = vector.shape_cast %get3A_454 : vector<1x1x16xf32> to vector<16xf32>
        %add3A_456 = arith.constant 1 : i32
        %add3A_457 = arith.addi %mul3A_304, %add3A_456 : i32
        %get3A_458 = arith.constant 1 : i32
        %get3A_459 = arith.index_cast %get3A_458 : i32 to index
        %get3A_460 = arith.index_cast %add3A_457 : i32 to index
        %get3A_461 = arith.constant 32 : index
        %get3A_462 = tpu.vector_load %arg6[%get3A_459, %get3A_460, %get3A_461] {strides = array<i32>} : memref<6x200x64xf32, #tpu.memory_space<vmem>>, vector<1x1x16xf32>,
        %get3A_463 = vector.shape_cast %get3A_462 : vector<1x1x16xf32> to vector<16xf32>
        %add3A_464 = arith.constant 2 : i32
        %add3A_465 = arith.addi %mul3A_304, %add3A_464 : i32
        %get3A_466 = arith.constant 1 : i32
        %get3A_467 = arith.index_cast %get3A_466 : i32 to index
        %get3A_468 = arith.index_cast %add3A_465 : i32 to index
        %get3A_469 = arith.constant 32 : index
        %get3A_470 = tpu.vector_load %arg6[%get3A_467, %get3A_468, %get3A_469] {strides = array<i32>} : memref<6x200x64xf32, #tpu.memory_space<vmem>>, vector<1x1x16xf32>,
        %get3A_471 = vector.shape_cast %get3A_470 : vector<1x1x16xf32> to vector<16xf32>
        %add3A_472 = arith.constant 3 : i32
        %add3A_473 = arith.addi %mul3A_304, %add3A_472 : i32
        %get3A_474 = arith.constant 1 : i32
        %get3A_475 = arith.index_cast %get3A_474 : i32 to index
        %get3A_476 = arith.index_cast %add3A_473 : i32 to index
        %get3A_477 = arith.constant 32 : index
        %get3A_478 = tpu.vector_load %arg6[%get3A_475, %get3A_476, %get3A_477] {strides = array<i32>} : memref<6x200x64xf32, #tpu.memory_space<vmem>>, vector<1x1x16xf32>,
        %get3A_479 = vector.shape_cast %get3A_478 : vector<1x1x16xf32> to vector<16xf32>
        %add3A_480 = arith.constant 4 : i32
        %add3A_481 = arith.addi %mul3A_304, %add3A_480 : i32
        %get3A_482 = arith.constant 1 : i32
        %get3A_483 = arith.index_cast %get3A_482 : i32 to index
        %get3A_484 = arith.index_cast %add3A_481 : i32 to index
        %get3A_485 = arith.constant 32 : index
        %get3A_486 = tpu.vector_load %arg6[%get3A_483, %get3A_484, %get3A_485] {strides = array<i32>} : memref<6x200x64xf32, #tpu.memory_space<vmem>>, vector<1x1x16xf32>,
        %get3A_487 = vector.shape_cast %get3A_486 : vector<1x1x16xf32> to vector<16xf32>
        %add3A_488 = arith.constant 5 : i32
        %add3A_489 = arith.addi %mul3A_304, %add3A_488 : i32
        %get3A_490 = arith.constant 1 : i32
        %get3A_491 = arith.index_cast %get3A_490 : i32 to index
        %get3A_492 = arith.index_cast %add3A_489 : i32 to index
        %get3A_493 = arith.constant 32 : index
        %get3A_494 = tpu.vector_load %arg6[%get3A_491, %get3A_492, %get3A_493] {strides = array<i32>} : memref<6x200x64xf32, #tpu.memory_space<vmem>>, vector<1x1x16xf32>,
        %get3A_495 = vector.shape_cast %get3A_494 : vector<1x1x16xf32> to vector<16xf32>
        %add3A_496 = arith.constant 6 : i32
        %add3A_497 = arith.addi %mul3A_304, %add3A_496 : i32
        %get3A_498 = arith.constant 1 : i32
        %get3A_499 = arith.index_cast %get3A_498 : i32 to index
        %get3A_500 = arith.index_cast %add3A_497 : i32 to index
        %get3A_501 = arith.constant 32 : index
        %get3A_502 = tpu.vector_load %arg6[%get3A_499, %get3A_500, %get3A_501] {strides = array<i32>} : memref<6x200x64xf32, #tpu.memory_space<vmem>>, vector<1x1x16xf32>,
        %get3A_503 = vector.shape_cast %get3A_502 : vector<1x1x16xf32> to vector<16xf32>
        %add3A_504 = arith.constant 7 : i32
        %add3A_505 = arith.addi %mul3A_304, %add3A_504 : i32
        %get3A_506 = arith.constant 1 : i32
        %get3A_507 = arith.index_cast %get3A_506 : i32 to index
        %get3A_508 = arith.index_cast %add3A_505 : i32 to index
        %get3A_509 = arith.constant 32 : index
        %get3A_510 = tpu.vector_load %arg6[%get3A_507, %get3A_508, %get3A_509] {strides = array<i32>} : memref<6x200x64xf32, #tpu.memory_space<vmem>>, vector<1x1x16xf32>,
        %get3A_511 = vector.shape_cast %get3A_510 : vector<1x1x16xf32> to vector<16xf32>
        %add3A_512 = arith.addf %get3A_455, %get3A_463 : vector<16xf32>
        %add3A_513 = arith.addf %get3A_471, %get3A_479 : vector<16xf32>
        %add3A_514 = arith.addf %add3A_512, %add3A_513 : vector<16xf32>
        %add3A_515 = arith.addf %get3A_487, %get3A_495 : vector<16xf32>
        %add3A_516 = arith.addf %get3A_503, %get3A_511 : vector<16xf32>
        %add3A_517 = arith.addf %add3A_515, %add3A_516 : vector<16xf32>
        %add3A_518 = arith.addf %add3A_514, %add3A_517 : vector<16xf32>
        %add3A_519 = arith.addf %scan3A_301, %add3A_518 : vector<16xf32>
        %add3A_520 = arith.constant 0 : i32
        %add3A_521 = arith.addi %mul3A_304, %add3A_520 : i32
        %get3A_522 = arith.constant 1 : i32
        %get3A_523 = arith.index_cast %get3A_522 : i32 to index
        %get3A_524 = arith.index_cast %add3A_521 : i32 to index
        %get3A_525 = arith.constant 48 : index
        %get3A_526 = tpu.vector_load %arg6[%get3A_523, %get3A_524, %get3A_525] {strides = array<i32>} : memref<6x200x64xf32, #tpu.memory_space<vmem>>, vector<1x1x16xf32>,
        %get3A_527 = vector.shape_cast %get3A_526 : vector<1x1x16xf32> to vector<16xf32>
        %add3A_528 = arith.constant 1 : i32
        %add3A_529 = arith.addi %mul3A_304, %add3A_528 : i32
        %get3A_530 = arith.constant 1 : i32
        %get3A_531 = arith.index_cast %get3A_530 : i32 to index
        %get3A_532 = arith.index_cast %add3A_529 : i32 to index
        %get3A_533 = arith.constant 48 : index
        %get3A_534 = tpu.vector_load %arg6[%get3A_531, %get3A_532, %get3A_533] {strides = array<i32>} : memref<6x200x64xf32, #tpu.memory_space<vmem>>, vector<1x1x16xf32>,
        %get3A_535 = vector.shape_cast %get3A_534 : vector<1x1x16xf32> to vector<16xf32>
        %add3A_536 = arith.constant 2 : i32
        %add3A_537 = arith.addi %mul3A_304, %add3A_536 : i32
        %get3A_538 = arith.constant 1 : i32
        %get3A_539 = arith.index_cast %get3A_538 : i32 to index
        %get3A_540 = arith.index_cast %add3A_537 : i32 to index
        %get3A_541 = arith.constant 48 : index
        %get3A_542 = tpu.vector_load %arg6[%get3A_539, %get3A_540, %get3A_541] {strides = array<i32>} : memref<6x200x64xf32, #tpu.memory_space<vmem>>, vector<1x1x16xf32>,
        %get3A_543 = vector.shape_cast %get3A_542 : vector<1x1x16xf32> to vector<16xf32>
        %add3A_544 = arith.constant 3 : i32
        %add3A_545 = arith.addi %mul3A_304, %add3A_544 : i32
        %get3A_546 = arith.constant 1 : i32
        %get3A_547 = arith.index_cast %get3A_546 : i32 to index
        %get3A_548 = arith.index_cast %add3A_545 : i32 to index
        %get3A_549 = arith.constant 48 : index
        %get3A_550 = tpu.vector_load %arg6[%get3A_547, %get3A_548, %get3A_549] {strides = array<i32>} : memref<6x200x64xf32, #tpu.memory_space<vmem>>, vector<1x1x16xf32>,
        %get3A_551 = vector.shape_cast %get3A_550 : vector<1x1x16xf32> to vector<16xf32>
        %add3A_552 = arith.constant 4 : i32
        %add3A_553 = arith.addi %mul3A_304, %add3A_552 : i32
        %get3A_554 = arith.constant 1 : i32
        %get3A_555 = arith.index_cast %get3A_554 : i32 to index
        %get3A_556 = arith.index_cast %add3A_553 : i32 to index
        %get3A_557 = arith.constant 48 : index
        %get3A_558 = tpu.vector_load %arg6[%get3A_555, %get3A_556, %get3A_557] {strides = array<i32>} : memref<6x200x64xf32, #tpu.memory_space<vmem>>, vector<1x1x16xf32>,
        %get3A_559 = vector.shape_cast %get3A_558 : vector<1x1x16xf32> to vector<16xf32>
        %add3A_560 = arith.constant 5 : i32
        %add3A_561 = arith.addi %mul3A_304, %add3A_560 : i32
        %get3A_562 = arith.constant 1 : i32
        %get3A_563 = arith.index_cast %get3A_562 : i32 to index
        %get3A_564 = arith.index_cast %add3A_561 : i32 to index
        %get3A_565 = arith.constant 48 : index
        %get3A_566 = tpu.vector_load %arg6[%get3A_563, %get3A_564, %get3A_565] {strides = array<i32>} : memref<6x200x64xf32, #tpu.memory_space<vmem>>, vector<1x1x16xf32>,
        %get3A_567 = vector.shape_cast %get3A_566 : vector<1x1x16xf32> to vector<16xf32>
        %add3A_568 = arith.constant 6 : i32
        %add3A_569 = arith.addi %mul3A_304, %add3A_568 : i32
        %get3A_570 = arith.constant 1 : i32
        %get3A_571 = arith.index_cast %get3A_570 : i32 to index
        %get3A_572 = arith.index_cast %add3A_569 : i32 to index
        %get3A_573 = arith.constant 48 : index
        %get3A_574 = tpu.vector_load %arg6[%get3A_571, %get3A_572, %get3A_573] {strides = array<i32>} : memref<6x200x64xf32, #tpu.memory_space<vmem>>, vector<1x1x16xf32>,
        %get3A_575 = vector.shape_cast %get3A_574 : vector<1x1x16xf32> to vector<16xf32>
        %add3A_576 = arith.constant 7 : i32
        %add3A_577 = arith.addi %mul3A_304, %add3A_576 : i32
        %get3A_578 = arith.constant 1 : i32
        %get3A_579 = arith.index_cast %get3A_578 : i32 to index
        %get3A_580 = arith.index_cast %add3A_577 : i32 to index
        %get3A_581 = arith.constant 48 : index
        %get3A_582 = tpu.vector_load %arg6[%get3A_579, %get3A_580, %get3A_581] {strides = array<i32>} : memref<6x200x64xf32, #tpu.memory_space<vmem>>, vector<1x1x16xf32>,
        %get3A_583 = vector.shape_cast %get3A_582 : vector<1x1x16xf32> to vector<16xf32>
        %add3A_584 = arith.addf %get3A_527, %get3A_535 : vector<16xf32>
        %add3A_585 = arith.addf %get3A_543, %get3A_551 : vector<16xf32>
        %add3A_586 = arith.addf %add3A_584, %add3A_585 : vector<16xf32>
        %add3A_587 = arith.addf %get3A_559, %get3A_567 : vector<16xf32>
        %add3A_588 = arith.addf %get3A_575, %get3A_583 : vector<16xf32>
        %add3A_589 = arith.addf %add3A_587, %add3A_588 : vector<16xf32>
        %add3A_590 = arith.addf %add3A_586, %add3A_589 : vector<16xf32>
        %add3A_591 = arith.addf %scan3A_302, %add3A_590 : vector<16xf32>
        scf.yield %add3A_375, %add3A_447, %add3A_519, %add3A_591 : vector<16xf32>, vector<16xf32>, vector<16xf32>, vector<16xf32>
      }
      %scan3A_260 = arith.constant 25 : i32
      %mul3A_261 = arith.constant 5.000000e-03 : f32
      %mul3A_262 = vector.broadcast %mul3A_261 : f32 to vector<16xf32>
      %mul3A_263 = arith.mulf %scan3A_259#0, %mul3A_262 : vector<16xf32>
      %swap3A_264 = arith.constant 127 : i32
      %swap3A_265 = arith.index_cast %swap3A_264 : i32 to index
      %swap3A_266 = arith.constant 0 : index
      %swap3A_267 = tpu.vector_load %arg7[%swap3A_265, %swap3A_266] {strides = array<i32>} : memref<128x64xf32, #tpu.memory_space<vmem>>, vector<1x16xf32>,
      %swap3A_268 = vector.shape_cast %swap3A_267 : vector<1x16xf32> to vector<16xf32>
      %swap3A_269 = vector.shape_cast %mul3A_263 : vector<16xf32> to vector<1x16xf32>
      tpu.vector_store %arg7[%swap3A_265, %swap3A_266], %swap3A_269 {strides = array<i32>} : memref<128x64xf32, #tpu.memory_space<vmem>>, vector<1x16xf32>,
      %mul3A_270 = arith.constant 5.000000e-03 : f32
      %mul3A_271 = vector.broadcast %mul3A_270 : f32 to vector<16xf32>
      %mul3A_272 = arith.mulf %scan3A_259#1, %mul3A_271 : vector<16xf32>
      %swap3A_273 = arith.constant 127 : i32
      %swap3A_274 = arith.index_cast %swap3A_273 : i32 to index
      %swap3A_275 = arith.constant 16 : index
      %swap3A_276 = tpu.vector_load %arg7[%swap3A_274, %swap3A_275] {strides = array<i32>} : memref<128x64xf32, #tpu.memory_space<vmem>>, vector<1x16xf32>,
      %swap3A_277 = vector.shape_cast %swap3A_276 : vector<1x16xf32> to vector<16xf32>
      %swap3A_278 = vector.shape_cast %mul3A_272 : vector<16xf32> to vector<1x16xf32>
      tpu.vector_store %arg7[%swap3A_274, %swap3A_275], %swap3A_278 {strides = array<i32>} : memref<128x64xf32, #tpu.memory_space<vmem>>, vector<1x16xf32>,
      %mul3A_279 = arith.constant 5.000000e-03 : f32
      %mul3A_280 = vector.broadcast %mul3A_279 : f32 to vector<16xf32>
      %mul3A_281 = arith.mulf %scan3A_259#2, %mul3A_280 : vector<16xf32>
      %swap3A_282 = arith.constant 127 : i32
      %swap3A_283 = arith.index_cast %swap3A_282 : i32 to index
      %swap3A_284 = arith.constant 32 : index
      %swap3A_285 = tpu.vector_load %arg7[%swap3A_283, %swap3A_284] {strides = array<i32>} : memref<128x64xf32, #tpu.memory_space<vmem>>, vector<1x16xf32>,
      %swap3A_286 = vector.shape_cast %swap3A_285 : vector<1x16xf32> to vector<16xf32>
      %swap3A_287 = vector.shape_cast %mul3A_281 : vector<16xf32> to vector<1x16xf32>
      tpu.vector_store %arg7[%swap3A_283, %swap3A_284], %swap3A_287 {strides = array<i32>} : memref<128x64xf32, #tpu.memory_space<vmem>>, vector<1x16xf32>,
      %mul3A_288 = arith.constant 5.000000e-03 : f32
      %mul3A_289 = vector.broadcast %mul3A_288 : f32 to vector<16xf32>
      %mul3A_290 = arith.mulf %scan3A_259#3, %mul3A_289 : vector<16xf32>
      %swap3A_291 = arith.constant 127 : i32
      %swap3A_292 = arith.index_cast %swap3A_291 : i32 to index
      %swap3A_293 = arith.constant 48 : index
      %swap3A_294 = tpu.vector_load %arg7[%swap3A_292, %swap3A_293] {strides = array<i32>} : memref<128x64xf32, #tpu.memory_space<vmem>>, vector<1x16xf32>,
      %swap3A_295 = vector.shape_cast %swap3A_294 : vector<1x16xf32> to vector<16xf32>
      %swap3A_296 = vector.shape_cast %mul3A_290 : vector<16xf32> to vector<1x16xf32>
      tpu.vector_store %arg7[%swap3A_292, %swap3A_293], %swap3A_296 {strides = array<i32>} : memref<128x64xf32, #tpu.memory_space<vmem>>, vector<1x16xf32>,
      "tpu.region"() ({
        %run_scoped3A = tpu.sem_alloc : memref<!tpu.dma_semaphore, #tpu.memory_space<semaphore_mem>>
        %dma_start3A_298 = arith.constant 0 : i32
        %dma_start3A_299 = tpu.memref_slice %arg4[%add3A_13, %dma_start3A_298] : memref<16384x64xf32, #tpu.memory_space<hbm>> -> memref<128x64xf32, #tpu.memory_space<hbm>>
        %dma_start3A_300 = arith.constant 0 : i32
        %dma_start3A_301 = tpu.memref_slice %arg4[%add3A_13, %dma_start3A_300] : memref<16384x64xf32, #tpu.memory_space<hbm>> -> memref<128x64xf32, #tpu.memory_space<hbm>>
        tpu.enqueue_dma source(%arg7 : memref<128x64xf32, #tpu.memory_space<vmem>>) target(%dma_start3A_301 : memref<128x64xf32, #tpu.memory_space<hbm>>) target_semaphore(%run_scoped3A : memref<!tpu.dma_semaphore, #tpu.memory_space<semaphore_mem>>)
        %dma_wait3A_302 = arith.constant 0 : i32
        %dma_wait3A_303 = tpu.memref_slice %arg4[%add3A_13, %dma_wait3A_302] : memref<16384x64xf32, #tpu.memory_space<hbm>> -> memref<128x64xf32, #tpu.memory_space<hbm>>
        %dma_wait3A_304 = arith.constant 0 : i32
        %dma_wait3A_305 = tpu.memref_slice %arg4[%add3A_13, %dma_wait3A_304] : memref<16384x64xf32, #tpu.memory_space<hbm>> -> memref<128x64xf32, #tpu.memory_space<hbm>>
        tpu.wait_dma2 semaphore(%run_scoped3A : memref<!tpu.dma_semaphore, #tpu.memory_space<semaphore_mem>>) src(%arg7 : memref<128x64xf32, #tpu.memory_space<vmem>>) dst(%dma_wait3A_305 : memref<128x64xf32, #tpu.memory_space<hbm>>)
        tpu.yield
      }) : () -> ()
      %scan3A_297 = arith.constant 0 : i32
      scf.yield %scan3A_297 : i32
    }
    %scan3A_8 = arith.constant 4 : i32
    return
  }
}

module attributes {stable_mosaic.version = 14 : i64} {
  func.func @_mm_body(%arg0: i32, %arg1: memref<1024x64xf32, #tpu.memory_space<vmem>>, %arg2: memref<1000x64xf32, #tpu.memory_space<vmem>>, %arg3: memref<1x1000xf32, #tpu.memory_space<vmem>>, %arg4: memref<1024x1000xf32, #tpu.memory_space<vmem>>) attributes {dimension_semantics = [#tpu.dimension_semantics<arbitrary>], iteration_bounds = array<i64: 16>, scalar_prefetch = 0 : i64, scratch_operands = 0 : i64, tpu.core_type = #tpu.core_type<tc>, window_params = [{transform_indices = @transform_0, window_bounds = array<i64: 1024, 64>}, {pipeline_mode = #tpu.pipeline_mode<synchronous>, transform_indices = @transform_1, window_bounds = array<i64: 1000, 64>}, {pipeline_mode = #tpu.pipeline_mode<synchronous>, transform_indices = @transform_2, window_bounds = array<i64: 1, 1000>}, {transform_indices = @transform_3, window_bounds = array<i64: 1024, 1000>}]} {
    %get3A = arith.constant 0 : index
    %get3A_0 = arith.constant 0 : index
    %get3A_1 = vector.load %arg1[%get3A, %get3A_0] : memref<1024x64xf32, #tpu.memory_space<vmem>>, vector<1024x64xf32>
    %get3A_2 = arith.constant 0 : index
    %get3A_3 = arith.constant 0 : index
    %get3A_4 = vector.load %arg2[%get3A_2, %get3A_3] : memref<1000x64xf32, #tpu.memory_space<vmem>>, vector<1000x64xf32>
    %dot_general3A = arith.constant dense<0.000000e+00> : vector<1024x1000xf32>
    %dot_general3A_5 = tpu.matmul %get3A_1, %get3A_4, %dot_general3A {dimension_numbers = #tpu.dot_dimension_numbers<[1], [1], [0], [0], [0, 0, 1, 0], [], []>, transpose_lhs_hint = false} : vector<1024x64xf32>, vector<1000x64xf32>, vector<1024x1000xf32> -> vector<1024x1000xf32>
    %get3A_6 = arith.constant 0 : index
    %get3A_7 = arith.constant 0 : index
    %get3A_8 = vector.load %arg3[%get3A_6, %get3A_7] : memref<1x1000xf32, #tpu.memory_space<vmem>>, vector<1x1000xf32>
    %add3A = vector.broadcast %get3A_8 : vector<1x1000xf32> to vector<1024x1000xf32>
    %add3A_9 = arith.addf %dot_general3A_5, %add3A : vector<1024x1000xf32>
    %swap3A = arith.constant 0 : index
    %swap3A_10 = arith.constant 0 : index
    %swap3A_11 = vector.load %arg4[%swap3A, %swap3A_10] : memref<1024x1000xf32, #tpu.memory_space<vmem>>, vector<1024x1000xf32>
    tpu.vector_store %arg4[%swap3A, %swap3A_10], %add3A_9 {strides = array<i32>} : memref<1024x1000xf32, #tpu.memory_space<vmem>>, vector<1024x1000xf32>,
    return
  }
  func.func @transform_0(%arg0: i32) -> (i32, i32) {
    %c0_i32 = arith.constant 0 : i32
    %c0_i32_0 = arith.constant 0 : i32
    return %arg0, %c0_i32 : i32, i32
  }
  func.func @transform_1(%arg0: i32) -> (i32, i32) {
    %c0_i32 = arith.constant 0 : i32
    %c0_i32_0 = arith.constant 0 : i32
    %c0_i32_1 = arith.constant 0 : i32
    return %c0_i32, %c0_i32_0 : i32, i32
  }
  func.func @transform_2(%arg0: i32) -> (i32, i32) {
    %c0_i32 = arith.constant 0 : i32
    %c0_i32_0 = arith.constant 0 : i32
    %c0_i32_1 = arith.constant 0 : i32
    return %c0_i32, %c0_i32_0 : i32, i32
  }
  func.func @transform_3(%arg0: i32) -> (i32, i32) {
    %c0_i32 = arith.constant 0 : i32
    %c0_i32_0 = arith.constant 0 : i32
    return %arg0, %c0_i32 : i32, i32
  }
}

</mosaic_0001>

<sc_bundles>
// kernel: kernel.4.cloned.1.call-start
scs
__scs_entry_jumppad:
0x0: {  	(pc) =	sbr.rel $0x88, $3  }
0x1: {  	(tag) =	ssettag $0x0;
	lr =	simm.s32 $0x1  }
0x2: {  	[smem:$0x3F9D] =	sst lr;
	_ =	strace $0xD0000000  }
0x3: {  	_ = 	snop  }
0x4: {  	_ = 	snop  }
0x5: {  	_ = 	snop  }
0x6: {  	_ = 	snop  }
0x7: {  	_ = 	snop  }
__scs_overlays_trampoline_lowered:
0x8: {  	[smem:$0x3FAC] =	sst s0  }
0x9: {  	[smem:$0x3FAD] =	sst s1  }
0xa: {  	[smem:$0x3FAE] =	sst s2  }
0xb: {  	[smem:$0x3FAF] =	sst s3  }
0xc: {  	[smem:$0x3FB0] =	sst s4  }
0xd: {  	[smem:$0x3FB1] =	sst s5  }
0xe: {  	[smem:$0x3FB2] =	sst s6  }
0xf: {  	[smem:$0x3FB3] =	sst s7  }
0x10: {  	[smem:$0x3FB4] =	sst s8  }
0x11: {  	[smem:$0x3FB5] =	sst s9;
	s0 =	simm.s32 @!p0 $0x0  }
0x12: {  	s1 =	sld [smem:$0x3F9B];
	s0 =	simm.s32 @p0 $0x1  }
0x13: {  	[smem:$0x3FB6] =	sst s0;
	s0 =	simm.s32 @!p1 $0x0  }
0x14: {  	s2 =	sld [smem:$0x3F9A];
	s0 =	simm.s32 @p1 $0x1  }
0x15: {  	[smem:$0x3FB7] =	sst s0;
	s0 =	simm.s32 @!p2 $0x0  }
0x16: {  	s3 =	sld [smem:$0x3FDB];
	s0 =	simm.s32 @p2 $0x1  }
0x17: {  	s4 =	simm.s32 $0x1BF5;
	[smem:$0x3FB9] =	sst s0  }
0x18: {  	s0 =	sld [smem:$0x3F9C];
	_ =	swait.ge [sflag:s4], $0x0  }
0x19: {  	s7 =	sld [smem:$0x3F9D]  }
0x1a: {  	s8 =	sadd.s32 $0xFFFFE003, lr  }
0x1b: {  	s9 =	sadd.s32 $0xFFFFFEF7, lr;
	s5 =	simm.s32 $0xFFFFFFFF;
	p2 =	slt.u32 s8, $0xFFFFF086  }
0x1c: {  	p1 =	slt.u32 s9, $0xF7A;
	s5 =	simm.s32 @!p2 $0x0  }
0x1d: {  	s5 =	simm.s32 @p1 $0x1;
	p0 =	seq.s32 s7, s2  }
0x1e: {  	s7 =	smul.u32 @!p0 $0xF7A, s2;
	p2 =	seq.s32 @!p0 s5, $0x0  }
0x1f: {  	s9 =	smul.u32 $0xF7A, s1;
	s8 =	simm.s32 @!p0 $0x1BF5;
	p2 =	por !p2, p0  }
0x20: {  	[sflag:s8] =	ssyncset.s32 @!p0 $0xFFFFF086;
	s6 =	sadd.s32 @!p0 s3, s7;
	s7 =	simm.s32 @!p0 $0x108  }
0x21: {  	s3 =	sadd.s32 s3, s9;
	s6 =	sadd.s32 @!p0 $0x88, s6;
	s7 =	simm.s32 @p2 $0x1082  }
0x22: {  	[simem:s7], [sflag:s8] =	dma.local @!p0 [hbm:s6], $0xF7A  }
0x23: {  	s9 =	sor.u32 $0xD0000000, s2;
	s6 =	simm.s32 $0x108;
	_ =	swait.ge @!p0 [sflag:s8], $0x0  }
0x24: {  	s3 =	sadd.s32 $0x88, s3;
	s6 =	simm.s32 @!p1 $0x1082;
	[sflag:s4] =	ssyncset.s32 $0xFFFFF086  }
0x25: {  	[simem:s6], [sflag:s4] =	dma.local [hbm:s3], $0xF7A  }
0x26: {  	[smem:$0x3F9D] =	sst s1;
	(tag) =	ssettag s2;
	_ =	strace s9  }
0x27: {  	s1 =	sld [smem:$0x3FAD]  }
0x28: {  	s2 =	sld [smem:$0x3FAE]  }
0x29: {  	s4 =	sld [smem:$0x3FB0]  }
0x2a: {  	p0 =	seq.s32 s5, $0x0;
	s5 =	sld [smem:$0x3FB1]  }
0x2b: {  	s6 =	sld [smem:$0x3FB2]  }
0x2c: {  	s7 =	sld [smem:$0x3FB3]  }
0x2d: {  	s3 =	simm.s32 $0x108;
	s8 =	sld [smem:$0x3FB4]  }
0x2e: {  	s3 =	simm.s32 @!p0 $0x1082;
	s9 =	sld [smem:$0x3FB5]  }
0x2f: {  	lr =	sadd.s32 s0, s3;
	s0 =	sld [smem:$0x3FAC]  }
0x30: {  	s3 =	sld [smem:$0x3FAF]  }
0x31: {  	[smem:$0x3FB8] =	sst s10  }
0x32: {  	s10 =	sld [smem:$0x3FB6];
	_ =	sdelay $0x3  }
0x33: {  	p0 =	seq.s32 s10, $0x1;
	s10 =	sld [smem:$0x3FB8];
	_ =	sdelay $0x3  }
0x34: {  	[smem:$0x3FB8] =	sst s10  }
0x35: {  	s10 =	sld [smem:$0x3FB7];
	_ =	sdelay $0x3  }
0x36: {  	p1 =	seq.s32 s10, $0x1;
	s10 =	sld [smem:$0x3FB8];
	_ =	sdelay $0x3  }
0x37: {  	[smem:$0x3FB8] =	sst s10  }
0x38: {  	s10 =	sld [smem:$0x3FB9]  }
0x39: {  	_ = 	snop;
	(pc) =	sbr.ind lr, $3  }
0x3a: {  	_ = 	snop  }
0x3b: {  	_ = 	snop  }
0x3c: {  	p2 =	seq.s32 s10, $0x1;
	s10 =	sld [smem:$0x3FB8]  }
0x3d: {  	_ =	shalt  }
0x3e: {  	_ =	shalt  }
0x3f: {  	_ =	shalt  }
0x40: {  	_ =	shalt  }
0x41: {  	_ =	shalt  }
0x42: {  	_ =	shalt  }
0x43: {  	_ =	shalt  }
0x44: {  	_ =	shalt  }
0x45: {  	_ =	shalt  }
0x46: {  	_ =	shalt  }
0x47: {  	_ =	shalt  }
0x48: {  	_ =	shalt  }
0x49: {  	_ =	shalt  }
0x4a: {  	_ =	shalt  }
0x4b: {  	_ =	shalt  }
0x4c: {  	_ =	shalt  }
0x4d: {  	_ =	shalt  }
0x4e: {  	_ =	shalt  }
0x4f: {  	_ =	shalt  }
0x50: {  	_ =	shalt  }
0x51: {  	_ =	shalt  }
0x52: {  	_ =	shalt  }
0x53: {  	_ =	shalt  }
0x54: {  	_ =	shalt  }
0x55: {  	_ =	shalt  }
0x56: {  	_ =	shalt  }
0x57: {  	_ =	shalt  }
0x58: {  	_ =	shalt  }
0x59: {  	_ =	shalt  }
0x5a: {  	_ =	shalt  }
0x5b: {  	_ =	shalt  }
0x5c: {  	_ =	shalt  }
0x5d: {  	_ =	shalt  }
0x5e: {  	_ =	shalt  }
0x5f: {  	_ =	shalt  }
0x60: {  	_ =	shalt  }
0x61: {  	_ =	shalt  }
0x62: {  	_ =	shalt  }
0x63: {  	_ =	shalt  }
0x64: {  	_ =	shalt  }
0x65: {  	_ =	shalt  }
0x66: {  	_ =	shalt  }
0x67: {  	_ =	shalt  }
0x68: {  	_ =	shalt  }
0x69: {  	_ =	shalt  }
0x6a: {  	_ =	shalt  }
0x6b: {  	_ =	shalt  }
0x6c: {  	_ =	shalt  }
0x6d: {  	_ =	shalt  }
0x6e: {  	_ =	shalt  }
0x6f: {  	_ =	shalt  }
0x70: {  	_ =	shalt  }
0x71: {  	_ =	shalt  }
0x72: {  	_ =	shalt  }
0x73: {  	_ =	shalt  }
0x74: {  	_ =	shalt  }
0x75: {  	_ =	shalt  }
0x76: {  	_ =	shalt  }
0x77: {  	_ =	shalt  }
0x78: {  	_ =	shalt  }
0x79: {  	_ =	shalt  }
0x7a: {  	_ =	shalt  }
0x7b: {  	_ =	shalt  }
0x7c: {  	_ =	shalt  }
0x7d: {  	_ =	shalt  }
0x7e: {  	_ =	shalt  }
0x7f: {  	_ =	shalt  }
0x80: {  	_ =	shalt  }
0x81: {  	_ =	shalt  }
0x82: {  	_ =	shalt  }
0x83: {  	_ =	shalt  }
0x84: {  	_ =	shalt  }
0x85: {  	_ =	shalt  }
0x86: {  	_ =	shalt  }
0x87: {  	_ =	shalt  }
.Lfunc_end0:
.L_simem_size_0:
called_computation_lowered:
.L_overlay_start_0:
0x88: {  	s2 =	sld [smem:$0x3FD9]  }
0x89: {  	s3 =	sld [smem:$0x3FFE];
	_ =	sdelay $0x1  }
0x8a: {  	s1 =	srdreg.scid  }
0x8b: {  	s0 =	sand.u32 $0x1, s1  }
0x8c: {  	s17 =	sshll.u32 s0, $0xA;
	s2 =	sadd.s32 s3, s2  }
0x8d: {  	s2 =	sadd.s32 s2, s17  }
0x8e: {  	[smem:$0x3FC4] =	sst s2  }
0x8f: {  	_ = 	snop  }
0x90: {  	s2 =	sld [smem:$0x3FD0];
	(tm) =	ssettm $0x1  }
0x91: {  	s18 =	sld [smem:$0x3FFB];
	_ =	sdelay $0x3  }
0x92: {  	_ =	strace s18  }
0x93: {  	s3 =	sld [smem:$0x3FFC];
	_ =	sdelay $0x3  }
0x94: {  	_ =	strace s3  }
0x95: {  	s3 =	sld [smem:$0x3FFD];
	_ =	sdelay $0x3  }
0x96: {  	_ =	strace s3  }
0x97: {  	_ =	strace $0x8FFFFFFF  }
0x98: {  	s19 =	sld [smem:$0x3FDB];
	_ =	sdelay $0x1  }
0x99: {  	s4 =	simm.s32 $_scs_section_size  }
0x9a: {  	s5 =	simm.s32 $_size__tile_overlayer_lowered;
	s6 =	simm.s32 $_tile_overlayer_lowered  }
0x9b: {  	s22 =	simm.s32 $0x1BFF;
	s21 =	sshll.u32 s6, $0x1;
	s3 =	sadd.s32 s4, s19  }
0x9c: {  	s7 =	simm.s32 $0x0;
	s20 =	sshll.u32 s5, $0x1;
	s5 =	sadd.s32 s21, s3  }
0x9d: {  	[timem:s7], [sflag:s22] =	dma.local [hbm:s5], s20  }
0x9e: {  	_ =	swait.ge [sflag:s22], s20  }
0x9f: {  	s4 =	ssub.s32 $0x0, s20;
	[sflag:s22] =	ssyncset.done $0x0  }
0xa0: {  	[sflag:s22] =	ssyncadd.s32 s4;
	_ =	sdelay $0x1  }
0xa1: {  	s23 =	simm.s32 $0x1B8B  }
0xa2: {  	_ =	swait.ge [sflag:s23], $0x1  }
0xa3: {  	[sflag:s23] =	ssyncset.done $0x0  }
0xa4: {  	s25 =	simm.s32 $0x1B8E;
	s24 =	sld [smem:$0x3FFE];
	[sflag:s23] =	ssyncadd.s32 $0xFFFFFFFF  }
0xa5: {  	s26 =	simm.s32 $execute0_lowered;
	[smem:$0x3FD2] =	sst s25  }
0xa6: {  	s5 =	sshll.u32 s26, $0x1;
	_ =	strace $0x80000046;
	[dreg:$0x1] =	wrdreg $0xFFFFFFFF  }
0xa7: {  	s28 =	simm.s32 $_size_execute0_lowered;
	s3 =	sadd.s32 s3, s5;
	[dreg:$0x0] =	wrdreg $0x0  }
0xa8: {  	s5 =	sshll.u32 s28, $0x1;
	[dreg:$0x2] =	wrdreg s3  }
0xa9: {  	[dreg:$0x3] =	wrdreg s5  }
0xaa: {  	[dreg:$0x4] =	wrdreg $0xC0  }
0xab: {  	_ =	task [dreg:s7], $0x5FFFF  }
0xac: {  	[dreg:$0x1] =	wrdreg $0xFFFFFFFF  }
0xad: {  	[dreg:$0x0] =	wrdreg $0x60  }
0xae: {  	[dreg:$0x2] =	wrdreg s2  }
0xaf: {  	[dreg:$0x3] =	wrdreg s24  }
0xb0: {  	[dreg:$0x4] =	wrdreg $0x9  }
0xb1: {  	_ =	task.clear_ibuf [dreg:s7], $0x5FFFF;
	_ =	strace $0x90000046  }
0xb2: {  	s29 =	simm.s32 $0x9;
	_ =	strace $0x80000048  }
0xb3: {  	_ =	swait.ge [sflag:s29], $0x1  }
0xb4: {  	[sflag:s29] =	ssyncadd.s32 $0xFFFFFFFF  }
0xb5: {  	_ =	strace $0x90000048  }
0xb6: {  	_ =	sfence  }
0xb7: {  	s30 =	sld [smem:$0x0];
	_ =	sdelay $0x2  }
0xb8: {  	s31 =	sshll.u32 s1, $0xD;
	s1 =	sshrl.u32 s1, $0x2  }
0xb9: {  	s3 =	sand.u32 $0x4000, s31;
	s1 =	sadd.s32 s1, s30  }
0xba: {  	s0 =	sor.u32 s3, s0;
	s1 =	sshll.u32 s1, $0x11  }
0xbb: {  	s0 =	sor.u32 s1, s0  }
0xbc: {  	s0 =	sadd.s32 $0x8F2B, s0  }
0xbd: {  	[sflag:s0] =	ssyncadd.remote.s32 $0x1  }
0xbe: {  	_ =	sfence.sel $0xFFFF  }
0xbf: {  	[dreg:$0x0] =	wrdreg $0xFFFFFFFF;
	(pc) =	sbr.abs _section_cstart, $3  }
0xc0: {  	[dreg:$0x1] =	wrdreg $0xFFFFFFFF  }
0xc1: {  	_ =	task.clear_ibuf [dreg:s7], $0x2FFFF;
	_ =	strace $0x9FFFFFFF  }
0xc2: {  	(tm) =	ssettm $0x7FFFFFFF  }
0xc3: {  	_ =	shalt  }
tec
execute0_lowered:
.L_overlay_start_1:
0x0: {  	(tag) =	ssettag $0x1  }
0x1: {  	s0 =	rddreg [dreg:$0x1]  }
0x2: {  	s2 =	simm.s32 $0x0;
	s1 =	srdreg.scid;
	s3 =	stileid.u32  }
0x3: {  	s8 =	simm.s32 $0x7;
	s9 =	simm.s32 $0x68;
	s10 =	simm.s32 $0x6400  }
0x4: {  	s11 =	simm.s32 $0x60;
	s12 =	simm.s32 $0x7E00;
	s14 =	simm.s32 $0x9600  }
0x5: {  	s16 =	simm.s32 $0xB000;
	s28 =	simm.s32 $0x388;
	s29 =	simm.s32 $0x14600  }
0x6: {  	s30 =	simm.s32 $0x15E00;
	s31 =	simm.s32 $0x17800;
	s7 =	simm.s32 $0x3  }
0x7: {  	s13 =	simm.s32 $0x6;
	s15 =	simm.s32 $0x19000;
	s18 =	simm.s32 $0x0  }
0x8: {  	[smem:$0x7FF] =	sst s2;
	s1 =	sand.u32 $0x1, s1;
	s4 =	sadd.s32 $0xF42E00, s0  }
0x9: {  	s5 =	sadd.s32 $0xA00, s0;
	s26 =	sshll.u32 s3, $0xA;
	s24 =	ssub.s32 $0x2, s1  }
0xa: {  	s3 =	simm.s32 $0x2;
	s2 =	simm.s32 $0x5;
	s25 =	sshrl.u32 s24, $0x1  }
0xb: {  	_ =	strace $0x80000047;
	s1 =	sshll.u32 s1, $0x9;
	s0 =	ssub.s32 s24, s25  }
0xc: {  	s6 =	sor.u32 s1, s26;
	s26 =	simm.s32 $0x12C00;
	s0 =	smax.u32 s0, $0x1  }
0xd: {  	s1 =	simm.s32 $0x4;
	[dreg:$0x3] =	wrdreg s0;
	s0 =	simm.s32 $0x1  }
.LBB2_1:
0xe: {  	[dreg:$0x4] =	wrdreg s18;
	s17 =	simm.s32 $0x0  }
.LBB2_2:
0xf: {  	s18 =	sshll.u32 s17, $0x7  }
0x10: {  	s18 =	sadd.s32 s6, s18  }
0x11: {  	s19 =	smul.u32 $0x19, s18  }
0x12: {  	s20 =	rddreg [dreg:$0x0]  }
0x13: {  	s20 =	sadd.s32 s20, s19;
	s19 =	simm.s32 $0x0  }
0x14: {  	[tilespmem:s19], [sflag:$0x7] =	stream.linear.gather [hbm4b:s20+s19], $0x6400, $0x38;
	[tilespmem:$0x1B000] =	vst v63  }
0x15: {  	_ =	swait.ge [sflag:s8], $0x6400  }
0x16: {  	[sflag:s8] =	ssyncset.done $0x0  }
0x17: {  	[sflag:s8] =	ssyncadd.s32 $0xFFFF9C00  }
0x18: {  	[tilespmem:s10], [sflag:$0x1] =	stream.indirect.gather [hbm4b:s4+s9], $0x40, s19, s9, $0xb8;
	[tilespmem:$0x1B000] =	vst v63  }
0x19: {  	_ = 	snop  }
0x1a: {  	[tilespmem:s12], [sflag:$0x1] =	stream.indirect.gather [hbm4b:s4+s11], $0x40, s9, s11, $0xb8;
	[tilespmem:$0x1B000] =	vst v63  }
0x1b: {  	s21 =	simm.s32 $0xC8  }
0x1c: {  	[tilespmem:s14], [sflag:$0x2] =	stream.indirect.gather [hbm4b:s4+s9], $0x40, s21, s9, $0xb8;
	[tilespmem:$0x1B000] =	vst v63  }
0x1d: {  	s22 =	simm.s32 $0x130  }
0x1e: {  	[tilespmem:s16], [sflag:$0x2] =	stream.indirect.gather [hbm4b:s4+s11], $0x40, s22, s11, $0xb8;
	[tilespmem:$0x1B000] =	vst v63  }
0x1f: {  	s23 =	simm.s32 $0x190;
	s21 =	simm.s32 $0xC800  }
0x20: {  	[tilespmem:s21], [sflag:$0x3] =	stream.indirect.gather [hbm4b:s4+s9], $0x40, s23, s9, $0xb8;
	[tilespmem:$0x1B000] =	vst v63  }
0x21: {  	s24 =	simm.s32 $0x1F8;
	s25 =	simm.s32 $0xE200  }
0x22: {  	[tilespmem:s25], [sflag:$0x3] =	stream.indirect.gather [hbm4b:s4+s11], $0x40, s24, s11, $0xb8;
	[tilespmem:$0x1B000] =	vst v63  }
0x23: {  	s22 =	simm.s32 $0xFA00;
	s21 =	simm.s32 $0x258  }
0x24: {  	[tilespmem:s22], [sflag:$0x4] =	stream.indirect.gather [hbm4b:s4+s9], $0x40, s21, s9, $0xb8;
	[tilespmem:$0x1B000] =	vst v63  }
0x25: {  	s23 =	simm.s32 $0x2C0;
	s24 =	simm.s32 $0x11400  }
0x26: {  	[tilespmem:s24], [sflag:$0x4] =	stream.indirect.gather [hbm4b:s4+s11], $0x40, s23, s11, $0xb8;
	[tilespmem:$0x1B000] =	vst v63  }
0x27: {  	s25 =	simm.s32 $0x320  }
0x28: {  	[tilespmem:s26], [sflag:$0x5] =	stream.indirect.gather [hbm4b:s4+s9], $0x40, s25, s9, $0xb8;
	[tilespmem:$0x1B000] =	vst v63  }
0x29: {  	_ = 	snop  }
0x2a: {  	[tilespmem:s29], [sflag:$0x5] =	stream.indirect.gather [hbm4b:s4+s11], $0x40, s28, s11, $0xb8;
	[tilespmem:$0x1B000] =	vst v63  }
.LBB2_3:
0x2b: {  	s20 =	smul.u32 $0x6, s19;
	_ =	sdelay $0x1  }
0x2c: {  	s20 =	sadd.s32 $0x5, s20  }
0x2d: {  	s21 =	smul.u32 $0x320, s20;
	_ =	sdelay $0x1  }
0x2e: {  	s21 =	sshra.s32 s21, $0x2  }
0x2f: {  	[tilespmem:s30], [sflag:$0x6] =	stream.indirect.gather [hbm4b:s4+s9], $0x40, s21, s9, $0xb8;
	[tilespmem:$0x1B000] =	vst v63  }
0x30: {  	s21 =	sadd.s32 $0x68, s21  }
0x31: {  	[tilespmem:s31], [sflag:$0x6] =	stream.indirect.gather [hbm4b:s4+s11], $0x40, s21, s11, $0xb8;
	[tilespmem:$0x1B000] =	vst v63  }
0x32: {  	_ =	swait.ge [sflag:s0], $0x1A00  }
0x33: {  	[sflag:s0] =	ssyncset.done $0x0  }
0x34: {  	[sflag:s0] =	ssyncadd.s32 $0xFFFFE600  }
0x35: {  	_ =	swait.ge [sflag:s0], $0x1800  }
0x36: {  	[sflag:s0] =	ssyncset.done $0x0  }
0x37: {  	s22 =	simm.s32 $0x0;
	[sflag:s0] =	ssyncadd.s32 $0xFFFFE800  }
0x38: {  	v0 =	vld [tilespmem:s22+$0x6430]  }
0x39: {  	v1 =	vld [tilespmem:s22+$0x6470]  }
0x3a: {  	v2 =	vld [tilespmem:s22+$0x64B0]  }
0x3b: {  	v3 =	vld [tilespmem:s22+$0x64F0]  }
0x3c: {  	v4 =	vld [tilespmem:s22+$0x6530]  }
0x3d: {  	v5 =	vld [tilespmem:s22+$0x6570]  }
0x3e: {  	v6 =	vld [tilespmem:s22+$0x65B0]  }
0x3f: {  	v7 =	vld [tilespmem:s22+$0x65F0]  }
0x40: {  	v8 =	vld [tilespmem:s22+$0x6400]  }
0x41: {  	v9 =	vld [tilespmem:s22+$0x6440]  }
0x42: {  	v10 =	vld [tilespmem:s22+$0x6480]  }
0x43: {  	v11 =	vld [tilespmem:s22+$0x64C0]  }
0x44: {  	v12 =	vld [tilespmem:s22+$0x6500]  }
0x45: {  	v13 =	vld [tilespmem:s22+$0x6540]  }
0x46: {  	v14 =	vld [tilespmem:s22+$0x6580]  }
0x47: {  	v15 =	vld [tilespmem:s22+$0x65C0]  }
0x48: {  	v16 =	vld [tilespmem:s22+$0x6410]  }
0x49: {  	v17 =	vld [tilespmem:s22+$0x6450]  }
0x4a: {  	v18 =	vld [tilespmem:s22+$0x6490]  }
0x4b: {  	v19 =	vld [tilespmem:s22+$0x64D0]  }
0x4c: {  	v20 =	vld [tilespmem:s22+$0x6510]  }
0x4d: {  	v21 =	vld [tilespmem:s22+$0x6550]  }
0x4e: {  	v22 =	vld [tilespmem:s22+$0x6590]  }
0x4f: {  	v23 =	vld [tilespmem:s22+$0x64A0];
	v0 =	vadd.f32 v1, v0  }
0x50: {  	v1 =	vadd.f32 v3, v2;
	v2 =	vld [tilespmem:s22+$0x65D0];
	v3 =	vadd.f32 v5, v4  }
0x51: {  	v4 =	vadd.f32 v7, v6;
	v6 =	vld [tilespmem:s22+$0x6420];
	v5 =	vadd.f32 v13, v12  }
0x52: {  	v7 =	vld [tilespmem:s22+$0x6460];
	v12 =	vadd.f32 v19, v18;
	v0 =	vadd.f32 v1, v0  }
0x53: {  	v13 =	vld [tilespmem:s22+$0x6560];
	v1 =	vadd.f32 v4, v3;
	v3 =	vadd.f32 v9, v8  }
0x54: {  	v4 =	vadd.f32 v11, v10;
	v8 =	vld [tilespmem:s22+$0x64E0];
	v9 =	vadd.f32 v15, v14  }
0x55: {  	v10 =	vld [tilespmem:s22+$0x6520];
	v11 =	vadd.f32 v17, v16;
	v14 =	vadd.f32 v21, v20  }
0x56: {  	v15 =	vld [tilespmem:s22+$0x65A0];
	v3 =	vadd.f32 v4, v3;
	v5 =	vadd.f32 v9, v5  }
0x57: {  	s21 =	simm.s32 $0x200;
	v9 =	vld [tilespmem:s22+$0x65E0];
	v11 =	vadd.f32 v12, v11;
	v2 =	vadd.f32 v2, v22  }
0x58: {  	v4 =	vld [tilespmem:s21+$0x6430];
	v0 =	vadd.f32 v1, v0;
	v12 =	vadd.f32 v7, v6  }
0x59: {  	v6 =	vld [tilespmem:s21+$0x64B0];
	v1 =	vadd.f32 v5, v3;
	v3 =	vimm.f32 $0.0e+00;
	v2 =	vadd.f32 v2, v14  }
0x5a: {  	v7 =	vld [tilespmem:s21+$0x6530];
	v0 =	vadd.f32 v0, v3  }
0x5b: {  	v5 =	vld [tilespmem:s21+$0x6470];
	v2 =	vadd.f32 v2, v11;
	v11 =	vadd.f32 v8, v23  }
0x5c: {  	v13 =	vadd.f32 v13, v10;
	v10 =	vld [tilespmem:s21+$0x65B0];
	v14 =	vadd.f32 v9, v15  }
0x5d: {  	v1 =	vadd.f32 v1, v3;
	v8 =	vld [tilespmem:s21+$0x64F0];
	v11 =	vadd.f32 v11, v12  }
0x5e: {  	s22 =	simm.s32 $0x1000;
	v9 =	vld [tilespmem:s21+$0x6570];
	v2 =	vadd.f32 v2, v3;
	v12 =	vadd.f32 v14, v13  }
.LBB2_4:
0x5f: {  	p0 =	sne.s32 s22, $0xC000;
	v13 =	vld [tilespmem:s21+$0x65F0]  }
0x60: {  	v14 =	vld [tilespmem:s21+$0x6400];
	v11 =	vadd.f32 v12, v11  }
0x61: {  	v12 =	vld [tilespmem:s21+$0x6440]  }
0x62: {  	v15 =	vld [tilespmem:s21+$0x6480];
	v3 =	vadd.f32 v11, v3  }
0x63: {  	v4 =	vadd.f32 v5, v4;
	v5 =	vadd.f32 v8, v6;
	v11 =	vld [tilespmem:s21+$0x64C0]  }
0x64: {  	v7 =	vadd.f32 v9, v7;
	v6 =	vld [tilespmem:s21+$0x6500];
	v8 =	vadd.f32 v13, v10  }
0x65: {  	v9 =	vld [tilespmem:s21+$0x6540]  }
0x66: {  	v4 =	vadd.f32 v5, v4;
	v10 =	vld [tilespmem:s21+$0x6580];
	v5 =	vadd.f32 v8, v7  }
0x67: {  	v8 =	vadd.f32 v12, v14;
	v7 =	vld [tilespmem:s21+$0x65C0]  }
0x68: {  	v11 =	vadd.f32 v11, v15;
	v12 =	vld [tilespmem:s21+$0x6410];
	v4 =	vadd.f32 v5, v4  }
0x69: {  	v5 =	vld [tilespmem:s21+$0x6450]  }
0x6a: {  	v6 =	vadd.f32 v9, v6;
	v9 =	vld [tilespmem:s21+$0x6490];
	v0 =	vadd.f32 v4, v0  }
0x6b: {  	v4 =	vadd.f32 v11, v8;
	v8 =	vld [tilespmem:s21+$0x64D0]  }
0x6c: {  	v7 =	vadd.f32 v7, v10;
	v10 =	vld [tilespmem:s21+$0x6510]  }
0x6d: {  	v11 =	vld [tilespmem:s21+$0x6550]  }
0x6e: {  	v6 =	vadd.f32 v7, v6;
	v7 =	vld [tilespmem:s21+$0x6590];
	v5 =	vadd.f32 v5, v12  }
0x6f: {  	v12 =	vld [tilespmem:s21+$0x65D0]  }
0x70: {  	v4 =	vadd.f32 v6, v4;
	v6 =	vadd.f32 v8, v9;
	v8 =	vld [tilespmem:s21+$0x6420]  }
0x71: {  	v9 =	vld [tilespmem:s21+$0x6460]  }
0x72: {  	v5 =	vadd.f32 v6, v5;
	v6 =	vadd.f32 v11, v10;
	v10 =	vld [tilespmem:s21+$0x64A0]  }
0x73: {  	v1 =	vadd.f32 v4, v1;
	v11 =	vld [tilespmem:s21+$0x64E0]  }
0x74: {  	v4 =	vadd.f32 v12, v7;
	v7 =	vld [tilespmem:s21+$0x6520]  }
0x75: {  	v12 =	vld [tilespmem:s21+$0x6560]  }
0x76: {  	v6 =	vadd.f32 v4, v6;
	v13 =	vld [tilespmem:s21+$0x65A0];
	v8 =	vadd.f32 v9, v8  }
0x77: {  	v9 =	vld [tilespmem:s21+$0x65E0];
	s21 =	sshra.s32 s22, $0x2  }
0x78: {  	v4 =	vld [tilespmem:s21+$0x6430];
	v14 =	vadd.f32 v6, v5;
	v10 =	vadd.f32 v11, v10  }
0x79: {  	v5 =	vld [tilespmem:s21+$0x6470]  }
.Ltmp0:
0x7a: {  	v6 =	vld [tilespmem:s21+$0x64B0];
	v11 =	vadd.f32 v10, v8;
	v12 =	vadd.f32 v12, v7;
	(pc) =	sbr.rel @p0 .LBB2_4-.Ltmp0, $4  }
0x7b: {  	v2 =	vadd.f32 v14, v2;
	v8 =	vld [tilespmem:s21+$0x64F0]  }
0x7c: {  	v7 =	vld [tilespmem:s21+$0x6530];
	v13 =	vadd.f32 v9, v13  }
0x7d: {  	v9 =	vld [tilespmem:s21+$0x6570]  }
0x7e: {  	s22 =	sadd.s32 $0x800, s22;
	v10 =	vld [tilespmem:s21+$0x65B0];
	v12 =	vadd.f32 v13, v12  }
0x7f: {  	v13 =	vld [tilespmem:s21+$0x65F0]  }
0x80: {  	v14 =	vld [tilespmem:s21+$0x6400]  }
0x81: {  	v15 =	vld [tilespmem:s21+$0x6440]  }
0x82: {  	v16 =	vld [tilespmem:s21+$0x6480]  }
0x83: {  	v17 =	vld [tilespmem:s21+$0x64C0]  }
0x84: {  	v18 =	vld [tilespmem:s21+$0x6500]  }
0x85: {  	v19 =	vld [tilespmem:s21+$0x6540]  }
0x86: {  	v20 =	vld [tilespmem:s21+$0x6580]  }
0x87: {  	v21 =	vld [tilespmem:s21+$0x65C0]  }
0x88: {  	v22 =	vld [tilespmem:s21+$0x6410]  }
0x89: {  	v23 =	vld [tilespmem:s21+$0x6450]  }
0x8a: {  	v24 =	vld [tilespmem:s21+$0x6490]  }
0x8b: {  	v25 =	vld [tilespmem:s21+$0x64D0]  }
0x8c: {  	v26 =	vld [tilespmem:s21+$0x6510]  }
0x8d: {  	v27 =	vld [tilespmem:s21+$0x6550]  }
0x8e: {  	v28 =	vld [tilespmem:s21+$0x6590]  }
0x8f: {  	v29 =	vld [tilespmem:s21+$0x65D0]  }
0x90: {  	v30 =	vld [tilespmem:s21+$0x6460];
	v11 =	vadd.f32 v12, v11  }
0x91: {  	v4 =	vadd.f32 v5, v4;
	v53 =	vld [tilespmem:s21+$0x6560];
	v5 =	vadd.f32 v8, v6  }
0x92: {  	v12 =	vld [tilespmem:s21+$0x6420];
	v3 =	vadd.f32 v11, v3  }
0x93: {  	v6 =	vld [tilespmem:s21+$0x64E0];
	v7 =	vadd.f32 v9, v7;
	v4 =	vadd.f32 v5, v4  }
0x94: {  	v11 =	vld [tilespmem:s21+$0x64A0];
	v8 =	vadd.f32 v15, v14;
	v14 =	vadd.f32 v17, v16  }
0x95: {  	v15 =	vld [tilespmem:s21+$0x6520];
	v51 =	vadd.f32 v19, v18;
	v52 =	vadd.f32 v21, v20  }
0x96: {  	v9 =	vadd.f32 v13, v10;
	v10 =	vld [tilespmem:s21+$0x65A0];
	v5 =	vadd.f32 v23, v22  }
0x97: {  	v54 =	vadd.f32 v27, v26;
	v8 =	vadd.f32 v14, v8;
	v14 =	vld [tilespmem:s21+$0x65E0]  }
0x98: {  	v55 =	vadd.f32 v29, v28;
	v13 =	vadd.f32 v52, v51  }
0x99: {  	v12 =	vadd.f32 v30, v12;
	v7 =	vadd.f32 v9, v7  }
0x9a: {  	v6 =	vadd.f32 v6, v11;
	v8 =	vadd.f32 v13, v8  }
0x9b: {  	v13 =	vadd.f32 v25, v24;
	v4 =	vadd.f32 v7, v4  }
0x9c: {  	v11 =	vadd.f32 v53, v15;
	v10 =	vadd.f32 v14, v10  }
0x9d: {  	v5 =	vadd.f32 v13, v5;
	v13 =	vadd.f32 v55, v54  }
0x9e: {  	v6 =	vadd.f32 v6, v12;
	v10 =	vadd.f32 v10, v11  }
0x9f: {  	v1 =	vadd.f32 v8, v1;
	v5 =	vadd.f32 v13, v5  }
0xa0: {  	s24 =	smul.u32 $0x600, s19;
	v0 =	vadd.f32 v4, v0;
	v6 =	vadd.f32 v10, v6  }
0xa1: {  	v1 =	vmul.f32 $4.999999890e-03, v1;
	v2 =	vadd.f32 v5, v2  }
0xa2: {  	s21 =	sshra.s32 s24, $0x2;
	v0 =	vmul.f32 $4.999999890e-03, v0;
	v3 =	vadd.f32 v6, v3  }
0xa3: {  	s22 =	smul.u32 $0x12C0, s19;
	[tilespmem:s21+$0x19000] =	vst v1;
	v2 =	vmul.f32 $4.999999890e-03, v2  }
0xa4: {  	[tilespmem:s21+$0x19030] =	vst v0;
	v1 =	vmul.f32 $4.999999890e-03, v3  }
0xa5: {  	s22 =	sshra.s32 s22, $0x2;
	[tilespmem:s21+$0x19010] =	vst v2  }
0xa6: {  	s23 =	sadd.s32 $0x4B0, s22;
	[tilespmem:s21+$0x19020] =	vst v1  }
0xa7: {  	[tilespmem:s10], [sflag:$0x1] =	stream.indirect.gather [hbm4b:s4+s9], $0x40, s23, s9, $0xb8;
	[tilespmem:$0x1B000] =	vst v63  }
0xa8: {  	s25 =	sadd.s32 $0x518, s22  }
0xa9: {  	[tilespmem:s12], [sflag:$0x1] =	stream.indirect.gather [hbm4b:s4+s11], $0x40, s25, s11, $0xb8;
	[tilespmem:$0x1B000] =	vst v63  }
0xaa: {  	_ =	swait.ge [sflag:s3], $0x1A00  }
0xab: {  	[sflag:s3] =	ssyncset.done $0x0  }
0xac: {  	[sflag:s3] =	ssyncadd.s32 $0xFFFFE600  }
0xad: {  	_ =	swait.ge [sflag:s3], $0x1800  }
0xae: {  	[sflag:s3] =	ssyncset.done $0x0  }
0xaf: {  	s24 =	simm.s32 $0x0;
	[sflag:s3] =	ssyncadd.s32 $0xFFFFE800  }
0xb0: {  	v0 =	vld [tilespmem:s24+$0x9630]  }
0xb1: {  	v1 =	vld [tilespmem:s24+$0x9670]  }
0xb2: {  	v2 =	vld [tilespmem:s24+$0x96B0]  }
0xb3: {  	v3 =	vld [tilespmem:s24+$0x96F0]  }
0xb4: {  	v4 =	vld [tilespmem:s24+$0x9730]  }
0xb5: {  	v5 =	vld [tilespmem:s24+$0x9770]  }
0xb6: {  	v6 =	vld [tilespmem:s24+$0x97B0]  }
0xb7: {  	v7 =	vld [tilespmem:s24+$0x97F0]  }
0xb8: {  	v8 =	vld [tilespmem:s24+$0x9600]  }
0xb9: {  	v9 =	vld [tilespmem:s24+$0x9640]  }
0xba: {  	v10 =	vld [tilespmem:s24+$0x9680]  }
0xbb: {  	v11 =	vld [tilespmem:s24+$0x96C0]  }
0xbc: {  	v12 =	vld [tilespmem:s24+$0x9700]  }
0xbd: {  	v13 =	vld [tilespmem:s24+$0x9740]  }
0xbe: {  	v14 =	vld [tilespmem:s24+$0x9780]  }
0xbf: {  	v15 =	vld [tilespmem:s24+$0x97C0]  }
0xc0: {  	v56 =	vld [tilespmem:s24+$0x9610]  }
0xc1: {  	v57 =	vld [tilespmem:s24+$0x9650]  }
0xc2: {  	v58 =	vld [tilespmem:s24+$0x9690]  }
0xc3: {  	v59 =	vld [tilespmem:s24+$0x96D0]  }
0xc4: {  	v60 =	vld [tilespmem:s24+$0x9710]  }
0xc5: {  	v61 =	vld [tilespmem:s24+$0x9750]  }
0xc6: {  	v62 =	vld [tilespmem:s24+$0x9790]  }
0xc7: {  	v63 =	vld [tilespmem:s24+$0x96A0];
	v0 =	vadd.f32 v1, v0;
	v1 =	vadd.f32 v3, v2  }
0xc8: {  	v2 =	vld [tilespmem:s24+$0x97D0];
	v3 =	vadd.f32 v5, v4;
	v4 =	vadd.f32 v7, v6  }
0xc9: {  	v6 =	vld [tilespmem:s24+$0x9620]  }
0xca: {  	v7 =	vld [tilespmem:s24+$0x9660];
	v0 =	vadd.f32 v1, v0;
	v1 =	vadd.f32 v4, v3  }
0xcb: {  	v3 =	vadd.f32 v9, v8;
	v4 =	vadd.f32 v11, v10;
	v8 =	vld [tilespmem:s24+$0x96E0]  }
0xcc: {  	v5 =	vadd.f32 v59, v58;
	v9 =	vld [tilespmem:s24+$0x9720];
	v0 =	vadd.f32 v1, v0  }
0xcd: {  	v11 =	vld [tilespmem:s24+$0x9760];
	v1 =	vadd.f32 v13, v12;
	v10 =	vadd.f32 v4, v3  }
0xce: {  	v3 =	vadd.f32 v15, v14;
	v4 =	vadd.f32 v57, v56;
	v12 =	vld [tilespmem:s24+$0x97A0]  }
0xcf: {  	s23 =	simm.s32 $0x200;
	v13 =	vadd.f32 v61, v60;
	v14 =	vld [tilespmem:s24+$0x97E0];
	v2 =	vadd.f32 v2, v62  }
0xd0: {  	v1 =	vadd.f32 v3, v1;
	v3 =	vimm.f32 $0.0e+00;
	v15 =	vadd.f32 v5, v4;
	v4 =	vld [tilespmem:s23+$0x9630]  }
0xd1: {  	v5 =	vld [tilespmem:s23+$0x9670];
	v0 =	vadd.f32 v0, v3;
	v2 =	vadd.f32 v2, v13  }
0xd2: {  	v13 =	vadd.f32 v8, v63;
	v8 =	vld [tilespmem:s23+$0x96F0];
	v1 =	vadd.f32 v1, v10  }
0xd3: {  	v10 =	vadd.f32 v7, v6;
	v6 =	vld [tilespmem:s23+$0x96B0];
	v2 =	vadd.f32 v2, v15  }
0xd4: {  	v7 =	vld [tilespmem:s23+$0x9730];
	v15 =	vadd.f32 v11, v9;
	v12 =	vadd.f32 v14, v12  }
0xd5: {  	v9 =	vld [tilespmem:s23+$0x9770];
	v1 =	vadd.f32 v1, v3;
	v11 =	vadd.f32 v13, v10  }
0xd6: {  	s24 =	simm.s32 $0x1000;
	v10 =	vld [tilespmem:s23+$0x97B0];
	v2 =	vadd.f32 v2, v3;
	v12 =	vadd.f32 v12, v15  }
.LBB2_6:
0xd7: {  	p0 =	sne.s32 s24, $0xC000;
	v13 =	vld [tilespmem:s23+$0x97F0]  }
0xd8: {  	v14 =	vld [tilespmem:s23+$0x9600];
	v11 =	vadd.f32 v12, v11  }
0xd9: {  	v12 =	vld [tilespmem:s23+$0x9640]  }
0xda: {  	v15 =	vld [tilespmem:s23+$0x9680];
	v3 =	vadd.f32 v11, v3  }
0xdb: {  	v4 =	vadd.f32 v5, v4;
	v5 =	vadd.f32 v8, v6;
	v11 =	vld [tilespmem:s23+$0x96C0]  }
0xdc: {  	v7 =	vadd.f32 v9, v7;
	v6 =	vld [tilespmem:s23+$0x9700];
	v8 =	vadd.f32 v13, v10  }
0xdd: {  	v9 =	vld [tilespmem:s23+$0x9740]  }
0xde: {  	v4 =	vadd.f32 v5, v4;
	v10 =	vld [tilespmem:s23+$0x9780];
	v5 =	vadd.f32 v8, v7  }
0xdf: {  	v8 =	vadd.f32 v12, v14;
	v7 =	vld [tilespmem:s23+$0x97C0]  }
0xe0: {  	v11 =	vadd.f32 v11, v15;
	v12 =	vld [tilespmem:s23+$0x9610];
	v4 =	vadd.f32 v5, v4  }
0xe1: {  	v5 =	vld [tilespmem:s23+$0x9650]  }
0xe2: {  	v6 =	vadd.f32 v9, v6;
	v9 =	vld [tilespmem:s23+$0x9690];
	v0 =	vadd.f32 v4, v0  }
0xe3: {  	v4 =	vadd.f32 v11, v8;
	v8 =	vld [tilespmem:s23+$0x96D0]  }
0xe4: {  	v7 =	vadd.f32 v7, v10;
	v10 =	vld [tilespmem:s23+$0x9710]  }
0xe5: {  	v11 =	vld [tilespmem:s23+$0x9750]  }
0xe6: {  	v6 =	vadd.f32 v7, v6;
	v7 =	vld [tilespmem:s23+$0x9790];
	v5 =	vadd.f32 v5, v12  }
0xe7: {  	v12 =	vld [tilespmem:s23+$0x97D0]  }
0xe8: {  	v4 =	vadd.f32 v6, v4;
	v6 =	vadd.f32 v8, v9;
	v8 =	vld [tilespmem:s23+$0x9620]  }
0xe9: {  	v9 =	vld [tilespmem:s23+$0x9660]  }
0xea: {  	v5 =	vadd.f32 v6, v5;
	v6 =	vadd.f32 v11, v10;
	v10 =	vld [tilespmem:s23+$0x96A0]  }
0xeb: {  	v1 =	vadd.f32 v4, v1;
	v11 =	vld [tilespmem:s23+$0x96E0]  }
0xec: {  	v4 =	vadd.f32 v12, v7;
	v7 =	vld [tilespmem:s23+$0x9720]  }
0xed: {  	v12 =	vld [tilespmem:s23+$0x9760]  }
0xee: {  	v6 =	vadd.f32 v4, v6;
	v13 =	vld [tilespmem:s23+$0x97A0];
	v8 =	vadd.f32 v9, v8  }
0xef: {  	v9 =	vld [tilespmem:s23+$0x97E0];
	s23 =	sshra.s32 s24, $0x2  }
0xf0: {  	v4 =	vld [tilespmem:s23+$0x9630];
	v14 =	vadd.f32 v6, v5;
	v10 =	vadd.f32 v11, v10  }
0xf1: {  	v5 =	vld [tilespmem:s23+$0x9670]  }
.Ltmp1:
0xf2: {  	v6 =	vld [tilespmem:s23+$0x96B0];
	v11 =	vadd.f32 v10, v8;
	v12 =	vadd.f32 v12, v7;
	(pc) =	sbr.rel @p0 .LBB2_6-.Ltmp1, $4  }
0xf3: {  	v2 =	vadd.f32 v14, v2;
	v8 =	vld [tilespmem:s23+$0x96F0]  }
0xf4: {  	v7 =	vld [tilespmem:s23+$0x9730];
	v13 =	vadd.f32 v9, v13  }
0xf5: {  	v9 =	vld [tilespmem:s23+$0x9770]  }
0xf6: {  	s24 =	sadd.s32 $0x800, s24;
	v10 =	vld [tilespmem:s23+$0x97B0];
	v12 =	vadd.f32 v13, v12  }
0xf7: {  	v13 =	vld [tilespmem:s23+$0x97F0]  }
0xf8: {  	v14 =	vld [tilespmem:s23+$0x9600]  }
0xf9: {  	v15 =	vld [tilespmem:s23+$0x9640]  }
0xfa: {  	v16 =	vld [tilespmem:s23+$0x9680]  }
0xfb: {  	v17 =	vld [tilespmem:s23+$0x96C0]  }
0xfc: {  	v18 =	vld [tilespmem:s23+$0x9700]  }
0xfd: {  	v19 =	vld [tilespmem:s23+$0x9740]  }
0xfe: {  	v20 =	vld [tilespmem:s23+$0x9780]  }
0xff: {  	v21 =	vld [tilespmem:s23+$0x97C0]  }
0x100: {  	v22 =	vld [tilespmem:s23+$0x9610]  }
0x101: {  	v23 =	vld [tilespmem:s23+$0x9650]  }
0x102: {  	v24 =	vld [tilespmem:s23+$0x9690]  }
0x103: {  	v25 =	vld [tilespmem:s23+$0x96D0]  }
0x104: {  	v26 =	vld [tilespmem:s23+$0x9710]  }
0x105: {  	v27 =	vld [tilespmem:s23+$0x9750]  }
0x106: {  	v28 =	vld [tilespmem:s23+$0x9790]  }
0x107: {  	v29 =	vld [tilespmem:s23+$0x97D0]  }
0x108: {  	v30 =	vld [tilespmem:s23+$0x9660];
	v11 =	vadd.f32 v12, v11  }
0x109: {  	v4 =	vadd.f32 v5, v4;
	v53 =	vld [tilespmem:s23+$0x9760];
	v5 =	vadd.f32 v8, v6  }
0x10a: {  	v12 =	vld [tilespmem:s23+$0x9620];
	v3 =	vadd.f32 v11, v3  }
0x10b: {  	v6 =	vld [tilespmem:s23+$0x96E0];
	v7 =	vadd.f32 v9, v7;
	v4 =	vadd.f32 v5, v4  }
0x10c: {  	v11 =	vld [tilespmem:s23+$0x96A0];
	v8 =	vadd.f32 v15, v14;
	v14 =	vadd.f32 v17, v16  }
0x10d: {  	v15 =	vld [tilespmem:s23+$0x9720];
	v51 =	vadd.f32 v19, v18;
	v52 =	vadd.f32 v21, v20  }
0x10e: {  	v9 =	vadd.f32 v13, v10;
	v10 =	vld [tilespmem:s23+$0x97A0];
	v5 =	vadd.f32 v23, v22  }
0x10f: {  	v54 =	vadd.f32 v27, v26;
	v8 =	vadd.f32 v14, v8;
	v14 =	vld [tilespmem:s23+$0x97E0]  }
0x110: {  	v55 =	vadd.f32 v29, v28;
	v13 =	vadd.f32 v52, v51  }
0x111: {  	v12 =	vadd.f32 v30, v12;
	v7 =	vadd.f32 v9, v7  }
0x112: {  	v6 =	vadd.f32 v6, v11;
	v8 =	vadd.f32 v13, v8  }
0x113: {  	v13 =	vadd.f32 v25, v24;
	v4 =	vadd.f32 v7, v4  }
0x114: {  	v11 =	vadd.f32 v53, v15;
	v10 =	vadd.f32 v14, v10  }
0x115: {  	v5 =	vadd.f32 v13, v5;
	v13 =	vadd.f32 v55, v54  }
0x116: {  	v6 =	vadd.f32 v6, v12;
	v10 =	vadd.f32 v10, v11  }
0x117: {  	v1 =	vadd.f32 v8, v1;
	v5 =	vadd.f32 v13, v5  }
0x118: {  	v0 =	vadd.f32 v4, v0;
	v6 =	vadd.f32 v10, v6  }
0x119: {  	v1 =	vmul.f32 $4.999999890e-03, v1;
	v2 =	vadd.f32 v5, v2  }
0x11a: {  	v0 =	vmul.f32 $4.999999890e-03, v0;
	v3 =	vadd.f32 v6, v3  }
0x11b: {  	[tilespmem:s21+$0x19040] =	vst v1;
	v2 =	vmul.f32 $4.999999890e-03, v2  }
0x11c: {  	[tilespmem:s21+$0x19070] =	vst v0;
	v1 =	vmul.f32 $4.999999890e-03, v3  }
0x11d: {  	[tilespmem:s21+$0x19050] =	vst v2  }
0x11e: {  	s24 =	sadd.s32 $0x578, s22;
	[tilespmem:s21+$0x19060] =	vst v1  }
0x11f: {  	[tilespmem:s14], [sflag:$0x2] =	stream.indirect.gather [hbm4b:s4+s9], $0x40, s24, s9, $0xb8;
	[tilespmem:$0x1B000] =	vst v63  }
0x120: {  	s25 =	sadd.s32 $0x5E0, s22  }
0x121: {  	[tilespmem:s16], [sflag:$0x2] =	stream.indirect.gather [hbm4b:s4+s11], $0x40, s25, s11, $0xb8;
	[tilespmem:$0x1B000] =	vst v63  }
0x122: {  	_ =	swait.ge [sflag:s7], $0x1A00  }
0x123: {  	[sflag:s7] =	ssyncset.done $0x0  }
0x124: {  	[sflag:s7] =	ssyncadd.s32 $0xFFFFE600  }
0x125: {  	_ =	swait.ge [sflag:s7], $0x1800  }
0x126: {  	[sflag:s7] =	ssyncset.done $0x0  }
0x127: {  	s24 =	simm.s32 $0x0;
	[sflag:s7] =	ssyncadd.s32 $0xFFFFE800  }
0x128: {  	v0 =	vld [tilespmem:s24+$0xC830]  }
0x129: {  	v1 =	vld [tilespmem:s24+$0xC870]  }
0x12a: {  	v2 =	vld [tilespmem:s24+$0xC8B0]  }
0x12b: {  	v3 =	vld [tilespmem:s24+$0xC8F0]  }
0x12c: {  	v4 =	vld [tilespmem:s24+$0xC930]  }
0x12d: {  	v5 =	vld [tilespmem:s24+$0xC970]  }
0x12e: {  	v6 =	vld [tilespmem:s24+$0xC9B0]  }
0x12f: {  	v7 =	vld [tilespmem:s24+$0xC9F0]  }
0x130: {  	v8 =	vld [tilespmem:s24+$0xC800]  }
0x131: {  	v9 =	vld [tilespmem:s24+$0xC840]  }
0x132: {  	v10 =	vld [tilespmem:s24+$0xC880]  }
0x133: {  	v11 =	vld [tilespmem:s24+$0xC8C0]  }
0x134: {  	v12 =	vld [tilespmem:s24+$0xC900]  }
0x135: {  	v13 =	vld [tilespmem:s24+$0xC940]  }
0x136: {  	v14 =	vld [tilespmem:s24+$0xC980]  }
0x137: {  	v15 =	vld [tilespmem:s24+$0xC9C0]  }
0x138: {  	v56 =	vld [tilespmem:s24+$0xC810]  }
0x139: {  	v57 =	vld [tilespmem:s24+$0xC850]  }
0x13a: {  	v58 =	vld [tilespmem:s24+$0xC890]  }
0x13b: {  	v59 =	vld [tilespmem:s24+$0xC8D0]  }
0x13c: {  	v60 =	vld [tilespmem:s24+$0xC910]  }
0x13d: {  	v61 =	vld [tilespmem:s24+$0xC950]  }
0x13e: {  	v62 =	vld [tilespmem:s24+$0xC990]  }
0x13f: {  	v63 =	vld [tilespmem:s24+$0xC8A0];
	v0 =	vadd.f32 v1, v0;
	v1 =	vadd.f32 v3, v2  }
0x140: {  	v2 =	vld [tilespmem:s24+$0xC9D0];
	v3 =	vadd.f32 v5, v4;
	v4 =	vadd.f32 v7, v6  }
0x141: {  	v6 =	vld [tilespmem:s24+$0xC820]  }
0x142: {  	v7 =	vld [tilespmem:s24+$0xC860];
	v0 =	vadd.f32 v1, v0;
	v1 =	vadd.f32 v4, v3  }
0x143: {  	v3 =	vadd.f32 v9, v8;
	v4 =	vadd.f32 v11, v10;
	v8 =	vld [tilespmem:s24+$0xC8E0]  }
0x144: {  	v5 =	vadd.f32 v59, v58;
	v9 =	vld [tilespmem:s24+$0xC920];
	v0 =	vadd.f32 v1, v0  }
0x145: {  	v11 =	vld [tilespmem:s24+$0xC960];
	v1 =	vadd.f32 v13, v12;
	v10 =	vadd.f32 v4, v3  }
0x146: {  	v3 =	vadd.f32 v15, v14;
	v4 =	vadd.f32 v57, v56;
	v12 =	vld [tilespmem:s24+$0xC9A0]  }
0x147: {  	s23 =	simm.s32 $0x200;
	v13 =	vadd.f32 v61, v60;
	v14 =	vld [tilespmem:s24+$0xC9E0];
	v2 =	vadd.f32 v2, v62  }
0x148: {  	v1 =	vadd.f32 v3, v1;
	v3 =	vimm.f32 $0.0e+00;
	v15 =	vadd.f32 v5, v4;
	v4 =	vld [tilespmem:s23+$0xC830]  }
0x149: {  	v5 =	vld [tilespmem:s23+$0xC870];
	v0 =	vadd.f32 v0, v3;
	v2 =	vadd.f32 v2, v13  }
0x14a: {  	v13 =	vadd.f32 v8, v63;
	v8 =	vld [tilespmem:s23+$0xC8F0];
	v1 =	vadd.f32 v1, v10  }
0x14b: {  	v10 =	vadd.f32 v7, v6;
	v6 =	vld [tilespmem:s23+$0xC8B0];
	v2 =	vadd.f32 v2, v15  }
0x14c: {  	v7 =	vld [tilespmem:s23+$0xC930];
	v15 =	vadd.f32 v11, v9;
	v12 =	vadd.f32 v14, v12  }
0x14d: {  	v9 =	vld [tilespmem:s23+$0xC970];
	v1 =	vadd.f32 v1, v3;
	v11 =	vadd.f32 v13, v10  }
0x14e: {  	s24 =	simm.s32 $0x1000;
	v10 =	vld [tilespmem:s23+$0xC9B0];
	v2 =	vadd.f32 v2, v3;
	v12 =	vadd.f32 v12, v15  }
.LBB2_8:
0x14f: {  	p0 =	sne.s32 s24, $0xC000;
	v13 =	vld [tilespmem:s23+$0xC9F0]  }
0x150: {  	v14 =	vld [tilespmem:s23+$0xC800];
	v11 =	vadd.f32 v12, v11  }
0x151: {  	v12 =	vld [tilespmem:s23+$0xC840]  }
0x152: {  	v15 =	vld [tilespmem:s23+$0xC880];
	v3 =	vadd.f32 v11, v3  }
0x153: {  	v4 =	vadd.f32 v5, v4;
	v5 =	vadd.f32 v8, v6;
	v11 =	vld [tilespmem:s23+$0xC8C0]  }
0x154: {  	v7 =	vadd.f32 v9, v7;
	v6 =	vld [tilespmem:s23+$0xC900];
	v8 =	vadd.f32 v13, v10  }
0x155: {  	v9 =	vld [tilespmem:s23+$0xC940]  }
0x156: {  	v4 =	vadd.f32 v5, v4;
	v10 =	vld [tilespmem:s23+$0xC980];
	v5 =	vadd.f32 v8, v7  }
0x157: {  	v8 =	vadd.f32 v12, v14;
	v7 =	vld [tilespmem:s23+$0xC9C0]  }
0x158: {  	v11 =	vadd.f32 v11, v15;
	v12 =	vld [tilespmem:s23+$0xC810];
	v4 =	vadd.f32 v5, v4  }
0x159: {  	v5 =	vld [tilespmem:s23+$0xC850]  }
0x15a: {  	v6 =	vadd.f32 v9, v6;
	v9 =	vld [tilespmem:s23+$0xC890];
	v0 =	vadd.f32 v4, v0  }
0x15b: {  	v4 =	vadd.f32 v11, v8;
	v8 =	vld [tilespmem:s23+$0xC8D0]  }
0x15c: {  	v7 =	vadd.f32 v7, v10;
	v10 =	vld [tilespmem:s23+$0xC910]  }
0x15d: {  	v11 =	vld [tilespmem:s23+$0xC950]  }
0x15e: {  	v6 =	vadd.f32 v7, v6;
	v7 =	vld [tilespmem:s23+$0xC990];
	v5 =	vadd.f32 v5, v12  }
0x15f: {  	v12 =	vld [tilespmem:s23+$0xC9D0]  }
0x160: {  	v4 =	vadd.f32 v6, v4;
	v6 =	vadd.f32 v8, v9;
	v8 =	vld [tilespmem:s23+$0xC820]  }
0x161: {  	v9 =	vld [tilespmem:s23+$0xC860]  }
0x162: {  	v5 =	vadd.f32 v6, v5;
	v6 =	vadd.f32 v11, v10;
	v10 =	vld [tilespmem:s23+$0xC8A0]  }
0x163: {  	v1 =	vadd.f32 v4, v1;
	v11 =	vld [tilespmem:s23+$0xC8E0]  }
0x164: {  	v4 =	vadd.f32 v12, v7;
	v7 =	vld [tilespmem:s23+$0xC920]  }
0x165: {  	v12 =	vld [tilespmem:s23+$0xC960]  }
0x166: {  	v6 =	vadd.f32 v4, v6;
	v13 =	vld [tilespmem:s23+$0xC9A0];
	v8 =	vadd.f32 v9, v8  }
0x167: {  	v9 =	vld [tilespmem:s23+$0xC9E0];
	s23 =	sshra.s32 s24, $0x2  }
0x168: {  	v4 =	vld [tilespmem:s23+$0xC830];
	v14 =	vadd.f32 v6, v5;
	v10 =	vadd.f32 v11, v10  }
0x169: {  	v5 =	vld [tilespmem:s23+$0xC870]  }
.Ltmp2:
0x16a: {  	v6 =	vld [tilespmem:s23+$0xC8B0];
	v11 =	vadd.f32 v10, v8;
	v12 =	vadd.f32 v12, v7;
	(pc) =	sbr.rel @p0 .LBB2_8-.Ltmp2, $4  }
0x16b: {  	v2 =	vadd.f32 v14, v2;
	v8 =	vld [tilespmem:s23+$0xC8F0]  }
0x16c: {  	v7 =	vld [tilespmem:s23+$0xC930];
	v13 =	vadd.f32 v9, v13  }
0x16d: {  	v9 =	vld [tilespmem:s23+$0xC970]  }
0x16e: {  	s24 =	sadd.s32 $0x800, s24;
	v10 =	vld [tilespmem:s23+$0xC9B0];
	v12 =	vadd.f32 v13, v12  }
0x16f: {  	v13 =	vld [tilespmem:s23+$0xC9F0]  }
0x170: {  	v14 =	vld [tilespmem:s23+$0xC800]  }
0x171: {  	v15 =	vld [tilespmem:s23+$0xC840]  }
0x172: {  	v16 =	vld [tilespmem:s23+$0xC880]  }
0x173: {  	v17 =	vld [tilespmem:s23+$0xC8C0]  }
0x174: {  	v18 =	vld [tilespmem:s23+$0xC900]  }
0x175: {  	v19 =	vld [tilespmem:s23+$0xC940]  }
0x176: {  	v20 =	vld [tilespmem:s23+$0xC980]  }
0x177: {  	v21 =	vld [tilespmem:s23+$0xC9C0]  }
0x178: {  	v22 =	vld [tilespmem:s23+$0xC810]  }
0x179: {  	v23 =	vld [tilespmem:s23+$0xC850]  }
0x17a: {  	v24 =	vld [tilespmem:s23+$0xC890]  }
0x17b: {  	v25 =	vld [tilespmem:s23+$0xC8D0]  }
0x17c: {  	v26 =	vld [tilespmem:s23+$0xC910]  }
0x17d: {  	v27 =	vld [tilespmem:s23+$0xC950]  }
0x17e: {  	v28 =	vld [tilespmem:s23+$0xC990]  }
0x17f: {  	v29 =	vld [tilespmem:s23+$0xC9D0]  }
0x180: {  	v30 =	vld [tilespmem:s23+$0xC860];
	v11 =	vadd.f32 v12, v11  }
0x181: {  	v4 =	vadd.f32 v5, v4;
	v53 =	vld [tilespmem:s23+$0xC960];
	v5 =	vadd.f32 v8, v6  }
0x182: {  	v12 =	vld [tilespmem:s23+$0xC820];
	v3 =	vadd.f32 v11, v3  }
0x183: {  	v6 =	vld [tilespmem:s23+$0xC8E0];
	v7 =	vadd.f32 v9, v7;
	v4 =	vadd.f32 v5, v4  }
0x184: {  	v11 =	vld [tilespmem:s23+$0xC8A0];
	v8 =	vadd.f32 v15, v14;
	v14 =	vadd.f32 v17, v16  }
0x185: {  	v15 =	vld [tilespmem:s23+$0xC920];
	v51 =	vadd.f32 v19, v18;
	v52 =	vadd.f32 v21, v20  }
0x186: {  	v9 =	vadd.f32 v13, v10;
	v10 =	vld [tilespmem:s23+$0xC9A0];
	v5 =	vadd.f32 v23, v22  }
0x187: {  	v54 =	vadd.f32 v27, v26;
	v8 =	vadd.f32 v14, v8;
	v14 =	vld [tilespmem:s23+$0xC9E0]  }
0x188: {  	v55 =	vadd.f32 v29, v28;
	v13 =	vadd.f32 v52, v51  }
0x189: {  	v12 =	vadd.f32 v30, v12;
	v7 =	vadd.f32 v9, v7  }
0x18a: {  	v6 =	vadd.f32 v6, v11;
	v8 =	vadd.f32 v13, v8  }
0x18b: {  	v13 =	vadd.f32 v25, v24;
	v4 =	vadd.f32 v7, v4  }
0x18c: {  	v11 =	vadd.f32 v53, v15;
	v10 =	vadd.f32 v14, v10  }
0x18d: {  	v5 =	vadd.f32 v13, v5;
	v13 =	vadd.f32 v55, v54  }
0x18e: {  	v6 =	vadd.f32 v6, v12;
	v10 =	vadd.f32 v10, v11  }
0x18f: {  	v1 =	vadd.f32 v8, v1;
	v5 =	vadd.f32 v13, v5  }
0x190: {  	v0 =	vadd.f32 v4, v0;
	v6 =	vadd.f32 v10, v6  }
0x191: {  	v1 =	vmul.f32 $4.999999890e-03, v1;
	v2 =	vadd.f32 v5, v2  }
0x192: {  	v0 =	vmul.f32 $4.999999890e-03, v0;
	v3 =	vadd.f32 v6, v3  }
0x193: {  	[tilespmem:s21+$0x19080] =	vst v1;
	v2 =	vmul.f32 $4.999999890e-03, v2  }
0x194: {  	[tilespmem:s21+$0x190B0] =	vst v0;
	v1 =	vmul.f32 $4.999999890e-03, v3  }
0x195: {  	p0 =	seq.s32 s19, $0x14;
	[tilespmem:s21+$0x19090] =	vst v2  }
0x196: {  	s24 =	simm.s32 @!p0 $0x68;
	s25 =	simm.s32 @!p0 $0xC800;
	s23 =	sadd.s32 @!p0 $0x640, s22;
	[tilespmem:s21+$0x190A0] =	vst v1  }
0x197: {  	[tilespmem:s25], [sflag:$0x3] =	stream.indirect.gather @!p0 [hbm4b:s4+s24], $0x40, s23, s24, $0xb8;
	[tilespmem:$0x1B000] =	vst v63  }
0x198: {  	s23 =	sadd.s32 @!p0 $0x6A8, s22;
	s24 =	simm.s32 @!p0 $0x60;
	s25 =	simm.s32 @!p0 $0xE200  }
0x199: {  	[tilespmem:s25], [sflag:$0x3] =	stream.indirect.gather @!p0 [hbm4b:s4+s24], $0x40, s23, s24, $0xb8;
	[tilespmem:$0x1B000] =	vst v63  }
0x19a: {  	_ =	swait.ge [sflag:s1], $0x1A00  }
0x19b: {  	[sflag:s1] =	ssyncset.done $0x0  }
0x19c: {  	[sflag:s1] =	ssyncadd.s32 $0xFFFFE600  }
0x19d: {  	_ =	swait.ge [sflag:s1], $0x1800  }
0x19e: {  	[sflag:s1] =	ssyncset.done $0x0  }
0x19f: {  	s25 =	simm.s32 $0x0;
	[sflag:s1] =	ssyncadd.s32 $0xFFFFE800  }
0x1a0: {  	v0 =	vld [tilespmem:s25+$0xFA30]  }
0x1a1: {  	v1 =	vld [tilespmem:s25+$0xFA70]  }
0x1a2: {  	v2 =	vld [tilespmem:s25+$0xFAB0]  }
0x1a3: {  	v3 =	vld [tilespmem:s25+$0xFAF0]  }
0x1a4: {  	v4 =	vld [tilespmem:s25+$0xFB30]  }
0x1a5: {  	v5 =	vld [tilespmem:s25+$0xFB70]  }
0x1a6: {  	v6 =	vld [tilespmem:s25+$0xFBB0]  }
0x1a7: {  	v7 =	vld [tilespmem:s25+$0xFBF0]  }
0x1a8: {  	v8 =	vld [tilespmem:s25+$0xFA00]  }
0x1a9: {  	v9 =	vld [tilespmem:s25+$0xFA40]  }
0x1aa: {  	v10 =	vld [tilespmem:s25+$0xFA80]  }
0x1ab: {  	v11 =	vld [tilespmem:s25+$0xFAC0]  }
0x1ac: {  	v12 =	vld [tilespmem:s25+$0xFB00]  }
0x1ad: {  	v13 =	vld [tilespmem:s25+$0xFB40]  }
0x1ae: {  	v14 =	vld [tilespmem:s25+$0xFB80]  }
0x1af: {  	v15 =	vld [tilespmem:s25+$0xFBC0]  }
0x1b0: {  	v56 =	vld [tilespmem:s25+$0xFA10]  }
0x1b1: {  	v57 =	vld [tilespmem:s25+$0xFA50]  }
0x1b2: {  	v58 =	vld [tilespmem:s25+$0xFA90]  }
0x1b3: {  	v59 =	vld [tilespmem:s25+$0xFAD0]  }
0x1b4: {  	v60 =	vld [tilespmem:s25+$0xFB10]  }
0x1b5: {  	v61 =	vld [tilespmem:s25+$0xFB50]  }
0x1b6: {  	v62 =	vld [tilespmem:s25+$0xFB90]  }
0x1b7: {  	v63 =	vld [tilespmem:s25+$0xFAA0];
	v0 =	vadd.f32 v1, v0;
	v1 =	vadd.f32 v3, v2  }
0x1b8: {  	v2 =	vld [tilespmem:s25+$0xFBD0];
	v3 =	vadd.f32 v5, v4;
	v4 =	vadd.f32 v7, v6  }
0x1b9: {  	v6 =	vld [tilespmem:s25+$0xFA20]  }
0x1ba: {  	v7 =	vld [tilespmem:s25+$0xFA60];
	v0 =	vadd.f32 v1, v0;
	v1 =	vadd.f32 v4, v3  }
0x1bb: {  	v3 =	vadd.f32 v9, v8;
	v4 =	vadd.f32 v11, v10;
	v8 =	vld [tilespmem:s25+$0xFAE0]  }
0x1bc: {  	v5 =	vadd.f32 v59, v58;
	v9 =	vld [tilespmem:s25+$0xFB20];
	v0 =	vadd.f32 v1, v0  }
0x1bd: {  	v11 =	vld [tilespmem:s25+$0xFB60];
	v1 =	vadd.f32 v13, v12;
	v10 =	vadd.f32 v4, v3  }
0x1be: {  	v3 =	vadd.f32 v15, v14;
	v4 =	vadd.f32 v57, v56;
	v12 =	vld [tilespmem:s25+$0xFBA0]  }
0x1bf: {  	s23 =	simm.s32 $0x200;
	v13 =	vadd.f32 v61, v60;
	v14 =	vld [tilespmem:s25+$0xFBE0];
	v2 =	vadd.f32 v2, v62  }
0x1c0: {  	v1 =	vadd.f32 v3, v1;
	v3 =	vimm.f32 $0.0e+00;
	v15 =	vadd.f32 v5, v4;
	v4 =	vld [tilespmem:s23+$0xFA30]  }
0x1c1: {  	v5 =	vld [tilespmem:s23+$0xFA70];
	v0 =	vadd.f32 v0, v3;
	v2 =	vadd.f32 v2, v13  }
0x1c2: {  	v13 =	vadd.f32 v8, v63;
	v8 =	vld [tilespmem:s23+$0xFAF0];
	v1 =	vadd.f32 v1, v10  }
0x1c3: {  	v10 =	vadd.f32 v7, v6;
	v6 =	vld [tilespmem:s23+$0xFAB0];
	v2 =	vadd.f32 v2, v15  }
0x1c4: {  	v7 =	vld [tilespmem:s23+$0xFB30];
	v15 =	vadd.f32 v11, v9;
	v12 =	vadd.f32 v14, v12  }
0x1c5: {  	v9 =	vld [tilespmem:s23+$0xFB70];
	v1 =	vadd.f32 v1, v3;
	v11 =	vadd.f32 v13, v10  }
0x1c6: {  	s24 =	simm.s32 $0x1000;
	v10 =	vld [tilespmem:s23+$0xFBB0];
	v2 =	vadd.f32 v2, v3;
	v12 =	vadd.f32 v12, v15  }
.LBB2_10:
0x1c7: {  	p1 =	sne.s32 s24, $0xC000;
	v13 =	vld [tilespmem:s23+$0xFBF0]  }
0x1c8: {  	v14 =	vld [tilespmem:s23+$0xFA00];
	v11 =	vadd.f32 v12, v11  }
0x1c9: {  	v12 =	vld [tilespmem:s23+$0xFA40]  }
0x1ca: {  	v15 =	vld [tilespmem:s23+$0xFA80];
	v3 =	vadd.f32 v11, v3  }
0x1cb: {  	v4 =	vadd.f32 v5, v4;
	v5 =	vadd.f32 v8, v6;
	v11 =	vld [tilespmem:s23+$0xFAC0]  }
0x1cc: {  	v7 =	vadd.f32 v9, v7;
	v6 =	vld [tilespmem:s23+$0xFB00];
	v8 =	vadd.f32 v13, v10  }
0x1cd: {  	v9 =	vld [tilespmem:s23+$0xFB40]  }
0x1ce: {  	v4 =	vadd.f32 v5, v4;
	v10 =	vld [tilespmem:s23+$0xFB80];
	v5 =	vadd.f32 v8, v7  }
0x1cf: {  	v8 =	vadd.f32 v12, v14;
	v7 =	vld [tilespmem:s23+$0xFBC0]  }
0x1d0: {  	v11 =	vadd.f32 v11, v15;
	v12 =	vld [tilespmem:s23+$0xFA10];
	v4 =	vadd.f32 v5, v4  }
0x1d1: {  	v5 =	vld [tilespmem:s23+$0xFA50]  }
0x1d2: {  	v6 =	vadd.f32 v9, v6;
	v9 =	vld [tilespmem:s23+$0xFA90];
	v0 =	vadd.f32 v4, v0  }
0x1d3: {  	v4 =	vadd.f32 v11, v8;
	v8 =	vld [tilespmem:s23+$0xFAD0]  }
0x1d4: {  	v7 =	vadd.f32 v7, v10;
	v10 =	vld [tilespmem:s23+$0xFB10]  }
0x1d5: {  	v11 =	vld [tilespmem:s23+$0xFB50]  }
0x1d6: {  	v6 =	vadd.f32 v7, v6;
	v7 =	vld [tilespmem:s23+$0xFB90];
	v5 =	vadd.f32 v5, v12  }
0x1d7: {  	v12 =	vld [tilespmem:s23+$0xFBD0]  }
0x1d8: {  	v4 =	vadd.f32 v6, v4;
	v6 =	vadd.f32 v8, v9;
	v8 =	vld [tilespmem:s23+$0xFA20]  }
0x1d9: {  	v9 =	vld [tilespmem:s23+$0xFA60]  }
0x1da: {  	v5 =	vadd.f32 v6, v5;
	v6 =	vadd.f32 v11, v10;
	v10 =	vld [tilespmem:s23+$0xFAA0]  }
0x1db: {  	v1 =	vadd.f32 v4, v1;
	v11 =	vld [tilespmem:s23+$0xFAE0]  }
0x1dc: {  	v4 =	vadd.f32 v12, v7;
	v7 =	vld [tilespmem:s23+$0xFB20]  }
0x1dd: {  	v12 =	vld [tilespmem:s23+$0xFB60]  }
0x1de: {  	v6 =	vadd.f32 v4, v6;
	v13 =	vld [tilespmem:s23+$0xFBA0];
	v8 =	vadd.f32 v9, v8  }
0x1df: {  	v9 =	vld [tilespmem:s23+$0xFBE0];
	s23 =	sshra.s32 s24, $0x2  }
0x1e0: {  	v4 =	vld [tilespmem:s23+$0xFA30];
	v14 =	vadd.f32 v6, v5;
	v10 =	vadd.f32 v11, v10  }
0x1e1: {  	v5 =	vld [tilespmem:s23+$0xFA70]  }
.Ltmp3:
0x1e2: {  	v6 =	vld [tilespmem:s23+$0xFAB0];
	v11 =	vadd.f32 v10, v8;
	v12 =	vadd.f32 v12, v7;
	(pc) =	sbr.rel @p1 .LBB2_10-.Ltmp3, $4  }
0x1e3: {  	v2 =	vadd.f32 v14, v2;
	v8 =	vld [tilespmem:s23+$0xFAF0]  }
0x1e4: {  	v7 =	vld [tilespmem:s23+$0xFB30];
	v13 =	vadd.f32 v9, v13  }
0x1e5: {  	v9 =	vld [tilespmem:s23+$0xFB70]  }
0x1e6: {  	s24 =	sadd.s32 $0x800, s24;
	v10 =	vld [tilespmem:s23+$0xFBB0];
	v12 =	vadd.f32 v13, v12  }
0x1e7: {  	v13 =	vld [tilespmem:s23+$0xFBF0]  }
0x1e8: {  	v14 =	vld [tilespmem:s23+$0xFA00]  }
0x1e9: {  	v15 =	vld [tilespmem:s23+$0xFA40]  }
0x1ea: {  	v16 =	vld [tilespmem:s23+$0xFA80]  }
0x1eb: {  	v17 =	vld [tilespmem:s23+$0xFAC0]  }
0x1ec: {  	v18 =	vld [tilespmem:s23+$0xFB00]  }
0x1ed: {  	v19 =	vld [tilespmem:s23+$0xFB40]  }
0x1ee: {  	v20 =	vld [tilespmem:s23+$0xFB80]  }
0x1ef: {  	v21 =	vld [tilespmem:s23+$0xFBC0]  }
0x1f0: {  	v22 =	vld [tilespmem:s23+$0xFA10]  }
0x1f1: {  	v23 =	vld [tilespmem:s23+$0xFA50]  }
0x1f2: {  	v24 =	vld [tilespmem:s23+$0xFA90]  }
0x1f3: {  	v25 =	vld [tilespmem:s23+$0xFAD0]  }
0x1f4: {  	v26 =	vld [tilespmem:s23+$0xFB10]  }
0x1f5: {  	v27 =	vld [tilespmem:s23+$0xFB50]  }
0x1f6: {  	v28 =	vld [tilespmem:s23+$0xFB90]  }
0x1f7: {  	v29 =	vld [tilespmem:s23+$0xFBD0]  }
0x1f8: {  	v30 =	vld [tilespmem:s23+$0xFA60];
	v11 =	vadd.f32 v12, v11  }
0x1f9: {  	v4 =	vadd.f32 v5, v4;
	v53 =	vld [tilespmem:s23+$0xFB60];
	v5 =	vadd.f32 v8, v6  }
0x1fa: {  	v12 =	vld [tilespmem:s23+$0xFA20];
	v3 =	vadd.f32 v11, v3  }
0x1fb: {  	v6 =	vld [tilespmem:s23+$0xFAE0];
	v7 =	vadd.f32 v9, v7;
	v4 =	vadd.f32 v5, v4  }
0x1fc: {  	v11 =	vld [tilespmem:s23+$0xFAA0];
	v8 =	vadd.f32 v15, v14;
	v14 =	vadd.f32 v17, v16  }
0x1fd: {  	v15 =	vld [tilespmem:s23+$0xFB20];
	v51 =	vadd.f32 v19, v18;
	v52 =	vadd.f32 v21, v20  }
0x1fe: {  	v9 =	vadd.f32 v13, v10;
	v10 =	vld [tilespmem:s23+$0xFBA0];
	v5 =	vadd.f32 v23, v22  }
0x1ff: {  	v54 =	vadd.f32 v27, v26;
	v8 =	vadd.f32 v14, v8;
	v14 =	vld [tilespmem:s23+$0xFBE0]  }
0x200: {  	v55 =	vadd.f32 v29, v28;
	v13 =	vadd.f32 v52, v51  }
0x201: {  	v12 =	vadd.f32 v30, v12;
	v7 =	vadd.f32 v9, v7  }
0x202: {  	v6 =	vadd.f32 v6, v11;
	v8 =	vadd.f32 v13, v8  }
0x203: {  	v13 =	vadd.f32 v25, v24;
	v4 =	vadd.f32 v7, v4  }
0x204: {  	v11 =	vadd.f32 v53, v15;
	v10 =	vadd.f32 v14, v10  }
0x205: {  	v5 =	vadd.f32 v13, v5;
	v13 =	vadd.f32 v55, v54  }
0x206: {  	v6 =	vadd.f32 v6, v12;
	v10 =	vadd.f32 v10, v11  }
0x207: {  	v1 =	vadd.f32 v8, v1;
	v5 =	vadd.f32 v13, v5  }
0x208: {  	v0 =	vadd.f32 v4, v0;
	v6 =	vadd.f32 v10, v6  }
0x209: {  	v1 =	vmul.f32 $4.999999890e-03, v1;
	v2 =	vadd.f32 v5, v2  }
0x20a: {  	v0 =	vmul.f32 $4.999999890e-03, v0;
	v3 =	vadd.f32 v6, v3  }
0x20b: {  	[tilespmem:s21+$0x190C0] =	vst v1;
	v2 =	vmul.f32 $4.999999890e-03, v2  }
0x20c: {  	[tilespmem:s21+$0x190F0] =	vst v0;
	v1 =	vmul.f32 $4.999999890e-03, v3  }
0x20d: {  	[tilespmem:s21+$0x190D0] =	vst v2  }
0x20e: {  	s24 =	simm.s32 @!p0 $0x68;
	s25 =	simm.s32 @!p0 $0xFA00;
	s23 =	sadd.s32 @!p0 $0x708, s22;
	[tilespmem:s21+$0x190E0] =	vst v1  }
0x20f: {  	[tilespmem:s25], [sflag:$0x4] =	stream.indirect.gather @!p0 [hbm4b:s4+s24], $0x40, s23, s24, $0xb8;
	[tilespmem:$0x1B000] =	vst v63  }
0x210: {  	s23 =	sadd.s32 @!p0 $0x770, s22;
	s24 =	simm.s32 @!p0 $0x60;
	s25 =	simm.s32 @!p0 $0x11400  }
0x211: {  	[tilespmem:s25], [sflag:$0x4] =	stream.indirect.gather @!p0 [hbm4b:s4+s24], $0x40, s23, s24, $0xb8;
	[tilespmem:$0x1B000] =	vst v63  }
0x212: {  	_ =	swait.ge [sflag:s2], $0x1A00  }
0x213: {  	[sflag:s2] =	ssyncset.done $0x0  }
0x214: {  	[sflag:s2] =	ssyncadd.s32 $0xFFFFE600  }
0x215: {  	_ =	swait.ge [sflag:s2], $0x1800  }
0x216: {  	[sflag:s2] =	ssyncset.done $0x0  }
0x217: {  	s25 =	simm.s32 $0x0;
	[sflag:s2] =	ssyncadd.s32 $0xFFFFE800  }
0x218: {  	v0 =	vld [tilespmem:s25+$0x12C30]  }
0x219: {  	v1 =	vld [tilespmem:s25+$0x12C70]  }
0x21a: {  	v2 =	vld [tilespmem:s25+$0x12CB0]  }
0x21b: {  	v3 =	vld [tilespmem:s25+$0x12CF0]  }
0x21c: {  	v4 =	vld [tilespmem:s25+$0x12D30]  }
0x21d: {  	v5 =	vld [tilespmem:s25+$0x12D70]  }
0x21e: {  	v6 =	vld [tilespmem:s25+$0x12DB0]  }
0x21f: {  	v7 =	vld [tilespmem:s25+$0x12DF0]  }
0x220: {  	v8 =	vld [tilespmem:s25+$0x12C00]  }
0x221: {  	v9 =	vld [tilespmem:s25+$0x12C40]  }
0x222: {  	v10 =	vld [tilespmem:s25+$0x12C80]  }
0x223: {  	v11 =	vld [tilespmem:s25+$0x12CC0]  }
0x224: {  	v12 =	vld [tilespmem:s25+$0x12D00]  }
0x225: {  	v13 =	vld [tilespmem:s25+$0x12D40]  }
0x226: {  	v14 =	vld [tilespmem:s25+$0x12D80]  }
0x227: {  	v15 =	vld [tilespmem:s25+$0x12DC0]  }
0x228: {  	v56 =	vld [tilespmem:s25+$0x12C10]  }
0x229: {  	v57 =	vld [tilespmem:s25+$0x12C50]  }
0x22a: {  	v58 =	vld [tilespmem:s25+$0x12C90]  }
0x22b: {  	v59 =	vld [tilespmem:s25+$0x12CD0]  }
0x22c: {  	v60 =	vld [tilespmem:s25+$0x12D10]  }
0x22d: {  	v61 =	vld [tilespmem:s25+$0x12D50]  }
0x22e: {  	v62 =	vld [tilespmem:s25+$0x12D90]  }
0x22f: {  	v63 =	vld [tilespmem:s25+$0x12CA0];
	v0 =	vadd.f32 v1, v0;
	v1 =	vadd.f32 v3, v2  }
0x230: {  	v2 =	vld [tilespmem:s25+$0x12DD0];
	v3 =	vadd.f32 v5, v4;
	v4 =	vadd.f32 v7, v6  }
0x231: {  	v6 =	vld [tilespmem:s25+$0x12C20]  }
0x232: {  	v7 =	vld [tilespmem:s25+$0x12C60];
	v0 =	vadd.f32 v1, v0;
	v1 =	vadd.f32 v4, v3  }
0x233: {  	v3 =	vadd.f32 v9, v8;
	v4 =	vadd.f32 v11, v10;
	v8 =	vld [tilespmem:s25+$0x12CE0]  }
0x234: {  	v5 =	vadd.f32 v59, v58;
	v9 =	vld [tilespmem:s25+$0x12D20];
	v0 =	vadd.f32 v1, v0  }
0x235: {  	v11 =	vld [tilespmem:s25+$0x12D60];
	v1 =	vadd.f32 v13, v12;
	v10 =	vadd.f32 v4, v3  }
0x236: {  	v3 =	vadd.f32 v15, v14;
	v4 =	vadd.f32 v57, v56;
	v12 =	vld [tilespmem:s25+$0x12DA0]  }
0x237: {  	s23 =	simm.s32 $0x200;
	v13 =	vadd.f32 v61, v60;
	v14 =	vld [tilespmem:s25+$0x12DE0];
	v2 =	vadd.f32 v2, v62  }
0x238: {  	v1 =	vadd.f32 v3, v1;
	v3 =	vimm.f32 $0.0e+00;
	v15 =	vadd.f32 v5, v4;
	v4 =	vld [tilespmem:s23+$0x12C30]  }
0x239: {  	v5 =	vld [tilespmem:s23+$0x12C70];
	v0 =	vadd.f32 v0, v3;
	v2 =	vadd.f32 v2, v13  }
0x23a: {  	v13 =	vadd.f32 v8, v63;
	v8 =	vld [tilespmem:s23+$0x12CF0];
	v1 =	vadd.f32 v1, v10  }
0x23b: {  	v10 =	vadd.f32 v7, v6;
	v6 =	vld [tilespmem:s23+$0x12CB0];
	v2 =	vadd.f32 v2, v15  }
0x23c: {  	v7 =	vld [tilespmem:s23+$0x12D30];
	v15 =	vadd.f32 v11, v9;
	v12 =	vadd.f32 v14, v12  }
0x23d: {  	v9 =	vld [tilespmem:s23+$0x12D70];
	v1 =	vadd.f32 v1, v3;
	v11 =	vadd.f32 v13, v10  }
0x23e: {  	s24 =	simm.s32 $0x1000;
	v10 =	vld [tilespmem:s23+$0x12DB0];
	v2 =	vadd.f32 v2, v3;
	v12 =	vadd.f32 v12, v15  }
.LBB2_12:
0x23f: {  	p1 =	sne.s32 s24, $0xC000;
	v13 =	vld [tilespmem:s23+$0x12DF0]  }
0x240: {  	v14 =	vld [tilespmem:s23+$0x12C00];
	v11 =	vadd.f32 v12, v11  }
0x241: {  	v12 =	vld [tilespmem:s23+$0x12C40]  }
0x242: {  	v15 =	vld [tilespmem:s23+$0x12C80];
	v3 =	vadd.f32 v11, v3  }
0x243: {  	v4 =	vadd.f32 v5, v4;
	v5 =	vadd.f32 v8, v6;
	v11 =	vld [tilespmem:s23+$0x12CC0]  }
0x244: {  	v7 =	vadd.f32 v9, v7;
	v6 =	vld [tilespmem:s23+$0x12D00];
	v8 =	vadd.f32 v13, v10  }
0x245: {  	v9 =	vld [tilespmem:s23+$0x12D40]  }
0x246: {  	v4 =	vadd.f32 v5, v4;
	v10 =	vld [tilespmem:s23+$0x12D80];
	v5 =	vadd.f32 v8, v7  }
0x247: {  	v8 =	vadd.f32 v12, v14;
	v7 =	vld [tilespmem:s23+$0x12DC0]  }
0x248: {  	v11 =	vadd.f32 v11, v15;
	v12 =	vld [tilespmem:s23+$0x12C10];
	v4 =	vadd.f32 v5, v4  }
0x249: {  	v5 =	vld [tilespmem:s23+$0x12C50]  }
0x24a: {  	v6 =	vadd.f32 v9, v6;
	v9 =	vld [tilespmem:s23+$0x12C90];
	v0 =	vadd.f32 v4, v0  }
0x24b: {  	v4 =	vadd.f32 v11, v8;
	v8 =	vld [tilespmem:s23+$0x12CD0]  }
0x24c: {  	v7 =	vadd.f32 v7, v10;
	v10 =	vld [tilespmem:s23+$0x12D10]  }
0x24d: {  	v11 =	vld [tilespmem:s23+$0x12D50]  }
0x24e: {  	v6 =	vadd.f32 v7, v6;
	v7 =	vld [tilespmem:s23+$0x12D90];
	v5 =	vadd.f32 v5, v12  }
0x24f: {  	v12 =	vld [tilespmem:s23+$0x12DD0]  }
0x250: {  	v4 =	vadd.f32 v6, v4;
	v6 =	vadd.f32 v8, v9;
	v8 =	vld [tilespmem:s23+$0x12C20]  }
0x251: {  	v9 =	vld [tilespmem:s23+$0x12C60]  }
0x252: {  	v5 =	vadd.f32 v6, v5;
	v6 =	vadd.f32 v11, v10;
	v10 =	vld [tilespmem:s23+$0x12CA0]  }
0x253: {  	v1 =	vadd.f32 v4, v1;
	v11 =	vld [tilespmem:s23+$0x12CE0]  }
0x254: {  	v4 =	vadd.f32 v12, v7;
	v7 =	vld [tilespmem:s23+$0x12D20]  }
0x255: {  	v12 =	vld [tilespmem:s23+$0x12D60]  }
0x256: {  	v6 =	vadd.f32 v4, v6;
	v13 =	vld [tilespmem:s23+$0x12DA0];
	v8 =	vadd.f32 v9, v8  }
0x257: {  	v9 =	vld [tilespmem:s23+$0x12DE0];
	s23 =	sshra.s32 s24, $0x2  }
0x258: {  	v4 =	vld [tilespmem:s23+$0x12C30];
	v14 =	vadd.f32 v6, v5;
	v10 =	vadd.f32 v11, v10  }
0x259: {  	v5 =	vld [tilespmem:s23+$0x12C70]  }
.Ltmp4:
0x25a: {  	v6 =	vld [tilespmem:s23+$0x12CB0];
	v11 =	vadd.f32 v10, v8;
	v12 =	vadd.f32 v12, v7;
	(pc) =	sbr.rel @p1 .LBB2_12-.Ltmp4, $4  }
0x25b: {  	v2 =	vadd.f32 v14, v2;
	v8 =	vld [tilespmem:s23+$0x12CF0]  }
0x25c: {  	v7 =	vld [tilespmem:s23+$0x12D30];
	v13 =	vadd.f32 v9, v13  }
0x25d: {  	v9 =	vld [tilespmem:s23+$0x12D70]  }
0x25e: {  	s24 =	sadd.s32 $0x800, s24;
	v10 =	vld [tilespmem:s23+$0x12DB0];
	v12 =	vadd.f32 v13, v12  }
0x25f: {  	v13 =	vld [tilespmem:s23+$0x12DF0]  }
0x260: {  	v14 =	vld [tilespmem:s23+$0x12C00]  }
0x261: {  	v15 =	vld [tilespmem:s23+$0x12C40]  }
0x262: {  	v16 =	vld [tilespmem:s23+$0x12C80]  }
0x263: {  	v17 =	vld [tilespmem:s23+$0x12CC0]  }
0x264: {  	v18 =	vld [tilespmem:s23+$0x12D00]  }
0x265: {  	v19 =	vld [tilespmem:s23+$0x12D40]  }
0x266: {  	v20 =	vld [tilespmem:s23+$0x12D80]  }
0x267: {  	v21 =	vld [tilespmem:s23+$0x12DC0]  }
0x268: {  	v22 =	vld [tilespmem:s23+$0x12C10]  }
0x269: {  	v23 =	vld [tilespmem:s23+$0x12C50]  }
0x26a: {  	v24 =	vld [tilespmem:s23+$0x12C90]  }
0x26b: {  	v25 =	vld [tilespmem:s23+$0x12CD0]  }
0x26c: {  	v26 =	vld [tilespmem:s23+$0x12D10]  }
0x26d: {  	v27 =	vld [tilespmem:s23+$0x12D50]  }
0x26e: {  	v28 =	vld [tilespmem:s23+$0x12D90]  }
0x26f: {  	v29 =	vld [tilespmem:s23+$0x12DD0]  }
0x270: {  	v30 =	vld [tilespmem:s23+$0x12C60];
	v11 =	vadd.f32 v12, v11  }
0x271: {  	v4 =	vadd.f32 v5, v4;
	v53 =	vld [tilespmem:s23+$0x12D60];
	v5 =	vadd.f32 v8, v6  }
0x272: {  	v12 =	vld [tilespmem:s23+$0x12C20];
	v3 =	vadd.f32 v11, v3  }
0x273: {  	v6 =	vld [tilespmem:s23+$0x12CE0];
	v7 =	vadd.f32 v9, v7;
	v4 =	vadd.f32 v5, v4  }
0x274: {  	v11 =	vld [tilespmem:s23+$0x12CA0];
	v8 =	vadd.f32 v15, v14;
	v14 =	vadd.f32 v17, v16  }
0x275: {  	v15 =	vld [tilespmem:s23+$0x12D20];
	v51 =	vadd.f32 v19, v18;
	v52 =	vadd.f32 v21, v20  }
0x276: {  	v9 =	vadd.f32 v13, v10;
	v10 =	vld [tilespmem:s23+$0x12DA0];
	v5 =	vadd.f32 v23, v22  }
0x277: {  	v54 =	vadd.f32 v27, v26;
	v8 =	vadd.f32 v14, v8;
	v14 =	vld [tilespmem:s23+$0x12DE0]  }
0x278: {  	v55 =	vadd.f32 v29, v28;
	v13 =	vadd.f32 v52, v51  }
0x279: {  	v12 =	vadd.f32 v30, v12;
	v7 =	vadd.f32 v9, v7  }
0x27a: {  	v6 =	vadd.f32 v6, v11;
	v8 =	vadd.f32 v13, v8  }
0x27b: {  	v13 =	vadd.f32 v25, v24;
	v4 =	vadd.f32 v7, v4  }
0x27c: {  	v11 =	vadd.f32 v53, v15;
	v10 =	vadd.f32 v14, v10  }
0x27d: {  	v5 =	vadd.f32 v13, v5;
	v13 =	vadd.f32 v55, v54  }
0x27e: {  	v6 =	vadd.f32 v6, v12;
	v10 =	vadd.f32 v10, v11  }
0x27f: {  	v1 =	vadd.f32 v8, v1;
	v5 =	vadd.f32 v13, v5  }
0x280: {  	v0 =	vadd.f32 v4, v0;
	v6 =	vadd.f32 v10, v6  }
0x281: {  	v1 =	vmul.f32 $4.999999890e-03, v1;
	v2 =	vadd.f32 v5, v2  }
0x282: {  	v0 =	vmul.f32 $4.999999890e-03, v0;
	v3 =	vadd.f32 v6, v3  }
0x283: {  	[tilespmem:s21+$0x19100] =	vst v1;
	v2 =	vmul.f32 $4.999999890e-03, v2  }
0x284: {  	[tilespmem:s21+$0x19130] =	vst v0;
	v1 =	vmul.f32 $4.999999890e-03, v3  }
0x285: {  	[tilespmem:s21+$0x19110] =	vst v2  }
0x286: {  	s24 =	simm.s32 @!p0 $0x12C00;
	s23 =	simm.s32 @!p0 $0x68;
	[tilespmem:s21+$0x19120] =	vst v1;
	s21 =	sadd.s32 @!p0 $0x7D0, s22  }
0x287: {  	[tilespmem:s24], [sflag:$0x5] =	stream.indirect.gather @!p0 [hbm4b:s4+s23], $0x40, s21, s23, $0xb8;
	[tilespmem:$0x1B000] =	vst v63  }
0x288: {  	s21 =	sadd.s32 @!p0 $0x838, s22;
	s22 =	simm.s32 @!p0 $0x60;
	s23 =	simm.s32 @!p0 $0x14600  }
0x289: {  	[tilespmem:s23], [sflag:$0x5] =	stream.indirect.gather @!p0 [hbm4b:s4+s22], $0x40, s21, s22, $0xb8;
	[tilespmem:$0x1B000] =	vst v63  }
0x28a: {  	_ =	swait.ge [sflag:s13], $0x1A00  }
0x28b: {  	[sflag:s13] =	ssyncset.done $0x0  }
0x28c: {  	[sflag:s13] =	ssyncadd.s32 $0xFFFFE600  }
0x28d: {  	_ =	swait.ge [sflag:s13], $0x1800  }
0x28e: {  	[sflag:s13] =	ssyncset.done $0x0  }
0x28f: {  	s25 =	simm.s32 $0x0;
	[sflag:s13] =	ssyncadd.s32 $0xFFFFE800  }
0x290: {  	v0 =	vld [tilespmem:s25+$0x15E30]  }
0x291: {  	v1 =	vld [tilespmem:s25+$0x15E70]  }
0x292: {  	v2 =	vld [tilespmem:s25+$0x15EB0]  }
0x293: {  	v3 =	vld [tilespmem:s25+$0x15EF0]  }
0x294: {  	v4 =	vld [tilespmem:s25+$0x15F30]  }
0x295: {  	v5 =	vld [tilespmem:s25+$0x15F70]  }
0x296: {  	v6 =	vld [tilespmem:s25+$0x15FB0]  }
0x297: {  	v7 =	vld [tilespmem:s25+$0x15FF0]  }
0x298: {  	v8 =	vld [tilespmem:s25+$0x15E00]  }
0x299: {  	v9 =	vld [tilespmem:s25+$0x15E40]  }
0x29a: {  	v10 =	vld [tilespmem:s25+$0x15E80]  }
0x29b: {  	v11 =	vld [tilespmem:s25+$0x15EC0]  }
0x29c: {  	v12 =	vld [tilespmem:s25+$0x15F00]  }
0x29d: {  	v13 =	vld [tilespmem:s25+$0x15F40]  }
0x29e: {  	v14 =	vld [tilespmem:s25+$0x15F80]  }
0x29f: {  	v15 =	vld [tilespmem:s25+$0x15FC0]  }
0x2a0: {  	v56 =	vld [tilespmem:s25+$0x15E10]  }
0x2a1: {  	v57 =	vld [tilespmem:s25+$0x15E50]  }
0x2a2: {  	v58 =	vld [tilespmem:s25+$0x15E90]  }
0x2a3: {  	v59 =	vld [tilespmem:s25+$0x15ED0]  }
0x2a4: {  	v60 =	vld [tilespmem:s25+$0x15F10]  }
0x2a5: {  	v61 =	vld [tilespmem:s25+$0x15F50]  }
0x2a6: {  	v62 =	vld [tilespmem:s25+$0x15F90]  }
0x2a7: {  	v63 =	vld [tilespmem:s25+$0x15EA0];
	v0 =	vadd.f32 v1, v0;
	v1 =	vadd.f32 v3, v2  }
0x2a8: {  	v2 =	vld [tilespmem:s25+$0x15FD0];
	v3 =	vadd.f32 v5, v4;
	v4 =	vadd.f32 v7, v6  }
0x2a9: {  	v6 =	vld [tilespmem:s25+$0x15E20]  }
0x2aa: {  	v7 =	vld [tilespmem:s25+$0x15E60];
	v0 =	vadd.f32 v1, v0;
	v1 =	vadd.f32 v4, v3  }
0x2ab: {  	v3 =	vadd.f32 v9, v8;
	v4 =	vadd.f32 v11, v10;
	v8 =	vld [tilespmem:s25+$0x15EE0]  }
0x2ac: {  	v5 =	vadd.f32 v59, v58;
	v9 =	vld [tilespmem:s25+$0x15F20];
	v0 =	vadd.f32 v1, v0  }
0x2ad: {  	v11 =	vld [tilespmem:s25+$0x15F60];
	v1 =	vadd.f32 v13, v12;
	v10 =	vadd.f32 v4, v3  }
0x2ae: {  	v3 =	vadd.f32 v15, v14;
	v4 =	vadd.f32 v57, v56;
	v12 =	vld [tilespmem:s25+$0x15FA0]  }
0x2af: {  	s21 =	simm.s32 $0x200;
	v13 =	vadd.f32 v61, v60;
	v14 =	vld [tilespmem:s25+$0x15FE0];
	v2 =	vadd.f32 v2, v62  }
0x2b0: {  	v1 =	vadd.f32 v3, v1;
	v3 =	vimm.f32 $0.0e+00;
	v15 =	vadd.f32 v5, v4;
	v4 =	vld [tilespmem:s21+$0x15E30]  }
0x2b1: {  	v5 =	vld [tilespmem:s21+$0x15E70];
	v0 =	vadd.f32 v0, v3;
	v2 =	vadd.f32 v2, v13  }
0x2b2: {  	v13 =	vadd.f32 v8, v63;
	v8 =	vld [tilespmem:s21+$0x15EF0];
	v1 =	vadd.f32 v1, v10  }
0x2b3: {  	v10 =	vadd.f32 v7, v6;
	v6 =	vld [tilespmem:s21+$0x15EB0];
	v2 =	vadd.f32 v2, v15  }
0x2b4: {  	v7 =	vld [tilespmem:s21+$0x15F30];
	v15 =	vadd.f32 v11, v9;
	v12 =	vadd.f32 v14, v12  }
0x2b5: {  	v9 =	vld [tilespmem:s21+$0x15F70];
	v1 =	vadd.f32 v1, v3;
	v11 =	vadd.f32 v13, v10  }
0x2b6: {  	s22 =	simm.s32 $0x1000;
	v10 =	vld [tilespmem:s21+$0x15FB0];
	v2 =	vadd.f32 v2, v3;
	v12 =	vadd.f32 v12, v15  }
.LBB2_14:
0x2b7: {  	p0 =	sne.s32 s22, $0xC000;
	v13 =	vld [tilespmem:s21+$0x15FF0]  }
0x2b8: {  	v14 =	vld [tilespmem:s21+$0x15E00];
	v11 =	vadd.f32 v12, v11  }
0x2b9: {  	v12 =	vld [tilespmem:s21+$0x15E40]  }
0x2ba: {  	v15 =	vld [tilespmem:s21+$0x15E80];
	v3 =	vadd.f32 v11, v3  }
0x2bb: {  	v4 =	vadd.f32 v5, v4;
	v5 =	vadd.f32 v8, v6;
	v11 =	vld [tilespmem:s21+$0x15EC0]  }
0x2bc: {  	v7 =	vadd.f32 v9, v7;
	v6 =	vld [tilespmem:s21+$0x15F00];
	v8 =	vadd.f32 v13, v10  }
0x2bd: {  	v9 =	vld [tilespmem:s21+$0x15F40]  }
0x2be: {  	v4 =	vadd.f32 v5, v4;
	v10 =	vld [tilespmem:s21+$0x15F80];
	v5 =	vadd.f32 v8, v7  }
0x2bf: {  	v8 =	vadd.f32 v12, v14;
	v7 =	vld [tilespmem:s21+$0x15FC0]  }
0x2c0: {  	v11 =	vadd.f32 v11, v15;
	v12 =	vld [tilespmem:s21+$0x15E10];
	v4 =	vadd.f32 v5, v4  }
0x2c1: {  	v5 =	vld [tilespmem:s21+$0x15E50]  }
0x2c2: {  	v6 =	vadd.f32 v9, v6;
	v9 =	vld [tilespmem:s21+$0x15E90];
	v0 =	vadd.f32 v4, v0  }
0x2c3: {  	v4 =	vadd.f32 v11, v8;
	v8 =	vld [tilespmem:s21+$0x15ED0]  }
0x2c4: {  	v7 =	vadd.f32 v7, v10;
	v10 =	vld [tilespmem:s21+$0x15F10]  }
0x2c5: {  	v11 =	vld [tilespmem:s21+$0x15F50]  }
0x2c6: {  	v6 =	vadd.f32 v7, v6;
	v7 =	vld [tilespmem:s21+$0x15F90];
	v5 =	vadd.f32 v5, v12  }
0x2c7: {  	v12 =	vld [tilespmem:s21+$0x15FD0]  }
0x2c8: {  	v4 =	vadd.f32 v6, v4;
	v6 =	vadd.f32 v8, v9;
	v8 =	vld [tilespmem:s21+$0x15E20]  }
0x2c9: {  	v9 =	vld [tilespmem:s21+$0x15E60]  }
0x2ca: {  	v5 =	vadd.f32 v6, v5;
	v6 =	vadd.f32 v11, v10;
	v10 =	vld [tilespmem:s21+$0x15EA0]  }
0x2cb: {  	v1 =	vadd.f32 v4, v1;
	v11 =	vld [tilespmem:s21+$0x15EE0]  }
0x2cc: {  	v4 =	vadd.f32 v12, v7;
	v7 =	vld [tilespmem:s21+$0x15F20]  }
0x2cd: {  	v12 =	vld [tilespmem:s21+$0x15F60]  }
0x2ce: {  	v6 =	vadd.f32 v4, v6;
	v13 =	vld [tilespmem:s21+$0x15FA0];
	v8 =	vadd.f32 v9, v8  }
0x2cf: {  	v9 =	vld [tilespmem:s21+$0x15FE0];
	s21 =	sshra.s32 s22, $0x2  }
0x2d0: {  	v4 =	vld [tilespmem:s21+$0x15E30];
	v14 =	vadd.f32 v6, v5;
	v10 =	vadd.f32 v11, v10  }
0x2d1: {  	v5 =	vld [tilespmem:s21+$0x15E70]  }
.Ltmp5:
0x2d2: {  	v6 =	vld [tilespmem:s21+$0x15EB0];
	v11 =	vadd.f32 v10, v8;
	v12 =	vadd.f32 v12, v7;
	(pc) =	sbr.rel @p0 .LBB2_14-.Ltmp5, $4  }
0x2d3: {  	v2 =	vadd.f32 v14, v2;
	v8 =	vld [tilespmem:s21+$0x15EF0]  }
0x2d4: {  	v7 =	vld [tilespmem:s21+$0x15F30];
	v13 =	vadd.f32 v9, v13  }
0x2d5: {  	v9 =	vld [tilespmem:s21+$0x15F70]  }
0x2d6: {  	s22 =	sadd.s32 $0x800, s22;
	v10 =	vld [tilespmem:s21+$0x15FB0];
	v12 =	vadd.f32 v13, v12  }
0x2d7: {  	v13 =	vld [tilespmem:s21+$0x15FF0]  }
0x2d8: {  	v14 =	vld [tilespmem:s21+$0x15E00]  }
0x2d9: {  	v15 =	vld [tilespmem:s21+$0x15E40]  }
0x2da: {  	v16 =	vld [tilespmem:s21+$0x15E80]  }
0x2db: {  	v17 =	vld [tilespmem:s21+$0x15EC0]  }
0x2dc: {  	v18 =	vld [tilespmem:s21+$0x15F00]  }
0x2dd: {  	v19 =	vld [tilespmem:s21+$0x15F40]  }
0x2de: {  	v20 =	vld [tilespmem:s21+$0x15F80]  }
0x2df: {  	v21 =	vld [tilespmem:s21+$0x15FC0]  }
0x2e0: {  	v22 =	vld [tilespmem:s21+$0x15E10]  }
0x2e1: {  	v23 =	vld [tilespmem:s21+$0x15E50]  }
0x2e2: {  	v24 =	vld [tilespmem:s21+$0x15E90]  }
0x2e3: {  	v25 =	vld [tilespmem:s21+$0x15ED0]  }
0x2e4: {  	v26 =	vld [tilespmem:s21+$0x15F10]  }
0x2e5: {  	v27 =	vld [tilespmem:s21+$0x15F50]  }
0x2e6: {  	v28 =	vld [tilespmem:s21+$0x15F90]  }
0x2e7: {  	v29 =	vld [tilespmem:s21+$0x15FD0]  }
0x2e8: {  	v43 =	vld [tilespmem:s21+$0x15E20]  }
0x2e9: {  	v30 =	vld [tilespmem:s21+$0x15E60]  }
0x2ea: {  	v44 =	vld [tilespmem:s21+$0x15EA0];
	v11 =	vadd.f32 v12, v11  }
0x2eb: {  	v4 =	vadd.f32 v5, v4;
	v46 =	vld [tilespmem:s21+$0x15EE0];
	v45 =	vadd.f32 v8, v6  }
0x2ec: {  	v49 =	vld [tilespmem:s21+$0x15F20];
	v3 =	vadd.f32 v11, v3  }
0x2ed: {  	v52 =	vld [tilespmem:s21+$0x15F60];
	v7 =	vadd.f32 v9, v7;
	v4 =	vadd.f32 v45, v4  }
0x2ee: {  	v54 =	vld [tilespmem:s21+$0x15FA0];
	v47 =	vadd.f32 v15, v14;
	v48 =	vadd.f32 v17, v16  }
0x2ef: {  	v56 =	vld [tilespmem:s21+$0x15FE0];
	v50 =	vadd.f32 v19, v18;
	v51 =	vadd.f32 v21, v20  }
0x2f0: {  	v53 =	vadd.f32 v13, v10;
	v57 =	vadd.f32 v23, v22  }
0x2f1: {  	v58 =	vadd.f32 v25, v24;
	v59 =	vadd.f32 v27, v26  }
0x2f2: {  	v60 =	vadd.f32 v29, v28;
	v12 =	vadd.f32 v30, v43  }
0x2f3: {  	v6 =	vadd.f32 v46, v44;
	v61 =	vadd.f32 v52, v49  }
0x2f4: {  	v10 =	vadd.f32 v56, v54;
	v8 =	vadd.f32 v48, v47  }
0x2f5: {  	v55 =	vadd.f32 v51, v50;
	v5 =	vadd.f32 v58, v57  }
0x2f6: {  	v62 =	vadd.f32 v60, v59;
	v6 =	vadd.f32 v6, v12  }
0x2f7: {  	v10 =	vadd.f32 v10, v61;
	v8 =	vadd.f32 v55, v8  }
0x2f8: {  	v7 =	vadd.f32 v53, v7;
	v5 =	vadd.f32 v62, v5  }
0x2f9: {  	v6 =	vadd.f32 v10, v6;
	v1 =	vadd.f32 v8, v1  }
0x2fa: {  	s19 =	sadd.s32 $0x1, s19;
	v4 =	vadd.f32 v7, v4;
	v2 =	vadd.f32 v5, v2  }
0x2fb: {  	s20 =	sshll.u32 s20, $0x6;
	p0 =	sne.s32 s19, $0x15;
	v3 =	vadd.f32 v6, v3;
	v1 =	vmul.f32 $4.999999890e-03, v1  }
.Ltmp6:
0x2fc: {  	s20 =	sand.u32 $0x3FFFFFC0, s20;
	v0 =	vadd.f32 v4, v0;
	v2 =	vmul.f32 $4.999999890e-03, v2;
	(pc) =	sbr.rel @p0 .LBB2_3-.Ltmp6, $4  }
0x2fd: {  	v63 =	vmul.f32 $4.999999890e-03, v3;
	[tilespmem:s20+$0x19000] =	vst v1  }
0x2fe: {  	v0 =	vmul.f32 $4.999999890e-03, v0;
	[tilespmem:s20+$0x19010] =	vst v2  }
0x2ff: {  	[tilespmem:s20+$0x19020] =	vst v63  }
0x300: {  	[tilespmem:s20+$0x19030] =	vst v0  }
0x301: {  	_ =	swait.ge [sflag:s0], $0x1A00  }
0x302: {  	[sflag:s0] =	ssyncset.done $0x0  }
0x303: {  	[sflag:s0] =	ssyncadd.s32 $0xFFFFE600  }
0x304: {  	_ =	swait.ge [sflag:s0], $0x1800  }
0x305: {  	[sflag:s0] =	ssyncset.done $0x0  }
0x306: {  	s20 =	simm.s32 $0x0;
	[sflag:s0] =	ssyncadd.s32 $0xFFFFE800  }
0x307: {  	v0 =	vld [tilespmem:s20+$0x6430]  }
0x308: {  	v1 =	vld [tilespmem:s20+$0x6470]  }
0x309: {  	v2 =	vld [tilespmem:s20+$0x64B0]  }
0x30a: {  	v3 =	vld [tilespmem:s20+$0x64F0]  }
0x30b: {  	v4 =	vld [tilespmem:s20+$0x6530]  }
0x30c: {  	v5 =	vld [tilespmem:s20+$0x6570]  }
0x30d: {  	v6 =	vld [tilespmem:s20+$0x65B0]  }
0x30e: {  	v7 =	vld [tilespmem:s20+$0x65F0]  }
0x30f: {  	v8 =	vld [tilespmem:s20+$0x6400]  }
0x310: {  	v9 =	vld [tilespmem:s20+$0x6440]  }
0x311: {  	v10 =	vld [tilespmem:s20+$0x6480]  }
0x312: {  	v11 =	vld [tilespmem:s20+$0x64C0]  }
0x313: {  	v12 =	vld [tilespmem:s20+$0x6500]  }
0x314: {  	v13 =	vld [tilespmem:s20+$0x6540]  }
0x315: {  	v14 =	vld [tilespmem:s20+$0x6580]  }
0x316: {  	v15 =	vld [tilespmem:s20+$0x65C0]  }
0x317: {  	v16 =	vld [tilespmem:s20+$0x6410]  }
0x318: {  	v17 =	vld [tilespmem:s20+$0x6450]  }
0x319: {  	v18 =	vld [tilespmem:s20+$0x6490]  }
0x31a: {  	v19 =	vld [tilespmem:s20+$0x64D0]  }
0x31b: {  	v20 =	vld [tilespmem:s20+$0x6510]  }
0x31c: {  	v21 =	vld [tilespmem:s20+$0x6550]  }
0x31d: {  	v22 =	vld [tilespmem:s20+$0x6590]  }
0x31e: {  	v23 =	vld [tilespmem:s20+$0x64A0];
	v0 =	vadd.f32 v1, v0  }
0x31f: {  	v1 =	vadd.f32 v3, v2;
	v2 =	vld [tilespmem:s20+$0x65D0];
	v3 =	vadd.f32 v5, v4  }
0x320: {  	v4 =	vadd.f32 v7, v6;
	v6 =	vld [tilespmem:s20+$0x6420];
	v5 =	vadd.f32 v13, v12  }
0x321: {  	v7 =	vld [tilespmem:s20+$0x6460];
	v12 =	vadd.f32 v19, v18;
	v0 =	vadd.f32 v1, v0  }
0x322: {  	v13 =	vld [tilespmem:s20+$0x6560];
	v1 =	vadd.f32 v4, v3;
	v3 =	vadd.f32 v9, v8  }
0x323: {  	v4 =	vadd.f32 v11, v10;
	v8 =	vld [tilespmem:s20+$0x64E0];
	v9 =	vadd.f32 v15, v14  }
0x324: {  	v10 =	vld [tilespmem:s20+$0x6520];
	v11 =	vadd.f32 v17, v16;
	v14 =	vadd.f32 v21, v20  }
0x325: {  	v15 =	vld [tilespmem:s20+$0x65A0];
	v3 =	vadd.f32 v4, v3;
	v5 =	vadd.f32 v9, v5  }
0x326: {  	s19 =	simm.s32 $0x200;
	v9 =	vld [tilespmem:s20+$0x65E0];
	v11 =	vadd.f32 v12, v11;
	v2 =	vadd.f32 v2, v22  }
0x327: {  	v4 =	vld [tilespmem:s19+$0x6430];
	v0 =	vadd.f32 v1, v0;
	v12 =	vadd.f32 v7, v6  }
0x328: {  	v6 =	vld [tilespmem:s19+$0x64B0];
	v1 =	vadd.f32 v5, v3;
	v3 =	vimm.f32 $0.0e+00;
	v2 =	vadd.f32 v2, v14  }
0x329: {  	v7 =	vld [tilespmem:s19+$0x6530];
	v0 =	vadd.f32 v0, v3  }
0x32a: {  	v5 =	vld [tilespmem:s19+$0x6470];
	v2 =	vadd.f32 v2, v11;
	v11 =	vadd.f32 v8, v23  }
0x32b: {  	v13 =	vadd.f32 v13, v10;
	v10 =	vld [tilespmem:s19+$0x65B0];
	v14 =	vadd.f32 v9, v15  }
0x32c: {  	v1 =	vadd.f32 v1, v3;
	v8 =	vld [tilespmem:s19+$0x64F0];
	v11 =	vadd.f32 v11, v12  }
0x32d: {  	s20 =	simm.s32 $0x1000;
	v9 =	vld [tilespmem:s19+$0x6570];
	v2 =	vadd.f32 v2, v3;
	v12 =	vadd.f32 v14, v13  }
.LBB2_17:
0x32e: {  	p0 =	sne.s32 s20, $0xC000;
	v13 =	vld [tilespmem:s19+$0x65F0]  }
0x32f: {  	v14 =	vld [tilespmem:s19+$0x6400];
	v11 =	vadd.f32 v12, v11  }
0x330: {  	v12 =	vld [tilespmem:s19+$0x6440]  }
0x331: {  	v15 =	vld [tilespmem:s19+$0x6480];
	v3 =	vadd.f32 v11, v3  }
0x332: {  	v4 =	vadd.f32 v5, v4;
	v5 =	vadd.f32 v8, v6;
	v11 =	vld [tilespmem:s19+$0x64C0]  }
0x333: {  	v7 =	vadd.f32 v9, v7;
	v6 =	vld [tilespmem:s19+$0x6500];
	v8 =	vadd.f32 v13, v10  }
0x334: {  	v9 =	vld [tilespmem:s19+$0x6540]  }
0x335: {  	v4 =	vadd.f32 v5, v4;
	v10 =	vld [tilespmem:s19+$0x6580];
	v5 =	vadd.f32 v8, v7  }
0x336: {  	v8 =	vadd.f32 v12, v14;
	v7 =	vld [tilespmem:s19+$0x65C0]  }
0x337: {  	v11 =	vadd.f32 v11, v15;
	v12 =	vld [tilespmem:s19+$0x6410];
	v4 =	vadd.f32 v5, v4  }
0x338: {  	v5 =	vld [tilespmem:s19+$0x6450]  }
0x339: {  	v6 =	vadd.f32 v9, v6;
	v9 =	vld [tilespmem:s19+$0x6490];
	v0 =	vadd.f32 v4, v0  }
0x33a: {  	v4 =	vadd.f32 v11, v8;
	v8 =	vld [tilespmem:s19+$0x64D0]  }
0x33b: {  	v7 =	vadd.f32 v7, v10;
	v10 =	vld [tilespmem:s19+$0x6510]  }
0x33c: {  	v11 =	vld [tilespmem:s19+$0x6550]  }
0x33d: {  	v6 =	vadd.f32 v7, v6;
	v7 =	vld [tilespmem:s19+$0x6590];
	v5 =	vadd.f32 v5, v12  }
0x33e: {  	v12 =	vld [tilespmem:s19+$0x65D0]  }
0x33f: {  	v4 =	vadd.f32 v6, v4;
	v6 =	vadd.f32 v8, v9;
	v8 =	vld [tilespmem:s19+$0x6420]  }
0x340: {  	v9 =	vld [tilespmem:s19+$0x6460]  }
0x341: {  	v5 =	vadd.f32 v6, v5;
	v6 =	vadd.f32 v11, v10;
	v10 =	vld [tilespmem:s19+$0x64A0]  }
0x342: {  	v1 =	vadd.f32 v4, v1;
	v11 =	vld [tilespmem:s19+$0x64E0]  }
0x343: {  	v4 =	vadd.f32 v12, v7;
	v7 =	vld [tilespmem:s19+$0x6520]  }
0x344: {  	v12 =	vld [tilespmem:s19+$0x6560]  }
0x345: {  	v6 =	vadd.f32 v4, v6;
	v13 =	vld [tilespmem:s19+$0x65A0];
	v8 =	vadd.f32 v9, v8  }
0x346: {  	v9 =	vld [tilespmem:s19+$0x65E0];
	s19 =	sshra.s32 s20, $0x2  }
0x347: {  	v4 =	vld [tilespmem:s19+$0x6430];
	v14 =	vadd.f32 v6, v5;
	v10 =	vadd.f32 v11, v10  }
0x348: {  	v5 =	vld [tilespmem:s19+$0x6470]  }
.Ltmp7:
0x349: {  	v6 =	vld [tilespmem:s19+$0x64B0];
	v11 =	vadd.f32 v10, v8;
	v12 =	vadd.f32 v12, v7;
	(pc) =	sbr.rel @p0 .LBB2_17-.Ltmp7, $4  }
0x34a: {  	v2 =	vadd.f32 v14, v2;
	v8 =	vld [tilespmem:s19+$0x64F0]  }
0x34b: {  	v7 =	vld [tilespmem:s19+$0x6530];
	v13 =	vadd.f32 v9, v13  }
0x34c: {  	v9 =	vld [tilespmem:s19+$0x6570]  }
0x34d: {  	s20 =	sadd.s32 $0x800, s20;
	v10 =	vld [tilespmem:s19+$0x65B0];
	v12 =	vadd.f32 v13, v12  }
0x34e: {  	v13 =	vld [tilespmem:s19+$0x65F0]  }
0x34f: {  	v14 =	vld [tilespmem:s19+$0x6400]  }
0x350: {  	v15 =	vld [tilespmem:s19+$0x6440]  }
0x351: {  	v16 =	vld [tilespmem:s19+$0x6480]  }
0x352: {  	v17 =	vld [tilespmem:s19+$0x64C0]  }
0x353: {  	v18 =	vld [tilespmem:s19+$0x6500]  }
0x354: {  	v19 =	vld [tilespmem:s19+$0x6540]  }
0x355: {  	v20 =	vld [tilespmem:s19+$0x6580]  }
0x356: {  	v21 =	vld [tilespmem:s19+$0x65C0]  }
0x357: {  	v22 =	vld [tilespmem:s19+$0x6410]  }
0x358: {  	v23 =	vld [tilespmem:s19+$0x6450]  }
0x359: {  	v24 =	vld [tilespmem:s19+$0x6490]  }
0x35a: {  	v25 =	vld [tilespmem:s19+$0x64D0]  }
0x35b: {  	v26 =	vld [tilespmem:s19+$0x6510]  }
0x35c: {  	v27 =	vld [tilespmem:s19+$0x6550]  }
0x35d: {  	v28 =	vld [tilespmem:s19+$0x6590]  }
0x35e: {  	v29 =	vld [tilespmem:s19+$0x65D0]  }
0x35f: {  	v30 =	vld [tilespmem:s19+$0x6460];
	v11 =	vadd.f32 v12, v11  }
0x360: {  	v4 =	vadd.f32 v5, v4;
	v53 =	vld [tilespmem:s19+$0x6560];
	v5 =	vadd.f32 v8, v6  }
0x361: {  	v12 =	vld [tilespmem:s19+$0x6420];
	v3 =	vadd.f32 v11, v3  }
0x362: {  	v6 =	vld [tilespmem:s19+$0x64E0];
	v7 =	vadd.f32 v9, v7;
	v4 =	vadd.f32 v5, v4  }
0x363: {  	v11 =	vld [tilespmem:s19+$0x64A0];
	v8 =	vadd.f32 v15, v14;
	v14 =	vadd.f32 v17, v16  }
0x364: {  	v15 =	vld [tilespmem:s19+$0x6520];
	v51 =	vadd.f32 v19, v18;
	v52 =	vadd.f32 v21, v20  }
0x365: {  	v9 =	vadd.f32 v13, v10;
	v10 =	vld [tilespmem:s19+$0x65A0];
	v5 =	vadd.f32 v23, v22  }
0x366: {  	v54 =	vadd.f32 v27, v26;
	v8 =	vadd.f32 v14, v8;
	v14 =	vld [tilespmem:s19+$0x65E0]  }
0x367: {  	v55 =	vadd.f32 v29, v28;
	v13 =	vadd.f32 v52, v51  }
0x368: {  	v12 =	vadd.f32 v30, v12;
	v7 =	vadd.f32 v9, v7  }
0x369: {  	v6 =	vadd.f32 v6, v11;
	v8 =	vadd.f32 v13, v8  }
0x36a: {  	v13 =	vadd.f32 v25, v24;
	v4 =	vadd.f32 v7, v4  }
0x36b: {  	v11 =	vadd.f32 v53, v15;
	v10 =	vadd.f32 v14, v10  }
0x36c: {  	v5 =	vadd.f32 v13, v5;
	v13 =	vadd.f32 v55, v54  }
0x36d: {  	v6 =	vadd.f32 v6, v12;
	v10 =	vadd.f32 v10, v11  }
0x36e: {  	v1 =	vadd.f32 v8, v1;
	v5 =	vadd.f32 v13, v5  }
0x36f: {  	v0 =	vadd.f32 v4, v0;
	v6 =	vadd.f32 v10, v6  }
0x370: {  	v1 =	vmul.f32 $4.999999890e-03, v1;
	v2 =	vadd.f32 v5, v2  }
0x371: {  	v0 =	vmul.f32 $4.999999890e-03, v0;
	v3 =	vadd.f32 v6, v3  }
0x372: {  	[tilespmem:$0x1AF80] =	vst v1;
	v2 =	vmul.f32 $4.999999890e-03, v2  }
0x373: {  	[tilespmem:$0x1AFB0] =	vst v0;
	v1 =	vmul.f32 $4.999999890e-03, v3  }
0x374: {  	[tilespmem:$0x1AF90] =	vst v2  }
0x375: {  	[tilespmem:$0x1AFA0] =	vst v1  }
0x376: {  	_ =	swait.ge [sflag:s3], $0x1A00  }
0x377: {  	[sflag:s3] =	ssyncset.done $0x0  }
0x378: {  	[sflag:s3] =	ssyncadd.s32 $0xFFFFE600  }
0x379: {  	_ =	swait.ge [sflag:s3], $0x1800  }
0x37a: {  	[sflag:s3] =	ssyncset.done $0x0  }
0x37b: {  	s20 =	simm.s32 $0x0;
	[sflag:s3] =	ssyncadd.s32 $0xFFFFE800  }
0x37c: {  	v0 =	vld [tilespmem:s20+$0x9630]  }
0x37d: {  	v1 =	vld [tilespmem:s20+$0x9670]  }
0x37e: {  	v2 =	vld [tilespmem:s20+$0x96B0]  }
0x37f: {  	v3 =	vld [tilespmem:s20+$0x96F0]  }
0x380: {  	v4 =	vld [tilespmem:s20+$0x9730]  }
0x381: {  	v5 =	vld [tilespmem:s20+$0x9770]  }
0x382: {  	v6 =	vld [tilespmem:s20+$0x97B0]  }
0x383: {  	v7 =	vld [tilespmem:s20+$0x97F0]  }
0x384: {  	v8 =	vld [tilespmem:s20+$0x9600]  }
0x385: {  	v9 =	vld [tilespmem:s20+$0x9640]  }
0x386: {  	v10 =	vld [tilespmem:s20+$0x9680]  }
0x387: {  	v11 =	vld [tilespmem:s20+$0x96C0]  }
0x388: {  	v12 =	vld [tilespmem:s20+$0x9700]  }
0x389: {  	v13 =	vld [tilespmem:s20+$0x9740]  }
0x38a: {  	v14 =	vld [tilespmem:s20+$0x9780]  }
0x38b: {  	v15 =	vld [tilespmem:s20+$0x97C0]  }
0x38c: {  	v56 =	vld [tilespmem:s20+$0x9610]  }
0x38d: {  	v57 =	vld [tilespmem:s20+$0x9650]  }
0x38e: {  	v58 =	vld [tilespmem:s20+$0x9690]  }
0x38f: {  	v59 =	vld [tilespmem:s20+$0x96D0]  }
0x390: {  	v60 =	vld [tilespmem:s20+$0x9710]  }
0x391: {  	v61 =	vld [tilespmem:s20+$0x9750]  }
0x392: {  	v62 =	vld [tilespmem:s20+$0x9790]  }
0x393: {  	v63 =	vld [tilespmem:s20+$0x96A0];
	v0 =	vadd.f32 v1, v0;
	v1 =	vadd.f32 v3, v2  }
0x394: {  	v2 =	vld [tilespmem:s20+$0x97D0];
	v3 =	vadd.f32 v5, v4;
	v4 =	vadd.f32 v7, v6  }
0x395: {  	v6 =	vld [tilespmem:s20+$0x9620]  }
0x396: {  	v7 =	vld [tilespmem:s20+$0x9660];
	v0 =	vadd.f32 v1, v0;
	v1 =	vadd.f32 v4, v3  }
0x397: {  	v3 =	vadd.f32 v9, v8;
	v4 =	vadd.f32 v11, v10;
	v8 =	vld [tilespmem:s20+$0x96E0]  }
0x398: {  	v5 =	vadd.f32 v59, v58;
	v9 =	vld [tilespmem:s20+$0x9720];
	v0 =	vadd.f32 v1, v0  }
0x399: {  	v11 =	vld [tilespmem:s20+$0x9760];
	v1 =	vadd.f32 v13, v12;
	v10 =	vadd.f32 v4, v3  }
0x39a: {  	v3 =	vadd.f32 v15, v14;
	v4 =	vadd.f32 v57, v56;
	v12 =	vld [tilespmem:s20+$0x97A0]  }
0x39b: {  	s19 =	simm.s32 $0x200;
	v13 =	vadd.f32 v61, v60;
	v14 =	vld [tilespmem:s20+$0x97E0];
	v2 =	vadd.f32 v2, v62  }
0x39c: {  	v1 =	vadd.f32 v3, v1;
	v3 =	vimm.f32 $0.0e+00;
	v15 =	vadd.f32 v5, v4;
	v4 =	vld [tilespmem:s19+$0x9630]  }
0x39d: {  	v5 =	vld [tilespmem:s19+$0x9670];
	v0 =	vadd.f32 v0, v3;
	v2 =	vadd.f32 v2, v13  }
0x39e: {  	v13 =	vadd.f32 v8, v63;
	v8 =	vld [tilespmem:s19+$0x96F0];
	v1 =	vadd.f32 v1, v10  }
0x39f: {  	v10 =	vadd.f32 v7, v6;
	v6 =	vld [tilespmem:s19+$0x96B0];
	v2 =	vadd.f32 v2, v15  }
0x3a0: {  	v7 =	vld [tilespmem:s19+$0x9730];
	v15 =	vadd.f32 v11, v9;
	v12 =	vadd.f32 v14, v12  }
0x3a1: {  	v9 =	vld [tilespmem:s19+$0x9770];
	v1 =	vadd.f32 v1, v3;
	v11 =	vadd.f32 v13, v10  }
0x3a2: {  	s20 =	simm.s32 $0x1000;
	v10 =	vld [tilespmem:s19+$0x97B0];
	v2 =	vadd.f32 v2, v3;
	v12 =	vadd.f32 v12, v15  }
.LBB2_19:
0x3a3: {  	p0 =	sne.s32 s20, $0xC000;
	v13 =	vld [tilespmem:s19+$0x97F0]  }
0x3a4: {  	v14 =	vld [tilespmem:s19+$0x9600];
	v11 =	vadd.f32 v12, v11  }
0x3a5: {  	v12 =	vld [tilespmem:s19+$0x9640]  }
0x3a6: {  	v15 =	vld [tilespmem:s19+$0x9680];
	v3 =	vadd.f32 v11, v3  }
0x3a7: {  	v4 =	vadd.f32 v5, v4;
	v5 =	vadd.f32 v8, v6;
	v11 =	vld [tilespmem:s19+$0x96C0]  }
0x3a8: {  	v7 =	vadd.f32 v9, v7;
	v6 =	vld [tilespmem:s19+$0x9700];
	v8 =	vadd.f32 v13, v10  }
0x3a9: {  	v9 =	vld [tilespmem:s19+$0x9740]  }
0x3aa: {  	v4 =	vadd.f32 v5, v4;
	v10 =	vld [tilespmem:s19+$0x9780];
	v5 =	vadd.f32 v8, v7  }
0x3ab: {  	v8 =	vadd.f32 v12, v14;
	v7 =	vld [tilespmem:s19+$0x97C0]  }
0x3ac: {  	v11 =	vadd.f32 v11, v15;
	v12 =	vld [tilespmem:s19+$0x9610];
	v4 =	vadd.f32 v5, v4  }
0x3ad: {  	v5 =	vld [tilespmem:s19+$0x9650]  }
0x3ae: {  	v6 =	vadd.f32 v9, v6;
	v9 =	vld [tilespmem:s19+$0x9690];
	v0 =	vadd.f32 v4, v0  }
0x3af: {  	v4 =	vadd.f32 v11, v8;
	v8 =	vld [tilespmem:s19+$0x96D0]  }
0x3b0: {  	v7 =	vadd.f32 v7, v10;
	v10 =	vld [tilespmem:s19+$0x9710]  }
0x3b1: {  	v11 =	vld [tilespmem:s19+$0x9750]  }
0x3b2: {  	v6 =	vadd.f32 v7, v6;
	v7 =	vld [tilespmem:s19+$0x9790];
	v5 =	vadd.f32 v5, v12  }
0x3b3: {  	v12 =	vld [tilespmem:s19+$0x97D0]  }
0x3b4: {  	v4 =	vadd.f32 v6, v4;
	v6 =	vadd.f32 v8, v9;
	v8 =	vld [tilespmem:s19+$0x9620]  }
0x3b5: {  	v9 =	vld [tilespmem:s19+$0x9660]  }
0x3b6: {  	v5 =	vadd.f32 v6, v5;
	v6 =	vadd.f32 v11, v10;
	v10 =	vld [tilespmem:s19+$0x96A0]  }
0x3b7: {  	v1 =	vadd.f32 v4, v1;
	v11 =	vld [tilespmem:s19+$0x96E0]  }
0x3b8: {  	v4 =	vadd.f32 v12, v7;
	v7 =	vld [tilespmem:s19+$0x9720]  }
0x3b9: {  	v12 =	vld [tilespmem:s19+$0x9760]  }
0x3ba: {  	v6 =	vadd.f32 v4, v6;
	v13 =	vld [tilespmem:s19+$0x97A0];
	v8 =	vadd.f32 v9, v8  }
0x3bb: {  	v9 =	vld [tilespmem:s19+$0x97E0];
	s19 =	sshra.s32 s20, $0x2  }
0x3bc: {  	v4 =	vld [tilespmem:s19+$0x9630];
	v14 =	vadd.f32 v6, v5;
	v10 =	vadd.f32 v11, v10  }
0x3bd: {  	v5 =	vld [tilespmem:s19+$0x9670]  }
.Ltmp8:
0x3be: {  	v6 =	vld [tilespmem:s19+$0x96B0];
	v11 =	vadd.f32 v10, v8;
	v12 =	vadd.f32 v12, v7;
	(pc) =	sbr.rel @p0 .LBB2_19-.Ltmp8, $4  }
0x3bf: {  	v2 =	vadd.f32 v14, v2;
	v8 =	vld [tilespmem:s19+$0x96F0]  }
0x3c0: {  	v7 =	vld [tilespmem:s19+$0x9730];
	v13 =	vadd.f32 v9, v13  }
0x3c1: {  	v9 =	vld [tilespmem:s19+$0x9770]  }
0x3c2: {  	s20 =	sadd.s32 $0x800, s20;
	v10 =	vld [tilespmem:s19+$0x97B0];
	v12 =	vadd.f32 v13, v12  }
0x3c3: {  	v13 =	vld [tilespmem:s19+$0x97F0]  }
0x3c4: {  	v14 =	vld [tilespmem:s19+$0x9600]  }
0x3c5: {  	v15 =	vld [tilespmem:s19+$0x9640]  }
0x3c6: {  	v16 =	vld [tilespmem:s19+$0x9680]  }
0x3c7: {  	v17 =	vld [tilespmem:s19+$0x96C0]  }
0x3c8: {  	v18 =	vld [tilespmem:s19+$0x9700]  }
0x3c9: {  	v19 =	vld [tilespmem:s19+$0x9740]  }
0x3ca: {  	v20 =	vld [tilespmem:s19+$0x9780]  }
0x3cb: {  	v21 =	vld [tilespmem:s19+$0x97C0]  }
0x3cc: {  	v22 =	vld [tilespmem:s19+$0x9610]  }
0x3cd: {  	v23 =	vld [tilespmem:s19+$0x9650]  }
0x3ce: {  	v24 =	vld [tilespmem:s19+$0x9690]  }
0x3cf: {  	v25 =	vld [tilespmem:s19+$0x96D0]  }
0x3d0: {  	v26 =	vld [tilespmem:s19+$0x9710]  }
0x3d1: {  	v27 =	vld [tilespmem:s19+$0x9750]  }
0x3d2: {  	v28 =	vld [tilespmem:s19+$0x9790]  }
0x3d3: {  	v29 =	vld [tilespmem:s19+$0x97D0]  }
0x3d4: {  	v43 =	vld [tilespmem:s19+$0x9620]  }
0x3d5: {  	v30 =	vld [tilespmem:s19+$0x9660]  }
0x3d6: {  	v44 =	vld [tilespmem:s19+$0x96A0];
	v11 =	vadd.f32 v12, v11  }
0x3d7: {  	v4 =	vadd.f32 v5, v4;
	v46 =	vld [tilespmem:s19+$0x96E0];
	v45 =	vadd.f32 v8, v6  }
0x3d8: {  	v49 =	vld [tilespmem:s19+$0x9720];
	v3 =	vadd.f32 v11, v3  }
0x3d9: {  	v52 =	vld [tilespmem:s19+$0x9760];
	v7 =	vadd.f32 v9, v7;
	v4 =	vadd.f32 v45, v4  }
0x3da: {  	v54 =	vld [tilespmem:s19+$0x97A0];
	v47 =	vadd.f32 v15, v14;
	v48 =	vadd.f32 v17, v16  }
0x3db: {  	v56 =	vld [tilespmem:s19+$0x97E0];
	v50 =	vadd.f32 v19, v18;
	v51 =	vadd.f32 v21, v20  }
0x3dc: {  	v53 =	vadd.f32 v13, v10;
	v57 =	vadd.f32 v23, v22  }
0x3dd: {  	v58 =	vadd.f32 v25, v24;
	v59 =	vadd.f32 v27, v26  }
0x3de: {  	v60 =	vadd.f32 v29, v28;
	v12 =	vadd.f32 v30, v43  }
0x3df: {  	v6 =	vadd.f32 v46, v44;
	v61 =	vadd.f32 v52, v49  }
0x3e0: {  	v10 =	vadd.f32 v56, v54;
	v8 =	vadd.f32 v48, v47  }
0x3e1: {  	v55 =	vadd.f32 v51, v50;
	v5 =	vadd.f32 v58, v57  }
0x3e2: {  	v62 =	vadd.f32 v60, v59;
	v6 =	vadd.f32 v6, v12  }
0x3e3: {  	v10 =	vadd.f32 v10, v61;
	v8 =	vadd.f32 v55, v8  }
0x3e4: {  	v7 =	vadd.f32 v53, v7;
	v5 =	vadd.f32 v62, v5  }
0x3e5: {  	v6 =	vadd.f32 v10, v6;
	v1 =	vadd.f32 v8, v1  }
0x3e6: {  	v4 =	vadd.f32 v7, v4;
	v2 =	vadd.f32 v5, v2  }
0x3e7: {  	v3 =	vadd.f32 v6, v3;
	v1 =	vmul.f32 $4.999999890e-03, v1  }
0x3e8: {  	v0 =	vadd.f32 v4, v0;
	v2 =	vmul.f32 $4.999999890e-03, v2  }
0x3e9: {  	v63 =	vmul.f32 $4.999999890e-03, v3;
	[tilespmem:$0x1AFC0] =	vst v1  }
0x3ea: {  	s17 =	sadd.s32 $0x1, s17;
	v0 =	vmul.f32 $4.999999890e-03, v0;
	[tilespmem:$0x1AFD0] =	vst v2  }
0x3eb: {  	s18 =	sshll.u32 s18, $0x3;
	p0 =	sne.s32 s17, $0x4;
	[tilespmem:$0x1AFE0] =	vst v63  }
.Ltmp9:
0x3ec: {  	s25 =	simm.s32 $0x0;
	s18 =	sadd.s32 s5, s18;
	[tilespmem:$0x1AFF0] =	vst v0;
	(pc) =	sbr.rel @p0 .LBB2_2-.Ltmp9, $4  }
0x3ed: {  	[hbm4b:s18+s25] =	stream.linear.scatter [tilespmem:s15], [sflag:$0x7], $0x2000, $0x38;
	[tilespmem:$0x1B000] =	vst v63  }
0x3ee: {  	_ =	swait.ge [sflag:s8], $0x2000  }
0x3ef: {  	[sflag:s8] =	ssyncset.done $0x0  }
0x3f0: {  	[sflag:s8] =	ssyncadd.s32 $0xFFFFE000  }
0x3f1: {  	s18 =	rddreg [dreg:$0x4]  }
0x3f2: {  	s17 =	rddreg [dreg:$0x3];
	s18 =	sadd.s32 $0x1, s18  }
0x3f3: {  	p0 =	sne.s32 s18, s17  }
.Ltmp10:
0x3f4: {  	_ = 	snop;
	(pc) =	sbr.rel @p0 .LBB2_1-.Ltmp10, $1  }
0x3f5: {  	_ =	sdelay $0x3  }
0x3f6: {  	_ =	sfence.sel $0x180000  }
0x3f7: {  	[bflag:$0x0] =	sbarrier.arrive $0xFFFF  }
0x3f8: {  	_ =	strace $0x90000047  }
0x3f9: {  	s0 =	stileid.u32;
	[bflag:$0x2] =	sbarrier.arrive $0xFFFF  }
0x3fa: {  	p0 =	sne.s32 s0, $0x0;
	s0 =	rddreg [dreg:$0x2]  }
0x3fb: {  	s0 =	sadd.s32 @!p0 $0x100000, s0  }
0x3fc: {  	[sflag:s0] =	ssyncadd.tile.s32 @!p0 $0x1;
	_ =	shalt  }
.Lfunc_end2:
_tile_overlayer_lowered:
.L_overlay_start_2:
0x3fd: {  	(tag) =	ssettag $0x2  }
0x3fe: {  	s0 =	rddreg [dreg:$0x0];
	s2 =	stileid.u32  }
0x3ff: {  	s1 =	rddreg [dreg:$0x1];
	p0 =	sne.s32 s2, $0x0  }
0x400: {  	s3 =	rddreg [dreg:$0x2];
	[bflag:$0x3] =	sbarrier.arrive $0xFFFF;
	s2 =	simm.s32 @!p0 $0x1C07  }
0x401: {  	[timem:s3], [sflag:s2] =	dma.local @!p0 [hbm:s0], s1  }
0x402: {  	s0 =	simm.s32 @!p0 $0x7  }
0x403: {  	_ =	swait.ge @!p0 [sflag:s0], s1  }
0x404: {  	s1 =	ssub.s32 @!p0 $0x0, s1;
	[sflag:s0] =	ssyncset.done @!p0 $0x0  }
0x405: {  	[sflag:s0] =	ssyncadd.s32 @!p0 s1  }
0x406: {  	[bflag:$0x3] =	sbarrier.arrive $0xFFFF  }
0x407: {  	_ =	shalt  }

</sc_bundles>
